<compile_context>
chip_gen: v7x
topology: tpu7x:2x2x1
jax: 0.10.2.dev20260603
libtpu: 0.0.44.dev20260713+nightly
codegen_flags: <defaults>
</compile_context>

<pallas_src>
import functools

import jax
import jax.numpy as jnp
from jax import lax
from jax.experimental import pallas as pl
from jax.experimental.pallas import tpu as pltpu
from jax.experimental.pallas import tpu_sc as plsc

_N = 10000
_E = 160000
_FI = 128
_H = 256
_HH = 128
_NG = 64
_NT = 16
_NC = 2
_EPT = _E // _NT
_CHP = 128
_NCHP = 80
_EPTP = _CHP * _NCHP
_NPAD = _EPTP - _EPT
_NTRASH = 16
_PACK = 32768
_RPT = 624
_TAIL0 = _RPT * _NT
_TAILN = _N - _TAIL0
_BN = 1000
_NB = _N // _BN
_F32 = jnp.float32


def _sc_mesh():
    return plsc.VectorSubcoreMesh(
        core_axis_name="c", subcore_axis_name="s", num_cores=_NC, num_subcores=_NT
    )




def _sc_degree_body(dst_hbm, ones_ch_hbm, init_hbm, out_hbm, acc, dstv, onesv, gsem):
    del gsem
    c = lax.axis_index("c")
    s = lax.axis_index("s")
    pltpu.sync_copy(dst_hbm.at[s], dstv)
    pltpu.sync_copy(ones_ch_hbm, onesv)
    pltpu.sync_copy(init_hbm.at[pl.ds(c * _RPT, _RPT)], acc.at[pl.ds(s * _RPT, _RPT)])

    @pl.when(s == _NT - 1)
    def _():
        pltpu.sync_copy(
            init_hbm.at[pl.ds(c * _RPT, _TAILN)], acc.at[pl.ds(_TAIL0, _TAILN)]
        )

    plsc.subcore_barrier()

    def step(j, carry):
        pltpu.sync_copy(onesv, acc.at[dstv.at[j]], add=True)
        return carry

    half = _NCHP // _NC
    lax.fori_loop(c * half, (c + 1) * half, step, 0)
    plsc.subcore_barrier()
    coff = c * _N
    pltpu.sync_copy(
        acc.at[pl.ds(s * _RPT, _RPT)], out_hbm.at[pl.ds(coff + s * _RPT, _RPT)]
    )

    @pl.when(s == _NT - 1)
    def _():
        pltpu.sync_copy(
            acc.at[pl.ds(_TAIL0, _TAILN)], out_hbm.at[pl.ds(coff + _TAIL0, _TAILN)]
        )


def _sc_degree(dstp3, ones_ch, init2):
    return pl.kernel(
        _sc_degree_body,
        out_type=jax.ShapeDtypeStruct((_NC * _N, _HH), _F32),
        mesh=_sc_mesh(),
        scratch_types=[
            pltpu.VMEM_SHARED((_N + _NTRASH, _HH), _F32),
            pltpu.VMEM((_NCHP, _CHP), jnp.int32),
            pltpu.VMEM((_CHP, _HH), _F32),
            pltpu.SemaphoreType.DMA,
        ],
    )(dstp3, ones_ch, init2)


def _sc_edge_body(
    hs_hbm, packed_hbm, out_hbm, acc, packv,
    srcb0, srcb1, dstb0, dstb1, rows0, rows1, sem0, sem1,
):
    c = lax.axis_index("c")
    s = lax.axis_index("s")
    coff = c * _N
    pltpu.sync_copy(packed_hbm.at[s], packv)
    pltpu.sync_copy(
        hs_hbm.at[pl.ds(coff + s * _RPT, _RPT)], acc.at[pl.ds(s * _RPT, _RPT)]
    )

    @pl.when(s == _NT - 1)
    def _():
        pltpu.sync_copy(
            hs_hbm.at[pl.ds(coff + _TAIL0, _TAILN)], acc.at[pl.ds(_TAIL0, _TAILN)]
        )

    rows = (rows0, rows1)
    srcb = (srcb0, srcb1)
    dstb = (dstb0, dstb1)
    sems = (sem0, sem1)

    def unpack(j, b):
        for k in range(_CHP // 16):
            v = packv[j, pl.ds(16 * k, 16)]
            srcb[b][pl.ds(16 * k, 16)] = (v & (_PACK - 1)) + coff
            dstb[b][pl.ds(16 * k, 16)] = lax.shift_right_logical(v, 15)

    plsc.subcore_barrier()
    for b in range(2):
        unpack(b, b)
        pltpu.async_copy(hs_hbm.at[srcb[b]], rows[b], sems[b])

    def outer(i, carry):
        j = i * 2
        for b in range(2):
            pltpu.make_async_copy(hs_hbm.at[srcb[b]], rows[b], sems[b]).wait()
            pltpu.sync_copy(rows[b], acc.at[dstb[b]], add=True)
            unpack(j + b + 2, b)
            pltpu.async_copy(hs_hbm.at[srcb[b]], rows[b], sems[b])
        return carry

    lax.fori_loop(0, (_NCHP - 2) // 2, outer, 0)
    for b in range(2):
        pltpu.make_async_copy(hs_hbm.at[srcb[b]], rows[b], sems[b]).wait()
        pltpu.sync_copy(rows[b], acc.at[dstb[b]], add=True)
    plsc.subcore_barrier()
    pltpu.sync_copy(
        acc.at[pl.ds(s * _RPT, _RPT)], out_hbm.at[pl.ds(coff + s * _RPT, _RPT)]
    )

    @pl.when(s == _NT - 1)
    def _():
        pltpu.sync_copy(
            acc.at[pl.ds(_TAIL0, _TAILN)],
            out_hbm.at[pl.ds(coff + _TAIL0, _TAILN)],
        )


def _sc_edge(hs_flat, packed3):
    return pl.kernel(
        _sc_edge_body,
        out_type=jax.ShapeDtypeStruct((_NC * _N, _HH), _F32),
        mesh=_sc_mesh(),
        scratch_types=[
            pltpu.VMEM_SHARED((_N + _NTRASH, _HH), _F32),
            pltpu.VMEM((_NCHP, _CHP), jnp.int32),
            pltpu.VMEM((_CHP,), jnp.int32),
            pltpu.VMEM((_CHP,), jnp.int32),
            pltpu.VMEM((_CHP,), jnp.int32),
            pltpu.VMEM((_CHP,), jnp.int32),
            pltpu.VMEM((_CHP, _HH), _F32),
            pltpu.VMEM((_CHP, _HH), _F32),
            pltpu.SemaphoreType.DMA,
            pltpu.SemaphoreType.DMA,
        ],
    )(hs_flat, packed3)




def _dot(a, b):
    ah = a.astype(jnp.bfloat16)
    al = (a - ah.astype(_F32)).astype(jnp.bfloat16)
    bh = b.astype(jnp.bfloat16)
    bl = (b - bh.astype(_F32)).astype(jnp.bfloat16)
    d = lambda u, v: jnp.dot(u, v, preferred_element_type=_F32)
    return d(ah, bl) + d(al, bh) + d(ah, bh)


def _tc_l0_body(x_ref, aw_ref, ab_ref, w_ref, b_ref, deg_ref, out_ref):
    h = _dot(x_ref[...], aw_ref[...]) + ab_ref[...]
    hh = _dot(h, w_ref[...]) + b_ref[...]
    rsq = 1.0 / jnp.sqrt(deg_ref[0] + deg_ref[1])
    out_ref[0] = hh[:, :_HH] * rsq
    out_ref[1] = hh[:, _HH:] * rsq


def _tc_l0(x, aw, ab, w, b, deg_rep):
    return pl.pallas_call(
        _tc_l0_body,
        grid=(_NB,),
        in_specs=[
            pl.BlockSpec((_BN, _FI), lambda i: (i, 0)),
            pl.BlockSpec((_FI, _H), lambda i: (0, 0)),
            pl.BlockSpec((1, _H), lambda i: (0, 0)),
            pl.BlockSpec((_H, _H), lambda i: (0, 0)),
            pl.BlockSpec((1, _H), lambda i: (0, 0)),
            pl.BlockSpec((_NC, _BN, _HH), lambda i: (0, i, 0)),
        ],
        out_specs=pl.BlockSpec((_NC, _BN, _HH), lambda i: (0, i, 0)),
        out_shape=jax.ShapeDtypeStruct((_NC, _N, _HH), _F32),
    )(x, aw, ab.reshape(1, _H), w, b.reshape(1, _H), deg_rep)


def _bn_coeffs(stats, g, be):
    m0 = stats[0:1] * (1.0 / _N)
    mean = stats[2:3] + m0
    var = stats[1:2] * (1.0 / _N) - m0 * m0
    inv = 1.0 / jnp.sqrt(var + 1e-5)
    scale = inv * g
    shift = be - mean * scale
    return scale, shift


def _stats_update(stats_ref, i, y0, y1):
    @pl.when(i == 0)
    def _():
        c_row = jnp.concatenate(
            [
                jnp.sum(y0, axis=0, keepdims=True),
                jnp.sum(y1, axis=0, keepdims=True),
            ],
            axis=1,
        ) * (1.0 / _BN)
        stats_ref[2:3] = c_row
        stats_ref[0:2] = jnp.zeros((2, _H), _F32)

    c = stats_ref[2:3]
    d0 = y0 - c[:, :_HH]
    d1 = y1 - c[:, _HH:]
    s_row = jnp.concatenate(
        [jnp.sum(d0, axis=0, keepdims=True), jnp.sum(d1, axis=0, keepdims=True)],
        axis=1,
    )
    q_row = jnp.concatenate(
        [
            jnp.sum(d0 * d0, axis=0, keepdims=True),
            jnp.sum(d1 * d1, axis=0, keepdims=True),
        ],
        axis=1,
    )
    stats_ref[0:2] = stats_ref[0:2] + jnp.concatenate([s_row, q_row], axis=0)


def _tc_bn_layer_body(raw_ref, deg_ref, g_ref, be_ref, w_ref, b_ref, out_ref,
                      stats_ref):
    p = pl.program_id(0)
    i = pl.program_id(1)
    rsq = 1.0 / jnp.sqrt(deg_ref[0] + deg_ref[1])
    y0 = raw_ref[0] * rsq
    y1 = raw_ref[1] * rsq

    @pl.when(p == 0)
    def _():
        _stats_update(stats_ref, i, y0, y1)

    @pl.when(p == 1)
    def _():
        scale, shift = _bn_coeffs(stats_ref[...], g_ref[...], be_ref[...])
        h0 = jnp.maximum(y0 * scale[:, :_HH] + shift[:, :_HH], 0.0)
        h1 = jnp.maximum(y1 * scale[:, _HH:] + shift[:, _HH:], 0.0)
        hh = _dot(jnp.concatenate([h0, h1], axis=1), w_ref[...]) + b_ref[...]
        out_ref[0] = hh[:, :_HH] * rsq
        out_ref[1] = hh[:, _HH:] * rsq


def _tc_bn_layer(raw2, deg_rep, g, be, w, b):
    return pl.pallas_call(
        _tc_bn_layer_body,
        grid=(2, _NB),
        in_specs=[
            pl.BlockSpec((_NC, _BN, _HH), lambda p, i: (0, i, 0)),
            pl.BlockSpec((_NC, _BN, _HH), lambda p, i: (0, i, 0)),
            pl.BlockSpec((1, _H), lambda p, i: (0, 0)),
            pl.BlockSpec((1, _H), lambda p, i: (0, 0)),
            pl.BlockSpec((_H, _H), lambda p, i: (0, 0)),
            pl.BlockSpec((1, _H), lambda p, i: (0, 0)),
        ],
        out_specs=pl.BlockSpec((_NC, _BN, _HH), lambda p, i: (0, i * p, 0)),
        out_shape=jax.ShapeDtypeStruct((_NC, _N, _HH), _F32),
        scratch_shapes=[pltpu.VMEM((3, _H), _F32)],
    )(
        raw2,
        deg_rep,
        g.reshape(1, _H),
        be.reshape(1, _H),
        w,
        b.reshape(1, _H),
    )


def _tc_pool_pred_body(
    raw_ref, deg_ref, g_ref, be_ref, batch_ref, w1_ref, b1_ref,
    w2_ref, b2_ref, out_ref, stats_ref, pool_ref,
):
    p = pl.program_id(0)
    i = pl.program_id(1)
    rsq = 1.0 / jnp.sqrt(deg_ref[0] + deg_ref[1])
    y0 = raw_ref[0] * rsq
    y1 = raw_ref[1] * rsq

    @pl.when(p == 0)
    def _():
        _stats_update(stats_ref, i, y0, y1)

    @pl.when(p == 1)
    def _():
        scale, shift = _bn_coeffs(stats_ref[...], g_ref[...], be_ref[...])
        h0 = jnp.maximum(y0 * scale[:, :_HH] + shift[:, :_HH], 0.0)
        h1 = jnp.maximum(y1 * scale[:, _HH:] + shift[:, _HH:], 0.0)
        seg = batch_ref[0]
        oh = (lax.broadcasted_iota(jnp.int32, (_NG, _BN), 0) == seg).astype(_F32)
        upd = jnp.concatenate([_dot(oh, h0), _dot(oh, h1)], axis=1)

        @pl.when(i == 0)
        def _():
            pool_ref[...] = upd

        @pl.when(i > 0)
        def _():
            pool_ref[...] = pool_ref[...] + upd

        @pl.when(i == _NB - 1)
        def _():
            hp = jnp.maximum(_dot(pool_ref[...], w1_ref[...]) + b1_ref[...], 0.0)
            out_ref[...] = _dot(hp, w2_ref[...]) + b2_ref[...]


def _tc_pool_pred(raw2, deg_rep, g, be, batch3, w1, b1, w2p, b2p):
    return pl.pallas_call(
        _tc_pool_pred_body,
        grid=(2, _NB),
        in_specs=[
            pl.BlockSpec((_NC, _BN, _HH), lambda p, i: (0, i, 0)),
            pl.BlockSpec((_NC, _BN, _HH), lambda p, i: (0, i, 0)),
            pl.BlockSpec((1, _H), lambda p, i: (0, 0)),
            pl.BlockSpec((1, _H), lambda p, i: (0, 0)),
            pl.BlockSpec((1, 1, _BN), lambda p, i: (i, 0, 0)),
            pl.BlockSpec((_H, _H), lambda p, i: (0, 0)),
            pl.BlockSpec((1, _H), lambda p, i: (0, 0)),
            pl.BlockSpec((_H, _HH), lambda p, i: (0, 0)),
            pl.BlockSpec((1, _HH), lambda p, i: (0, 0)),
        ],
        out_specs=pl.BlockSpec((_NG, _HH), lambda p, i: (0, 0)),
        out_shape=jax.ShapeDtypeStruct((_NG, _HH), _F32),
        scratch_shapes=[pltpu.VMEM((3, _H), _F32), pltpu.VMEM((_NG, _H), _F32)],
    )(
        raw2,
        deg_rep,
        g.reshape(1, _H),
        be.reshape(1, _H),
        batch3,
        w1,
        b1.reshape(1, _H),
        w2p,
        b2p.reshape(1, _HH),
    )




def kernel(x, edge_index, batch, atom_W, atom_b,
           conv_W0, conv_b0, bn_g0, bn_b0,
           conv_W1, conv_b1, bn_g1, bn_b1,
           conv_W2, conv_b2, bn_g2, bn_b2,
           pred_W1, pred_b1, pred_W2, pred_b2):
    src = edge_index[0].astype(jnp.int32).reshape(_NT, _EPT)
    dst = edge_index[1].astype(jnp.int32).reshape(_NT, _EPT)
    pad_src = (jnp.arange(_NPAD, dtype=jnp.int32)[None, :] * 61
               + jnp.arange(_NT, dtype=jnp.int32)[:, None] * 607) % _N
    pad_dst = _N + (jnp.arange(_NPAD, dtype=jnp.int32)[None, :] % _NTRASH
                    ) + jnp.zeros((_NT, 1), jnp.int32)
    srcp = jnp.concatenate([src, pad_src], axis=1)
    dstp = jnp.concatenate([dst, pad_dst], axis=1)
    packed3 = (dstp * _PACK + srcp).reshape(_NT, _NCHP, _CHP)
    dstp3 = dstp.reshape(_NT, _NCHP, _CHP)
    ones_ch = jnp.ones((_CHP, _HH), _F32)
    init2 = jnp.concatenate(
        [jnp.ones((_RPT, _HH), _F32), jnp.zeros((_RPT, _HH), _F32)], axis=0
    )
    batch3 = batch.astype(jnp.int32).reshape(_NB, 1, _BN)
    w2p = jnp.pad(pred_W2, ((0, 0), (0, _HH - pred_W2.shape[1])))
    b2p = jnp.pad(pred_b2, (0, _HH - pred_b2.shape[0]))

    deg_rep = _sc_degree(dstp3, ones_ch, init2).reshape(_NC, _N, _HH)

    hs = _tc_l0(x, atom_W, atom_b, conv_W0, conv_b0, deg_rep)
    raw = _sc_edge(hs.reshape(_NC * _N, _HH), packed3).reshape(_NC, _N, _HH)
    hs = _tc_bn_layer(raw, deg_rep, bn_g0, bn_b0, conv_W1, conv_b1)
    raw = _sc_edge(hs.reshape(_NC * _N, _HH), packed3).reshape(_NC, _N, _HH)
    hs = _tc_bn_layer(raw, deg_rep, bn_g1, bn_b1, conv_W2, conv_b2)
    raw = _sc_edge(hs.reshape(_NC * _N, _HH), packed3).reshape(_NC, _N, _HH)
    y = _tc_pool_pred(raw, deg_rep, bn_g2, bn_b2, batch3,
                      pred_W1, pred_b1, w2p, b2p)
    return y[:, 0]

# --- scband reference (transcript-rebuilt; emitter-appended) ---
"""Pipeline reference for scband-molecule-gnn-67095979098780 (READ-ONLY COPY).

The authoritative reference and input builder live on the scoring server;
editing this copy changes nothing except your own understanding.
"""

import jax, jax.numpy as jnp
import numpy as np

N = 10000
E = 160000
F_IN = 128
H = 256
NG = 64
NUM_LAYERS = 3


def setup_inputs(seed: int = 0) -> dict:
    key = jax.random.key(seed)
    ks = jax.random.split(key, 32)
    x = jax.random.normal(ks[0], (N, F_IN), dtype=jnp.float32)
    edge_index = jax.random.randint(ks[1], (2, E), 0, N)
    batch = jnp.sort(jax.random.randint(ks[2], (N,), 0, NG))
    batch = batch.at[-1].set(NG - 1)  # ensure ng == NG
    inp = {"x": x, "edge_index": edge_index, "batch": batch}
    inp["atom_W"] = jax.random.normal(ks[3], (F_IN, H), dtype=jnp.float32) * 0.05
    inp["atom_b"] = jnp.zeros((H,), dtype=jnp.float32)
    for i in range(NUM_LAYERS):
        inp[f"conv_W{i}"] = jax.random.normal(ks[4 + i], (H, H), dtype=jnp.float32) * 0.05
        inp[f"conv_b{i}"] = jnp.zeros((H,), dtype=jnp.float32)
        inp[f"bn_g{i}"] = jnp.ones((H,), dtype=jnp.float32)
        inp[f"bn_b{i}"] = jnp.zeros((H,), dtype=jnp.float32)
    inp["pred_W1"] = jax.random.normal(ks[10], (H, H), dtype=jnp.float32) * 0.05
    inp["pred_b1"] = jnp.zeros((H,), dtype=jnp.float32)
    inp["pred_W2"] = jax.random.normal(ks[11], (H, 1), dtype=jnp.float32) * 0.05
    inp["pred_b2"] = jnp.zeros((1,), dtype=jnp.float32)
    return inp


def reference(x, edge_index, batch, atom_W, atom_b,
              conv_W0, conv_b0, bn_g0, bn_b0,
              conv_W1, conv_b1, bn_g1, bn_b1,
              conv_W2, conv_b2, bn_g2, bn_b2,
              pred_W1, pred_b1, pred_W2, pred_b2):
    n = x.shape[0]
    h = x @ atom_W + atom_b
    src, dst = edge_index[0], edge_index[1]
    loop = jnp.arange(n)
    sa = jnp.concatenate([src, loop])
    da = jnp.concatenate([dst, loop])
    deg = jnp.zeros((n,), dtype=jnp.float32).at[da].add(1.0)
    norm = (deg[sa] * deg[da]) ** -0.5
    norm = jnp.where(jnp.isinf(norm), 0.0, norm)
    layers = [(conv_W0, conv_b0, bn_g0, bn_b0),
              (conv_W1, conv_b1, bn_g1, bn_b1),
              (conv_W2, conv_b2, bn_g2, bn_b2)]
    for (W, b, g, be) in layers:
        hh = h @ W + b
        msg = hh[sa] * norm[:, None]
        out = jnp.zeros((n, hh.shape[1]), dtype=jnp.float32).at[da].add(msg)
        mean = out.mean(axis=0)
        var = out.var(axis=0)  # biased, matches BN training-mode normalization
        out = (out - mean) / jnp.sqrt(var + 1e-5) * g + be
        h = jax.nn.relu(out)
    pool = jnp.zeros((NG, h.shape[1]), dtype=jnp.float32).at[batch].add(h)
    y = jax.nn.relu(pool @ pred_W1 + pred_b1) @ pred_W2 + pred_b2
    return y.squeeze(-1)

if __name__ == "__main__":
    import jax
    _d = setup_inputs()
    print(jax.jit(kernel)(*tuple(_d.values())))

</pallas_src>

<mosaic_0001>
#map = affine_map<(d0, d1) -> (0, 0)>
#map1 = affine_map<(d0, d1) -> (0, 0, 0)>
module attributes {stable_mosaic.version = 14 : i64} {
  func.func @_sc_edge_body(%arg0: i32, %arg1: i32, %arg2: memref<20000x128xf32, #tpu.memory_space<hbm>>, %arg3: memref<16x80x128xi32, #tpu.memory_space<hbm>>, %arg4: memref<20000x128xf32, #tpu.memory_space<hbm>>, %arg5: memref<10016x128xf32, #tpu.memory_space<vmem_shared>>, %arg6: memref<80x128xi32, #tpu.memory_space<vmem>>, %arg7: memref<128xi32, #tpu.memory_space<vmem>>, %arg8: memref<128xi32, #tpu.memory_space<vmem>>, %arg9: memref<128xi32, #tpu.memory_space<vmem>>, %arg10: memref<128xi32, #tpu.memory_space<vmem>>, %arg11: memref<128x128xf32, #tpu.memory_space<vmem>>, %arg12: memref<128x128xf32, #tpu.memory_space<vmem>>, %arg13: memref<!tpu.dma_semaphore, #tpu.memory_space<semaphore_mem>>, %arg14: memref<!tpu.dma_semaphore, #tpu.memory_space<semaphore_mem>>) attributes {dimension_semantics = [#tpu.dimension_semantics<core_parallel>, #tpu.dimension_semantics<subcore_parallel>], iteration_bounds = array<i64: 2, 16>, scalar_prefetch = 0 : i64, scratch_operands = 10 : i64, tpu.core_type = #tpu.core_type<sc_vector_subcore>, window_params = [{transform_indices = #map}, {transform_indices = #map1}, {transform_indices = #map}]} {
    %mul3A = arith.constant 10000 : i32
    %mul3A_0 = arith.muli %arg0, %mul3A : i32
    "tpu.region"() ({
      %run_scoped3A = tpu.sem_alloc : memref<!tpu.dma_semaphore, #tpu.memory_space<semaphore_mem>>
      %dma_start3A_365 = arith.constant 0 : i32
      %dma_start3A_366 = arith.constant 0 : i32
      %dma_start3A_367 = tpu.memref_slice %arg3[%arg1, %dma_start3A_365, %dma_start3A_366] : memref<16x80x128xi32, #tpu.memory_space<hbm>> -> memref<1x80x128xi32, #tpu.memory_space<hbm>>
      %dma_start3A_368 = tpu.memref_squeeze %dma_start3A_367 : memref<1x80x128xi32, #tpu.memory_space<hbm>> -> memref<80x128xi32, #tpu.memory_space<hbm>>
      %dma_start3A_369 = arith.constant 0 : i32
      %dma_start3A_370 = arith.constant 0 : i32
      %dma_start3A_371 = tpu.memref_slice %arg3[%arg1, %dma_start3A_369, %dma_start3A_370] : memref<16x80x128xi32, #tpu.memory_space<hbm>> -> memref<1x80x128xi32, #tpu.memory_space<hbm>>
      %dma_start3A_372 = tpu.memref_squeeze %dma_start3A_371 : memref<1x80x128xi32, #tpu.memory_space<hbm>> -> memref<80x128xi32, #tpu.memory_space<hbm>>
      tpu.enqueue_dma source(%dma_start3A_372 : memref<80x128xi32, #tpu.memory_space<hbm>>) target(%arg6 : memref<80x128xi32, #tpu.memory_space<vmem>>) target_semaphore(%run_scoped3A : memref<!tpu.dma_semaphore, #tpu.memory_space<semaphore_mem>>)
      %dma_wait3A_373 = arith.constant 0 : i32
      %dma_wait3A_374 = arith.constant 0 : i32
      %dma_wait3A_375 = tpu.memref_slice %arg3[%arg1, %dma_wait3A_373, %dma_wait3A_374] : memref<16x80x128xi32, #tpu.memory_space<hbm>> -> memref<1x80x128xi32, #tpu.memory_space<hbm>>
      %dma_wait3A_376 = tpu.memref_squeeze %dma_wait3A_375 : memref<1x80x128xi32, #tpu.memory_space<hbm>> -> memref<80x128xi32, #tpu.memory_space<hbm>>
      %dma_wait3A_377 = arith.constant 0 : i32
      %dma_wait3A_378 = arith.constant 0 : i32
      %dma_wait3A_379 = tpu.memref_slice %arg3[%arg1, %dma_wait3A_377, %dma_wait3A_378] : memref<16x80x128xi32, #tpu.memory_space<hbm>> -> memref<1x80x128xi32, #tpu.memory_space<hbm>>
      %dma_wait3A_380 = tpu.memref_squeeze %dma_wait3A_379 : memref<1x80x128xi32, #tpu.memory_space<hbm>> -> memref<80x128xi32, #tpu.memory_space<hbm>>
      tpu.wait_dma2 semaphore(%run_scoped3A : memref<!tpu.dma_semaphore, #tpu.memory_space<semaphore_mem>>) src(%dma_wait3A_380 : memref<80x128xi32, #tpu.memory_space<hbm>>) dst(%arg6 : memref<80x128xi32, #tpu.memory_space<vmem>>)
      tpu.yield
    }) : () -> ()
    %mul3A_1 = arith.constant 624 : i32
    %mul3A_2 = arith.muli %arg1, %mul3A_1 : i32
    %add3A = arith.addi %mul3A_0, %mul3A_2 : i32
    %mul3A_3 = arith.constant 624 : i32
    %mul3A_4 = arith.muli %arg1, %mul3A_3 : i32
    "tpu.region"() ({
      %run_scoped3A = tpu.sem_alloc : memref<!tpu.dma_semaphore, #tpu.memory_space<semaphore_mem>>
      %dma_start3A_365 = arith.constant 0 : i32
      %dma_start3A_366 = tpu.memref_slice %arg5[%mul3A_4, %dma_start3A_365] : memref<10016x128xf32, #tpu.memory_space<vmem_shared>> -> memref<624x128xf32, #tpu.memory_space<vmem_shared>>
      %dma_start3A_367 = arith.constant 0 : i32
      %dma_start3A_368 = tpu.memref_slice %arg2[%add3A, %dma_start3A_367] : memref<20000x128xf32, #tpu.memory_space<hbm>> -> memref<624x128xf32, #tpu.memory_space<hbm>>
      tpu.enqueue_dma source(%dma_start3A_368 : memref<624x128xf32, #tpu.memory_space<hbm>>) target(%dma_start3A_366 : memref<624x128xf32, #tpu.memory_space<vmem_shared>>) target_semaphore(%run_scoped3A : memref<!tpu.dma_semaphore, #tpu.memory_space<semaphore_mem>>)
      %dma_wait3A_369 = arith.constant 0 : i32
      %dma_wait3A_370 = tpu.memref_slice %arg5[%mul3A_4, %dma_wait3A_369] : memref<10016x128xf32, #tpu.memory_space<vmem_shared>> -> memref<624x128xf32, #tpu.memory_space<vmem_shared>>
      %dma_wait3A_371 = arith.constant 0 : i32
      %dma_wait3A_372 = tpu.memref_slice %arg2[%add3A, %dma_wait3A_371] : memref<20000x128xf32, #tpu.memory_space<hbm>> -> memref<624x128xf32, #tpu.memory_space<hbm>>
      tpu.wait_dma2 semaphore(%run_scoped3A : memref<!tpu.dma_semaphore, #tpu.memory_space<semaphore_mem>>) src(%dma_wait3A_372 : memref<624x128xf32, #tpu.memory_space<hbm>>) dst(%dma_wait3A_370 : memref<624x128xf32, #tpu.memory_space<vmem_shared>>)
      tpu.yield
    }) : () -> ()
    %eq3A = arith.constant 15 : i32
    %eq3A_5 = arith.cmpi eq, %arg1, %eq3A : i32
    %convert_element_type3A = arith.extui %eq3A_5 : i1 to i32
    %cond3A = arith.constant 0 : i32
    %cond3A_6 = arith.cmpi ne, %convert_element_type3A, %cond3A : i32
    scf.if %cond3A_6 {
      %add3A_365 = arith.constant 9984 : i32
      %add3A_366 = arith.addi %mul3A_0, %add3A_365 : i32
      "tpu.region"() ({
        %run_scoped3A = tpu.sem_alloc : memref<!tpu.dma_semaphore, #tpu.memory_space<semaphore_mem>>
        %dma_start3A_367 = arith.constant 9984 : i32
        %dma_start3A_368 = arith.constant 0 : i32
        %dma_start3A_369 = tpu.memref_slice %arg5[%dma_start3A_367, %dma_start3A_368] : memref<10016x128xf32, #tpu.memory_space<vmem_shared>> -> memref<16x128xf32, #tpu.memory_space<vmem_shared>>
        %dma_start3A_370 = arith.constant 0 : i32
        %dma_start3A_371 = tpu.memref_slice %arg2[%add3A_366, %dma_start3A_370] : memref<20000x128xf32, #tpu.memory_space<hbm>> -> memref<16x128xf32, #tpu.memory_space<hbm>>
        tpu.enqueue_dma source(%dma_start3A_371 : memref<16x128xf32, #tpu.memory_space<hbm>>) target(%dma_start3A_369 : memref<16x128xf32, #tpu.memory_space<vmem_shared>>) target_semaphore(%run_scoped3A : memref<!tpu.dma_semaphore, #tpu.memory_space<semaphore_mem>>)
        %dma_wait3A_372 = arith.constant 9984 : i32
        %dma_wait3A_373 = arith.constant 0 : i32
        %dma_wait3A_374 = tpu.memref_slice %arg5[%dma_wait3A_372, %dma_wait3A_373] : memref<10016x128xf32, #tpu.memory_space<vmem_shared>> -> memref<16x128xf32, #tpu.memory_space<vmem_shared>>
        %dma_wait3A_375 = arith.constant 0 : i32
        %dma_wait3A_376 = tpu.memref_slice %arg2[%add3A_366, %dma_wait3A_375] : memref<20000x128xf32, #tpu.memory_space<hbm>> -> memref<16x128xf32, #tpu.memory_space<hbm>>
        tpu.wait_dma2 semaphore(%run_scoped3A : memref<!tpu.dma_semaphore, #tpu.memory_space<semaphore_mem>>) src(%dma_wait3A_376 : memref<16x128xf32, #tpu.memory_space<hbm>>) dst(%dma_wait3A_374 : memref<16x128xf32, #tpu.memory_space<vmem_shared>>)
        tpu.yield
      }) : () -> ()
    } else {
    }
    %barrier3A = arith.constant 0 : index
    tpu.barrier barrier_id(%barrier3A)
    %get3A = arith.constant 0 : i32
    %get3A_7 = arith.index_cast %get3A : i32 to index
    %get3A_8 = arith.constant 0 : index
    %get3A_9 = tpu.vector_load %arg6[%get3A_7, %get3A_8] {strides = array<i32>} : memref<80x128xi32, #tpu.memory_space<vmem>>, vector<1x16xi32>,
    %get3A_10 = vector.shape_cast %get3A_9 : vector<1x16xi32> to vector<16xi32>
    %and3A = arith.constant 32767 : i32
    %and3A_11 = vector.broadcast %and3A : i32 to vector<16xi32>
    %and3A_12 = arith.andi %get3A_10, %and3A_11 : vector<16xi32>
    %add3A_13 = vector.broadcast %mul3A_0 : i32 to vector<16xi32>
    %add3A_14 = arith.addi %and3A_12, %add3A_13 : vector<16xi32>
    %swap3A = arith.constant 0 : index
    %swap3A_15 = tpu.vector_load %arg7[%swap3A] {strides = array<i32>} : memref<128xi32, #tpu.memory_space<vmem>>, vector<16xi32>,
    %swap3A_16 = vector.shape_cast %swap3A_15 : vector<16xi32> to vector<16xi32>
    %swap3A_17 = vector.shape_cast %add3A_14 : vector<16xi32> to vector<16xi32>
    tpu.vector_store %arg7[%swap3A], %swap3A_17 {strides = array<i32>} : memref<128xi32, #tpu.memory_space<vmem>>, vector<16xi32>,
    %shift_right_logical3A = arith.constant 15 : i32
    %shift_right_logical3A_18 = vector.broadcast %shift_right_logical3A : i32 to vector<16xi32>
    %shift_right_logical3A_19 = arith.shrui %get3A_10, %shift_right_logical3A_18 : vector<16xi32>
    %swap3A_20 = arith.constant 0 : index
    %swap3A_21 = tpu.vector_load %arg9[%swap3A_20] {strides = array<i32>} : memref<128xi32, #tpu.memory_space<vmem>>, vector<16xi32>,
    %swap3A_22 = vector.shape_cast %swap3A_21 : vector<16xi32> to vector<16xi32>
    %swap3A_23 = vector.shape_cast %shift_right_logical3A_19 : vector<16xi32> to vector<16xi32>
    tpu.vector_store %arg9[%swap3A_20], %swap3A_23 {strides = array<i32>} : memref<128xi32, #tpu.memory_space<vmem>>, vector<16xi32>,
    %get3A_24 = arith.constant 0 : i32
    %get3A_25 = arith.index_cast %get3A_24 : i32 to index
    %get3A_26 = arith.constant 16 : index
    %get3A_27 = tpu.vector_load %arg6[%get3A_25, %get3A_26] {strides = array<i32>} : memref<80x128xi32, #tpu.memory_space<vmem>>, vector<1x16xi32>,
    %get3A_28 = vector.shape_cast %get3A_27 : vector<1x16xi32> to vector<16xi32>
    %and3A_29 = arith.constant 32767 : i32
    %and3A_30 = vector.broadcast %and3A_29 : i32 to vector<16xi32>
    %and3A_31 = arith.andi %get3A_28, %and3A_30 : vector<16xi32>
    %add3A_32 = vector.broadcast %mul3A_0 : i32 to vector<16xi32>
    %add3A_33 = arith.addi %and3A_31, %add3A_32 : vector<16xi32>
    %swap3A_34 = arith.constant 16 : index
    %swap3A_35 = tpu.vector_load %arg7[%swap3A_34] {strides = array<i32>} : memref<128xi32, #tpu.memory_space<vmem>>, vector<16xi32>,
    %swap3A_36 = vector.shape_cast %swap3A_35 : vector<16xi32> to vector<16xi32>
    %swap3A_37 = vector.shape_cast %add3A_33 : vector<16xi32> to vector<16xi32>
    tpu.vector_store %arg7[%swap3A_34], %swap3A_37 {strides = array<i32>} : memref<128xi32, #tpu.memory_space<vmem>>, vector<16xi32>,
    %shift_right_logical3A_38 = arith.constant 15 : i32
    %shift_right_logical3A_39 = vector.broadcast %shift_right_logical3A_38 : i32 to vector<16xi32>
    %shift_right_logical3A_40 = arith.shrui %get3A_28, %shift_right_logical3A_39 : vector<16xi32>
    %swap3A_41 = arith.constant 16 : index
    %swap3A_42 = tpu.vector_load %arg9[%swap3A_41] {strides = array<i32>} : memref<128xi32, #tpu.memory_space<vmem>>, vector<16xi32>,
    %swap3A_43 = vector.shape_cast %swap3A_42 : vector<16xi32> to vector<16xi32>
    %swap3A_44 = vector.shape_cast %shift_right_logical3A_40 : vector<16xi32> to vector<16xi32>
    tpu.vector_store %arg9[%swap3A_41], %swap3A_44 {strides = array<i32>} : memref<128xi32, #tpu.memory_space<vmem>>, vector<16xi32>,
    %get3A_45 = arith.constant 0 : i32
    %get3A_46 = arith.index_cast %get3A_45 : i32 to index
    %get3A_47 = arith.constant 32 : index
    %get3A_48 = tpu.vector_load %arg6[%get3A_46, %get3A_47] {strides = array<i32>} : memref<80x128xi32, #tpu.memory_space<vmem>>, vector<1x16xi32>,
    %get3A_49 = vector.shape_cast %get3A_48 : vector<1x16xi32> to vector<16xi32>
    %and3A_50 = arith.constant 32767 : i32
    %and3A_51 = vector.broadcast %and3A_50 : i32 to vector<16xi32>
    %and3A_52 = arith.andi %get3A_49, %and3A_51 : vector<16xi32>
    %add3A_53 = vector.broadcast %mul3A_0 : i32 to vector<16xi32>
    %add3A_54 = arith.addi %and3A_52, %add3A_53 : vector<16xi32>
    %swap3A_55 = arith.constant 32 : index
    %swap3A_56 = tpu.vector_load %arg7[%swap3A_55] {strides = array<i32>} : memref<128xi32, #tpu.memory_space<vmem>>, vector<16xi32>,
    %swap3A_57 = vector.shape_cast %swap3A_56 : vector<16xi32> to vector<16xi32>
    %swap3A_58 = vector.shape_cast %add3A_54 : vector<16xi32> to vector<16xi32>
    tpu.vector_store %arg7[%swap3A_55], %swap3A_58 {strides = array<i32>} : memref<128xi32, #tpu.memory_space<vmem>>, vector<16xi32>,
    %shift_right_logical3A_59 = arith.constant 15 : i32
    %shift_right_logical3A_60 = vector.broadcast %shift_right_logical3A_59 : i32 to vector<16xi32>
    %shift_right_logical3A_61 = arith.shrui %get3A_49, %shift_right_logical3A_60 : vector<16xi32>
    %swap3A_62 = arith.constant 32 : index
    %swap3A_63 = tpu.vector_load %arg9[%swap3A_62] {strides = array<i32>} : memref<128xi32, #tpu.memory_space<vmem>>, vector<16xi32>,
    %swap3A_64 = vector.shape_cast %swap3A_63 : vector<16xi32> to vector<16xi32>
    %swap3A_65 = vector.shape_cast %shift_right_logical3A_61 : vector<16xi32> to vector<16xi32>
    tpu.vector_store %arg9[%swap3A_62], %swap3A_65 {strides = array<i32>} : memref<128xi32, #tpu.memory_space<vmem>>, vector<16xi32>,
    %get3A_66 = arith.constant 0 : i32
    %get3A_67 = arith.index_cast %get3A_66 : i32 to index
    %get3A_68 = arith.constant 48 : index
    %get3A_69 = tpu.vector_load %arg6[%get3A_67, %get3A_68] {strides = array<i32>} : memref<80x128xi32, #tpu.memory_space<vmem>>, vector<1x16xi32>,
    %get3A_70 = vector.shape_cast %get3A_69 : vector<1x16xi32> to vector<16xi32>
    %and3A_71 = arith.constant 32767 : i32
    %and3A_72 = vector.broadcast %and3A_71 : i32 to vector<16xi32>
    %and3A_73 = arith.andi %get3A_70, %and3A_72 : vector<16xi32>
    %add3A_74 = vector.broadcast %mul3A_0 : i32 to vector<16xi32>
    %add3A_75 = arith.addi %and3A_73, %add3A_74 : vector<16xi32>
    %swap3A_76 = arith.constant 48 : index
    %swap3A_77 = tpu.vector_load %arg7[%swap3A_76] {strides = array<i32>} : memref<128xi32, #tpu.memory_space<vmem>>, vector<16xi32>,
    %swap3A_78 = vector.shape_cast %swap3A_77 : vector<16xi32> to vector<16xi32>
    %swap3A_79 = vector.shape_cast %add3A_75 : vector<16xi32> to vector<16xi32>
    tpu.vector_store %arg7[%swap3A_76], %swap3A_79 {strides = array<i32>} : memref<128xi32, #tpu.memory_space<vmem>>, vector<16xi32>,
    %shift_right_logical3A_80 = arith.constant 15 : i32
    %shift_right_logical3A_81 = vector.broadcast %shift_right_logical3A_80 : i32 to vector<16xi32>
    %shift_right_logical3A_82 = arith.shrui %get3A_70, %shift_right_logical3A_81 : vector<16xi32>
    %swap3A_83 = arith.constant 48 : index
    %swap3A_84 = tpu.vector_load %arg9[%swap3A_83] {strides = array<i32>} : memref<128xi32, #tpu.memory_space<vmem>>, vector<16xi32>,
    %swap3A_85 = vector.shape_cast %swap3A_84 : vector<16xi32> to vector<16xi32>
    %swap3A_86 = vector.shape_cast %shift_right_logical3A_82 : vector<16xi32> to vector<16xi32>
    tpu.vector_store %arg9[%swap3A_83], %swap3A_86 {strides = array<i32>} : memref<128xi32, #tpu.memory_space<vmem>>, vector<16xi32>,
    %get3A_87 = arith.constant 0 : i32
    %get3A_88 = arith.index_cast %get3A_87 : i32 to index
    %get3A_89 = arith.constant 64 : index
    %get3A_90 = tpu.vector_load %arg6[%get3A_88, %get3A_89] {strides = array<i32>} : memref<80x128xi32, #tpu.memory_space<vmem>>, vector<1x16xi32>,
    %get3A_91 = vector.shape_cast %get3A_90 : vector<1x16xi32> to vector<16xi32>
    %and3A_92 = arith.constant 32767 : i32
    %and3A_93 = vector.broadcast %and3A_92 : i32 to vector<16xi32>
    %and3A_94 = arith.andi %get3A_91, %and3A_93 : vector<16xi32>
    %add3A_95 = vector.broadcast %mul3A_0 : i32 to vector<16xi32>
    %add3A_96 = arith.addi %and3A_94, %add3A_95 : vector<16xi32>
    %swap3A_97 = arith.constant 64 : index
    %swap3A_98 = tpu.vector_load %arg7[%swap3A_97] {strides = array<i32>} : memref<128xi32, #tpu.memory_space<vmem>>, vector<16xi32>,
    %swap3A_99 = vector.shape_cast %swap3A_98 : vector<16xi32> to vector<16xi32>
    %swap3A_100 = vector.shape_cast %add3A_96 : vector<16xi32> to vector<16xi32>
    tpu.vector_store %arg7[%swap3A_97], %swap3A_100 {strides = array<i32>} : memref<128xi32, #tpu.memory_space<vmem>>, vector<16xi32>,
    %shift_right_logical3A_101 = arith.constant 15 : i32
    %shift_right_logical3A_102 = vector.broadcast %shift_right_logical3A_101 : i32 to vector<16xi32>
    %shift_right_logical3A_103 = arith.shrui %get3A_91, %shift_right_logical3A_102 : vector<16xi32>
    %swap3A_104 = arith.constant 64 : index
    %swap3A_105 = tpu.vector_load %arg9[%swap3A_104] {strides = array<i32>} : memref<128xi32, #tpu.memory_space<vmem>>, vector<16xi32>,
    %swap3A_106 = vector.shape_cast %swap3A_105 : vector<16xi32> to vector<16xi32>
    %swap3A_107 = vector.shape_cast %shift_right_logical3A_103 : vector<16xi32> to vector<16xi32>
    tpu.vector_store %arg9[%swap3A_104], %swap3A_107 {strides = array<i32>} : memref<128xi32, #tpu.memory_space<vmem>>, vector<16xi32>,
    %get3A_108 = arith.constant 0 : i32
    %get3A_109 = arith.index_cast %get3A_108 : i32 to index
    %get3A_110 = arith.constant 80 : index
    %get3A_111 = tpu.vector_load %arg6[%get3A_109, %get3A_110] {strides = array<i32>} : memref<80x128xi32, #tpu.memory_space<vmem>>, vector<1x16xi32>,
    %get3A_112 = vector.shape_cast %get3A_111 : vector<1x16xi32> to vector<16xi32>
    %and3A_113 = arith.constant 32767 : i32
    %and3A_114 = vector.broadcast %and3A_113 : i32 to vector<16xi32>
    %and3A_115 = arith.andi %get3A_112, %and3A_114 : vector<16xi32>
    %add3A_116 = vector.broadcast %mul3A_0 : i32 to vector<16xi32>
    %add3A_117 = arith.addi %and3A_115, %add3A_116 : vector<16xi32>
    %swap3A_118 = arith.constant 80 : index
    %swap3A_119 = tpu.vector_load %arg7[%swap3A_118] {strides = array<i32>} : memref<128xi32, #tpu.memory_space<vmem>>, vector<16xi32>,
    %swap3A_120 = vector.shape_cast %swap3A_119 : vector<16xi32> to vector<16xi32>
    %swap3A_121 = vector.shape_cast %add3A_117 : vector<16xi32> to vector<16xi32>
    tpu.vector_store %arg7[%swap3A_118], %swap3A_121 {strides = array<i32>} : memref<128xi32, #tpu.memory_space<vmem>>, vector<16xi32>,
    %shift_right_logical3A_122 = arith.constant 15 : i32
    %shift_right_logical3A_123 = vector.broadcast %shift_right_logical3A_122 : i32 to vector<16xi32>
    %shift_right_logical3A_124 = arith.shrui %get3A_112, %shift_right_logical3A_123 : vector<16xi32>
    %swap3A_125 = arith.constant 80 : index
    %swap3A_126 = tpu.vector_load %arg9[%swap3A_125] {strides = array<i32>} : memref<128xi32, #tpu.memory_space<vmem>>, vector<16xi32>,
    %swap3A_127 = vector.shape_cast %swap3A_126 : vector<16xi32> to vector<16xi32>
    %swap3A_128 = vector.shape_cast %shift_right_logical3A_124 : vector<16xi32> to vector<16xi32>
    tpu.vector_store %arg9[%swap3A_125], %swap3A_128 {strides = array<i32>} : memref<128xi32, #tpu.memory_space<vmem>>, vector<16xi32>,
    %get3A_129 = arith.constant 0 : i32
    %get3A_130 = arith.index_cast %get3A_129 : i32 to index
    %get3A_131 = arith.constant 96 : index
    %get3A_132 = tpu.vector_load %arg6[%get3A_130, %get3A_131] {strides = array<i32>} : memref<80x128xi32, #tpu.memory_space<vmem>>, vector<1x16xi32>,
    %get3A_133 = vector.shape_cast %get3A_132 : vector<1x16xi32> to vector<16xi32>
    %and3A_134 = arith.constant 32767 : i32
    %and3A_135 = vector.broadcast %and3A_134 : i32 to vector<16xi32>
    %and3A_136 = arith.andi %get3A_133, %and3A_135 : vector<16xi32>
    %add3A_137 = vector.broadcast %mul3A_0 : i32 to vector<16xi32>
    %add3A_138 = arith.addi %and3A_136, %add3A_137 : vector<16xi32>
    %swap3A_139 = arith.constant 96 : index
    %swap3A_140 = tpu.vector_load %arg7[%swap3A_139] {strides = array<i32>} : memref<128xi32, #tpu.memory_space<vmem>>, vector<16xi32>,
    %swap3A_141 = vector.shape_cast %swap3A_140 : vector<16xi32> to vector<16xi32>
    %swap3A_142 = vector.shape_cast %add3A_138 : vector<16xi32> to vector<16xi32>
    tpu.vector_store %arg7[%swap3A_139], %swap3A_142 {strides = array<i32>} : memref<128xi32, #tpu.memory_space<vmem>>, vector<16xi32>,
    %shift_right_logical3A_143 = arith.constant 15 : i32
    %shift_right_logical3A_144 = vector.broadcast %shift_right_logical3A_143 : i32 to vector<16xi32>
    %shift_right_logical3A_145 = arith.shrui %get3A_133, %shift_right_logical3A_144 : vector<16xi32>
    %swap3A_146 = arith.constant 96 : index
    %swap3A_147 = tpu.vector_load %arg9[%swap3A_146] {strides = array<i32>} : memref<128xi32, #tpu.memory_space<vmem>>, vector<16xi32>,
    %swap3A_148 = vector.shape_cast %swap3A_147 : vector<16xi32> to vector<16xi32>
    %swap3A_149 = vector.shape_cast %shift_right_logical3A_145 : vector<16xi32> to vector<16xi32>
    tpu.vector_store %arg9[%swap3A_146], %swap3A_149 {strides = array<i32>} : memref<128xi32, #tpu.memory_space<vmem>>, vector<16xi32>,
    %get3A_150 = arith.constant 0 : i32
    %get3A_151 = arith.index_cast %get3A_150 : i32 to index
    %get3A_152 = arith.constant 112 : index
    %get3A_153 = tpu.vector_load %arg6[%get3A_151, %get3A_152] {strides = array<i32>} : memref<80x128xi32, #tpu.memory_space<vmem>>, vector<1x16xi32>,
    %get3A_154 = vector.shape_cast %get3A_153 : vector<1x16xi32> to vector<16xi32>
    %and3A_155 = arith.constant 32767 : i32
    %and3A_156 = vector.broadcast %and3A_155 : i32 to vector<16xi32>
    %and3A_157 = arith.andi %get3A_154, %and3A_156 : vector<16xi32>
    %add3A_158 = vector.broadcast %mul3A_0 : i32 to vector<16xi32>
    %add3A_159 = arith.addi %and3A_157, %add3A_158 : vector<16xi32>
    %swap3A_160 = arith.constant 112 : index
    %swap3A_161 = tpu.vector_load %arg7[%swap3A_160] {strides = array<i32>} : memref<128xi32, #tpu.memory_space<vmem>>, vector<16xi32>,
    %swap3A_162 = vector.shape_cast %swap3A_161 : vector<16xi32> to vector<16xi32>
    %swap3A_163 = vector.shape_cast %add3A_159 : vector<16xi32> to vector<16xi32>
    tpu.vector_store %arg7[%swap3A_160], %swap3A_163 {strides = array<i32>} : memref<128xi32, #tpu.memory_space<vmem>>, vector<16xi32>,
    %shift_right_logical3A_164 = arith.constant 15 : i32
    %shift_right_logical3A_165 = vector.broadcast %shift_right_logical3A_164 : i32 to vector<16xi32>
    %shift_right_logical3A_166 = arith.shrui %get3A_154, %shift_right_logical3A_165 : vector<16xi32>
    %swap3A_167 = arith.constant 112 : index
    %swap3A_168 = tpu.vector_load %arg9[%swap3A_167] {strides = array<i32>} : memref<128xi32, #tpu.memory_space<vmem>>, vector<16xi32>,
    %swap3A_169 = vector.shape_cast %swap3A_168 : vector<16xi32> to vector<16xi32>
    %swap3A_170 = vector.shape_cast %shift_right_logical3A_166 : vector<16xi32> to vector<16xi32>
    tpu.vector_store %arg9[%swap3A_167], %swap3A_170 {strides = array<i32>} : memref<128xi32, #tpu.memory_space<vmem>>, vector<16xi32>,
    %dma_start3A = arith.constant 0 : i32
    %dma_start3A_171 = arith.constant 0 : i32
    %dma_start3A_172 = tpu.memref_slice %arg2[%dma_start3A, %dma_start3A_171] : memref<20000x128xf32, #tpu.memory_space<hbm>> -> memref<20000x128xf32, #tpu.memory_space<hbm>>
    tpu.enqueue_indirect_dma source(%dma_start3A_172 : memref<20000x128xf32, #tpu.memory_space<hbm>>) target(%arg11 : memref<128x128xf32, #tpu.memory_space<vmem>>) offsets(%arg7 : memref<128xi32, #tpu.memory_space<vmem>>) semaphore(%arg13 : memref<!tpu.dma_semaphore, #tpu.memory_space<semaphore_mem>>)
    %get3A_173 = arith.constant 1 : i32
    %get3A_174 = arith.index_cast %get3A_173 : i32 to index
    %get3A_175 = arith.constant 0 : index
    %get3A_176 = tpu.vector_load %arg6[%get3A_174, %get3A_175] {strides = array<i32>} : memref<80x128xi32, #tpu.memory_space<vmem>>, vector<1x16xi32>,
    %get3A_177 = vector.shape_cast %get3A_176 : vector<1x16xi32> to vector<16xi32>
    %and3A_178 = arith.constant 32767 : i32
    %and3A_179 = vector.broadcast %and3A_178 : i32 to vector<16xi32>
    %and3A_180 = arith.andi %get3A_177, %and3A_179 : vector<16xi32>
    %add3A_181 = vector.broadcast %mul3A_0 : i32 to vector<16xi32>
    %add3A_182 = arith.addi %and3A_180, %add3A_181 : vector<16xi32>
    %swap3A_183 = arith.constant 0 : index
    %swap3A_184 = tpu.vector_load %arg8[%swap3A_183] {strides = array<i32>} : memref<128xi32, #tpu.memory_space<vmem>>, vector<16xi32>,
    %swap3A_185 = vector.shape_cast %swap3A_184 : vector<16xi32> to vector<16xi32>
    %swap3A_186 = vector.shape_cast %add3A_182 : vector<16xi32> to vector<16xi32>
    tpu.vector_store %arg8[%swap3A_183], %swap3A_186 {strides = array<i32>} : memref<128xi32, #tpu.memory_space<vmem>>, vector<16xi32>,
    %shift_right_logical3A_187 = arith.constant 15 : i32
    %shift_right_logical3A_188 = vector.broadcast %shift_right_logical3A_187 : i32 to vector<16xi32>
    %shift_right_logical3A_189 = arith.shrui %get3A_177, %shift_right_logical3A_188 : vector<16xi32>
    %swap3A_190 = arith.constant 0 : index
    %swap3A_191 = tpu.vector_load %arg10[%swap3A_190] {strides = array<i32>} : memref<128xi32, #tpu.memory_space<vmem>>, vector<16xi32>,
    %swap3A_192 = vector.shape_cast %swap3A_191 : vector<16xi32> to vector<16xi32>
    %swap3A_193 = vector.shape_cast %shift_right_logical3A_189 : vector<16xi32> to vector<16xi32>
    tpu.vector_store %arg10[%swap3A_190], %swap3A_193 {strides = array<i32>} : memref<128xi32, #tpu.memory_space<vmem>>, vector<16xi32>,
    %get3A_194 = arith.constant 1 : i32
    %get3A_195 = arith.index_cast %get3A_194 : i32 to index
    %get3A_196 = arith.constant 16 : index
    %get3A_197 = tpu.vector_load %arg6[%get3A_195, %get3A_196] {strides = array<i32>} : memref<80x128xi32, #tpu.memory_space<vmem>>, vector<1x16xi32>,
    %get3A_198 = vector.shape_cast %get3A_197 : vector<1x16xi32> to vector<16xi32>
    %and3A_199 = arith.constant 32767 : i32
    %and3A_200 = vector.broadcast %and3A_199 : i32 to vector<16xi32>
    %and3A_201 = arith.andi %get3A_198, %and3A_200 : vector<16xi32>
    %add3A_202 = vector.broadcast %mul3A_0 : i32 to vector<16xi32>
    %add3A_203 = arith.addi %and3A_201, %add3A_202 : vector<16xi32>
    %swap3A_204 = arith.constant 16 : index
    %swap3A_205 = tpu.vector_load %arg8[%swap3A_204] {strides = array<i32>} : memref<128xi32, #tpu.memory_space<vmem>>, vector<16xi32>,
    %swap3A_206 = vector.shape_cast %swap3A_205 : vector<16xi32> to vector<16xi32>
    %swap3A_207 = vector.shape_cast %add3A_203 : vector<16xi32> to vector<16xi32>
    tpu.vector_store %arg8[%swap3A_204], %swap3A_207 {strides = array<i32>} : memref<128xi32, #tpu.memory_space<vmem>>, vector<16xi32>,
    %shift_right_logical3A_208 = arith.constant 15 : i32
    %shift_right_logical3A_209 = vector.broadcast %shift_right_logical3A_208 : i32 to vector<16xi32>
    %shift_right_logical3A_210 = arith.shrui %get3A_198, %shift_right_logical3A_209 : vector<16xi32>
    %swap3A_211 = arith.constant 16 : index
    %swap3A_212 = tpu.vector_load %arg10[%swap3A_211] {strides = array<i32>} : memref<128xi32, #tpu.memory_space<vmem>>, vector<16xi32>,
    %swap3A_213 = vector.shape_cast %swap3A_212 : vector<16xi32> to vector<16xi32>
    %swap3A_214 = vector.shape_cast %shift_right_logical3A_210 : vector<16xi32> to vector<16xi32>
    tpu.vector_store %arg10[%swap3A_211], %swap3A_214 {strides = array<i32>} : memref<128xi32, #tpu.memory_space<vmem>>, vector<16xi32>,
    %get3A_215 = arith.constant 1 : i32
    %get3A_216 = arith.index_cast %get3A_215 : i32 to index
    %get3A_217 = arith.constant 32 : index
    %get3A_218 = tpu.vector_load %arg6[%get3A_216, %get3A_217] {strides = array<i32>} : memref<80x128xi32, #tpu.memory_space<vmem>>, vector<1x16xi32>,
    %get3A_219 = vector.shape_cast %get3A_218 : vector<1x16xi32> to vector<16xi32>
    %and3A_220 = arith.constant 32767 : i32
    %and3A_221 = vector.broadcast %and3A_220 : i32 to vector<16xi32>
    %and3A_222 = arith.andi %get3A_219, %and3A_221 : vector<16xi32>
    %add3A_223 = vector.broadcast %mul3A_0 : i32 to vector<16xi32>
    %add3A_224 = arith.addi %and3A_222, %add3A_223 : vector<16xi32>
    %swap3A_225 = arith.constant 32 : index
    %swap3A_226 = tpu.vector_load %arg8[%swap3A_225] {strides = array<i32>} : memref<128xi32, #tpu.memory_space<vmem>>, vector<16xi32>,
    %swap3A_227 = vector.shape_cast %swap3A_226 : vector<16xi32> to vector<16xi32>
    %swap3A_228 = vector.shape_cast %add3A_224 : vector<16xi32> to vector<16xi32>
    tpu.vector_store %arg8[%swap3A_225], %swap3A_228 {strides = array<i32>} : memref<128xi32, #tpu.memory_space<vmem>>, vector<16xi32>,
    %shift_right_logical3A_229 = arith.constant 15 : i32
    %shift_right_logical3A_230 = vector.broadcast %shift_right_logical3A_229 : i32 to vector<16xi32>
    %shift_right_logical3A_231 = arith.shrui %get3A_219, %shift_right_logical3A_230 : vector<16xi32>
    %swap3A_232 = arith.constant 32 : index
    %swap3A_233 = tpu.vector_load %arg10[%swap3A_232] {strides = array<i32>} : memref<128xi32, #tpu.memory_space<vmem>>, vector<16xi32>,
    %swap3A_234 = vector.shape_cast %swap3A_233 : vector<16xi32> to vector<16xi32>
    %swap3A_235 = vector.shape_cast %shift_right_logical3A_231 : vector<16xi32> to vector<16xi32>
    tpu.vector_store %arg10[%swap3A_232], %swap3A_235 {strides = array<i32>} : memref<128xi32, #tpu.memory_space<vmem>>, vector<16xi32>,
    %get3A_236 = arith.constant 1 : i32
    %get3A_237 = arith.index_cast %get3A_236 : i32 to index
    %get3A_238 = arith.constant 48 : index
    %get3A_239 = tpu.vector_load %arg6[%get3A_237, %get3A_238] {strides = array<i32>} : memref<80x128xi32, #tpu.memory_space<vmem>>, vector<1x16xi32>,
    %get3A_240 = vector.shape_cast %get3A_239 : vector<1x16xi32> to vector<16xi32>
    %and3A_241 = arith.constant 32767 : i32
    %and3A_242 = vector.broadcast %and3A_241 : i32 to vector<16xi32>
    %and3A_243 = arith.andi %get3A_240, %and3A_242 : vector<16xi32>
    %add3A_244 = vector.broadcast %mul3A_0 : i32 to vector<16xi32>
    %add3A_245 = arith.addi %and3A_243, %add3A_244 : vector<16xi32>
    %swap3A_246 = arith.constant 48 : index
    %swap3A_247 = tpu.vector_load %arg8[%swap3A_246] {strides = array<i32>} : memref<128xi32, #tpu.memory_space<vmem>>, vector<16xi32>,
    %swap3A_248 = vector.shape_cast %swap3A_247 : vector<16xi32> to vector<16xi32>
    %swap3A_249 = vector.shape_cast %add3A_245 : vector<16xi32> to vector<16xi32>
    tpu.vector_store %arg8[%swap3A_246], %swap3A_249 {strides = array<i32>} : memref<128xi32, #tpu.memory_space<vmem>>, vector<16xi32>,
    %shift_right_logical3A_250 = arith.constant 15 : i32
    %shift_right_logical3A_251 = vector.broadcast %shift_right_logical3A_250 : i32 to vector<16xi32>
    %shift_right_logical3A_252 = arith.shrui %get3A_240, %shift_right_logical3A_251 : vector<16xi32>
    %swap3A_253 = arith.constant 48 : index
    %swap3A_254 = tpu.vector_load %arg10[%swap3A_253] {strides = array<i32>} : memref<128xi32, #tpu.memory_space<vmem>>, vector<16xi32>,
    %swap3A_255 = vector.shape_cast %swap3A_254 : vector<16xi32> to vector<16xi32>
    %swap3A_256 = vector.shape_cast %shift_right_logical3A_252 : vector<16xi32> to vector<16xi32>
    tpu.vector_store %arg10[%swap3A_253], %swap3A_256 {strides = array<i32>} : memref<128xi32, #tpu.memory_space<vmem>>, vector<16xi32>,
    %get3A_257 = arith.constant 1 : i32
    %get3A_258 = arith.index_cast %get3A_257 : i32 to index
    %get3A_259 = arith.constant 64 : index
    %get3A_260 = tpu.vector_load %arg6[%get3A_258, %get3A_259] {strides = array<i32>} : memref<80x128xi32, #tpu.memory_space<vmem>>, vector<1x16xi32>,
    %get3A_261 = vector.shape_cast %get3A_260 : vector<1x16xi32> to vector<16xi32>
    %and3A_262 = arith.constant 32767 : i32
    %and3A_263 = vector.broadcast %and3A_262 : i32 to vector<16xi32>
    %and3A_264 = arith.andi %get3A_261, %and3A_263 : vector<16xi32>
    %add3A_265 = vector.broadcast %mul3A_0 : i32 to vector<16xi32>
    %add3A_266 = arith.addi %and3A_264, %add3A_265 : vector<16xi32>
    %swap3A_267 = arith.constant 64 : index
    %swap3A_268 = tpu.vector_load %arg8[%swap3A_267] {strides = array<i32>} : memref<128xi32, #tpu.memory_space<vmem>>, vector<16xi32>,
    %swap3A_269 = vector.shape_cast %swap3A_268 : vector<16xi32> to vector<16xi32>
    %swap3A_270 = vector.shape_cast %add3A_266 : vector<16xi32> to vector<16xi32>
    tpu.vector_store %arg8[%swap3A_267], %swap3A_270 {strides = array<i32>} : memref<128xi32, #tpu.memory_space<vmem>>, vector<16xi32>,
    %shift_right_logical3A_271 = arith.constant 15 : i32
    %shift_right_logical3A_272 = vector.broadcast %shift_right_logical3A_271 : i32 to vector<16xi32>
    %shift_right_logical3A_273 = arith.shrui %get3A_261, %shift_right_logical3A_272 : vector<16xi32>
    %swap3A_274 = arith.constant 64 : index
    %swap3A_275 = tpu.vector_load %arg10[%swap3A_274] {strides = array<i32>} : memref<128xi32, #tpu.memory_space<vmem>>, vector<16xi32>,
    %swap3A_276 = vector.shape_cast %swap3A_275 : vector<16xi32> to vector<16xi32>
    %swap3A_277 = vector.shape_cast %shift_right_logical3A_273 : vector<16xi32> to vector<16xi32>
    tpu.vector_store %arg10[%swap3A_274], %swap3A_277 {strides = array<i32>} : memref<128xi32, #tpu.memory_space<vmem>>, vector<16xi32>,
    %get3A_278 = arith.constant 1 : i32
    %get3A_279 = arith.index_cast %get3A_278 : i32 to index
    %get3A_280 = arith.constant 80 : index
    %get3A_281 = tpu.vector_load %arg6[%get3A_279, %get3A_280] {strides = array<i32>} : memref<80x128xi32, #tpu.memory_space<vmem>>, vector<1x16xi32>,
    %get3A_282 = vector.shape_cast %get3A_281 : vector<1x16xi32> to vector<16xi32>
    %and3A_283 = arith.constant 32767 : i32
    %and3A_284 = vector.broadcast %and3A_283 : i32 to vector<16xi32>
    %and3A_285 = arith.andi %get3A_282, %and3A_284 : vector<16xi32>
    %add3A_286 = vector.broadcast %mul3A_0 : i32 to vector<16xi32>
    %add3A_287 = arith.addi %and3A_285, %add3A_286 : vector<16xi32>
    %swap3A_288 = arith.constant 80 : index
    %swap3A_289 = tpu.vector_load %arg8[%swap3A_288] {strides = array<i32>} : memref<128xi32, #tpu.memory_space<vmem>>, vector<16xi32>,
    %swap3A_290 = vector.shape_cast %swap3A_289 : vector<16xi32> to vector<16xi32>
    %swap3A_291 = vector.shape_cast %add3A_287 : vector<16xi32> to vector<16xi32>
    tpu.vector_store %arg8[%swap3A_288], %swap3A_291 {strides = array<i32>} : memref<128xi32, #tpu.memory_space<vmem>>, vector<16xi32>,
    %shift_right_logical3A_292 = arith.constant 15 : i32
    %shift_right_logical3A_293 = vector.broadcast %shift_right_logical3A_292 : i32 to vector<16xi32>
    %shift_right_logical3A_294 = arith.shrui %get3A_282, %shift_right_logical3A_293 : vector<16xi32>
    %swap3A_295 = arith.constant 80 : index
    %swap3A_296 = tpu.vector_load %arg10[%swap3A_295] {strides = array<i32>} : memref<128xi32, #tpu.memory_space<vmem>>, vector<16xi32>,
    %swap3A_297 = vector.shape_cast %swap3A_296 : vector<16xi32> to vector<16xi32>
    %swap3A_298 = vector.shape_cast %shift_right_logical3A_294 : vector<16xi32> to vector<16xi32>
    tpu.vector_store %arg10[%swap3A_295], %swap3A_298 {strides = array<i32>} : memref<128xi32, #tpu.memory_space<vmem>>, vector<16xi32>,
    %get3A_299 = arith.constant 1 : i32
    %get3A_300 = arith.index_cast %get3A_299 : i32 to index
    %get3A_301 = arith.constant 96 : index
    %get3A_302 = tpu.vector_load %arg6[%get3A_300, %get3A_301] {strides = array<i32>} : memref<80x128xi32, #tpu.memory_space<vmem>>, vector<1x16xi32>,
    %get3A_303 = vector.shape_cast %get3A_302 : vector<1x16xi32> to vector<16xi32>
    %and3A_304 = arith.constant 32767 : i32
    %and3A_305 = vector.broadcast %and3A_304 : i32 to vector<16xi32>
    %and3A_306 = arith.andi %get3A_303, %and3A_305 : vector<16xi32>
    %add3A_307 = vector.broadcast %mul3A_0 : i32 to vector<16xi32>
    %add3A_308 = arith.addi %and3A_306, %add3A_307 : vector<16xi32>
    %swap3A_309 = arith.constant 96 : index
    %swap3A_310 = tpu.vector_load %arg8[%swap3A_309] {strides = array<i32>} : memref<128xi32, #tpu.memory_space<vmem>>, vector<16xi32>,
    %swap3A_311 = vector.shape_cast %swap3A_310 : vector<16xi32> to vector<16xi32>
    %swap3A_312 = vector.shape_cast %add3A_308 : vector<16xi32> to vector<16xi32>
    tpu.vector_store %arg8[%swap3A_309], %swap3A_312 {strides = array<i32>} : memref<128xi32, #tpu.memory_space<vmem>>, vector<16xi32>,
    %shift_right_logical3A_313 = arith.constant 15 : i32
    %shift_right_logical3A_314 = vector.broadcast %shift_right_logical3A_313 : i32 to vector<16xi32>
    %shift_right_logical3A_315 = arith.shrui %get3A_303, %shift_right_logical3A_314 : vector<16xi32>
    %swap3A_316 = arith.constant 96 : index
    %swap3A_317 = tpu.vector_load %arg10[%swap3A_316] {strides = array<i32>} : memref<128xi32, #tpu.memory_space<vmem>>, vector<16xi32>,
    %swap3A_318 = vector.shape_cast %swap3A_317 : vector<16xi32> to vector<16xi32>
    %swap3A_319 = vector.shape_cast %shift_right_logical3A_315 : vector<16xi32> to vector<16xi32>
    tpu.vector_store %arg10[%swap3A_316], %swap3A_319 {strides = array<i32>} : memref<128xi32, #tpu.memory_space<vmem>>, vector<16xi32>,
    %get3A_320 = arith.constant 1 : i32
    %get3A_321 = arith.index_cast %get3A_320 : i32 to index
    %get3A_322 = arith.constant 112 : index
    %get3A_323 = tpu.vector_load %arg6[%get3A_321, %get3A_322] {strides = array<i32>} : memref<80x128xi32, #tpu.memory_space<vmem>>, vector<1x16xi32>,
    %get3A_324 = vector.shape_cast %get3A_323 : vector<1x16xi32> to vector<16xi32>
    %and3A_325 = arith.constant 32767 : i32
    %and3A_326 = vector.broadcast %and3A_325 : i32 to vector<16xi32>
    %and3A_327 = arith.andi %get3A_324, %and3A_326 : vector<16xi32>
    %add3A_328 = vector.broadcast %mul3A_0 : i32 to vector<16xi32>
    %add3A_329 = arith.addi %and3A_327, %add3A_328 : vector<16xi32>
    %swap3A_330 = arith.constant 112 : index
    %swap3A_331 = tpu.vector_load %arg8[%swap3A_330] {strides = array<i32>} : memref<128xi32, #tpu.memory_space<vmem>>, vector<16xi32>,
    %swap3A_332 = vector.shape_cast %swap3A_331 : vector<16xi32> to vector<16xi32>
    %swap3A_333 = vector.shape_cast %add3A_329 : vector<16xi32> to vector<16xi32>
    tpu.vector_store %arg8[%swap3A_330], %swap3A_333 {strides = array<i32>} : memref<128xi32, #tpu.memory_space<vmem>>, vector<16xi32>,
    %shift_right_logical3A_334 = arith.constant 15 : i32
    %shift_right_logical3A_335 = vector.broadcast %shift_right_logical3A_334 : i32 to vector<16xi32>
    %shift_right_logical3A_336 = arith.shrui %get3A_324, %shift_right_logical3A_335 : vector<16xi32>
    %swap3A_337 = arith.constant 112 : index
    %swap3A_338 = tpu.vector_load %arg10[%swap3A_337] {strides = array<i32>} : memref<128xi32, #tpu.memory_space<vmem>>, vector<16xi32>,
    %swap3A_339 = vector.shape_cast %swap3A_338 : vector<16xi32> to vector<16xi32>
    %swap3A_340 = vector.shape_cast %shift_right_logical3A_336 : vector<16xi32> to vector<16xi32>
    tpu.vector_store %arg10[%swap3A_337], %swap3A_340 {strides = array<i32>} : memref<128xi32, #tpu.memory_space<vmem>>, vector<16xi32>,
    %dma_start3A_341 = arith.constant 0 : i32
    %dma_start3A_342 = arith.constant 0 : i32
    %dma_start3A_343 = tpu.memref_slice %arg2[%dma_start3A_341, %dma_start3A_342] : memref<20000x128xf32, #tpu.memory_space<hbm>> -> memref<20000x128xf32, #tpu.memory_space<hbm>>
    tpu.enqueue_indirect_dma source(%dma_start3A_343 : memref<20000x128xf32, #tpu.memory_space<hbm>>) target(%arg12 : memref<128x128xf32, #tpu.memory_space<vmem>>) offsets(%arg8 : memref<128xi32, #tpu.memory_space<vmem>>) semaphore(%arg14 : memref<!tpu.dma_semaphore, #tpu.memory_space<semaphore_mem>>)
    %scan3A = arith.constant 0 : i32
    %scan3A_344 = arith.constant 0 : i32
    %scan3A_345 = arith.constant 39 : i32
    %scan3A_346 = arith.addi %scan3A_344, %scan3A_345 : i32
    %scan3A_347 = arith.constant 1 : i32
    scf.for %scan3A_365 = %scan3A_344 to %scan3A_346 step %scan3A_347  : i32 {
      %mul3A_366 = arith.constant 2 : i32
      %mul3A_367 = arith.muli %scan3A_365, %mul3A_366 : i32
      %dma_wait3A_368 = arith.constant 0 : i32
      %dma_wait3A_369 = arith.constant 0 : i32
      %dma_wait3A_370 = tpu.memref_slice %arg2[%dma_wait3A_368, %dma_wait3A_369] : memref<20000x128xf32, #tpu.memory_space<hbm>> -> memref<20000x128xf32, #tpu.memory_space<hbm>>
      tpu.wait_indirect_dma semaphore(%arg13 : memref<!tpu.dma_semaphore, #tpu.memory_space<semaphore_mem>>) src(%dma_wait3A_370 : memref<20000x128xf32, #tpu.memory_space<hbm>>) dst(%arg11 : memref<128x128xf32, #tpu.memory_space<vmem>>)
      "tpu.region"() ({
        %run_scoped3A = tpu.sem_alloc : memref<!tpu.dma_semaphore, #tpu.memory_space<semaphore_mem>>
        %dma_start3A_708 = arith.constant 0 : i32
        %dma_start3A_709 = arith.constant 0 : i32
        %dma_start3A_710 = tpu.memref_slice %arg5[%dma_start3A_708, %dma_start3A_709] : memref<10016x128xf32, #tpu.memory_space<vmem_shared>> -> memref<10016x128xf32, #tpu.memory_space<vmem_shared>>
        tpu.enqueue_indirect_dma source(%arg11 : memref<128x128xf32, #tpu.memory_space<vmem>>) target(%dma_start3A_710 : memref<10016x128xf32, #tpu.memory_space<vmem_shared>>) offsets(%arg9 : memref<128xi32, #tpu.memory_space<vmem>>) semaphore(%run_scoped3A : memref<!tpu.dma_semaphore, #tpu.memory_space<semaphore_mem>>) {add = true}
        %dma_wait3A_711 = arith.constant 0 : i32
        %dma_wait3A_712 = arith.constant 0 : i32
        %dma_wait3A_713 = tpu.memref_slice %arg5[%dma_wait3A_711, %dma_wait3A_712] : memref<10016x128xf32, #tpu.memory_space<vmem_shared>> -> memref<10016x128xf32, #tpu.memory_space<vmem_shared>>
        tpu.wait_indirect_dma semaphore(%run_scoped3A : memref<!tpu.dma_semaphore, #tpu.memory_space<semaphore_mem>>) src(%arg11 : memref<128x128xf32, #tpu.memory_space<vmem>>) dst(%dma_wait3A_713 : memref<10016x128xf32, #tpu.memory_space<vmem_shared>>)
        tpu.yield
      }) : () -> ()
      %add3A_371 = arith.constant 0 : i32
      %add3A_372 = arith.addi %mul3A_367, %add3A_371 : i32
      %add3A_373 = arith.constant 2 : i32
      %add3A_374 = arith.addi %add3A_372, %add3A_373 : i32
      %get3A_375 = arith.index_cast %add3A_374 : i32 to index
      %get3A_376 = arith.constant 0 : index
      %get3A_377 = tpu.vector_load %arg6[%get3A_375, %get3A_376] {strides = array<i32>} : memref<80x128xi32, #tpu.memory_space<vmem>>, vector<1x16xi32>,
      %get3A_378 = vector.shape_cast %get3A_377 : vector<1x16xi32> to vector<16xi32>
      %and3A_379 = arith.constant 32767 : i32
      %and3A_380 = vector.broadcast %and3A_379 : i32 to vector<16xi32>
      %and3A_381 = arith.andi %get3A_378, %and3A_380 : vector<16xi32>
      %add3A_382 = vector.broadcast %mul3A_0 : i32 to vector<16xi32>
      %add3A_383 = arith.addi %and3A_381, %add3A_382 : vector<16xi32>
      %swap3A_384 = arith.constant 0 : index
      %swap3A_385 = tpu.vector_load %arg7[%swap3A_384] {strides = array<i32>} : memref<128xi32, #tpu.memory_space<vmem>>, vector<16xi32>,
      %swap3A_386 = vector.shape_cast %swap3A_385 : vector<16xi32> to vector<16xi32>
      %swap3A_387 = vector.shape_cast %add3A_383 : vector<16xi32> to vector<16xi32>
      tpu.vector_store %arg7[%swap3A_384], %swap3A_387 {strides = array<i32>} : memref<128xi32, #tpu.memory_space<vmem>>, vector<16xi32>,
      %shift_right_logical3A_388 = arith.constant 15 : i32
      %shift_right_logical3A_389 = vector.broadcast %shift_right_logical3A_388 : i32 to vector<16xi32>
      %shift_right_logical3A_390 = arith.shrui %get3A_378, %shift_right_logical3A_389 : vector<16xi32>
      %swap3A_391 = arith.constant 0 : index
      %swap3A_392 = tpu.vector_load %arg9[%swap3A_391] {strides = array<i32>} : memref<128xi32, #tpu.memory_space<vmem>>, vector<16xi32>,
      %swap3A_393 = vector.shape_cast %swap3A_392 : vector<16xi32> to vector<16xi32>
      %swap3A_394 = vector.shape_cast %shift_right_logical3A_390 : vector<16xi32> to vector<16xi32>
      tpu.vector_store %arg9[%swap3A_391], %swap3A_394 {strides = array<i32>} : memref<128xi32, #tpu.memory_space<vmem>>, vector<16xi32>,
      %get3A_395 = arith.index_cast %add3A_374 : i32 to index
      %get3A_396 = arith.constant 16 : index
      %get3A_397 = tpu.vector_load %arg6[%get3A_395, %get3A_396] {strides = array<i32>} : memref<80x128xi32, #tpu.memory_space<vmem>>, vector<1x16xi32>,
      %get3A_398 = vector.shape_cast %get3A_397 : vector<1x16xi32> to vector<16xi32>
      %and3A_399 = arith.constant 32767 : i32
      %and3A_400 = vector.broadcast %and3A_399 : i32 to vector<16xi32>
      %and3A_401 = arith.andi %get3A_398, %and3A_400 : vector<16xi32>
      %add3A_402 = vector.broadcast %mul3A_0 : i32 to vector<16xi32>
      %add3A_403 = arith.addi %and3A_401, %add3A_402 : vector<16xi32>
      %swap3A_404 = arith.constant 16 : index
      %swap3A_405 = tpu.vector_load %arg7[%swap3A_404] {strides = array<i32>} : memref<128xi32, #tpu.memory_space<vmem>>, vector<16xi32>,
      %swap3A_406 = vector.shape_cast %swap3A_405 : vector<16xi32> to vector<16xi32>
      %swap3A_407 = vector.shape_cast %add3A_403 : vector<16xi32> to vector<16xi32>
      tpu.vector_store %arg7[%swap3A_404], %swap3A_407 {strides = array<i32>} : memref<128xi32, #tpu.memory_space<vmem>>, vector<16xi32>,
      %shift_right_logical3A_408 = arith.constant 15 : i32
      %shift_right_logical3A_409 = vector.broadcast %shift_right_logical3A_408 : i32 to vector<16xi32>
      %shift_right_logical3A_410 = arith.shrui %get3A_398, %shift_right_logical3A_409 : vector<16xi32>
      %swap3A_411 = arith.constant 16 : index
      %swap3A_412 = tpu.vector_load %arg9[%swap3A_411] {strides = array<i32>} : memref<128xi32, #tpu.memory_space<vmem>>, vector<16xi32>,
      %swap3A_413 = vector.shape_cast %swap3A_412 : vector<16xi32> to vector<16xi32>
      %swap3A_414 = vector.shape_cast %shift_right_logical3A_410 : vector<16xi32> to vector<16xi32>
      tpu.vector_store %arg9[%swap3A_411], %swap3A_414 {strides = array<i32>} : memref<128xi32, #tpu.memory_space<vmem>>, vector<16xi32>,
      %get3A_415 = arith.index_cast %add3A_374 : i32 to index
      %get3A_416 = arith.constant 32 : index
      %get3A_417 = tpu.vector_load %arg6[%get3A_415, %get3A_416] {strides = array<i32>} : memref<80x128xi32, #tpu.memory_space<vmem>>, vector<1x16xi32>,
      %get3A_418 = vector.shape_cast %get3A_417 : vector<1x16xi32> to vector<16xi32>
      %and3A_419 = arith.constant 32767 : i32
      %and3A_420 = vector.broadcast %and3A_419 : i32 to vector<16xi32>
      %and3A_421 = arith.andi %get3A_418, %and3A_420 : vector<16xi32>
      %add3A_422 = vector.broadcast %mul3A_0 : i32 to vector<16xi32>
      %add3A_423 = arith.addi %and3A_421, %add3A_422 : vector<16xi32>
      %swap3A_424 = arith.constant 32 : index
      %swap3A_425 = tpu.vector_load %arg7[%swap3A_424] {strides = array<i32>} : memref<128xi32, #tpu.memory_space<vmem>>, vector<16xi32>,
      %swap3A_426 = vector.shape_cast %swap3A_425 : vector<16xi32> to vector<16xi32>
      %swap3A_427 = vector.shape_cast %add3A_423 : vector<16xi32> to vector<16xi32>
      tpu.vector_store %arg7[%swap3A_424], %swap3A_427 {strides = array<i32>} : memref<128xi32, #tpu.memory_space<vmem>>, vector<16xi32>,
      %shift_right_logical3A_428 = arith.constant 15 : i32
      %shift_right_logical3A_429 = vector.broadcast %shift_right_logical3A_428 : i32 to vector<16xi32>
      %shift_right_logical3A_430 = arith.shrui %get3A_418, %shift_right_logical3A_429 : vector<16xi32>
      %swap3A_431 = arith.constant 32 : index
      %swap3A_432 = tpu.vector_load %arg9[%swap3A_431] {strides = array<i32>} : memref<128xi32, #tpu.memory_space<vmem>>, vector<16xi32>,
      %swap3A_433 = vector.shape_cast %swap3A_432 : vector<16xi32> to vector<16xi32>
      %swap3A_434 = vector.shape_cast %shift_right_logical3A_430 : vector<16xi32> to vector<16xi32>
      tpu.vector_store %arg9[%swap3A_431], %swap3A_434 {strides = array<i32>} : memref<128xi32, #tpu.memory_space<vmem>>, vector<16xi32>,
      %get3A_435 = arith.index_cast %add3A_374 : i32 to index
      %get3A_436 = arith.constant 48 : index
      %get3A_437 = tpu.vector_load %arg6[%get3A_435, %get3A_436] {strides = array<i32>} : memref<80x128xi32, #tpu.memory_space<vmem>>, vector<1x16xi32>,
      %get3A_438 = vector.shape_cast %get3A_437 : vector<1x16xi32> to vector<16xi32>
      %and3A_439 = arith.constant 32767 : i32
      %and3A_440 = vector.broadcast %and3A_439 : i32 to vector<16xi32>
      %and3A_441 = arith.andi %get3A_438, %and3A_440 : vector<16xi32>
      %add3A_442 = vector.broadcast %mul3A_0 : i32 to vector<16xi32>
      %add3A_443 = arith.addi %and3A_441, %add3A_442 : vector<16xi32>
      %swap3A_444 = arith.constant 48 : index
      %swap3A_445 = tpu.vector_load %arg7[%swap3A_444] {strides = array<i32>} : memref<128xi32, #tpu.memory_space<vmem>>, vector<16xi32>,
      %swap3A_446 = vector.shape_cast %swap3A_445 : vector<16xi32> to vector<16xi32>
      %swap3A_447 = vector.shape_cast %add3A_443 : vector<16xi32> to vector<16xi32>
      tpu.vector_store %arg7[%swap3A_444], %swap3A_447 {strides = array<i32>} : memref<128xi32, #tpu.memory_space<vmem>>, vector<16xi32>,
      %shift_right_logical3A_448 = arith.constant 15 : i32
      %shift_right_logical3A_449 = vector.broadcast %shift_right_logical3A_448 : i32 to vector<16xi32>
      %shift_right_logical3A_450 = arith.shrui %get3A_438, %shift_right_logical3A_449 : vector<16xi32>
      %swap3A_451 = arith.constant 48 : index
      %swap3A_452 = tpu.vector_load %arg9[%swap3A_451] {strides = array<i32>} : memref<128xi32, #tpu.memory_space<vmem>>, vector<16xi32>,
      %swap3A_453 = vector.shape_cast %swap3A_452 : vector<16xi32> to vector<16xi32>
      %swap3A_454 = vector.shape_cast %shift_right_logical3A_450 : vector<16xi32> to vector<16xi32>
      tpu.vector_store %arg9[%swap3A_451], %swap3A_454 {strides = array<i32>} : memref<128xi32, #tpu.memory_space<vmem>>, vector<16xi32>,
      %get3A_455 = arith.index_cast %add3A_374 : i32 to index
      %get3A_456 = arith.constant 64 : index
      %get3A_457 = tpu.vector_load %arg6[%get3A_455, %get3A_456] {strides = array<i32>} : memref<80x128xi32, #tpu.memory_space<vmem>>, vector<1x16xi32>,
      %get3A_458 = vector.shape_cast %get3A_457 : vector<1x16xi32> to vector<16xi32>
      %and3A_459 = arith.constant 32767 : i32
      %and3A_460 = vector.broadcast %and3A_459 : i32 to vector<16xi32>
      %and3A_461 = arith.andi %get3A_458, %and3A_460 : vector<16xi32>
      %add3A_462 = vector.broadcast %mul3A_0 : i32 to vector<16xi32>
      %add3A_463 = arith.addi %and3A_461, %add3A_462 : vector<16xi32>
      %swap3A_464 = arith.constant 64 : index
      %swap3A_465 = tpu.vector_load %arg7[%swap3A_464] {strides = array<i32>} : memref<128xi32, #tpu.memory_space<vmem>>, vector<16xi32>,
      %swap3A_466 = vector.shape_cast %swap3A_465 : vector<16xi32> to vector<16xi32>
      %swap3A_467 = vector.shape_cast %add3A_463 : vector<16xi32> to vector<16xi32>
      tpu.vector_store %arg7[%swap3A_464], %swap3A_467 {strides = array<i32>} : memref<128xi32, #tpu.memory_space<vmem>>, vector<16xi32>,
      %shift_right_logical3A_468 = arith.constant 15 : i32
      %shift_right_logical3A_469 = vector.broadcast %shift_right_logical3A_468 : i32 to vector<16xi32>
      %shift_right_logical3A_470 = arith.shrui %get3A_458, %shift_right_logical3A_469 : vector<16xi32>
      %swap3A_471 = arith.constant 64 : index
      %swap3A_472 = tpu.vector_load %arg9[%swap3A_471] {strides = array<i32>} : memref<128xi32, #tpu.memory_space<vmem>>, vector<16xi32>,
      %swap3A_473 = vector.shape_cast %swap3A_472 : vector<16xi32> to vector<16xi32>
      %swap3A_474 = vector.shape_cast %shift_right_logical3A_470 : vector<16xi32> to vector<16xi32>
      tpu.vector_store %arg9[%swap3A_471], %swap3A_474 {strides = array<i32>} : memref<128xi32, #tpu.memory_space<vmem>>, vector<16xi32>,
      %get3A_475 = arith.index_cast %add3A_374 : i32 to index
      %get3A_476 = arith.constant 80 : index
      %get3A_477 = tpu.vector_load %arg6[%get3A_475, %get3A_476] {strides = array<i32>} : memref<80x128xi32, #tpu.memory_space<vmem>>, vector<1x16xi32>,
      %get3A_478 = vector.shape_cast %get3A_477 : vector<1x16xi32> to vector<16xi32>
      %and3A_479 = arith.constant 32767 : i32
      %and3A_480 = vector.broadcast %and3A_479 : i32 to vector<16xi32>
      %and3A_481 = arith.andi %get3A_478, %and3A_480 : vector<16xi32>
      %add3A_482 = vector.broadcast %mul3A_0 : i32 to vector<16xi32>
      %add3A_483 = arith.addi %and3A_481, %add3A_482 : vector<16xi32>
      %swap3A_484 = arith.constant 80 : index
      %swap3A_485 = tpu.vector_load %arg7[%swap3A_484] {strides = array<i32>} : memref<128xi32, #tpu.memory_space<vmem>>, vector<16xi32>,
      %swap3A_486 = vector.shape_cast %swap3A_485 : vector<16xi32> to vector<16xi32>
      %swap3A_487 = vector.shape_cast %add3A_483 : vector<16xi32> to vector<16xi32>
      tpu.vector_store %arg7[%swap3A_484], %swap3A_487 {strides = array<i32>} : memref<128xi32, #tpu.memory_space<vmem>>, vector<16xi32>,
      %shift_right_logical3A_488 = arith.constant 15 : i32
      %shift_right_logical3A_489 = vector.broadcast %shift_right_logical3A_488 : i32 to vector<16xi32>
      %shift_right_logical3A_490 = arith.shrui %get3A_478, %shift_right_logical3A_489 : vector<16xi32>
      %swap3A_491 = arith.constant 80 : index
      %swap3A_492 = tpu.vector_load %arg9[%swap3A_491] {strides = array<i32>} : memref<128xi32, #tpu.memory_space<vmem>>, vector<16xi32>,
      %swap3A_493 = vector.shape_cast %swap3A_492 : vector<16xi32> to vector<16xi32>
      %swap3A_494 = vector.shape_cast %shift_right_logical3A_490 : vector<16xi32> to vector<16xi32>
      tpu.vector_store %arg9[%swap3A_491], %swap3A_494 {strides = array<i32>} : memref<128xi32, #tpu.memory_space<vmem>>, vector<16xi32>,
      %get3A_495 = arith.index_cast %add3A_374 : i32 to index
      %get3A_496 = arith.constant 96 : index
      %get3A_497 = tpu.vector_load %arg6[%get3A_495, %get3A_496] {strides = array<i32>} : memref<80x128xi32, #tpu.memory_space<vmem>>, vector<1x16xi32>,
      %get3A_498 = vector.shape_cast %get3A_497 : vector<1x16xi32> to vector<16xi32>
      %and3A_499 = arith.constant 32767 : i32
      %and3A_500 = vector.broadcast %and3A_499 : i32 to vector<16xi32>
      %and3A_501 = arith.andi %get3A_498, %and3A_500 : vector<16xi32>
      %add3A_502 = vector.broadcast %mul3A_0 : i32 to vector<16xi32>
      %add3A_503 = arith.addi %and3A_501, %add3A_502 : vector<16xi32>
      %swap3A_504 = arith.constant 96 : index
      %swap3A_505 = tpu.vector_load %arg7[%swap3A_504] {strides = array<i32>} : memref<128xi32, #tpu.memory_space<vmem>>, vector<16xi32>,
      %swap3A_506 = vector.shape_cast %swap3A_505 : vector<16xi32> to vector<16xi32>
      %swap3A_507 = vector.shape_cast %add3A_503 : vector<16xi32> to vector<16xi32>
      tpu.vector_store %arg7[%swap3A_504], %swap3A_507 {strides = array<i32>} : memref<128xi32, #tpu.memory_space<vmem>>, vector<16xi32>,
      %shift_right_logical3A_508 = arith.constant 15 : i32
      %shift_right_logical3A_509 = vector.broadcast %shift_right_logical3A_508 : i32 to vector<16xi32>
      %shift_right_logical3A_510 = arith.shrui %get3A_498, %shift_right_logical3A_509 : vector<16xi32>
      %swap3A_511 = arith.constant 96 : index
      %swap3A_512 = tpu.vector_load %arg9[%swap3A_511] {strides = array<i32>} : memref<128xi32, #tpu.memory_space<vmem>>, vector<16xi32>,
      %swap3A_513 = vector.shape_cast %swap3A_512 : vector<16xi32> to vector<16xi32>
      %swap3A_514 = vector.shape_cast %shift_right_logical3A_510 : vector<16xi32> to vector<16xi32>
      tpu.vector_store %arg9[%swap3A_511], %swap3A_514 {strides = array<i32>} : memref<128xi32, #tpu.memory_space<vmem>>, vector<16xi32>,
      %get3A_515 = arith.index_cast %add3A_374 : i32 to index
      %get3A_516 = arith.constant 112 : index
      %get3A_517 = tpu.vector_load %arg6[%get3A_515, %get3A_516] {strides = array<i32>} : memref<80x128xi32, #tpu.memory_space<vmem>>, vector<1x16xi32>,
      %get3A_518 = vector.shape_cast %get3A_517 : vector<1x16xi32> to vector<16xi32>
      %and3A_519 = arith.constant 32767 : i32
      %and3A_520 = vector.broadcast %and3A_519 : i32 to vector<16xi32>
      %and3A_521 = arith.andi %get3A_518, %and3A_520 : vector<16xi32>
      %add3A_522 = vector.broadcast %mul3A_0 : i32 to vector<16xi32>
      %add3A_523 = arith.addi %and3A_521, %add3A_522 : vector<16xi32>
      %swap3A_524 = arith.constant 112 : index
      %swap3A_525 = tpu.vector_load %arg7[%swap3A_524] {strides = array<i32>} : memref<128xi32, #tpu.memory_space<vmem>>, vector<16xi32>,
      %swap3A_526 = vector.shape_cast %swap3A_525 : vector<16xi32> to vector<16xi32>
      %swap3A_527 = vector.shape_cast %add3A_523 : vector<16xi32> to vector<16xi32>
      tpu.vector_store %arg7[%swap3A_524], %swap3A_527 {strides = array<i32>} : memref<128xi32, #tpu.memory_space<vmem>>, vector<16xi32>,
      %shift_right_logical3A_528 = arith.constant 15 : i32
      %shift_right_logical3A_529 = vector.broadcast %shift_right_logical3A_528 : i32 to vector<16xi32>
      %shift_right_logical3A_530 = arith.shrui %get3A_518, %shift_right_logical3A_529 : vector<16xi32>
      %swap3A_531 = arith.constant 112 : index
      %swap3A_532 = tpu.vector_load %arg9[%swap3A_531] {strides = array<i32>} : memref<128xi32, #tpu.memory_space<vmem>>, vector<16xi32>,
      %swap3A_533 = vector.shape_cast %swap3A_532 : vector<16xi32> to vector<16xi32>
      %swap3A_534 = vector.shape_cast %shift_right_logical3A_530 : vector<16xi32> to vector<16xi32>
      tpu.vector_store %arg9[%swap3A_531], %swap3A_534 {strides = array<i32>} : memref<128xi32, #tpu.memory_space<vmem>>, vector<16xi32>,
      %dma_start3A_535 = arith.constant 0 : i32
      %dma_start3A_536 = arith.constant 0 : i32
      %dma_start3A_537 = tpu.memref_slice %arg2[%dma_start3A_535, %dma_start3A_536] : memref<20000x128xf32, #tpu.memory_space<hbm>> -> memref<20000x128xf32, #tpu.memory_space<hbm>>
      tpu.enqueue_indirect_dma source(%dma_start3A_537 : memref<20000x128xf32, #tpu.memory_space<hbm>>) target(%arg11 : memref<128x128xf32, #tpu.memory_space<vmem>>) offsets(%arg7 : memref<128xi32, #tpu.memory_space<vmem>>) semaphore(%arg13 : memref<!tpu.dma_semaphore, #tpu.memory_space<semaphore_mem>>)
      %dma_wait3A_538 = arith.constant 0 : i32
      %dma_wait3A_539 = arith.constant 0 : i32
      %dma_wait3A_540 = tpu.memref_slice %arg2[%dma_wait3A_538, %dma_wait3A_539] : memref<20000x128xf32, #tpu.memory_space<hbm>> -> memref<20000x128xf32, #tpu.memory_space<hbm>>
      tpu.wait_indirect_dma semaphore(%arg14 : memref<!tpu.dma_semaphore, #tpu.memory_space<semaphore_mem>>) src(%dma_wait3A_540 : memref<20000x128xf32, #tpu.memory_space<hbm>>) dst(%arg12 : memref<128x128xf32, #tpu.memory_space<vmem>>)
      "tpu.region"() ({
        %run_scoped3A = tpu.sem_alloc : memref<!tpu.dma_semaphore, #tpu.memory_space<semaphore_mem>>
        %dma_start3A_708 = arith.constant 0 : i32
        %dma_start3A_709 = arith.constant 0 : i32
        %dma_start3A_710 = tpu.memref_slice %arg5[%dma_start3A_708, %dma_start3A_709] : memref<10016x128xf32, #tpu.memory_space<vmem_shared>> -> memref<10016x128xf32, #tpu.memory_space<vmem_shared>>
        tpu.enqueue_indirect_dma source(%arg12 : memref<128x128xf32, #tpu.memory_space<vmem>>) target(%dma_start3A_710 : memref<10016x128xf32, #tpu.memory_space<vmem_shared>>) offsets(%arg10 : memref<128xi32, #tpu.memory_space<vmem>>) semaphore(%run_scoped3A : memref<!tpu.dma_semaphore, #tpu.memory_space<semaphore_mem>>) {add = true}
        %dma_wait3A_711 = arith.constant 0 : i32
        %dma_wait3A_712 = arith.constant 0 : i32
        %dma_wait3A_713 = tpu.memref_slice %arg5[%dma_wait3A_711, %dma_wait3A_712] : memref<10016x128xf32, #tpu.memory_space<vmem_shared>> -> memref<10016x128xf32, #tpu.memory_space<vmem_shared>>
        tpu.wait_indirect_dma semaphore(%run_scoped3A : memref<!tpu.dma_semaphore, #tpu.memory_space<semaphore_mem>>) src(%arg12 : memref<128x128xf32, #tpu.memory_space<vmem>>) dst(%dma_wait3A_713 : memref<10016x128xf32, #tpu.memory_space<vmem_shared>>)
        tpu.yield
      }) : () -> ()
      %add3A_541 = arith.constant 1 : i32
      %add3A_542 = arith.addi %mul3A_367, %add3A_541 : i32
      %add3A_543 = arith.constant 2 : i32
      %add3A_544 = arith.addi %add3A_542, %add3A_543 : i32
      %get3A_545 = arith.index_cast %add3A_544 : i32 to index
      %get3A_546 = arith.constant 0 : index
      %get3A_547 = tpu.vector_load %arg6[%get3A_545, %get3A_546] {strides = array<i32>} : memref<80x128xi32, #tpu.memory_space<vmem>>, vector<1x16xi32>,
      %get3A_548 = vector.shape_cast %get3A_547 : vector<1x16xi32> to vector<16xi32>
      %and3A_549 = arith.constant 32767 : i32
      %and3A_550 = vector.broadcast %and3A_549 : i32 to vector<16xi32>
      %and3A_551 = arith.andi %get3A_548, %and3A_550 : vector<16xi32>
      %add3A_552 = vector.broadcast %mul3A_0 : i32 to vector<16xi32>
      %add3A_553 = arith.addi %and3A_551, %add3A_552 : vector<16xi32>
      %swap3A_554 = arith.constant 0 : index
      %swap3A_555 = tpu.vector_load %arg8[%swap3A_554] {strides = array<i32>} : memref<128xi32, #tpu.memory_space<vmem>>, vector<16xi32>,
      %swap3A_556 = vector.shape_cast %swap3A_555 : vector<16xi32> to vector<16xi32>
      %swap3A_557 = vector.shape_cast %add3A_553 : vector<16xi32> to vector<16xi32>
      tpu.vector_store %arg8[%swap3A_554], %swap3A_557 {strides = array<i32>} : memref<128xi32, #tpu.memory_space<vmem>>, vector<16xi32>,
      %shift_right_logical3A_558 = arith.constant 15 : i32
      %shift_right_logical3A_559 = vector.broadcast %shift_right_logical3A_558 : i32 to vector<16xi32>
      %shift_right_logical3A_560 = arith.shrui %get3A_548, %shift_right_logical3A_559 : vector<16xi32>
      %swap3A_561 = arith.constant 0 : index
      %swap3A_562 = tpu.vector_load %arg10[%swap3A_561] {strides = array<i32>} : memref<128xi32, #tpu.memory_space<vmem>>, vector<16xi32>,
      %swap3A_563 = vector.shape_cast %swap3A_562 : vector<16xi32> to vector<16xi32>
      %swap3A_564 = vector.shape_cast %shift_right_logical3A_560 : vector<16xi32> to vector<16xi32>
      tpu.vector_store %arg10[%swap3A_561], %swap3A_564 {strides = array<i32>} : memref<128xi32, #tpu.memory_space<vmem>>, vector<16xi32>,
      %get3A_565 = arith.index_cast %add3A_544 : i32 to index
      %get3A_566 = arith.constant 16 : index
      %get3A_567 = tpu.vector_load %arg6[%get3A_565, %get3A_566] {strides = array<i32>} : memref<80x128xi32, #tpu.memory_space<vmem>>, vector<1x16xi32>,
      %get3A_568 = vector.shape_cast %get3A_567 : vector<1x16xi32> to vector<16xi32>
      %and3A_569 = arith.constant 32767 : i32
      %and3A_570 = vector.broadcast %and3A_569 : i32 to vector<16xi32>
      %and3A_571 = arith.andi %get3A_568, %and3A_570 : vector<16xi32>
      %add3A_572 = vector.broadcast %mul3A_0 : i32 to vector<16xi32>
      %add3A_573 = arith.addi %and3A_571, %add3A_572 : vector<16xi32>
      %swap3A_574 = arith.constant 16 : index
      %swap3A_575 = tpu.vector_load %arg8[%swap3A_574] {strides = array<i32>} : memref<128xi32, #tpu.memory_space<vmem>>, vector<16xi32>,
      %swap3A_576 = vector.shape_cast %swap3A_575 : vector<16xi32> to vector<16xi32>
      %swap3A_577 = vector.shape_cast %add3A_573 : vector<16xi32> to vector<16xi32>
      tpu.vector_store %arg8[%swap3A_574], %swap3A_577 {strides = array<i32>} : memref<128xi32, #tpu.memory_space<vmem>>, vector<16xi32>,
      %shift_right_logical3A_578 = arith.constant 15 : i32
      %shift_right_logical3A_579 = vector.broadcast %shift_right_logical3A_578 : i32 to vector<16xi32>
      %shift_right_logical3A_580 = arith.shrui %get3A_568, %shift_right_logical3A_579 : vector<16xi32>
      %swap3A_581 = arith.constant 16 : index
      %swap3A_582 = tpu.vector_load %arg10[%swap3A_581] {strides = array<i32>} : memref<128xi32, #tpu.memory_space<vmem>>, vector<16xi32>,
      %swap3A_583 = vector.shape_cast %swap3A_582 : vector<16xi32> to vector<16xi32>
      %swap3A_584 = vector.shape_cast %shift_right_logical3A_580 : vector<16xi32> to vector<16xi32>
      tpu.vector_store %arg10[%swap3A_581], %swap3A_584 {strides = array<i32>} : memref<128xi32, #tpu.memory_space<vmem>>, vector<16xi32>,
      %get3A_585 = arith.index_cast %add3A_544 : i32 to index
      %get3A_586 = arith.constant 32 : index
      %get3A_587 = tpu.vector_load %arg6[%get3A_585, %get3A_586] {strides = array<i32>} : memref<80x128xi32, #tpu.memory_space<vmem>>, vector<1x16xi32>,
      %get3A_588 = vector.shape_cast %get3A_587 : vector<1x16xi32> to vector<16xi32>
      %and3A_589 = arith.constant 32767 : i32
      %and3A_590 = vector.broadcast %and3A_589 : i32 to vector<16xi32>
      %and3A_591 = arith.andi %get3A_588, %and3A_590 : vector<16xi32>
      %add3A_592 = vector.broadcast %mul3A_0 : i32 to vector<16xi32>
      %add3A_593 = arith.addi %and3A_591, %add3A_592 : vector<16xi32>
      %swap3A_594 = arith.constant 32 : index
      %swap3A_595 = tpu.vector_load %arg8[%swap3A_594] {strides = array<i32>} : memref<128xi32, #tpu.memory_space<vmem>>, vector<16xi32>,
      %swap3A_596 = vector.shape_cast %swap3A_595 : vector<16xi32> to vector<16xi32>
      %swap3A_597 = vector.shape_cast %add3A_593 : vector<16xi32> to vector<16xi32>
      tpu.vector_store %arg8[%swap3A_594], %swap3A_597 {strides = array<i32>} : memref<128xi32, #tpu.memory_space<vmem>>, vector<16xi32>,
      %shift_right_logical3A_598 = arith.constant 15 : i32
      %shift_right_logical3A_599 = vector.broadcast %shift_right_logical3A_598 : i32 to vector<16xi32>
      %shift_right_logical3A_600 = arith.shrui %get3A_588, %shift_right_logical3A_599 : vector<16xi32>
      %swap3A_601 = arith.constant 32 : index
      %swap3A_602 = tpu.vector_load %arg10[%swap3A_601] {strides = array<i32>} : memref<128xi32, #tpu.memory_space<vmem>>, vector<16xi32>,
      %swap3A_603 = vector.shape_cast %swap3A_602 : vector<16xi32> to vector<16xi32>
      %swap3A_604 = vector.shape_cast %shift_right_logical3A_600 : vector<16xi32> to vector<16xi32>
      tpu.vector_store %arg10[%swap3A_601], %swap3A_604 {strides = array<i32>} : memref<128xi32, #tpu.memory_space<vmem>>, vector<16xi32>,
      %get3A_605 = arith.index_cast %add3A_544 : i32 to index
      %get3A_606 = arith.constant 48 : index
      %get3A_607 = tpu.vector_load %arg6[%get3A_605, %get3A_606] {strides = array<i32>} : memref<80x128xi32, #tpu.memory_space<vmem>>, vector<1x16xi32>,
      %get3A_608 = vector.shape_cast %get3A_607 : vector<1x16xi32> to vector<16xi32>
      %and3A_609 = arith.constant 32767 : i32
      %and3A_610 = vector.broadcast %and3A_609 : i32 to vector<16xi32>
      %and3A_611 = arith.andi %get3A_608, %and3A_610 : vector<16xi32>
      %add3A_612 = vector.broadcast %mul3A_0 : i32 to vector<16xi32>
      %add3A_613 = arith.addi %and3A_611, %add3A_612 : vector<16xi32>
      %swap3A_614 = arith.constant 48 : index
      %swap3A_615 = tpu.vector_load %arg8[%swap3A_614] {strides = array<i32>} : memref<128xi32, #tpu.memory_space<vmem>>, vector<16xi32>,
      %swap3A_616 = vector.shape_cast %swap3A_615 : vector<16xi32> to vector<16xi32>
      %swap3A_617 = vector.shape_cast %add3A_613 : vector<16xi32> to vector<16xi32>
      tpu.vector_store %arg8[%swap3A_614], %swap3A_617 {strides = array<i32>} : memref<128xi32, #tpu.memory_space<vmem>>, vector<16xi32>,
      %shift_right_logical3A_618 = arith.constant 15 : i32
      %shift_right_logical3A_619 = vector.broadcast %shift_right_logical3A_618 : i32 to vector<16xi32>
      %shift_right_logical3A_620 = arith.shrui %get3A_608, %shift_right_logical3A_619 : vector<16xi32>
      %swap3A_621 = arith.constant 48 : index
      %swap3A_622 = tpu.vector_load %arg10[%swap3A_621] {strides = array<i32>} : memref<128xi32, #tpu.memory_space<vmem>>, vector<16xi32>,
      %swap3A_623 = vector.shape_cast %swap3A_622 : vector<16xi32> to vector<16xi32>
      %swap3A_624 = vector.shape_cast %shift_right_logical3A_620 : vector<16xi32> to vector<16xi32>
      tpu.vector_store %arg10[%swap3A_621], %swap3A_624 {strides = array<i32>} : memref<128xi32, #tpu.memory_space<vmem>>, vector<16xi32>,
      %get3A_625 = arith.index_cast %add3A_544 : i32 to index
      %get3A_626 = arith.constant 64 : index
      %get3A_627 = tpu.vector_load %arg6[%get3A_625, %get3A_626] {strides = array<i32>} : memref<80x128xi32, #tpu.memory_space<vmem>>, vector<1x16xi32>,
      %get3A_628 = vector.shape_cast %get3A_627 : vector<1x16xi32> to vector<16xi32>
      %and3A_629 = arith.constant 32767 : i32
      %and3A_630 = vector.broadcast %and3A_629 : i32 to vector<16xi32>
      %and3A_631 = arith.andi %get3A_628, %and3A_630 : vector<16xi32>
      %add3A_632 = vector.broadcast %mul3A_0 : i32 to vector<16xi32>
      %add3A_633 = arith.addi %and3A_631, %add3A_632 : vector<16xi32>
      %swap3A_634 = arith.constant 64 : index
      %swap3A_635 = tpu.vector_load %arg8[%swap3A_634] {strides = array<i32>} : memref<128xi32, #tpu.memory_space<vmem>>, vector<16xi32>,
      %swap3A_636 = vector.shape_cast %swap3A_635 : vector<16xi32> to vector<16xi32>
      %swap3A_637 = vector.shape_cast %add3A_633 : vector<16xi32> to vector<16xi32>
      tpu.vector_store %arg8[%swap3A_634], %swap3A_637 {strides = array<i32>} : memref<128xi32, #tpu.memory_space<vmem>>, vector<16xi32>,
      %shift_right_logical3A_638 = arith.constant 15 : i32
      %shift_right_logical3A_639 = vector.broadcast %shift_right_logical3A_638 : i32 to vector<16xi32>
      %shift_right_logical3A_640 = arith.shrui %get3A_628, %shift_right_logical3A_639 : vector<16xi32>
      %swap3A_641 = arith.constant 64 : index
      %swap3A_642 = tpu.vector_load %arg10[%swap3A_641] {strides = array<i32>} : memref<128xi32, #tpu.memory_space<vmem>>, vector<16xi32>,
      %swap3A_643 = vector.shape_cast %swap3A_642 : vector<16xi32> to vector<16xi32>
      %swap3A_644 = vector.shape_cast %shift_right_logical3A_640 : vector<16xi32> to vector<16xi32>
      tpu.vector_store %arg10[%swap3A_641], %swap3A_644 {strides = array<i32>} : memref<128xi32, #tpu.memory_space<vmem>>, vector<16xi32>,
      %get3A_645 = arith.index_cast %add3A_544 : i32 to index
      %get3A_646 = arith.constant 80 : index
      %get3A_647 = tpu.vector_load %arg6[%get3A_645, %get3A_646] {strides = array<i32>} : memref<80x128xi32, #tpu.memory_space<vmem>>, vector<1x16xi32>,
      %get3A_648 = vector.shape_cast %get3A_647 : vector<1x16xi32> to vector<16xi32>
      %and3A_649 = arith.constant 32767 : i32
      %and3A_650 = vector.broadcast %and3A_649 : i32 to vector<16xi32>
      %and3A_651 = arith.andi %get3A_648, %and3A_650 : vector<16xi32>
      %add3A_652 = vector.broadcast %mul3A_0 : i32 to vector<16xi32>
      %add3A_653 = arith.addi %and3A_651, %add3A_652 : vector<16xi32>
      %swap3A_654 = arith.constant 80 : index
      %swap3A_655 = tpu.vector_load %arg8[%swap3A_654] {strides = array<i32>} : memref<128xi32, #tpu.memory_space<vmem>>, vector<16xi32>,
      %swap3A_656 = vector.shape_cast %swap3A_655 : vector<16xi32> to vector<16xi32>
      %swap3A_657 = vector.shape_cast %add3A_653 : vector<16xi32> to vector<16xi32>
      tpu.vector_store %arg8[%swap3A_654], %swap3A_657 {strides = array<i32>} : memref<128xi32, #tpu.memory_space<vmem>>, vector<16xi32>,
      %shift_right_logical3A_658 = arith.constant 15 : i32
      %shift_right_logical3A_659 = vector.broadcast %shift_right_logical3A_658 : i32 to vector<16xi32>
      %shift_right_logical3A_660 = arith.shrui %get3A_648, %shift_right_logical3A_659 : vector<16xi32>
      %swap3A_661 = arith.constant 80 : index
      %swap3A_662 = tpu.vector_load %arg10[%swap3A_661] {strides = array<i32>} : memref<128xi32, #tpu.memory_space<vmem>>, vector<16xi32>,
      %swap3A_663 = vector.shape_cast %swap3A_662 : vector<16xi32> to vector<16xi32>
      %swap3A_664 = vector.shape_cast %shift_right_logical3A_660 : vector<16xi32> to vector<16xi32>
      tpu.vector_store %arg10[%swap3A_661], %swap3A_664 {strides = array<i32>} : memref<128xi32, #tpu.memory_space<vmem>>, vector<16xi32>,
      %get3A_665 = arith.index_cast %add3A_544 : i32 to index
      %get3A_666 = arith.constant 96 : index
      %get3A_667 = tpu.vector_load %arg6[%get3A_665, %get3A_666] {strides = array<i32>} : memref<80x128xi32, #tpu.memory_space<vmem>>, vector<1x16xi32>,
      %get3A_668 = vector.shape_cast %get3A_667 : vector<1x16xi32> to vector<16xi32>
      %and3A_669 = arith.constant 32767 : i32
      %and3A_670 = vector.broadcast %and3A_669 : i32 to vector<16xi32>
      %and3A_671 = arith.andi %get3A_668, %and3A_670 : vector<16xi32>
      %add3A_672 = vector.broadcast %mul3A_0 : i32 to vector<16xi32>
      %add3A_673 = arith.addi %and3A_671, %add3A_672 : vector<16xi32>
      %swap3A_674 = arith.constant 96 : index
      %swap3A_675 = tpu.vector_load %arg8[%swap3A_674] {strides = array<i32>} : memref<128xi32, #tpu.memory_space<vmem>>, vector<16xi32>,
      %swap3A_676 = vector.shape_cast %swap3A_675 : vector<16xi32> to vector<16xi32>
      %swap3A_677 = vector.shape_cast %add3A_673 : vector<16xi32> to vector<16xi32>
      tpu.vector_store %arg8[%swap3A_674], %swap3A_677 {strides = array<i32>} : memref<128xi32, #tpu.memory_space<vmem>>, vector<16xi32>,
      %shift_right_logical3A_678 = arith.constant 15 : i32
      %shift_right_logical3A_679 = vector.broadcast %shift_right_logical3A_678 : i32 to vector<16xi32>
      %shift_right_logical3A_680 = arith.shrui %get3A_668, %shift_right_logical3A_679 : vector<16xi32>
      %swap3A_681 = arith.constant 96 : index
      %swap3A_682 = tpu.vector_load %arg10[%swap3A_681] {strides = array<i32>} : memref<128xi32, #tpu.memory_space<vmem>>, vector<16xi32>,
      %swap3A_683 = vector.shape_cast %swap3A_682 : vector<16xi32> to vector<16xi32>
      %swap3A_684 = vector.shape_cast %shift_right_logical3A_680 : vector<16xi32> to vector<16xi32>
      tpu.vector_store %arg10[%swap3A_681], %swap3A_684 {strides = array<i32>} : memref<128xi32, #tpu.memory_space<vmem>>, vector<16xi32>,
      %get3A_685 = arith.index_cast %add3A_544 : i32 to index
      %get3A_686 = arith.constant 112 : index
      %get3A_687 = tpu.vector_load %arg6[%get3A_685, %get3A_686] {strides = array<i32>} : memref<80x128xi32, #tpu.memory_space<vmem>>, vector<1x16xi32>,
      %get3A_688 = vector.shape_cast %get3A_687 : vector<1x16xi32> to vector<16xi32>
      %and3A_689 = arith.constant 32767 : i32
      %and3A_690 = vector.broadcast %and3A_689 : i32 to vector<16xi32>
      %and3A_691 = arith.andi %get3A_688, %and3A_690 : vector<16xi32>
      %add3A_692 = vector.broadcast %mul3A_0 : i32 to vector<16xi32>
      %add3A_693 = arith.addi %and3A_691, %add3A_692 : vector<16xi32>
      %swap3A_694 = arith.constant 112 : index
      %swap3A_695 = tpu.vector_load %arg8[%swap3A_694] {strides = array<i32>} : memref<128xi32, #tpu.memory_space<vmem>>, vector<16xi32>,
      %swap3A_696 = vector.shape_cast %swap3A_695 : vector<16xi32> to vector<16xi32>
      %swap3A_697 = vector.shape_cast %add3A_693 : vector<16xi32> to vector<16xi32>
      tpu.vector_store %arg8[%swap3A_694], %swap3A_697 {strides = array<i32>} : memref<128xi32, #tpu.memory_space<vmem>>, vector<16xi32>,
      %shift_right_logical3A_698 = arith.constant 15 : i32
      %shift_right_logical3A_699 = vector.broadcast %shift_right_logical3A_698 : i32 to vector<16xi32>
      %shift_right_logical3A_700 = arith.shrui %get3A_688, %shift_right_logical3A_699 : vector<16xi32>
      %swap3A_701 = arith.constant 112 : index
      %swap3A_702 = tpu.vector_load %arg10[%swap3A_701] {strides = array<i32>} : memref<128xi32, #tpu.memory_space<vmem>>, vector<16xi32>,
      %swap3A_703 = vector.shape_cast %swap3A_702 : vector<16xi32> to vector<16xi32>
      %swap3A_704 = vector.shape_cast %shift_right_logical3A_700 : vector<16xi32> to vector<16xi32>
      tpu.vector_store %arg10[%swap3A_701], %swap3A_704 {strides = array<i32>} : memref<128xi32, #tpu.memory_space<vmem>>, vector<16xi32>,
      %dma_start3A_705 = arith.constant 0 : i32
      %dma_start3A_706 = arith.constant 0 : i32
      %dma_start3A_707 = tpu.memref_slice %arg2[%dma_start3A_705, %dma_start3A_706] : memref<20000x128xf32, #tpu.memory_space<hbm>> -> memref<20000x128xf32, #tpu.memory_space<hbm>>
      tpu.enqueue_indirect_dma source(%dma_start3A_707 : memref<20000x128xf32, #tpu.memory_space<hbm>>) target(%arg12 : memref<128x128xf32, #tpu.memory_space<vmem>>) offsets(%arg8 : memref<128xi32, #tpu.memory_space<vmem>>) semaphore(%arg14 : memref<!tpu.dma_semaphore, #tpu.memory_space<semaphore_mem>>)
    }
    %scan3A_348 = arith.constant 39 : i32
    %dma_wait3A = arith.constant 0 : i32
    %dma_wait3A_349 = arith.constant 0 : i32
    %dma_wait3A_350 = tpu.memref_slice %arg2[%dma_wait3A, %dma_wait3A_349] : memref<20000x128xf32, #tpu.memory_space<hbm>> -> memref<20000x128xf32, #tpu.memory_space<hbm>>
    tpu.wait_indirect_dma semaphore(%arg13 : memref<!tpu.dma_semaphore, #tpu.memory_space<semaphore_mem>>) src(%dma_wait3A_350 : memref<20000x128xf32, #tpu.memory_space<hbm>>) dst(%arg11 : memref<128x128xf32, #tpu.memory_space<vmem>>)
    "tpu.region"() ({
      %run_scoped3A = tpu.sem_alloc : memref<!tpu.dma_semaphore, #tpu.memory_space<semaphore_mem>>
      %dma_start3A_365 = arith.constant 0 : i32
      %dma_start3A_366 = arith.constant 0 : i32
      %dma_start3A_367 = tpu.memref_slice %arg5[%dma_start3A_365, %dma_start3A_366] : memref<10016x128xf32, #tpu.memory_space<vmem_shared>> -> memref<10016x128xf32, #tpu.memory_space<vmem_shared>>
      tpu.enqueue_indirect_dma source(%arg11 : memref<128x128xf32, #tpu.memory_space<vmem>>) target(%dma_start3A_367 : memref<10016x128xf32, #tpu.memory_space<vmem_shared>>) offsets(%arg9 : memref<128xi32, #tpu.memory_space<vmem>>) semaphore(%run_scoped3A : memref<!tpu.dma_semaphore, #tpu.memory_space<semaphore_mem>>) {add = true}
      %dma_wait3A_368 = arith.constant 0 : i32
      %dma_wait3A_369 = arith.constant 0 : i32
      %dma_wait3A_370 = tpu.memref_slice %arg5[%dma_wait3A_368, %dma_wait3A_369] : memref<10016x128xf32, #tpu.memory_space<vmem_shared>> -> memref<10016x128xf32, #tpu.memory_space<vmem_shared>>
      tpu.wait_indirect_dma semaphore(%run_scoped3A : memref<!tpu.dma_semaphore, #tpu.memory_space<semaphore_mem>>) src(%arg11 : memref<128x128xf32, #tpu.memory_space<vmem>>) dst(%dma_wait3A_370 : memref<10016x128xf32, #tpu.memory_space<vmem_shared>>)
      tpu.yield
    }) : () -> ()
    %dma_wait3A_351 = arith.constant 0 : i32
    %dma_wait3A_352 = arith.constant 0 : i32
    %dma_wait3A_353 = tpu.memref_slice %arg2[%dma_wait3A_351, %dma_wait3A_352] : memref<20000x128xf32, #tpu.memory_space<hbm>> -> memref<20000x128xf32, #tpu.memory_space<hbm>>
    tpu.wait_indirect_dma semaphore(%arg14 : memref<!tpu.dma_semaphore, #tpu.memory_space<semaphore_mem>>) src(%dma_wait3A_353 : memref<20000x128xf32, #tpu.memory_space<hbm>>) dst(%arg12 : memref<128x128xf32, #tpu.memory_space<vmem>>)
    "tpu.region"() ({
      %run_scoped3A = tpu.sem_alloc : memref<!tpu.dma_semaphore, #tpu.memory_space<semaphore_mem>>
      %dma_start3A_365 = arith.constant 0 : i32
      %dma_start3A_366 = arith.constant 0 : i32
      %dma_start3A_367 = tpu.memref_slice %arg5[%dma_start3A_365, %dma_start3A_366] : memref<10016x128xf32, #tpu.memory_space<vmem_shared>> -> memref<10016x128xf32, #tpu.memory_space<vmem_shared>>
      tpu.enqueue_indirect_dma source(%arg12 : memref<128x128xf32, #tpu.memory_space<vmem>>) target(%dma_start3A_367 : memref<10016x128xf32, #tpu.memory_space<vmem_shared>>) offsets(%arg10 : memref<128xi32, #tpu.memory_space<vmem>>) semaphore(%run_scoped3A : memref<!tpu.dma_semaphore, #tpu.memory_space<semaphore_mem>>) {add = true}
      %dma_wait3A_368 = arith.constant 0 : i32
      %dma_wait3A_369 = arith.constant 0 : i32
      %dma_wait3A_370 = tpu.memref_slice %arg5[%dma_wait3A_368, %dma_wait3A_369] : memref<10016x128xf32, #tpu.memory_space<vmem_shared>> -> memref<10016x128xf32, #tpu.memory_space<vmem_shared>>
      tpu.wait_indirect_dma semaphore(%run_scoped3A : memref<!tpu.dma_semaphore, #tpu.memory_space<semaphore_mem>>) src(%arg12 : memref<128x128xf32, #tpu.memory_space<vmem>>) dst(%dma_wait3A_370 : memref<10016x128xf32, #tpu.memory_space<vmem_shared>>)
      tpu.yield
    }) : () -> ()
    %barrier3A_354 = arith.constant 0 : index
    tpu.barrier barrier_id(%barrier3A_354)
    %mul3A_355 = arith.constant 624 : i32
    %mul3A_356 = arith.muli %arg1, %mul3A_355 : i32
    %mul3A_357 = arith.constant 624 : i32
    %mul3A_358 = arith.muli %arg1, %mul3A_357 : i32
    %add3A_359 = arith.addi %mul3A_0, %mul3A_358 : i32
    "tpu.region"() ({
      %run_scoped3A = tpu.sem_alloc : memref<!tpu.dma_semaphore, #tpu.memory_space<semaphore_mem>>
      %dma_start3A_365 = arith.constant 0 : i32
      %dma_start3A_366 = tpu.memref_slice %arg4[%add3A_359, %dma_start3A_365] : memref<20000x128xf32, #tpu.memory_space<hbm>> -> memref<624x128xf32, #tpu.memory_space<hbm>>
      %dma_start3A_367 = arith.constant 0 : i32
      %dma_start3A_368 = tpu.memref_slice %arg5[%mul3A_356, %dma_start3A_367] : memref<10016x128xf32, #tpu.memory_space<vmem_shared>> -> memref<624x128xf32, #tpu.memory_space<vmem_shared>>
      tpu.enqueue_dma source(%dma_start3A_368 : memref<624x128xf32, #tpu.memory_space<vmem_shared>>) target(%dma_start3A_366 : memref<624x128xf32, #tpu.memory_space<hbm>>) target_semaphore(%run_scoped3A : memref<!tpu.dma_semaphore, #tpu.memory_space<semaphore_mem>>)
      %dma_wait3A_369 = arith.constant 0 : i32
      %dma_wait3A_370 = tpu.memref_slice %arg4[%add3A_359, %dma_wait3A_369] : memref<20000x128xf32, #tpu.memory_space<hbm>> -> memref<624x128xf32, #tpu.memory_space<hbm>>
      %dma_wait3A_371 = arith.constant 0 : i32
      %dma_wait3A_372 = tpu.memref_slice %arg5[%mul3A_356, %dma_wait3A_371] : memref<10016x128xf32, #tpu.memory_space<vmem_shared>> -> memref<624x128xf32, #tpu.memory_space<vmem_shared>>
      tpu.wait_dma2 semaphore(%run_scoped3A : memref<!tpu.dma_semaphore, #tpu.memory_space<semaphore_mem>>) src(%dma_wait3A_372 : memref<624x128xf32, #tpu.memory_space<vmem_shared>>) dst(%dma_wait3A_370 : memref<624x128xf32, #tpu.memory_space<hbm>>)
      tpu.yield
    }) : () -> ()
    %eq3A_360 = arith.constant 15 : i32
    %eq3A_361 = arith.cmpi eq, %arg1, %eq3A_360 : i32
    %convert_element_type3A_362 = arith.extui %eq3A_361 : i1 to i32
    %cond3A_363 = arith.constant 0 : i32
    %cond3A_364 = arith.cmpi ne, %convert_element_type3A_362, %cond3A_363 : i32
    scf.if %cond3A_364 {
      %add3A_365 = arith.constant 9984 : i32
      %add3A_366 = arith.addi %mul3A_0, %add3A_365 : i32
      "tpu.region"() ({
        %run_scoped3A = tpu.sem_alloc : memref<!tpu.dma_semaphore, #tpu.memory_space<semaphore_mem>>
        %dma_start3A_367 = arith.constant 0 : i32
        %dma_start3A_368 = tpu.memref_slice %arg4[%add3A_366, %dma_start3A_367] : memref<20000x128xf32, #tpu.memory_space<hbm>> -> memref<16x128xf32, #tpu.memory_space<hbm>>
        %dma_start3A_369 = arith.constant 9984 : i32
        %dma_start3A_370 = arith.constant 0 : i32
        %dma_start3A_371 = tpu.memref_slice %arg5[%dma_start3A_369, %dma_start3A_370] : memref<10016x128xf32, #tpu.memory_space<vmem_shared>> -> memref<16x128xf32, #tpu.memory_space<vmem_shared>>
        tpu.enqueue_dma source(%dma_start3A_371 : memref<16x128xf32, #tpu.memory_space<vmem_shared>>) target(%dma_start3A_368 : memref<16x128xf32, #tpu.memory_space<hbm>>) target_semaphore(%run_scoped3A : memref<!tpu.dma_semaphore, #tpu.memory_space<semaphore_mem>>)
        %dma_wait3A_372 = arith.constant 0 : i32
        %dma_wait3A_373 = tpu.memref_slice %arg4[%add3A_366, %dma_wait3A_372] : memref<20000x128xf32, #tpu.memory_space<hbm>> -> memref<16x128xf32, #tpu.memory_space<hbm>>
        %dma_wait3A_374 = arith.constant 9984 : i32
        %dma_wait3A_375 = arith.constant 0 : i32
        %dma_wait3A_376 = tpu.memref_slice %arg5[%dma_wait3A_374, %dma_wait3A_375] : memref<10016x128xf32, #tpu.memory_space<vmem_shared>> -> memref<16x128xf32, #tpu.memory_space<vmem_shared>>
        tpu.wait_dma2 semaphore(%run_scoped3A : memref<!tpu.dma_semaphore, #tpu.memory_space<semaphore_mem>>) src(%dma_wait3A_376 : memref<16x128xf32, #tpu.memory_space<vmem_shared>>) dst(%dma_wait3A_373 : memref<16x128xf32, #tpu.memory_space<hbm>>)
        tpu.yield
      }) : () -> ()
    } else {
    }
    return
  }
}

#map = affine_map<(d0, d1) -> (0, 0)>
#map1 = affine_map<(d0, d1) -> (0, 0, 0)>
module attributes {stable_mosaic.version = 14 : i64} {
  func.func @_sc_edge_body(%arg0: i32, %arg1: i32, %arg2: memref<20000x128xf32, #tpu.memory_space<hbm>>, %arg3: memref<16x80x128xi32, #tpu.memory_space<hbm>>, %arg4: memref<20000x128xf32, #tpu.memory_space<hbm>>, %arg5: memref<10016x128xf32, #tpu.memory_space<vmem_shared>>, %arg6: memref<80x128xi32, #tpu.memory_space<vmem>>, %arg7: memref<128xi32, #tpu.memory_space<vmem>>, %arg8: memref<128xi32, #tpu.memory_space<vmem>>, %arg9: memref<128xi32, #tpu.memory_space<vmem>>, %arg10: memref<128xi32, #tpu.memory_space<vmem>>, %arg11: memref<128x128xf32, #tpu.memory_space<vmem>>, %arg12: memref<128x128xf32, #tpu.memory_space<vmem>>, %arg13: memref<!tpu.dma_semaphore, #tpu.memory_space<semaphore_mem>>, %arg14: memref<!tpu.dma_semaphore, #tpu.memory_space<semaphore_mem>>) attributes {dimension_semantics = [#tpu.dimension_semantics<core_parallel>, #tpu.dimension_semantics<subcore_parallel>], iteration_bounds = array<i64: 2, 16>, scalar_prefetch = 0 : i64, scratch_operands = 10 : i64, tpu.core_type = #tpu.core_type<sc_vector_subcore>, window_params = [{transform_indices = #map}, {transform_indices = #map1}, {transform_indices = #map}]} {
    %mul3A = arith.constant 10000 : i32
    %mul3A_0 = arith.muli %arg0, %mul3A : i32
    "tpu.region"() ({
      %run_scoped3A = tpu.sem_alloc : memref<!tpu.dma_semaphore, #tpu.memory_space<semaphore_mem>>
      %dma_start3A_365 = arith.constant 0 : i32
      %dma_start3A_366 = arith.constant 0 : i32
      %dma_start3A_367 = tpu.memref_slice %arg3[%arg1, %dma_start3A_365, %dma_start3A_366] : memref<16x80x128xi32, #tpu.memory_space<hbm>> -> memref<1x80x128xi32, #tpu.memory_space<hbm>>
      %dma_start3A_368 = tpu.memref_squeeze %dma_start3A_367 : memref<1x80x128xi32, #tpu.memory_space<hbm>> -> memref<80x128xi32, #tpu.memory_space<hbm>>
      %dma_start3A_369 = arith.constant 0 : i32
      %dma_start3A_370 = arith.constant 0 : i32
      %dma_start3A_371 = tpu.memref_slice %arg3[%arg1, %dma_start3A_369, %dma_start3A_370] : memref<16x80x128xi32, #tpu.memory_space<hbm>> -> memref<1x80x128xi32, #tpu.memory_space<hbm>>
      %dma_start3A_372 = tpu.memref_squeeze %dma_start3A_371 : memref<1x80x128xi32, #tpu.memory_space<hbm>> -> memref<80x128xi32, #tpu.memory_space<hbm>>
      tpu.enqueue_dma source(%dma_start3A_372 : memref<80x128xi32, #tpu.memory_space<hbm>>) target(%arg6 : memref<80x128xi32, #tpu.memory_space<vmem>>) target_semaphore(%run_scoped3A : memref<!tpu.dma_semaphore, #tpu.memory_space<semaphore_mem>>)
      %dma_wait3A_373 = arith.constant 0 : i32
      %dma_wait3A_374 = arith.constant 0 : i32
      %dma_wait3A_375 = tpu.memref_slice %arg3[%arg1, %dma_wait3A_373, %dma_wait3A_374] : memref<16x80x128xi32, #tpu.memory_space<hbm>> -> memref<1x80x128xi32, #tpu.memory_space<hbm>>
      %dma_wait3A_376 = tpu.memref_squeeze %dma_wait3A_375 : memref<1x80x128xi32, #tpu.memory_space<hbm>> -> memref<80x128xi32, #tpu.memory_space<hbm>>
      %dma_wait3A_377 = arith.constant 0 : i32
      %dma_wait3A_378 = arith.constant 0 : i32
      %dma_wait3A_379 = tpu.memref_slice %arg3[%arg1, %dma_wait3A_377, %dma_wait3A_378] : memref<16x80x128xi32, #tpu.memory_space<hbm>> -> memref<1x80x128xi32, #tpu.memory_space<hbm>>
      %dma_wait3A_380 = tpu.memref_squeeze %dma_wait3A_379 : memref<1x80x128xi32, #tpu.memory_space<hbm>> -> memref<80x128xi32, #tpu.memory_space<hbm>>
      tpu.wait_dma2 semaphore(%run_scoped3A : memref<!tpu.dma_semaphore, #tpu.memory_space<semaphore_mem>>) src(%dma_wait3A_380 : memref<80x128xi32, #tpu.memory_space<hbm>>) dst(%arg6 : memref<80x128xi32, #tpu.memory_space<vmem>>)
      tpu.yield
    }) : () -> ()
    %mul3A_1 = arith.constant 624 : i32
    %mul3A_2 = arith.muli %arg1, %mul3A_1 : i32
    %add3A = arith.addi %mul3A_0, %mul3A_2 : i32
    %mul3A_3 = arith.constant 624 : i32
    %mul3A_4 = arith.muli %arg1, %mul3A_3 : i32
    "tpu.region"() ({
      %run_scoped3A = tpu.sem_alloc : memref<!tpu.dma_semaphore, #tpu.memory_space<semaphore_mem>>
      %dma_start3A_365 = arith.constant 0 : i32
      %dma_start3A_366 = tpu.memref_slice %arg5[%mul3A_4, %dma_start3A_365] : memref<10016x128xf32, #tpu.memory_space<vmem_shared>> -> memref<624x128xf32, #tpu.memory_space<vmem_shared>>
      %dma_start3A_367 = arith.constant 0 : i32
      %dma_start3A_368 = tpu.memref_slice %arg2[%add3A, %dma_start3A_367] : memref<20000x128xf32, #tpu.memory_space<hbm>> -> memref<624x128xf32, #tpu.memory_space<hbm>>
      tpu.enqueue_dma source(%dma_start3A_368 : memref<624x128xf32, #tpu.memory_space<hbm>>) target(%dma_start3A_366 : memref<624x128xf32, #tpu.memory_space<vmem_shared>>) target_semaphore(%run_scoped3A : memref<!tpu.dma_semaphore, #tpu.memory_space<semaphore_mem>>)
      %dma_wait3A_369 = arith.constant 0 : i32
      %dma_wait3A_370 = tpu.memref_slice %arg5[%mul3A_4, %dma_wait3A_369] : memref<10016x128xf32, #tpu.memory_space<vmem_shared>> -> memref<624x128xf32, #tpu.memory_space<vmem_shared>>
      %dma_wait3A_371 = arith.constant 0 : i32
      %dma_wait3A_372 = tpu.memref_slice %arg2[%add3A, %dma_wait3A_371] : memref<20000x128xf32, #tpu.memory_space<hbm>> -> memref<624x128xf32, #tpu.memory_space<hbm>>
      tpu.wait_dma2 semaphore(%run_scoped3A : memref<!tpu.dma_semaphore, #tpu.memory_space<semaphore_mem>>) src(%dma_wait3A_372 : memref<624x128xf32, #tpu.memory_space<hbm>>) dst(%dma_wait3A_370 : memref<624x128xf32, #tpu.memory_space<vmem_shared>>)
      tpu.yield
    }) : () -> ()
    %eq3A = arith.constant 15 : i32
    %eq3A_5 = arith.cmpi eq, %arg1, %eq3A : i32
    %convert_element_type3A = arith.extui %eq3A_5 : i1 to i32
    %cond3A = arith.constant 0 : i32
    %cond3A_6 = arith.cmpi ne, %convert_element_type3A, %cond3A : i32
    scf.if %cond3A_6 {
      %add3A_365 = arith.constant 9984 : i32
      %add3A_366 = arith.addi %mul3A_0, %add3A_365 : i32
      "tpu.region"() ({
        %run_scoped3A = tpu.sem_alloc : memref<!tpu.dma_semaphore, #tpu.memory_space<semaphore_mem>>
        %dma_start3A_367 = arith.constant 9984 : i32
        %dma_start3A_368 = arith.constant 0 : i32
        %dma_start3A_369 = tpu.memref_slice %arg5[%dma_start3A_367, %dma_start3A_368] : memref<10016x128xf32, #tpu.memory_space<vmem_shared>> -> memref<16x128xf32, #tpu.memory_space<vmem_shared>>
        %dma_start3A_370 = arith.constant 0 : i32
        %dma_start3A_371 = tpu.memref_slice %arg2[%add3A_366, %dma_start3A_370] : memref<20000x128xf32, #tpu.memory_space<hbm>> -> memref<16x128xf32, #tpu.memory_space<hbm>>
        tpu.enqueue_dma source(%dma_start3A_371 : memref<16x128xf32, #tpu.memory_space<hbm>>) target(%dma_start3A_369 : memref<16x128xf32, #tpu.memory_space<vmem_shared>>) target_semaphore(%run_scoped3A : memref<!tpu.dma_semaphore, #tpu.memory_space<semaphore_mem>>)
        %dma_wait3A_372 = arith.constant 9984 : i32
        %dma_wait3A_373 = arith.constant 0 : i32
        %dma_wait3A_374 = tpu.memref_slice %arg5[%dma_wait3A_372, %dma_wait3A_373] : memref<10016x128xf32, #tpu.memory_space<vmem_shared>> -> memref<16x128xf32, #tpu.memory_space<vmem_shared>>
        %dma_wait3A_375 = arith.constant 0 : i32
        %dma_wait3A_376 = tpu.memref_slice %arg2[%add3A_366, %dma_wait3A_375] : memref<20000x128xf32, #tpu.memory_space<hbm>> -> memref<16x128xf32, #tpu.memory_space<hbm>>
        tpu.wait_dma2 semaphore(%run_scoped3A : memref<!tpu.dma_semaphore, #tpu.memory_space<semaphore_mem>>) src(%dma_wait3A_376 : memref<16x128xf32, #tpu.memory_space<hbm>>) dst(%dma_wait3A_374 : memref<16x128xf32, #tpu.memory_space<vmem_shared>>)
        tpu.yield
      }) : () -> ()
    } else {
    }
    %barrier3A = arith.constant 0 : index
    tpu.barrier barrier_id(%barrier3A)
    %get3A = arith.constant 0 : i32
    %get3A_7 = arith.index_cast %get3A : i32 to index
    %get3A_8 = arith.constant 0 : index
    %get3A_9 = tpu.vector_load %arg6[%get3A_7, %get3A_8] {strides = array<i32>} : memref<80x128xi32, #tpu.memory_space<vmem>>, vector<1x16xi32>,
    %get3A_10 = vector.shape_cast %get3A_9 : vector<1x16xi32> to vector<16xi32>
    %and3A = arith.constant 32767 : i32
    %and3A_11 = vector.broadcast %and3A : i32 to vector<16xi32>
    %and3A_12 = arith.andi %get3A_10, %and3A_11 : vector<16xi32>
    %add3A_13 = vector.broadcast %mul3A_0 : i32 to vector<16xi32>
    %add3A_14 = arith.addi %and3A_12, %add3A_13 : vector<16xi32>
    %swap3A = arith.constant 0 : index
    %swap3A_15 = tpu.vector_load %arg7[%swap3A] {strides = array<i32>} : memref<128xi32, #tpu.memory_space<vmem>>, vector<16xi32>,
    %swap3A_16 = vector.shape_cast %swap3A_15 : vector<16xi32> to vector<16xi32>
    %swap3A_17 = vector.shape_cast %add3A_14 : vector<16xi32> to vector<16xi32>
    tpu.vector_store %arg7[%swap3A], %swap3A_17 {strides = array<i32>} : memref<128xi32, #tpu.memory_space<vmem>>, vector<16xi32>,
    %shift_right_logical3A = arith.constant 15 : i32
    %shift_right_logical3A_18 = vector.broadcast %shift_right_logical3A : i32 to vector<16xi32>
    %shift_right_logical3A_19 = arith.shrui %get3A_10, %shift_right_logical3A_18 : vector<16xi32>
    %swap3A_20 = arith.constant 0 : index
    %swap3A_21 = tpu.vector_load %arg9[%swap3A_20] {strides = array<i32>} : memref<128xi32, #tpu.memory_space<vmem>>, vector<16xi32>,
    %swap3A_22 = vector.shape_cast %swap3A_21 : vector<16xi32> to vector<16xi32>
    %swap3A_23 = vector.shape_cast %shift_right_logical3A_19 : vector<16xi32> to vector<16xi32>
    tpu.vector_store %arg9[%swap3A_20], %swap3A_23 {strides = array<i32>} : memref<128xi32, #tpu.memory_space<vmem>>, vector<16xi32>,
    %get3A_24 = arith.constant 0 : i32
    %get3A_25 = arith.index_cast %get3A_24 : i32 to index
    %get3A_26 = arith.constant 16 : index
    %get3A_27 = tpu.vector_load %arg6[%get3A_25, %get3A_26] {strides = array<i32>} : memref<80x128xi32, #tpu.memory_space<vmem>>, vector<1x16xi32>,
    %get3A_28 = vector.shape_cast %get3A_27 : vector<1x16xi32> to vector<16xi32>
    %and3A_29 = arith.constant 32767 : i32
    %and3A_30 = vector.broadcast %and3A_29 : i32 to vector<16xi32>
    %and3A_31 = arith.andi %get3A_28, %and3A_30 : vector<16xi32>
    %add3A_32 = vector.broadcast %mul3A_0 : i32 to vector<16xi32>
    %add3A_33 = arith.addi %and3A_31, %add3A_32 : vector<16xi32>
    %swap3A_34 = arith.constant 16 : index
    %swap3A_35 = tpu.vector_load %arg7[%swap3A_34] {strides = array<i32>} : memref<128xi32, #tpu.memory_space<vmem>>, vector<16xi32>,
    %swap3A_36 = vector.shape_cast %swap3A_35 : vector<16xi32> to vector<16xi32>
    %swap3A_37 = vector.shape_cast %add3A_33 : vector<16xi32> to vector<16xi32>
    tpu.vector_store %arg7[%swap3A_34], %swap3A_37 {strides = array<i32>} : memref<128xi32, #tpu.memory_space<vmem>>, vector<16xi32>,
    %shift_right_logical3A_38 = arith.constant 15 : i32
    %shift_right_logical3A_39 = vector.broadcast %shift_right_logical3A_38 : i32 to vector<16xi32>
    %shift_right_logical3A_40 = arith.shrui %get3A_28, %shift_right_logical3A_39 : vector<16xi32>
    %swap3A_41 = arith.constant 16 : index
    %swap3A_42 = tpu.vector_load %arg9[%swap3A_41] {strides = array<i32>} : memref<128xi32, #tpu.memory_space<vmem>>, vector<16xi32>,
    %swap3A_43 = vector.shape_cast %swap3A_42 : vector<16xi32> to vector<16xi32>
    %swap3A_44 = vector.shape_cast %shift_right_logical3A_40 : vector<16xi32> to vector<16xi32>
    tpu.vector_store %arg9[%swap3A_41], %swap3A_44 {strides = array<i32>} : memref<128xi32, #tpu.memory_space<vmem>>, vector<16xi32>,
    %get3A_45 = arith.constant 0 : i32
    %get3A_46 = arith.index_cast %get3A_45 : i32 to index
    %get3A_47 = arith.constant 32 : index
    %get3A_48 = tpu.vector_load %arg6[%get3A_46, %get3A_47] {strides = array<i32>} : memref<80x128xi32, #tpu.memory_space<vmem>>, vector<1x16xi32>,
    %get3A_49 = vector.shape_cast %get3A_48 : vector<1x16xi32> to vector<16xi32>
    %and3A_50 = arith.constant 32767 : i32
    %and3A_51 = vector.broadcast %and3A_50 : i32 to vector<16xi32>
    %and3A_52 = arith.andi %get3A_49, %and3A_51 : vector<16xi32>
    %add3A_53 = vector.broadcast %mul3A_0 : i32 to vector<16xi32>
    %add3A_54 = arith.addi %and3A_52, %add3A_53 : vector<16xi32>
    %swap3A_55 = arith.constant 32 : index
    %swap3A_56 = tpu.vector_load %arg7[%swap3A_55] {strides = array<i32>} : memref<128xi32, #tpu.memory_space<vmem>>, vector<16xi32>,
    %swap3A_57 = vector.shape_cast %swap3A_56 : vector<16xi32> to vector<16xi32>
    %swap3A_58 = vector.shape_cast %add3A_54 : vector<16xi32> to vector<16xi32>
    tpu.vector_store %arg7[%swap3A_55], %swap3A_58 {strides = array<i32>} : memref<128xi32, #tpu.memory_space<vmem>>, vector<16xi32>,
    %shift_right_logical3A_59 = arith.constant 15 : i32
    %shift_right_logical3A_60 = vector.broadcast %shift_right_logical3A_59 : i32 to vector<16xi32>
    %shift_right_logical3A_61 = arith.shrui %get3A_49, %shift_right_logical3A_60 : vector<16xi32>
    %swap3A_62 = arith.constant 32 : index
    %swap3A_63 = tpu.vector_load %arg9[%swap3A_62] {strides = array<i32>} : memref<128xi32, #tpu.memory_space<vmem>>, vector<16xi32>,
    %swap3A_64 = vector.shape_cast %swap3A_63 : vector<16xi32> to vector<16xi32>
    %swap3A_65 = vector.shape_cast %shift_right_logical3A_61 : vector<16xi32> to vector<16xi32>
    tpu.vector_store %arg9[%swap3A_62], %swap3A_65 {strides = array<i32>} : memref<128xi32, #tpu.memory_space<vmem>>, vector<16xi32>,
    %get3A_66 = arith.constant 0 : i32
    %get3A_67 = arith.index_cast %get3A_66 : i32 to index
    %get3A_68 = arith.constant 48 : index
    %get3A_69 = tpu.vector_load %arg6[%get3A_67, %get3A_68] {strides = array<i32>} : memref<80x128xi32, #tpu.memory_space<vmem>>, vector<1x16xi32>,
    %get3A_70 = vector.shape_cast %get3A_69 : vector<1x16xi32> to vector<16xi32>
    %and3A_71 = arith.constant 32767 : i32
    %and3A_72 = vector.broadcast %and3A_71 : i32 to vector<16xi32>
    %and3A_73 = arith.andi %get3A_70, %and3A_72 : vector<16xi32>
    %add3A_74 = vector.broadcast %mul3A_0 : i32 to vector<16xi32>
    %add3A_75 = arith.addi %and3A_73, %add3A_74 : vector<16xi32>
    %swap3A_76 = arith.constant 48 : index
    %swap3A_77 = tpu.vector_load %arg7[%swap3A_76] {strides = array<i32>} : memref<128xi32, #tpu.memory_space<vmem>>, vector<16xi32>,
    %swap3A_78 = vector.shape_cast %swap3A_77 : vector<16xi32> to vector<16xi32>
    %swap3A_79 = vector.shape_cast %add3A_75 : vector<16xi32> to vector<16xi32>
    tpu.vector_store %arg7[%swap3A_76], %swap3A_79 {strides = array<i32>} : memref<128xi32, #tpu.memory_space<vmem>>, vector<16xi32>,
    %shift_right_logical3A_80 = arith.constant 15 : i32
    %shift_right_logical3A_81 = vector.broadcast %shift_right_logical3A_80 : i32 to vector<16xi32>
    %shift_right_logical3A_82 = arith.shrui %get3A_70, %shift_right_logical3A_81 : vector<16xi32>
    %swap3A_83 = arith.constant 48 : index
    %swap3A_84 = tpu.vector_load %arg9[%swap3A_83] {strides = array<i32>} : memref<128xi32, #tpu.memory_space<vmem>>, vector<16xi32>,
    %swap3A_85 = vector.shape_cast %swap3A_84 : vector<16xi32> to vector<16xi32>
    %swap3A_86 = vector.shape_cast %shift_right_logical3A_82 : vector<16xi32> to vector<16xi32>
    tpu.vector_store %arg9[%swap3A_83], %swap3A_86 {strides = array<i32>} : memref<128xi32, #tpu.memory_space<vmem>>, vector<16xi32>,
    %get3A_87 = arith.constant 0 : i32
    %get3A_88 = arith.index_cast %get3A_87 : i32 to index
    %get3A_89 = arith.constant 64 : index
    %get3A_90 = tpu.vector_load %arg6[%get3A_88, %get3A_89] {strides = array<i32>} : memref<80x128xi32, #tpu.memory_space<vmem>>, vector<1x16xi32>,
    %get3A_91 = vector.shape_cast %get3A_90 : vector<1x16xi32> to vector<16xi32>
    %and3A_92 = arith.constant 32767 : i32
    %and3A_93 = vector.broadcast %and3A_92 : i32 to vector<16xi32>
    %and3A_94 = arith.andi %get3A_91, %and3A_93 : vector<16xi32>
    %add3A_95 = vector.broadcast %mul3A_0 : i32 to vector<16xi32>
    %add3A_96 = arith.addi %and3A_94, %add3A_95 : vector<16xi32>
    %swap3A_97 = arith.constant 64 : index
    %swap3A_98 = tpu.vector_load %arg7[%swap3A_97] {strides = array<i32>} : memref<128xi32, #tpu.memory_space<vmem>>, vector<16xi32>,
    %swap3A_99 = vector.shape_cast %swap3A_98 : vector<16xi32> to vector<16xi32>
    %swap3A_100 = vector.shape_cast %add3A_96 : vector<16xi32> to vector<16xi32>
    tpu.vector_store %arg7[%swap3A_97], %swap3A_100 {strides = array<i32>} : memref<128xi32, #tpu.memory_space<vmem>>, vector<16xi32>,
    %shift_right_logical3A_101 = arith.constant 15 : i32
    %shift_right_logical3A_102 = vector.broadcast %shift_right_logical3A_101 : i32 to vector<16xi32>
    %shift_right_logical3A_103 = arith.shrui %get3A_91, %shift_right_logical3A_102 : vector<16xi32>
    %swap3A_104 = arith.constant 64 : index
    %swap3A_105 = tpu.vector_load %arg9[%swap3A_104] {strides = array<i32>} : memref<128xi32, #tpu.memory_space<vmem>>, vector<16xi32>,
    %swap3A_106 = vector.shape_cast %swap3A_105 : vector<16xi32> to vector<16xi32>
    %swap3A_107 = vector.shape_cast %shift_right_logical3A_103 : vector<16xi32> to vector<16xi32>
    tpu.vector_store %arg9[%swap3A_104], %swap3A_107 {strides = array<i32>} : memref<128xi32, #tpu.memory_space<vmem>>, vector<16xi32>,
    %get3A_108 = arith.constant 0 : i32
    %get3A_109 = arith.index_cast %get3A_108 : i32 to index
    %get3A_110 = arith.constant 80 : index
    %get3A_111 = tpu.vector_load %arg6[%get3A_109, %get3A_110] {strides = array<i32>} : memref<80x128xi32, #tpu.memory_space<vmem>>, vector<1x16xi32>,
    %get3A_112 = vector.shape_cast %get3A_111 : vector<1x16xi32> to vector<16xi32>
    %and3A_113 = arith.constant 32767 : i32
    %and3A_114 = vector.broadcast %and3A_113 : i32 to vector<16xi32>
    %and3A_115 = arith.andi %get3A_112, %and3A_114 : vector<16xi32>
    %add3A_116 = vector.broadcast %mul3A_0 : i32 to vector<16xi32>
    %add3A_117 = arith.addi %and3A_115, %add3A_116 : vector<16xi32>
    %swap3A_118 = arith.constant 80 : index
    %swap3A_119 = tpu.vector_load %arg7[%swap3A_118] {strides = array<i32>} : memref<128xi32, #tpu.memory_space<vmem>>, vector<16xi32>,
    %swap3A_120 = vector.shape_cast %swap3A_119 : vector<16xi32> to vector<16xi32>
    %swap3A_121 = vector.shape_cast %add3A_117 : vector<16xi32> to vector<16xi32>
    tpu.vector_store %arg7[%swap3A_118], %swap3A_121 {strides = array<i32>} : memref<128xi32, #tpu.memory_space<vmem>>, vector<16xi32>,
    %shift_right_logical3A_122 = arith.constant 15 : i32
    %shift_right_logical3A_123 = vector.broadcast %shift_right_logical3A_122 : i32 to vector<16xi32>
    %shift_right_logical3A_124 = arith.shrui %get3A_112, %shift_right_logical3A_123 : vector<16xi32>
    %swap3A_125 = arith.constant 80 : index
    %swap3A_126 = tpu.vector_load %arg9[%swap3A_125] {strides = array<i32>} : memref<128xi32, #tpu.memory_space<vmem>>, vector<16xi32>,
    %swap3A_127 = vector.shape_cast %swap3A_126 : vector<16xi32> to vector<16xi32>
    %swap3A_128 = vector.shape_cast %shift_right_logical3A_124 : vector<16xi32> to vector<16xi32>
    tpu.vector_store %arg9[%swap3A_125], %swap3A_128 {strides = array<i32>} : memref<128xi32, #tpu.memory_space<vmem>>, vector<16xi32>,
    %get3A_129 = arith.constant 0 : i32
    %get3A_130 = arith.index_cast %get3A_129 : i32 to index
    %get3A_131 = arith.constant 96 : index
    %get3A_132 = tpu.vector_load %arg6[%get3A_130, %get3A_131] {strides = array<i32>} : memref<80x128xi32, #tpu.memory_space<vmem>>, vector<1x16xi32>,
    %get3A_133 = vector.shape_cast %get3A_132 : vector<1x16xi32> to vector<16xi32>
    %and3A_134 = arith.constant 32767 : i32
    %and3A_135 = vector.broadcast %and3A_134 : i32 to vector<16xi32>
    %and3A_136 = arith.andi %get3A_133, %and3A_135 : vector<16xi32>
    %add3A_137 = vector.broadcast %mul3A_0 : i32 to vector<16xi32>
    %add3A_138 = arith.addi %and3A_136, %add3A_137 : vector<16xi32>
    %swap3A_139 = arith.constant 96 : index
    %swap3A_140 = tpu.vector_load %arg7[%swap3A_139] {strides = array<i32>} : memref<128xi32, #tpu.memory_space<vmem>>, vector<16xi32>,
    %swap3A_141 = vector.shape_cast %swap3A_140 : vector<16xi32> to vector<16xi32>
    %swap3A_142 = vector.shape_cast %add3A_138 : vector<16xi32> to vector<16xi32>
    tpu.vector_store %arg7[%swap3A_139], %swap3A_142 {strides = array<i32>} : memref<128xi32, #tpu.memory_space<vmem>>, vector<16xi32>,
    %shift_right_logical3A_143 = arith.constant 15 : i32
    %shift_right_logical3A_144 = vector.broadcast %shift_right_logical3A_143 : i32 to vector<16xi32>
    %shift_right_logical3A_145 = arith.shrui %get3A_133, %shift_right_logical3A_144 : vector<16xi32>
    %swap3A_146 = arith.constant 96 : index
    %swap3A_147 = tpu.vector_load %arg9[%swap3A_146] {strides = array<i32>} : memref<128xi32, #tpu.memory_space<vmem>>, vector<16xi32>,
    %swap3A_148 = vector.shape_cast %swap3A_147 : vector<16xi32> to vector<16xi32>
    %swap3A_149 = vector.shape_cast %shift_right_logical3A_145 : vector<16xi32> to vector<16xi32>
    tpu.vector_store %arg9[%swap3A_146], %swap3A_149 {strides = array<i32>} : memref<128xi32, #tpu.memory_space<vmem>>, vector<16xi32>,
    %get3A_150 = arith.constant 0 : i32
    %get3A_151 = arith.index_cast %get3A_150 : i32 to index
    %get3A_152 = arith.constant 112 : index
    %get3A_153 = tpu.vector_load %arg6[%get3A_151, %get3A_152] {strides = array<i32>} : memref<80x128xi32, #tpu.memory_space<vmem>>, vector<1x16xi32>,
    %get3A_154 = vector.shape_cast %get3A_153 : vector<1x16xi32> to vector<16xi32>
    %and3A_155 = arith.constant 32767 : i32
    %and3A_156 = vector.broadcast %and3A_155 : i32 to vector<16xi32>
    %and3A_157 = arith.andi %get3A_154, %and3A_156 : vector<16xi32>
    %add3A_158 = vector.broadcast %mul3A_0 : i32 to vector<16xi32>
    %add3A_159 = arith.addi %and3A_157, %add3A_158 : vector<16xi32>
    %swap3A_160 = arith.constant 112 : index
    %swap3A_161 = tpu.vector_load %arg7[%swap3A_160] {strides = array<i32>} : memref<128xi32, #tpu.memory_space<vmem>>, vector<16xi32>,
    %swap3A_162 = vector.shape_cast %swap3A_161 : vector<16xi32> to vector<16xi32>
    %swap3A_163 = vector.shape_cast %add3A_159 : vector<16xi32> to vector<16xi32>
    tpu.vector_store %arg7[%swap3A_160], %swap3A_163 {strides = array<i32>} : memref<128xi32, #tpu.memory_space<vmem>>, vector<16xi32>,
    %shift_right_logical3A_164 = arith.constant 15 : i32
    %shift_right_logical3A_165 = vector.broadcast %shift_right_logical3A_164 : i32 to vector<16xi32>
    %shift_right_logical3A_166 = arith.shrui %get3A_154, %shift_right_logical3A_165 : vector<16xi32>
    %swap3A_167 = arith.constant 112 : index
    %swap3A_168 = tpu.vector_load %arg9[%swap3A_167] {strides = array<i32>} : memref<128xi32, #tpu.memory_space<vmem>>, vector<16xi32>,
    %swap3A_169 = vector.shape_cast %swap3A_168 : vector<16xi32> to vector<16xi32>
    %swap3A_170 = vector.shape_cast %shift_right_logical3A_166 : vector<16xi32> to vector<16xi32>
    tpu.vector_store %arg9[%swap3A_167], %swap3A_170 {strides = array<i32>} : memref<128xi32, #tpu.memory_space<vmem>>, vector<16xi32>,
    %dma_start3A = arith.constant 0 : i32
    %dma_start3A_171 = arith.constant 0 : i32
    %dma_start3A_172 = tpu.memref_slice %arg2[%dma_start3A, %dma_start3A_171] : memref<20000x128xf32, #tpu.memory_space<hbm>> -> memref<20000x128xf32, #tpu.memory_space<hbm>>
    tpu.enqueue_indirect_dma source(%dma_start3A_172 : memref<20000x128xf32, #tpu.memory_space<hbm>>) target(%arg11 : memref<128x128xf32, #tpu.memory_space<vmem>>) offsets(%arg7 : memref<128xi32, #tpu.memory_space<vmem>>) semaphore(%arg13 : memref<!tpu.dma_semaphore, #tpu.memory_space<semaphore_mem>>)
    %get3A_173 = arith.constant 1 : i32
    %get3A_174 = arith.index_cast %get3A_173 : i32 to index
    %get3A_175 = arith.constant 0 : index
    %get3A_176 = tpu.vector_load %arg6[%get3A_174, %get3A_175] {strides = array<i32>} : memref<80x128xi32, #tpu.memory_space<vmem>>, vector<1x16xi32>,
    %get3A_177 = vector.shape_cast %get3A_176 : vector<1x16xi32> to vector<16xi32>
    %and3A_178 = arith.constant 32767 : i32
    %and3A_179 = vector.broadcast %and3A_178 : i32 to vector<16xi32>
    %and3A_180 = arith.andi %get3A_177, %and3A_179 : vector<16xi32>
    %add3A_181 = vector.broadcast %mul3A_0 : i32 to vector<16xi32>
    %add3A_182 = arith.addi %and3A_180, %add3A_181 : vector<16xi32>
    %swap3A_183 = arith.constant 0 : index
    %swap3A_184 = tpu.vector_load %arg8[%swap3A_183] {strides = array<i32>} : memref<128xi32, #tpu.memory_space<vmem>>, vector<16xi32>,
    %swap3A_185 = vector.shape_cast %swap3A_184 : vector<16xi32> to vector<16xi32>
    %swap3A_186 = vector.shape_cast %add3A_182 : vector<16xi32> to vector<16xi32>
    tpu.vector_store %arg8[%swap3A_183], %swap3A_186 {strides = array<i32>} : memref<128xi32, #tpu.memory_space<vmem>>, vector<16xi32>,
    %shift_right_logical3A_187 = arith.constant 15 : i32
    %shift_right_logical3A_188 = vector.broadcast %shift_right_logical3A_187 : i32 to vector<16xi32>
    %shift_right_logical3A_189 = arith.shrui %get3A_177, %shift_right_logical3A_188 : vector<16xi32>
    %swap3A_190 = arith.constant 0 : index
    %swap3A_191 = tpu.vector_load %arg10[%swap3A_190] {strides = array<i32>} : memref<128xi32, #tpu.memory_space<vmem>>, vector<16xi32>,
    %swap3A_192 = vector.shape_cast %swap3A_191 : vector<16xi32> to vector<16xi32>
    %swap3A_193 = vector.shape_cast %shift_right_logical3A_189 : vector<16xi32> to vector<16xi32>
    tpu.vector_store %arg10[%swap3A_190], %swap3A_193 {strides = array<i32>} : memref<128xi32, #tpu.memory_space<vmem>>, vector<16xi32>,
    %get3A_194 = arith.constant 1 : i32
    %get3A_195 = arith.index_cast %get3A_194 : i32 to index
    %get3A_196 = arith.constant 16 : index
    %get3A_197 = tpu.vector_load %arg6[%get3A_195, %get3A_196] {strides = array<i32>} : memref<80x128xi32, #tpu.memory_space<vmem>>, vector<1x16xi32>,
    %get3A_198 = vector.shape_cast %get3A_197 : vector<1x16xi32> to vector<16xi32>
    %and3A_199 = arith.constant 32767 : i32
    %and3A_200 = vector.broadcast %and3A_199 : i32 to vector<16xi32>
    %and3A_201 = arith.andi %get3A_198, %and3A_200 : vector<16xi32>
    %add3A_202 = vector.broadcast %mul3A_0 : i32 to vector<16xi32>
    %add3A_203 = arith.addi %and3A_201, %add3A_202 : vector<16xi32>
    %swap3A_204 = arith.constant 16 : index
    %swap3A_205 = tpu.vector_load %arg8[%swap3A_204] {strides = array<i32>} : memref<128xi32, #tpu.memory_space<vmem>>, vector<16xi32>,
    %swap3A_206 = vector.shape_cast %swap3A_205 : vector<16xi32> to vector<16xi32>
    %swap3A_207 = vector.shape_cast %add3A_203 : vector<16xi32> to vector<16xi32>
    tpu.vector_store %arg8[%swap3A_204], %swap3A_207 {strides = array<i32>} : memref<128xi32, #tpu.memory_space<vmem>>, vector<16xi32>,
    %shift_right_logical3A_208 = arith.constant 15 : i32
    %shift_right_logical3A_209 = vector.broadcast %shift_right_logical3A_208 : i32 to vector<16xi32>
    %shift_right_logical3A_210 = arith.shrui %get3A_198, %shift_right_logical3A_209 : vector<16xi32>
    %swap3A_211 = arith.constant 16 : index
    %swap3A_212 = tpu.vector_load %arg10[%swap3A_211] {strides = array<i32>} : memref<128xi32, #tpu.memory_space<vmem>>, vector<16xi32>,
    %swap3A_213 = vector.shape_cast %swap3A_212 : vector<16xi32> to vector<16xi32>
    %swap3A_214 = vector.shape_cast %shift_right_logical3A_210 : vector<16xi32> to vector<16xi32>
    tpu.vector_store %arg10[%swap3A_211], %swap3A_214 {strides = array<i32>} : memref<128xi32, #tpu.memory_space<vmem>>, vector<16xi32>,
    %get3A_215 = arith.constant 1 : i32
    %get3A_216 = arith.index_cast %get3A_215 : i32 to index
    %get3A_217 = arith.constant 32 : index
    %get3A_218 = tpu.vector_load %arg6[%get3A_216, %get3A_217] {strides = array<i32>} : memref<80x128xi32, #tpu.memory_space<vmem>>, vector<1x16xi32>,
    %get3A_219 = vector.shape_cast %get3A_218 : vector<1x16xi32> to vector<16xi32>
    %and3A_220 = arith.constant 32767 : i32
    %and3A_221 = vector.broadcast %and3A_220 : i32 to vector<16xi32>
    %and3A_222 = arith.andi %get3A_219, %and3A_221 : vector<16xi32>
    %add3A_223 = vector.broadcast %mul3A_0 : i32 to vector<16xi32>
    %add3A_224 = arith.addi %and3A_222, %add3A_223 : vector<16xi32>
    %swap3A_225 = arith.constant 32 : index
    %swap3A_226 = tpu.vector_load %arg8[%swap3A_225] {strides = array<i32>} : memref<128xi32, #tpu.memory_space<vmem>>, vector<16xi32>,
    %swap3A_227 = vector.shape_cast %swap3A_226 : vector<16xi32> to vector<16xi32>
    %swap3A_228 = vector.shape_cast %add3A_224 : vector<16xi32> to vector<16xi32>
    tpu.vector_store %arg8[%swap3A_225], %swap3A_228 {strides = array<i32>} : memref<128xi32, #tpu.memory_space<vmem>>, vector<16xi32>,
    %shift_right_logical3A_229 = arith.constant 15 : i32
    %shift_right_logical3A_230 = vector.broadcast %shift_right_logical3A_229 : i32 to vector<16xi32>
    %shift_right_logical3A_231 = arith.shrui %get3A_219, %shift_right_logical3A_230 : vector<16xi32>
    %swap3A_232 = arith.constant 32 : index
    %swap3A_233 = tpu.vector_load %arg10[%swap3A_232] {strides = array<i32>} : memref<128xi32, #tpu.memory_space<vmem>>, vector<16xi32>,
    %swap3A_234 = vector.shape_cast %swap3A_233 : vector<16xi32> to vector<16xi32>
    %swap3A_235 = vector.shape_cast %shift_right_logical3A_231 : vector<16xi32> to vector<16xi32>
    tpu.vector_store %arg10[%swap3A_232], %swap3A_235 {strides = array<i32>} : memref<128xi32, #tpu.memory_space<vmem>>, vector<16xi32>,
    %get3A_236 = arith.constant 1 : i32
    %get3A_237 = arith.index_cast %get3A_236 : i32 to index
    %get3A_238 = arith.constant 48 : index
    %get3A_239 = tpu.vector_load %arg6[%get3A_237, %get3A_238] {strides = array<i32>} : memref<80x128xi32, #tpu.memory_space<vmem>>, vector<1x16xi32>,
    %get3A_240 = vector.shape_cast %get3A_239 : vector<1x16xi32> to vector<16xi32>
    %and3A_241 = arith.constant 32767 : i32
    %and3A_242 = vector.broadcast %and3A_241 : i32 to vector<16xi32>
    %and3A_243 = arith.andi %get3A_240, %and3A_242 : vector<16xi32>
    %add3A_244 = vector.broadcast %mul3A_0 : i32 to vector<16xi32>
    %add3A_245 = arith.addi %and3A_243, %add3A_244 : vector<16xi32>
    %swap3A_246 = arith.constant 48 : index
    %swap3A_247 = tpu.vector_load %arg8[%swap3A_246] {strides = array<i32>} : memref<128xi32, #tpu.memory_space<vmem>>, vector<16xi32>,
    %swap3A_248 = vector.shape_cast %swap3A_247 : vector<16xi32> to vector<16xi32>
    %swap3A_249 = vector.shape_cast %add3A_245 : vector<16xi32> to vector<16xi32>
    tpu.vector_store %arg8[%swap3A_246], %swap3A_249 {strides = array<i32>} : memref<128xi32, #tpu.memory_space<vmem>>, vector<16xi32>,
    %shift_right_logical3A_250 = arith.constant 15 : i32
    %shift_right_logical3A_251 = vector.broadcast %shift_right_logical3A_250 : i32 to vector<16xi32>
    %shift_right_logical3A_252 = arith.shrui %get3A_240, %shift_right_logical3A_251 : vector<16xi32>
    %swap3A_253 = arith.constant 48 : index
    %swap3A_254 = tpu.vector_load %arg10[%swap3A_253] {strides = array<i32>} : memref<128xi32, #tpu.memory_space<vmem>>, vector<16xi32>,
    %swap3A_255 = vector.shape_cast %swap3A_254 : vector<16xi32> to vector<16xi32>
    %swap3A_256 = vector.shape_cast %shift_right_logical3A_252 : vector<16xi32> to vector<16xi32>
    tpu.vector_store %arg10[%swap3A_253], %swap3A_256 {strides = array<i32>} : memref<128xi32, #tpu.memory_space<vmem>>, vector<16xi32>,
    %get3A_257 = arith.constant 1 : i32
    %get3A_258 = arith.index_cast %get3A_257 : i32 to index
    %get3A_259 = arith.constant 64 : index
    %get3A_260 = tpu.vector_load %arg6[%get3A_258, %get3A_259] {strides = array<i32>} : memref<80x128xi32, #tpu.memory_space<vmem>>, vector<1x16xi32>,
    %get3A_261 = vector.shape_cast %get3A_260 : vector<1x16xi32> to vector<16xi32>
    %and3A_262 = arith.constant 32767 : i32
    %and3A_263 = vector.broadcast %and3A_262 : i32 to vector<16xi32>
    %and3A_264 = arith.andi %get3A_261, %and3A_263 : vector<16xi32>
    %add3A_265 = vector.broadcast %mul3A_0 : i32 to vector<16xi32>
    %add3A_266 = arith.addi %and3A_264, %add3A_265 : vector<16xi32>
    %swap3A_267 = arith.constant 64 : index
    %swap3A_268 = tpu.vector_load %arg8[%swap3A_267] {strides = array<i32>} : memref<128xi32, #tpu.memory_space<vmem>>, vector<16xi32>,
    %swap3A_269 = vector.shape_cast %swap3A_268 : vector<16xi32> to vector<16xi32>
    %swap3A_270 = vector.shape_cast %add3A_266 : vector<16xi32> to vector<16xi32>
    tpu.vector_store %arg8[%swap3A_267], %swap3A_270 {strides = array<i32>} : memref<128xi32, #tpu.memory_space<vmem>>, vector<16xi32>,
    %shift_right_logical3A_271 = arith.constant 15 : i32
    %shift_right_logical3A_272 = vector.broadcast %shift_right_logical3A_271 : i32 to vector<16xi32>
    %shift_right_logical3A_273 = arith.shrui %get3A_261, %shift_right_logical3A_272 : vector<16xi32>
    %swap3A_274 = arith.constant 64 : index
    %swap3A_275 = tpu.vector_load %arg10[%swap3A_274] {strides = array<i32>} : memref<128xi32, #tpu.memory_space<vmem>>, vector<16xi32>,
    %swap3A_276 = vector.shape_cast %swap3A_275 : vector<16xi32> to vector<16xi32>
    %swap3A_277 = vector.shape_cast %shift_right_logical3A_273 : vector<16xi32> to vector<16xi32>
    tpu.vector_store %arg10[%swap3A_274], %swap3A_277 {strides = array<i32>} : memref<128xi32, #tpu.memory_space<vmem>>, vector<16xi32>,
    %get3A_278 = arith.constant 1 : i32
    %get3A_279 = arith.index_cast %get3A_278 : i32 to index
    %get3A_280 = arith.constant 80 : index
    %get3A_281 = tpu.vector_load %arg6[%get3A_279, %get3A_280] {strides = array<i32>} : memref<80x128xi32, #tpu.memory_space<vmem>>, vector<1x16xi32>,
    %get3A_282 = vector.shape_cast %get3A_281 : vector<1x16xi32> to vector<16xi32>
    %and3A_283 = arith.constant 32767 : i32
    %and3A_284 = vector.broadcast %and3A_283 : i32 to vector<16xi32>
    %and3A_285 = arith.andi %get3A_282, %and3A_284 : vector<16xi32>
    %add3A_286 = vector.broadcast %mul3A_0 : i32 to vector<16xi32>
    %add3A_287 = arith.addi %and3A_285, %add3A_286 : vector<16xi32>
    %swap3A_288 = arith.constant 80 : index
    %swap3A_289 = tpu.vector_load %arg8[%swap3A_288] {strides = array<i32>} : memref<128xi32, #tpu.memory_space<vmem>>, vector<16xi32>,
    %swap3A_290 = vector.shape_cast %swap3A_289 : vector<16xi32> to vector<16xi32>
    %swap3A_291 = vector.shape_cast %add3A_287 : vector<16xi32> to vector<16xi32>
    tpu.vector_store %arg8[%swap3A_288], %swap3A_291 {strides = array<i32>} : memref<128xi32, #tpu.memory_space<vmem>>, vector<16xi32>,
    %shift_right_logical3A_292 = arith.constant 15 : i32
    %shift_right_logical3A_293 = vector.broadcast %shift_right_logical3A_292 : i32 to vector<16xi32>
    %shift_right_logical3A_294 = arith.shrui %get3A_282, %shift_right_logical3A_293 : vector<16xi32>
    %swap3A_295 = arith.constant 80 : index
    %swap3A_296 = tpu.vector_load %arg10[%swap3A_295] {strides = array<i32>} : memref<128xi32, #tpu.memory_space<vmem>>, vector<16xi32>,
    %swap3A_297 = vector.shape_cast %swap3A_296 : vector<16xi32> to vector<16xi32>
    %swap3A_298 = vector.shape_cast %shift_right_logical3A_294 : vector<16xi32> to vector<16xi32>
    tpu.vector_store %arg10[%swap3A_295], %swap3A_298 {strides = array<i32>} : memref<128xi32, #tpu.memory_space<vmem>>, vector<16xi32>,
    %get3A_299 = arith.constant 1 : i32
    %get3A_300 = arith.index_cast %get3A_299 : i32 to index
    %get3A_301 = arith.constant 96 : index
    %get3A_302 = tpu.vector_load %arg6[%get3A_300, %get3A_301] {strides = array<i32>} : memref<80x128xi32, #tpu.memory_space<vmem>>, vector<1x16xi32>,
    %get3A_303 = vector.shape_cast %get3A_302 : vector<1x16xi32> to vector<16xi32>
    %and3A_304 = arith.constant 32767 : i32
    %and3A_305 = vector.broadcast %and3A_304 : i32 to vector<16xi32>
    %and3A_306 = arith.andi %get3A_303, %and3A_305 : vector<16xi32>
    %add3A_307 = vector.broadcast %mul3A_0 : i32 to vector<16xi32>
    %add3A_308 = arith.addi %and3A_306, %add3A_307 : vector<16xi32>
    %swap3A_309 = arith.constant 96 : index
    %swap3A_310 = tpu.vector_load %arg8[%swap3A_309] {strides = array<i32>} : memref<128xi32, #tpu.memory_space<vmem>>, vector<16xi32>,
    %swap3A_311 = vector.shape_cast %swap3A_310 : vector<16xi32> to vector<16xi32>
    %swap3A_312 = vector.shape_cast %add3A_308 : vector<16xi32> to vector<16xi32>
    tpu.vector_store %arg8[%swap3A_309], %swap3A_312 {strides = array<i32>} : memref<128xi32, #tpu.memory_space<vmem>>, vector<16xi32>,
    %shift_right_logical3A_313 = arith.constant 15 : i32
    %shift_right_logical3A_314 = vector.broadcast %shift_right_logical3A_313 : i32 to vector<16xi32>
    %shift_right_logical3A_315 = arith.shrui %get3A_303, %shift_right_logical3A_314 : vector<16xi32>
    %swap3A_316 = arith.constant 96 : index
    %swap3A_317 = tpu.vector_load %arg10[%swap3A_316] {strides = array<i32>} : memref<128xi32, #tpu.memory_space<vmem>>, vector<16xi32>,
    %swap3A_318 = vector.shape_cast %swap3A_317 : vector<16xi32> to vector<16xi32>
    %swap3A_319 = vector.shape_cast %shift_right_logical3A_315 : vector<16xi32> to vector<16xi32>
    tpu.vector_store %arg10[%swap3A_316], %swap3A_319 {strides = array<i32>} : memref<128xi32, #tpu.memory_space<vmem>>, vector<16xi32>,
    %get3A_320 = arith.constant 1 : i32
    %get3A_321 = arith.index_cast %get3A_320 : i32 to index
    %get3A_322 = arith.constant 112 : index
    %get3A_323 = tpu.vector_load %arg6[%get3A_321, %get3A_322] {strides = array<i32>} : memref<80x128xi32, #tpu.memory_space<vmem>>, vector<1x16xi32>,
    %get3A_324 = vector.shape_cast %get3A_323 : vector<1x16xi32> to vector<16xi32>
    %and3A_325 = arith.constant 32767 : i32
    %and3A_326 = vector.broadcast %and3A_325 : i32 to vector<16xi32>
    %and3A_327 = arith.andi %get3A_324, %and3A_326 : vector<16xi32>
    %add3A_328 = vector.broadcast %mul3A_0 : i32 to vector<16xi32>
    %add3A_329 = arith.addi %and3A_327, %add3A_328 : vector<16xi32>
    %swap3A_330 = arith.constant 112 : index
    %swap3A_331 = tpu.vector_load %arg8[%swap3A_330] {strides = array<i32>} : memref<128xi32, #tpu.memory_space<vmem>>, vector<16xi32>,
    %swap3A_332 = vector.shape_cast %swap3A_331 : vector<16xi32> to vector<16xi32>
    %swap3A_333 = vector.shape_cast %add3A_329 : vector<16xi32> to vector<16xi32>
    tpu.vector_store %arg8[%swap3A_330], %swap3A_333 {strides = array<i32>} : memref<128xi32, #tpu.memory_space<vmem>>, vector<16xi32>,
    %shift_right_logical3A_334 = arith.constant 15 : i32
    %shift_right_logical3A_335 = vector.broadcast %shift_right_logical3A_334 : i32 to vector<16xi32>
    %shift_right_logical3A_336 = arith.shrui %get3A_324, %shift_right_logical3A_335 : vector<16xi32>
    %swap3A_337 = arith.constant 112 : index
    %swap3A_338 = tpu.vector_load %arg10[%swap3A_337] {strides = array<i32>} : memref<128xi32, #tpu.memory_space<vmem>>, vector<16xi32>,
    %swap3A_339 = vector.shape_cast %swap3A_338 : vector<16xi32> to vector<16xi32>
    %swap3A_340 = vector.shape_cast %shift_right_logical3A_336 : vector<16xi32> to vector<16xi32>
    tpu.vector_store %arg10[%swap3A_337], %swap3A_340 {strides = array<i32>} : memref<128xi32, #tpu.memory_space<vmem>>, vector<16xi32>,
    %dma_start3A_341 = arith.constant 0 : i32
    %dma_start3A_342 = arith.constant 0 : i32
    %dma_start3A_343 = tpu.memref_slice %arg2[%dma_start3A_341, %dma_start3A_342] : memref<20000x128xf32, #tpu.memory_space<hbm>> -> memref<20000x128xf32, #tpu.memory_space<hbm>>
    tpu.enqueue_indirect_dma source(%dma_start3A_343 : memref<20000x128xf32, #tpu.memory_space<hbm>>) target(%arg12 : memref<128x128xf32, #tpu.memory_space<vmem>>) offsets(%arg8 : memref<128xi32, #tpu.memory_space<vmem>>) semaphore(%arg14 : memref<!tpu.dma_semaphore, #tpu.memory_space<semaphore_mem>>)
    %scan3A = arith.constant 0 : i32
    %scan3A_344 = arith.constant 0 : i32
    %scan3A_345 = arith.constant 39 : i32
    %scan3A_346 = arith.addi %scan3A_344, %scan3A_345 : i32
    %scan3A_347 = arith.constant 1 : i32
    scf.for %scan3A_365 = %scan3A_344 to %scan3A_346 step %scan3A_347  : i32 {
      %mul3A_366 = arith.constant 2 : i32
      %mul3A_367 = arith.muli %scan3A_365, %mul3A_366 : i32
      %dma_wait3A_368 = arith.constant 0 : i32
      %dma_wait3A_369 = arith.constant 0 : i32
      %dma_wait3A_370 = tpu.memref_slice %arg2[%dma_wait3A_368, %dma_wait3A_369] : memref<20000x128xf32, #tpu.memory_space<hbm>> -> memref<20000x128xf32, #tpu.memory_space<hbm>>
      tpu.wait_indirect_dma semaphore(%arg13 : memref<!tpu.dma_semaphore, #tpu.memory_space<semaphore_mem>>) src(%dma_wait3A_370 : memref<20000x128xf32, #tpu.memory_space<hbm>>) dst(%arg11 : memref<128x128xf32, #tpu.memory_space<vmem>>)
      "tpu.region"() ({
        %run_scoped3A = tpu.sem_alloc : memref<!tpu.dma_semaphore, #tpu.memory_space<semaphore_mem>>
        %dma_start3A_708 = arith.constant 0 : i32
        %dma_start3A_709 = arith.constant 0 : i32
        %dma_start3A_710 = tpu.memref_slice %arg5[%dma_start3A_708, %dma_start3A_709] : memref<10016x128xf32, #tpu.memory_space<vmem_shared>> -> memref<10016x128xf32, #tpu.memory_space<vmem_shared>>
        tpu.enqueue_indirect_dma source(%arg11 : memref<128x128xf32, #tpu.memory_space<vmem>>) target(%dma_start3A_710 : memref<10016x128xf32, #tpu.memory_space<vmem_shared>>) offsets(%arg9 : memref<128xi32, #tpu.memory_space<vmem>>) semaphore(%run_scoped3A : memref<!tpu.dma_semaphore, #tpu.memory_space<semaphore_mem>>) {add = true}
        %dma_wait3A_711 = arith.constant 0 : i32
        %dma_wait3A_712 = arith.constant 0 : i32
        %dma_wait3A_713 = tpu.memref_slice %arg5[%dma_wait3A_711, %dma_wait3A_712] : memref<10016x128xf32, #tpu.memory_space<vmem_shared>> -> memref<10016x128xf32, #tpu.memory_space<vmem_shared>>
        tpu.wait_indirect_dma semaphore(%run_scoped3A : memref<!tpu.dma_semaphore, #tpu.memory_space<semaphore_mem>>) src(%arg11 : memref<128x128xf32, #tpu.memory_space<vmem>>) dst(%dma_wait3A_713 : memref<10016x128xf32, #tpu.memory_space<vmem_shared>>)
        tpu.yield
      }) : () -> ()
      %add3A_371 = arith.constant 0 : i32
      %add3A_372 = arith.addi %mul3A_367, %add3A_371 : i32
      %add3A_373 = arith.constant 2 : i32
      %add3A_374 = arith.addi %add3A_372, %add3A_373 : i32
      %get3A_375 = arith.index_cast %add3A_374 : i32 to index
      %get3A_376 = arith.constant 0 : index
      %get3A_377 = tpu.vector_load %arg6[%get3A_375, %get3A_376] {strides = array<i32>} : memref<80x128xi32, #tpu.memory_space<vmem>>, vector<1x16xi32>,
      %get3A_378 = vector.shape_cast %get3A_377 : vector<1x16xi32> to vector<16xi32>
      %and3A_379 = arith.constant 32767 : i32
      %and3A_380 = vector.broadcast %and3A_379 : i32 to vector<16xi32>
      %and3A_381 = arith.andi %get3A_378, %and3A_380 : vector<16xi32>
      %add3A_382 = vector.broadcast %mul3A_0 : i32 to vector<16xi32>
      %add3A_383 = arith.addi %and3A_381, %add3A_382 : vector<16xi32>
      %swap3A_384 = arith.constant 0 : index
      %swap3A_385 = tpu.vector_load %arg7[%swap3A_384] {strides = array<i32>} : memref<128xi32, #tpu.memory_space<vmem>>, vector<16xi32>,
      %swap3A_386 = vector.shape_cast %swap3A_385 : vector<16xi32> to vector<16xi32>
      %swap3A_387 = vector.shape_cast %add3A_383 : vector<16xi32> to vector<16xi32>
      tpu.vector_store %arg7[%swap3A_384], %swap3A_387 {strides = array<i32>} : memref<128xi32, #tpu.memory_space<vmem>>, vector<16xi32>,
      %shift_right_logical3A_388 = arith.constant 15 : i32
      %shift_right_logical3A_389 = vector.broadcast %shift_right_logical3A_388 : i32 to vector<16xi32>
      %shift_right_logical3A_390 = arith.shrui %get3A_378, %shift_right_logical3A_389 : vector<16xi32>
      %swap3A_391 = arith.constant 0 : index
      %swap3A_392 = tpu.vector_load %arg9[%swap3A_391] {strides = array<i32>} : memref<128xi32, #tpu.memory_space<vmem>>, vector<16xi32>,
      %swap3A_393 = vector.shape_cast %swap3A_392 : vector<16xi32> to vector<16xi32>
      %swap3A_394 = vector.shape_cast %shift_right_logical3A_390 : vector<16xi32> to vector<16xi32>
      tpu.vector_store %arg9[%swap3A_391], %swap3A_394 {strides = array<i32>} : memref<128xi32, #tpu.memory_space<vmem>>, vector<16xi32>,
      %get3A_395 = arith.index_cast %add3A_374 : i32 to index
      %get3A_396 = arith.constant 16 : index
      %get3A_397 = tpu.vector_load %arg6[%get3A_395, %get3A_396] {strides = array<i32>} : memref<80x128xi32, #tpu.memory_space<vmem>>, vector<1x16xi32>,
      %get3A_398 = vector.shape_cast %get3A_397 : vector<1x16xi32> to vector<16xi32>
      %and3A_399 = arith.constant 32767 : i32
      %and3A_400 = vector.broadcast %and3A_399 : i32 to vector<16xi32>
      %and3A_401 = arith.andi %get3A_398, %and3A_400 : vector<16xi32>
      %add3A_402 = vector.broadcast %mul3A_0 : i32 to vector<16xi32>
      %add3A_403 = arith.addi %and3A_401, %add3A_402 : vector<16xi32>
      %swap3A_404 = arith.constant 16 : index
      %swap3A_405 = tpu.vector_load %arg7[%swap3A_404] {strides = array<i32>} : memref<128xi32, #tpu.memory_space<vmem>>, vector<16xi32>,
      %swap3A_406 = vector.shape_cast %swap3A_405 : vector<16xi32> to vector<16xi32>
      %swap3A_407 = vector.shape_cast %add3A_403 : vector<16xi32> to vector<16xi32>
      tpu.vector_store %arg7[%swap3A_404], %swap3A_407 {strides = array<i32>} : memref<128xi32, #tpu.memory_space<vmem>>, vector<16xi32>,
      %shift_right_logical3A_408 = arith.constant 15 : i32
      %shift_right_logical3A_409 = vector.broadcast %shift_right_logical3A_408 : i32 to vector<16xi32>
      %shift_right_logical3A_410 = arith.shrui %get3A_398, %shift_right_logical3A_409 : vector<16xi32>
      %swap3A_411 = arith.constant 16 : index
      %swap3A_412 = tpu.vector_load %arg9[%swap3A_411] {strides = array<i32>} : memref<128xi32, #tpu.memory_space<vmem>>, vector<16xi32>,
      %swap3A_413 = vector.shape_cast %swap3A_412 : vector<16xi32> to vector<16xi32>
      %swap3A_414 = vector.shape_cast %shift_right_logical3A_410 : vector<16xi32> to vector<16xi32>
      tpu.vector_store %arg9[%swap3A_411], %swap3A_414 {strides = array<i32>} : memref<128xi32, #tpu.memory_space<vmem>>, vector<16xi32>,
      %get3A_415 = arith.index_cast %add3A_374 : i32 to index
      %get3A_416 = arith.constant 32 : index
      %get3A_417 = tpu.vector_load %arg6[%get3A_415, %get3A_416] {strides = array<i32>} : memref<80x128xi32, #tpu.memory_space<vmem>>, vector<1x16xi32>,
      %get3A_418 = vector.shape_cast %get3A_417 : vector<1x16xi32> to vector<16xi32>
      %and3A_419 = arith.constant 32767 : i32
      %and3A_420 = vector.broadcast %and3A_419 : i32 to vector<16xi32>
      %and3A_421 = arith.andi %get3A_418, %and3A_420 : vector<16xi32>
      %add3A_422 = vector.broadcast %mul3A_0 : i32 to vector<16xi32>
      %add3A_423 = arith.addi %and3A_421, %add3A_422 : vector<16xi32>
      %swap3A_424 = arith.constant 32 : index
      %swap3A_425 = tpu.vector_load %arg7[%swap3A_424] {strides = array<i32>} : memref<128xi32, #tpu.memory_space<vmem>>, vector<16xi32>,
      %swap3A_426 = vector.shape_cast %swap3A_425 : vector<16xi32> to vector<16xi32>
      %swap3A_427 = vector.shape_cast %add3A_423 : vector<16xi32> to vector<16xi32>
      tpu.vector_store %arg7[%swap3A_424], %swap3A_427 {strides = array<i32>} : memref<128xi32, #tpu.memory_space<vmem>>, vector<16xi32>,
      %shift_right_logical3A_428 = arith.constant 15 : i32
      %shift_right_logical3A_429 = vector.broadcast %shift_right_logical3A_428 : i32 to vector<16xi32>
      %shift_right_logical3A_430 = arith.shrui %get3A_418, %shift_right_logical3A_429 : vector<16xi32>
      %swap3A_431 = arith.constant 32 : index
      %swap3A_432 = tpu.vector_load %arg9[%swap3A_431] {strides = array<i32>} : memref<128xi32, #tpu.memory_space<vmem>>, vector<16xi32>,
      %swap3A_433 = vector.shape_cast %swap3A_432 : vector<16xi32> to vector<16xi32>
      %swap3A_434 = vector.shape_cast %shift_right_logical3A_430 : vector<16xi32> to vector<16xi32>
      tpu.vector_store %arg9[%swap3A_431], %swap3A_434 {strides = array<i32>} : memref<128xi32, #tpu.memory_space<vmem>>, vector<16xi32>,
      %get3A_435 = arith.index_cast %add3A_374 : i32 to index
      %get3A_436 = arith.constant 48 : index
      %get3A_437 = tpu.vector_load %arg6[%get3A_435, %get3A_436] {strides = array<i32>} : memref<80x128xi32, #tpu.memory_space<vmem>>, vector<1x16xi32>,
      %get3A_438 = vector.shape_cast %get3A_437 : vector<1x16xi32> to vector<16xi32>
      %and3A_439 = arith.constant 32767 : i32
      %and3A_440 = vector.broadcast %and3A_439 : i32 to vector<16xi32>
      %and3A_441 = arith.andi %get3A_438, %and3A_440 : vector<16xi32>
      %add3A_442 = vector.broadcast %mul3A_0 : i32 to vector<16xi32>
      %add3A_443 = arith.addi %and3A_441, %add3A_442 : vector<16xi32>
      %swap3A_444 = arith.constant 48 : index
      %swap3A_445 = tpu.vector_load %arg7[%swap3A_444] {strides = array<i32>} : memref<128xi32, #tpu.memory_space<vmem>>, vector<16xi32>,
      %swap3A_446 = vector.shape_cast %swap3A_445 : vector<16xi32> to vector<16xi32>
      %swap3A_447 = vector.shape_cast %add3A_443 : vector<16xi32> to vector<16xi32>
      tpu.vector_store %arg7[%swap3A_444], %swap3A_447 {strides = array<i32>} : memref<128xi32, #tpu.memory_space<vmem>>, vector<16xi32>,
      %shift_right_logical3A_448 = arith.constant 15 : i32
      %shift_right_logical3A_449 = vector.broadcast %shift_right_logical3A_448 : i32 to vector<16xi32>
      %shift_right_logical3A_450 = arith.shrui %get3A_438, %shift_right_logical3A_449 : vector<16xi32>
      %swap3A_451 = arith.constant 48 : index
      %swap3A_452 = tpu.vector_load %arg9[%swap3A_451] {strides = array<i32>} : memref<128xi32, #tpu.memory_space<vmem>>, vector<16xi32>,
      %swap3A_453 = vector.shape_cast %swap3A_452 : vector<16xi32> to vector<16xi32>
      %swap3A_454 = vector.shape_cast %shift_right_logical3A_450 : vector<16xi32> to vector<16xi32>
      tpu.vector_store %arg9[%swap3A_451], %swap3A_454 {strides = array<i32>} : memref<128xi32, #tpu.memory_space<vmem>>, vector<16xi32>,
      %get3A_455 = arith.index_cast %add3A_374 : i32 to index
      %get3A_456 = arith.constant 64 : index
      %get3A_457 = tpu.vector_load %arg6[%get3A_455, %get3A_456] {strides = array<i32>} : memref<80x128xi32, #tpu.memory_space<vmem>>, vector<1x16xi32>,
      %get3A_458 = vector.shape_cast %get3A_457 : vector<1x16xi32> to vector<16xi32>
      %and3A_459 = arith.constant 32767 : i32
      %and3A_460 = vector.broadcast %and3A_459 : i32 to vector<16xi32>
      %and3A_461 = arith.andi %get3A_458, %and3A_460 : vector<16xi32>
      %add3A_462 = vector.broadcast %mul3A_0 : i32 to vector<16xi32>
      %add3A_463 = arith.addi %and3A_461, %add3A_462 : vector<16xi32>
      %swap3A_464 = arith.constant 64 : index
      %swap3A_465 = tpu.vector_load %arg7[%swap3A_464] {strides = array<i32>} : memref<128xi32, #tpu.memory_space<vmem>>, vector<16xi32>,
      %swap3A_466 = vector.shape_cast %swap3A_465 : vector<16xi32> to vector<16xi32>
      %swap3A_467 = vector.shape_cast %add3A_463 : vector<16xi32> to vector<16xi32>
      tpu.vector_store %arg7[%swap3A_464], %swap3A_467 {strides = array<i32>} : memref<128xi32, #tpu.memory_space<vmem>>, vector<16xi32>,
      %shift_right_logical3A_468 = arith.constant 15 : i32
      %shift_right_logical3A_469 = vector.broadcast %shift_right_logical3A_468 : i32 to vector<16xi32>
      %shift_right_logical3A_470 = arith.shrui %get3A_458, %shift_right_logical3A_469 : vector<16xi32>
      %swap3A_471 = arith.constant 64 : index
      %swap3A_472 = tpu.vector_load %arg9[%swap3A_471] {strides = array<i32>} : memref<128xi32, #tpu.memory_space<vmem>>, vector<16xi32>,
      %swap3A_473 = vector.shape_cast %swap3A_472 : vector<16xi32> to vector<16xi32>
      %swap3A_474 = vector.shape_cast %shift_right_logical3A_470 : vector<16xi32> to vector<16xi32>
      tpu.vector_store %arg9[%swap3A_471], %swap3A_474 {strides = array<i32>} : memref<128xi32, #tpu.memory_space<vmem>>, vector<16xi32>,
      %get3A_475 = arith.index_cast %add3A_374 : i32 to index
      %get3A_476 = arith.constant 80 : index
      %get3A_477 = tpu.vector_load %arg6[%get3A_475, %get3A_476] {strides = array<i32>} : memref<80x128xi32, #tpu.memory_space<vmem>>, vector<1x16xi32>,
      %get3A_478 = vector.shape_cast %get3A_477 : vector<1x16xi32> to vector<16xi32>
      %and3A_479 = arith.constant 32767 : i32
      %and3A_480 = vector.broadcast %and3A_479 : i32 to vector<16xi32>
      %and3A_481 = arith.andi %get3A_478, %and3A_480 : vector<16xi32>
      %add3A_482 = vector.broadcast %mul3A_0 : i32 to vector<16xi32>
      %add3A_483 = arith.addi %and3A_481, %add3A_482 : vector<16xi32>
      %swap3A_484 = arith.constant 80 : index
      %swap3A_485 = tpu.vector_load %arg7[%swap3A_484] {strides = array<i32>} : memref<128xi32, #tpu.memory_space<vmem>>, vector<16xi32>,
      %swap3A_486 = vector.shape_cast %swap3A_485 : vector<16xi32> to vector<16xi32>
      %swap3A_487 = vector.shape_cast %add3A_483 : vector<16xi32> to vector<16xi32>
      tpu.vector_store %arg7[%swap3A_484], %swap3A_487 {strides = array<i32>} : memref<128xi32, #tpu.memory_space<vmem>>, vector<16xi32>,
      %shift_right_logical3A_488 = arith.constant 15 : i32
      %shift_right_logical3A_489 = vector.broadcast %shift_right_logical3A_488 : i32 to vector<16xi32>
      %shift_right_logical3A_490 = arith.shrui %get3A_478, %shift_right_logical3A_489 : vector<16xi32>
      %swap3A_491 = arith.constant 80 : index
      %swap3A_492 = tpu.vector_load %arg9[%swap3A_491] {strides = array<i32>} : memref<128xi32, #tpu.memory_space<vmem>>, vector<16xi32>,
      %swap3A_493 = vector.shape_cast %swap3A_492 : vector<16xi32> to vector<16xi32>
      %swap3A_494 = vector.shape_cast %shift_right_logical3A_490 : vector<16xi32> to vector<16xi32>
      tpu.vector_store %arg9[%swap3A_491], %swap3A_494 {strides = array<i32>} : memref<128xi32, #tpu.memory_space<vmem>>, vector<16xi32>,
      %get3A_495 = arith.index_cast %add3A_374 : i32 to index
      %get3A_496 = arith.constant 96 : index
      %get3A_497 = tpu.vector_load %arg6[%get3A_495, %get3A_496] {strides = array<i32>} : memref<80x128xi32, #tpu.memory_space<vmem>>, vector<1x16xi32>,
      %get3A_498 = vector.shape_cast %get3A_497 : vector<1x16xi32> to vector<16xi32>
      %and3A_499 = arith.constant 32767 : i32
      %and3A_500 = vector.broadcast %and3A_499 : i32 to vector<16xi32>
      %and3A_501 = arith.andi %get3A_498, %and3A_500 : vector<16xi32>
      %add3A_502 = vector.broadcast %mul3A_0 : i32 to vector<16xi32>
      %add3A_503 = arith.addi %and3A_501, %add3A_502 : vector<16xi32>
      %swap3A_504 = arith.constant 96 : index
      %swap3A_505 = tpu.vector_load %arg7[%swap3A_504] {strides = array<i32>} : memref<128xi32, #tpu.memory_space<vmem>>, vector<16xi32>,
      %swap3A_506 = vector.shape_cast %swap3A_505 : vector<16xi32> to vector<16xi32>
      %swap3A_507 = vector.shape_cast %add3A_503 : vector<16xi32> to vector<16xi32>
      tpu.vector_store %arg7[%swap3A_504], %swap3A_507 {strides = array<i32>} : memref<128xi32, #tpu.memory_space<vmem>>, vector<16xi32>,
      %shift_right_logical3A_508 = arith.constant 15 : i32
      %shift_right_logical3A_509 = vector.broadcast %shift_right_logical3A_508 : i32 to vector<16xi32>
      %shift_right_logical3A_510 = arith.shrui %get3A_498, %shift_right_logical3A_509 : vector<16xi32>
      %swap3A_511 = arith.constant 96 : index
      %swap3A_512 = tpu.vector_load %arg9[%swap3A_511] {strides = array<i32>} : memref<128xi32, #tpu.memory_space<vmem>>, vector<16xi32>,
      %swap3A_513 = vector.shape_cast %swap3A_512 : vector<16xi32> to vector<16xi32>
      %swap3A_514 = vector.shape_cast %shift_right_logical3A_510 : vector<16xi32> to vector<16xi32>
      tpu.vector_store %arg9[%swap3A_511], %swap3A_514 {strides = array<i32>} : memref<128xi32, #tpu.memory_space<vmem>>, vector<16xi32>,
      %get3A_515 = arith.index_cast %add3A_374 : i32 to index
      %get3A_516 = arith.constant 112 : index
      %get3A_517 = tpu.vector_load %arg6[%get3A_515, %get3A_516] {strides = array<i32>} : memref<80x128xi32, #tpu.memory_space<vmem>>, vector<1x16xi32>,
      %get3A_518 = vector.shape_cast %get3A_517 : vector<1x16xi32> to vector<16xi32>
      %and3A_519 = arith.constant 32767 : i32
      %and3A_520 = vector.broadcast %and3A_519 : i32 to vector<16xi32>
      %and3A_521 = arith.andi %get3A_518, %and3A_520 : vector<16xi32>
      %add3A_522 = vector.broadcast %mul3A_0 : i32 to vector<16xi32>
      %add3A_523 = arith.addi %and3A_521, %add3A_522 : vector<16xi32>
      %swap3A_524 = arith.constant 112 : index
      %swap3A_525 = tpu.vector_load %arg7[%swap3A_524] {strides = array<i32>} : memref<128xi32, #tpu.memory_space<vmem>>, vector<16xi32>,
      %swap3A_526 = vector.shape_cast %swap3A_525 : vector<16xi32> to vector<16xi32>
      %swap3A_527 = vector.shape_cast %add3A_523 : vector<16xi32> to vector<16xi32>
      tpu.vector_store %arg7[%swap3A_524], %swap3A_527 {strides = array<i32>} : memref<128xi32, #tpu.memory_space<vmem>>, vector<16xi32>,
      %shift_right_logical3A_528 = arith.constant 15 : i32
      %shift_right_logical3A_529 = vector.broadcast %shift_right_logical3A_528 : i32 to vector<16xi32>
      %shift_right_logical3A_530 = arith.shrui %get3A_518, %shift_right_logical3A_529 : vector<16xi32>
      %swap3A_531 = arith.constant 112 : index
      %swap3A_532 = tpu.vector_load %arg9[%swap3A_531] {strides = array<i32>} : memref<128xi32, #tpu.memory_space<vmem>>, vector<16xi32>,
      %swap3A_533 = vector.shape_cast %swap3A_532 : vector<16xi32> to vector<16xi32>
      %swap3A_534 = vector.shape_cast %shift_right_logical3A_530 : vector<16xi32> to vector<16xi32>
      tpu.vector_store %arg9[%swap3A_531], %swap3A_534 {strides = array<i32>} : memref<128xi32, #tpu.memory_space<vmem>>, vector<16xi32>,
      %dma_start3A_535 = arith.constant 0 : i32
      %dma_start3A_536 = arith.constant 0 : i32
      %dma_start3A_537 = tpu.memref_slice %arg2[%dma_start3A_535, %dma_start3A_536] : memref<20000x128xf32, #tpu.memory_space<hbm>> -> memref<20000x128xf32, #tpu.memory_space<hbm>>
      tpu.enqueue_indirect_dma source(%dma_start3A_537 : memref<20000x128xf32, #tpu.memory_space<hbm>>) target(%arg11 : memref<128x128xf32, #tpu.memory_space<vmem>>) offsets(%arg7 : memref<128xi32, #tpu.memory_space<vmem>>) semaphore(%arg13 : memref<!tpu.dma_semaphore, #tpu.memory_space<semaphore_mem>>)
      %dma_wait3A_538 = arith.constant 0 : i32
      %dma_wait3A_539 = arith.constant 0 : i32
      %dma_wait3A_540 = tpu.memref_slice %arg2[%dma_wait3A_538, %dma_wait3A_539] : memref<20000x128xf32, #tpu.memory_space<hbm>> -> memref<20000x128xf32, #tpu.memory_space<hbm>>
      tpu.wait_indirect_dma semaphore(%arg14 : memref<!tpu.dma_semaphore, #tpu.memory_space<semaphore_mem>>) src(%dma_wait3A_540 : memref<20000x128xf32, #tpu.memory_space<hbm>>) dst(%arg12 : memref<128x128xf32, #tpu.memory_space<vmem>>)
      "tpu.region"() ({
        %run_scoped3A = tpu.sem_alloc : memref<!tpu.dma_semaphore, #tpu.memory_space<semaphore_mem>>
        %dma_start3A_708 = arith.constant 0 : i32
        %dma_start3A_709 = arith.constant 0 : i32
        %dma_start3A_710 = tpu.memref_slice %arg5[%dma_start3A_708, %dma_start3A_709] : memref<10016x128xf32, #tpu.memory_space<vmem_shared>> -> memref<10016x128xf32, #tpu.memory_space<vmem_shared>>
        tpu.enqueue_indirect_dma source(%arg12 : memref<128x128xf32, #tpu.memory_space<vmem>>) target(%dma_start3A_710 : memref<10016x128xf32, #tpu.memory_space<vmem_shared>>) offsets(%arg10 : memref<128xi32, #tpu.memory_space<vmem>>) semaphore(%run_scoped3A : memref<!tpu.dma_semaphore, #tpu.memory_space<semaphore_mem>>) {add = true}
        %dma_wait3A_711 = arith.constant 0 : i32
        %dma_wait3A_712 = arith.constant 0 : i32
        %dma_wait3A_713 = tpu.memref_slice %arg5[%dma_wait3A_711, %dma_wait3A_712] : memref<10016x128xf32, #tpu.memory_space<vmem_shared>> -> memref<10016x128xf32, #tpu.memory_space<vmem_shared>>
        tpu.wait_indirect_dma semaphore(%run_scoped3A : memref<!tpu.dma_semaphore, #tpu.memory_space<semaphore_mem>>) src(%arg12 : memref<128x128xf32, #tpu.memory_space<vmem>>) dst(%dma_wait3A_713 : memref<10016x128xf32, #tpu.memory_space<vmem_shared>>)
        tpu.yield
      }) : () -> ()
      %add3A_541 = arith.constant 1 : i32
      %add3A_542 = arith.addi %mul3A_367, %add3A_541 : i32
      %add3A_543 = arith.constant 2 : i32
      %add3A_544 = arith.addi %add3A_542, %add3A_543 : i32
      %get3A_545 = arith.index_cast %add3A_544 : i32 to index
      %get3A_546 = arith.constant 0 : index
      %get3A_547 = tpu.vector_load %arg6[%get3A_545, %get3A_546] {strides = array<i32>} : memref<80x128xi32, #tpu.memory_space<vmem>>, vector<1x16xi32>,
      %get3A_548 = vector.shape_cast %get3A_547 : vector<1x16xi32> to vector<16xi32>
      %and3A_549 = arith.constant 32767 : i32
      %and3A_550 = vector.broadcast %and3A_549 : i32 to vector<16xi32>
      %and3A_551 = arith.andi %get3A_548, %and3A_550 : vector<16xi32>
      %add3A_552 = vector.broadcast %mul3A_0 : i32 to vector<16xi32>
      %add3A_553 = arith.addi %and3A_551, %add3A_552 : vector<16xi32>
      %swap3A_554 = arith.constant 0 : index
      %swap3A_555 = tpu.vector_load %arg8[%swap3A_554] {strides = array<i32>} : memref<128xi32, #tpu.memory_space<vmem>>, vector<16xi32>,
      %swap3A_556 = vector.shape_cast %swap3A_555 : vector<16xi32> to vector<16xi32>
      %swap3A_557 = vector.shape_cast %add3A_553 : vector<16xi32> to vector<16xi32>
      tpu.vector_store %arg8[%swap3A_554], %swap3A_557 {strides = array<i32>} : memref<128xi32, #tpu.memory_space<vmem>>, vector<16xi32>,
      %shift_right_logical3A_558 = arith.constant 15 : i32
      %shift_right_logical3A_559 = vector.broadcast %shift_right_logical3A_558 : i32 to vector<16xi32>
      %shift_right_logical3A_560 = arith.shrui %get3A_548, %shift_right_logical3A_559 : vector<16xi32>
      %swap3A_561 = arith.constant 0 : index
      %swap3A_562 = tpu.vector_load %arg10[%swap3A_561] {strides = array<i32>} : memref<128xi32, #tpu.memory_space<vmem>>, vector<16xi32>,
      %swap3A_563 = vector.shape_cast %swap3A_562 : vector<16xi32> to vector<16xi32>
      %swap3A_564 = vector.shape_cast %shift_right_logical3A_560 : vector<16xi32> to vector<16xi32>
      tpu.vector_store %arg10[%swap3A_561], %swap3A_564 {strides = array<i32>} : memref<128xi32, #tpu.memory_space<vmem>>, vector<16xi32>,
      %get3A_565 = arith.index_cast %add3A_544 : i32 to index
      %get3A_566 = arith.constant 16 : index
      %get3A_567 = tpu.vector_load %arg6[%get3A_565, %get3A_566] {strides = array<i32>} : memref<80x128xi32, #tpu.memory_space<vmem>>, vector<1x16xi32>,
      %get3A_568 = vector.shape_cast %get3A_567 : vector<1x16xi32> to vector<16xi32>
      %and3A_569 = arith.constant 32767 : i32
      %and3A_570 = vector.broadcast %and3A_569 : i32 to vector<16xi32>
      %and3A_571 = arith.andi %get3A_568, %and3A_570 : vector<16xi32>
      %add3A_572 = vector.broadcast %mul3A_0 : i32 to vector<16xi32>
      %add3A_573 = arith.addi %and3A_571, %add3A_572 : vector<16xi32>
      %swap3A_574 = arith.constant 16 : index
      %swap3A_575 = tpu.vector_load %arg8[%swap3A_574] {strides = array<i32>} : memref<128xi32, #tpu.memory_space<vmem>>, vector<16xi32>,
      %swap3A_576 = vector.shape_cast %swap3A_575 : vector<16xi32> to vector<16xi32>
      %swap3A_577 = vector.shape_cast %add3A_573 : vector<16xi32> to vector<16xi32>
      tpu.vector_store %arg8[%swap3A_574], %swap3A_577 {strides = array<i32>} : memref<128xi32, #tpu.memory_space<vmem>>, vector<16xi32>,
      %shift_right_logical3A_578 = arith.constant 15 : i32
      %shift_right_logical3A_579 = vector.broadcast %shift_right_logical3A_578 : i32 to vector<16xi32>
      %shift_right_logical3A_580 = arith.shrui %get3A_568, %shift_right_logical3A_579 : vector<16xi32>
      %swap3A_581 = arith.constant 16 : index
      %swap3A_582 = tpu.vector_load %arg10[%swap3A_581] {strides = array<i32>} : memref<128xi32, #tpu.memory_space<vmem>>, vector<16xi32>,
      %swap3A_583 = vector.shape_cast %swap3A_582 : vector<16xi32> to vector<16xi32>
      %swap3A_584 = vector.shape_cast %shift_right_logical3A_580 : vector<16xi32> to vector<16xi32>
      tpu.vector_store %arg10[%swap3A_581], %swap3A_584 {strides = array<i32>} : memref<128xi32, #tpu.memory_space<vmem>>, vector<16xi32>,
      %get3A_585 = arith.index_cast %add3A_544 : i32 to index
      %get3A_586 = arith.constant 32 : index
      %get3A_587 = tpu.vector_load %arg6[%get3A_585, %get3A_586] {strides = array<i32>} : memref<80x128xi32, #tpu.memory_space<vmem>>, vector<1x16xi32>,
      %get3A_588 = vector.shape_cast %get3A_587 : vector<1x16xi32> to vector<16xi32>
      %and3A_589 = arith.constant 32767 : i32
      %and3A_590 = vector.broadcast %and3A_589 : i32 to vector<16xi32>
      %and3A_591 = arith.andi %get3A_588, %and3A_590 : vector<16xi32>
      %add3A_592 = vector.broadcast %mul3A_0 : i32 to vector<16xi32>
      %add3A_593 = arith.addi %and3A_591, %add3A_592 : vector<16xi32>
      %swap3A_594 = arith.constant 32 : index
      %swap3A_595 = tpu.vector_load %arg8[%swap3A_594] {strides = array<i32>} : memref<128xi32, #tpu.memory_space<vmem>>, vector<16xi32>,
      %swap3A_596 = vector.shape_cast %swap3A_595 : vector<16xi32> to vector<16xi32>
      %swap3A_597 = vector.shape_cast %add3A_593 : vector<16xi32> to vector<16xi32>
      tpu.vector_store %arg8[%swap3A_594], %swap3A_597 {strides = array<i32>} : memref<128xi32, #tpu.memory_space<vmem>>, vector<16xi32>,
      %shift_right_logical3A_598 = arith.constant 15 : i32
      %shift_right_logical3A_599 = vector.broadcast %shift_right_logical3A_598 : i32 to vector<16xi32>
      %shift_right_logical3A_600 = arith.shrui %get3A_588, %shift_right_logical3A_599 : vector<16xi32>
      %swap3A_601 = arith.constant 32 : index
      %swap3A_602 = tpu.vector_load %arg10[%swap3A_601] {strides = array<i32>} : memref<128xi32, #tpu.memory_space<vmem>>, vector<16xi32>,
      %swap3A_603 = vector.shape_cast %swap3A_602 : vector<16xi32> to vector<16xi32>
      %swap3A_604 = vector.shape_cast %shift_right_logical3A_600 : vector<16xi32> to vector<16xi32>
      tpu.vector_store %arg10[%swap3A_601], %swap3A_604 {strides = array<i32>} : memref<128xi32, #tpu.memory_space<vmem>>, vector<16xi32>,
      %get3A_605 = arith.index_cast %add3A_544 : i32 to index
      %get3A_606 = arith.constant 48 : index
      %get3A_607 = tpu.vector_load %arg6[%get3A_605, %get3A_606] {strides = array<i32>} : memref<80x128xi32, #tpu.memory_space<vmem>>, vector<1x16xi32>,
      %get3A_608 = vector.shape_cast %get3A_607 : vector<1x16xi32> to vector<16xi32>
      %and3A_609 = arith.constant 32767 : i32
      %and3A_610 = vector.broadcast %and3A_609 : i32 to vector<16xi32>
      %and3A_611 = arith.andi %get3A_608, %and3A_610 : vector<16xi32>
      %add3A_612 = vector.broadcast %mul3A_0 : i32 to vector<16xi32>
      %add3A_613 = arith.addi %and3A_611, %add3A_612 : vector<16xi32>
      %swap3A_614 = arith.constant 48 : index
      %swap3A_615 = tpu.vector_load %arg8[%swap3A_614] {strides = array<i32>} : memref<128xi32, #tpu.memory_space<vmem>>, vector<16xi32>,
      %swap3A_616 = vector.shape_cast %swap3A_615 : vector<16xi32> to vector<16xi32>
      %swap3A_617 = vector.shape_cast %add3A_613 : vector<16xi32> to vector<16xi32>
      tpu.vector_store %arg8[%swap3A_614], %swap3A_617 {strides = array<i32>} : memref<128xi32, #tpu.memory_space<vmem>>, vector<16xi32>,
      %shift_right_logical3A_618 = arith.constant 15 : i32
      %shift_right_logical3A_619 = vector.broadcast %shift_right_logical3A_618 : i32 to vector<16xi32>
      %shift_right_logical3A_620 = arith.shrui %get3A_608, %shift_right_logical3A_619 : vector<16xi32>
      %swap3A_621 = arith.constant 48 : index
      %swap3A_622 = tpu.vector_load %arg10[%swap3A_621] {strides = array<i32>} : memref<128xi32, #tpu.memory_space<vmem>>, vector<16xi32>,
      %swap3A_623 = vector.shape_cast %swap3A_622 : vector<16xi32> to vector<16xi32>
      %swap3A_624 = vector.shape_cast %shift_right_logical3A_620 : vector<16xi32> to vector<16xi32>
      tpu.vector_store %arg10[%swap3A_621], %swap3A_624 {strides = array<i32>} : memref<128xi32, #tpu.memory_space<vmem>>, vector<16xi32>,
      %get3A_625 = arith.index_cast %add3A_544 : i32 to index
      %get3A_626 = arith.constant 64 : index
      %get3A_627 = tpu.vector_load %arg6[%get3A_625, %get3A_626] {strides = array<i32>} : memref<80x128xi32, #tpu.memory_space<vmem>>, vector<1x16xi32>,
      %get3A_628 = vector.shape_cast %get3A_627 : vector<1x16xi32> to vector<16xi32>
      %and3A_629 = arith.constant 32767 : i32
      %and3A_630 = vector.broadcast %and3A_629 : i32 to vector<16xi32>
      %and3A_631 = arith.andi %get3A_628, %and3A_630 : vector<16xi32>
      %add3A_632 = vector.broadcast %mul3A_0 : i32 to vector<16xi32>
      %add3A_633 = arith.addi %and3A_631, %add3A_632 : vector<16xi32>
      %swap3A_634 = arith.constant 64 : index
      %swap3A_635 = tpu.vector_load %arg8[%swap3A_634] {strides = array<i32>} : memref<128xi32, #tpu.memory_space<vmem>>, vector<16xi32>,
      %swap3A_636 = vector.shape_cast %swap3A_635 : vector<16xi32> to vector<16xi32>
      %swap3A_637 = vector.shape_cast %add3A_633 : vector<16xi32> to vector<16xi32>
      tpu.vector_store %arg8[%swap3A_634], %swap3A_637 {strides = array<i32>} : memref<128xi32, #tpu.memory_space<vmem>>, vector<16xi32>,
      %shift_right_logical3A_638 = arith.constant 15 : i32
      %shift_right_logical3A_639 = vector.broadcast %shift_right_logical3A_638 : i32 to vector<16xi32>
      %shift_right_logical3A_640 = arith.shrui %get3A_628, %shift_right_logical3A_639 : vector<16xi32>
      %swap3A_641 = arith.constant 64 : index
      %swap3A_642 = tpu.vector_load %arg10[%swap3A_641] {strides = array<i32>} : memref<128xi32, #tpu.memory_space<vmem>>, vector<16xi32>,
      %swap3A_643 = vector.shape_cast %swap3A_642 : vector<16xi32> to vector<16xi32>
      %swap3A_644 = vector.shape_cast %shift_right_logical3A_640 : vector<16xi32> to vector<16xi32>
      tpu.vector_store %arg10[%swap3A_641], %swap3A_644 {strides = array<i32>} : memref<128xi32, #tpu.memory_space<vmem>>, vector<16xi32>,
      %get3A_645 = arith.index_cast %add3A_544 : i32 to index
      %get3A_646 = arith.constant 80 : index
      %get3A_647 = tpu.vector_load %arg6[%get3A_645, %get3A_646] {strides = array<i32>} : memref<80x128xi32, #tpu.memory_space<vmem>>, vector<1x16xi32>,
      %get3A_648 = vector.shape_cast %get3A_647 : vector<1x16xi32> to vector<16xi32>
      %and3A_649 = arith.constant 32767 : i32
      %and3A_650 = vector.broadcast %and3A_649 : i32 to vector<16xi32>
      %and3A_651 = arith.andi %get3A_648, %and3A_650 : vector<16xi32>
      %add3A_652 = vector.broadcast %mul3A_0 : i32 to vector<16xi32>
      %add3A_653 = arith.addi %and3A_651, %add3A_652 : vector<16xi32>
      %swap3A_654 = arith.constant 80 : index
      %swap3A_655 = tpu.vector_load %arg8[%swap3A_654] {strides = array<i32>} : memref<128xi32, #tpu.memory_space<vmem>>, vector<16xi32>,
      %swap3A_656 = vector.shape_cast %swap3A_655 : vector<16xi32> to vector<16xi32>
      %swap3A_657 = vector.shape_cast %add3A_653 : vector<16xi32> to vector<16xi32>
      tpu.vector_store %arg8[%swap3A_654], %swap3A_657 {strides = array<i32>} : memref<128xi32, #tpu.memory_space<vmem>>, vector<16xi32>,
      %shift_right_logical3A_658 = arith.constant 15 : i32
      %shift_right_logical3A_659 = vector.broadcast %shift_right_logical3A_658 : i32 to vector<16xi32>
      %shift_right_logical3A_660 = arith.shrui %get3A_648, %shift_right_logical3A_659 : vector<16xi32>
      %swap3A_661 = arith.constant 80 : index
      %swap3A_662 = tpu.vector_load %arg10[%swap3A_661] {strides = array<i32>} : memref<128xi32, #tpu.memory_space<vmem>>, vector<16xi32>,
      %swap3A_663 = vector.shape_cast %swap3A_662 : vector<16xi32> to vector<16xi32>
      %swap3A_664 = vector.shape_cast %shift_right_logical3A_660 : vector<16xi32> to vector<16xi32>
      tpu.vector_store %arg10[%swap3A_661], %swap3A_664 {strides = array<i32>} : memref<128xi32, #tpu.memory_space<vmem>>, vector<16xi32>,
      %get3A_665 = arith.index_cast %add3A_544 : i32 to index
      %get3A_666 = arith.constant 96 : index
      %get3A_667 = tpu.vector_load %arg6[%get3A_665, %get3A_666] {strides = array<i32>} : memref<80x128xi32, #tpu.memory_space<vmem>>, vector<1x16xi32>,
      %get3A_668 = vector.shape_cast %get3A_667 : vector<1x16xi32> to vector<16xi32>
      %and3A_669 = arith.constant 32767 : i32
      %and3A_670 = vector.broadcast %and3A_669 : i32 to vector<16xi32>
      %and3A_671 = arith.andi %get3A_668, %and3A_670 : vector<16xi32>
      %add3A_672 = vector.broadcast %mul3A_0 : i32 to vector<16xi32>
      %add3A_673 = arith.addi %and3A_671, %add3A_672 : vector<16xi32>
      %swap3A_674 = arith.constant 96 : index
      %swap3A_675 = tpu.vector_load %arg8[%swap3A_674] {strides = array<i32>} : memref<128xi32, #tpu.memory_space<vmem>>, vector<16xi32>,
      %swap3A_676 = vector.shape_cast %swap3A_675 : vector<16xi32> to vector<16xi32>
      %swap3A_677 = vector.shape_cast %add3A_673 : vector<16xi32> to vector<16xi32>
      tpu.vector_store %arg8[%swap3A_674], %swap3A_677 {strides = array<i32>} : memref<128xi32, #tpu.memory_space<vmem>>, vector<16xi32>,
      %shift_right_logical3A_678 = arith.constant 15 : i32
      %shift_right_logical3A_679 = vector.broadcast %shift_right_logical3A_678 : i32 to vector<16xi32>
      %shift_right_logical3A_680 = arith.shrui %get3A_668, %shift_right_logical3A_679 : vector<16xi32>
      %swap3A_681 = arith.constant 96 : index
      %swap3A_682 = tpu.vector_load %arg10[%swap3A_681] {strides = array<i32>} : memref<128xi32, #tpu.memory_space<vmem>>, vector<16xi32>,
      %swap3A_683 = vector.shape_cast %swap3A_682 : vector<16xi32> to vector<16xi32>
      %swap3A_684 = vector.shape_cast %shift_right_logical3A_680 : vector<16xi32> to vector<16xi32>
      tpu.vector_store %arg10[%swap3A_681], %swap3A_684 {strides = array<i32>} : memref<128xi32, #tpu.memory_space<vmem>>, vector<16xi32>,
      %get3A_685 = arith.index_cast %add3A_544 : i32 to index
      %get3A_686 = arith.constant 112 : index
      %get3A_687 = tpu.vector_load %arg6[%get3A_685, %get3A_686] {strides = array<i32>} : memref<80x128xi32, #tpu.memory_space<vmem>>, vector<1x16xi32>,
      %get3A_688 = vector.shape_cast %get3A_687 : vector<1x16xi32> to vector<16xi32>
      %and3A_689 = arith.constant 32767 : i32
      %and3A_690 = vector.broadcast %and3A_689 : i32 to vector<16xi32>
      %and3A_691 = arith.andi %get3A_688, %and3A_690 : vector<16xi32>
      %add3A_692 = vector.broadcast %mul3A_0 : i32 to vector<16xi32>
      %add3A_693 = arith.addi %and3A_691, %add3A_692 : vector<16xi32>
      %swap3A_694 = arith.constant 112 : index
      %swap3A_695 = tpu.vector_load %arg8[%swap3A_694] {strides = array<i32>} : memref<128xi32, #tpu.memory_space<vmem>>, vector<16xi32>,
      %swap3A_696 = vector.shape_cast %swap3A_695 : vector<16xi32> to vector<16xi32>
      %swap3A_697 = vector.shape_cast %add3A_693 : vector<16xi32> to vector<16xi32>
      tpu.vector_store %arg8[%swap3A_694], %swap3A_697 {strides = array<i32>} : memref<128xi32, #tpu.memory_space<vmem>>, vector<16xi32>,
      %shift_right_logical3A_698 = arith.constant 15 : i32
      %shift_right_logical3A_699 = vector.broadcast %shift_right_logical3A_698 : i32 to vector<16xi32>
      %shift_right_logical3A_700 = arith.shrui %get3A_688, %shift_right_logical3A_699 : vector<16xi32>
      %swap3A_701 = arith.constant 112 : index
      %swap3A_702 = tpu.vector_load %arg10[%swap3A_701] {strides = array<i32>} : memref<128xi32, #tpu.memory_space<vmem>>, vector<16xi32>,
      %swap3A_703 = vector.shape_cast %swap3A_702 : vector<16xi32> to vector<16xi32>
      %swap3A_704 = vector.shape_cast %shift_right_logical3A_700 : vector<16xi32> to vector<16xi32>
      tpu.vector_store %arg10[%swap3A_701], %swap3A_704 {strides = array<i32>} : memref<128xi32, #tpu.memory_space<vmem>>, vector<16xi32>,
      %dma_start3A_705 = arith.constant 0 : i32
      %dma_start3A_706 = arith.constant 0 : i32
      %dma_start3A_707 = tpu.memref_slice %arg2[%dma_start3A_705, %dma_start3A_706] : memref<20000x128xf32, #tpu.memory_space<hbm>> -> memref<20000x128xf32, #tpu.memory_space<hbm>>
      tpu.enqueue_indirect_dma source(%dma_start3A_707 : memref<20000x128xf32, #tpu.memory_space<hbm>>) target(%arg12 : memref<128x128xf32, #tpu.memory_space<vmem>>) offsets(%arg8 : memref<128xi32, #tpu.memory_space<vmem>>) semaphore(%arg14 : memref<!tpu.dma_semaphore, #tpu.memory_space<semaphore_mem>>)
    }
    %scan3A_348 = arith.constant 39 : i32
    %dma_wait3A = arith.constant 0 : i32
    %dma_wait3A_349 = arith.constant 0 : i32
    %dma_wait3A_350 = tpu.memref_slice %arg2[%dma_wait3A, %dma_wait3A_349] : memref<20000x128xf32, #tpu.memory_space<hbm>> -> memref<20000x128xf32, #tpu.memory_space<hbm>>
    tpu.wait_indirect_dma semaphore(%arg13 : memref<!tpu.dma_semaphore, #tpu.memory_space<semaphore_mem>>) src(%dma_wait3A_350 : memref<20000x128xf32, #tpu.memory_space<hbm>>) dst(%arg11 : memref<128x128xf32, #tpu.memory_space<vmem>>)
    "tpu.region"() ({
      %run_scoped3A = tpu.sem_alloc : memref<!tpu.dma_semaphore, #tpu.memory_space<semaphore_mem>>
      %dma_start3A_365 = arith.constant 0 : i32
      %dma_start3A_366 = arith.constant 0 : i32
      %dma_start3A_367 = tpu.memref_slice %arg5[%dma_start3A_365, %dma_start3A_366] : memref<10016x128xf32, #tpu.memory_space<vmem_shared>> -> memref<10016x128xf32, #tpu.memory_space<vmem_shared>>
      tpu.enqueue_indirect_dma source(%arg11 : memref<128x128xf32, #tpu.memory_space<vmem>>) target(%dma_start3A_367 : memref<10016x128xf32, #tpu.memory_space<vmem_shared>>) offsets(%arg9 : memref<128xi32, #tpu.memory_space<vmem>>) semaphore(%run_scoped3A : memref<!tpu.dma_semaphore, #tpu.memory_space<semaphore_mem>>) {add = true}
      %dma_wait3A_368 = arith.constant 0 : i32
      %dma_wait3A_369 = arith.constant 0 : i32
      %dma_wait3A_370 = tpu.memref_slice %arg5[%dma_wait3A_368, %dma_wait3A_369] : memref<10016x128xf32, #tpu.memory_space<vmem_shared>> -> memref<10016x128xf32, #tpu.memory_space<vmem_shared>>
      tpu.wait_indirect_dma semaphore(%run_scoped3A : memref<!tpu.dma_semaphore, #tpu.memory_space<semaphore_mem>>) src(%arg11 : memref<128x128xf32, #tpu.memory_space<vmem>>) dst(%dma_wait3A_370 : memref<10016x128xf32, #tpu.memory_space<vmem_shared>>)
      tpu.yield
    }) : () -> ()
    %dma_wait3A_351 = arith.constant 0 : i32
    %dma_wait3A_352 = arith.constant 0 : i32
    %dma_wait3A_353 = tpu.memref_slice %arg2[%dma_wait3A_351, %dma_wait3A_352] : memref<20000x128xf32, #tpu.memory_space<hbm>> -> memref<20000x128xf32, #tpu.memory_space<hbm>>
    tpu.wait_indirect_dma semaphore(%arg14 : memref<!tpu.dma_semaphore, #tpu.memory_space<semaphore_mem>>) src(%dma_wait3A_353 : memref<20000x128xf32, #tpu.memory_space<hbm>>) dst(%arg12 : memref<128x128xf32, #tpu.memory_space<vmem>>)
    "tpu.region"() ({
      %run_scoped3A = tpu.sem_alloc : memref<!tpu.dma_semaphore, #tpu.memory_space<semaphore_mem>>
      %dma_start3A_365 = arith.constant 0 : i32
      %dma_start3A_366 = arith.constant 0 : i32
      %dma_start3A_367 = tpu.memref_slice %arg5[%dma_start3A_365, %dma_start3A_366] : memref<10016x128xf32, #tpu.memory_space<vmem_shared>> -> memref<10016x128xf32, #tpu.memory_space<vmem_shared>>
      tpu.enqueue_indirect_dma source(%arg12 : memref<128x128xf32, #tpu.memory_space<vmem>>) target(%dma_start3A_367 : memref<10016x128xf32, #tpu.memory_space<vmem_shared>>) offsets(%arg10 : memref<128xi32, #tpu.memory_space<vmem>>) semaphore(%run_scoped3A : memref<!tpu.dma_semaphore, #tpu.memory_space<semaphore_mem>>) {add = true}
      %dma_wait3A_368 = arith.constant 0 : i32
      %dma_wait3A_369 = arith.constant 0 : i32
      %dma_wait3A_370 = tpu.memref_slice %arg5[%dma_wait3A_368, %dma_wait3A_369] : memref<10016x128xf32, #tpu.memory_space<vmem_shared>> -> memref<10016x128xf32, #tpu.memory_space<vmem_shared>>
      tpu.wait_indirect_dma semaphore(%run_scoped3A : memref<!tpu.dma_semaphore, #tpu.memory_space<semaphore_mem>>) src(%arg12 : memref<128x128xf32, #tpu.memory_space<vmem>>) dst(%dma_wait3A_370 : memref<10016x128xf32, #tpu.memory_space<vmem_shared>>)
      tpu.yield
    }) : () -> ()
    %barrier3A_354 = arith.constant 0 : index
    tpu.barrier barrier_id(%barrier3A_354)
    %mul3A_355 = arith.constant 624 : i32
    %mul3A_356 = arith.muli %arg1, %mul3A_355 : i32
    %mul3A_357 = arith.constant 624 : i32
    %mul3A_358 = arith.muli %arg1, %mul3A_357 : i32
    %add3A_359 = arith.addi %mul3A_0, %mul3A_358 : i32
    "tpu.region"() ({
      %run_scoped3A = tpu.sem_alloc : memref<!tpu.dma_semaphore, #tpu.memory_space<semaphore_mem>>
      %dma_start3A_365 = arith.constant 0 : i32
      %dma_start3A_366 = tpu.memref_slice %arg4[%add3A_359, %dma_start3A_365] : memref<20000x128xf32, #tpu.memory_space<hbm>> -> memref<624x128xf32, #tpu.memory_space<hbm>>
      %dma_start3A_367 = arith.constant 0 : i32
      %dma_start3A_368 = tpu.memref_slice %arg5[%mul3A_356, %dma_start3A_367] : memref<10016x128xf32, #tpu.memory_space<vmem_shared>> -> memref<624x128xf32, #tpu.memory_space<vmem_shared>>
      tpu.enqueue_dma source(%dma_start3A_368 : memref<624x128xf32, #tpu.memory_space<vmem_shared>>) target(%dma_start3A_366 : memref<624x128xf32, #tpu.memory_space<hbm>>) target_semaphore(%run_scoped3A : memref<!tpu.dma_semaphore, #tpu.memory_space<semaphore_mem>>)
      %dma_wait3A_369 = arith.constant 0 : i32
      %dma_wait3A_370 = tpu.memref_slice %arg4[%add3A_359, %dma_wait3A_369] : memref<20000x128xf32, #tpu.memory_space<hbm>> -> memref<624x128xf32, #tpu.memory_space<hbm>>
      %dma_wait3A_371 = arith.constant 0 : i32
      %dma_wait3A_372 = tpu.memref_slice %arg5[%mul3A_356, %dma_wait3A_371] : memref<10016x128xf32, #tpu.memory_space<vmem_shared>> -> memref<624x128xf32, #tpu.memory_space<vmem_shared>>
      tpu.wait_dma2 semaphore(%run_scoped3A : memref<!tpu.dma_semaphore, #tpu.memory_space<semaphore_mem>>) src(%dma_wait3A_372 : memref<624x128xf32, #tpu.memory_space<vmem_shared>>) dst(%dma_wait3A_370 : memref<624x128xf32, #tpu.memory_space<hbm>>)
      tpu.yield
    }) : () -> ()
    %eq3A_360 = arith.constant 15 : i32
    %eq3A_361 = arith.cmpi eq, %arg1, %eq3A_360 : i32
    %convert_element_type3A_362 = arith.extui %eq3A_361 : i1 to i32
    %cond3A_363 = arith.constant 0 : i32
    %cond3A_364 = arith.cmpi ne, %convert_element_type3A_362, %cond3A_363 : i32
    scf.if %cond3A_364 {
      %add3A_365 = arith.constant 9984 : i32
      %add3A_366 = arith.addi %mul3A_0, %add3A_365 : i32
      "tpu.region"() ({
        %run_scoped3A = tpu.sem_alloc : memref<!tpu.dma_semaphore, #tpu.memory_space<semaphore_mem>>
        %dma_start3A_367 = arith.constant 0 : i32
        %dma_start3A_368 = tpu.memref_slice %arg4[%add3A_366, %dma_start3A_367] : memref<20000x128xf32, #tpu.memory_space<hbm>> -> memref<16x128xf32, #tpu.memory_space<hbm>>
        %dma_start3A_369 = arith.constant 9984 : i32
        %dma_start3A_370 = arith.constant 0 : i32
        %dma_start3A_371 = tpu.memref_slice %arg5[%dma_start3A_369, %dma_start3A_370] : memref<10016x128xf32, #tpu.memory_space<vmem_shared>> -> memref<16x128xf32, #tpu.memory_space<vmem_shared>>
        tpu.enqueue_dma source(%dma_start3A_371 : memref<16x128xf32, #tpu.memory_space<vmem_shared>>) target(%dma_start3A_368 : memref<16x128xf32, #tpu.memory_space<hbm>>) target_semaphore(%run_scoped3A : memref<!tpu.dma_semaphore, #tpu.memory_space<semaphore_mem>>)
        %dma_wait3A_372 = arith.constant 0 : i32
        %dma_wait3A_373 = tpu.memref_slice %arg4[%add3A_366, %dma_wait3A_372] : memref<20000x128xf32, #tpu.memory_space<hbm>> -> memref<16x128xf32, #tpu.memory_space<hbm>>
        %dma_wait3A_374 = arith.constant 9984 : i32
        %dma_wait3A_375 = arith.constant 0 : i32
        %dma_wait3A_376 = tpu.memref_slice %arg5[%dma_wait3A_374, %dma_wait3A_375] : memref<10016x128xf32, #tpu.memory_space<vmem_shared>> -> memref<16x128xf32, #tpu.memory_space<vmem_shared>>
        tpu.wait_dma2 semaphore(%run_scoped3A : memref<!tpu.dma_semaphore, #tpu.memory_space<semaphore_mem>>) src(%dma_wait3A_376 : memref<16x128xf32, #tpu.memory_space<vmem_shared>>) dst(%dma_wait3A_373 : memref<16x128xf32, #tpu.memory_space<hbm>>)
        tpu.yield
      }) : () -> ()
    } else {
    }
    return
  }
}

#map = affine_map<(d0, d1) -> (0, 0, 0)>
#map1 = affine_map<(d0, d1) -> (0, 0)>
module attributes {stable_mosaic.version = 14 : i64} {
  func.func @_sc_degree_body(%arg0: i32, %arg1: i32, %arg2: memref<16x80x128xi32, #tpu.memory_space<hbm>>, %arg3: memref<128x128xf32, #tpu.memory_space<hbm>>, %arg4: memref<1248x128xf32, #tpu.memory_space<hbm>>, %arg5: memref<20000x128xf32, #tpu.memory_space<hbm>>, %arg6: memref<10016x128xf32, #tpu.memory_space<vmem_shared>>, %arg7: memref<80x128xi32, #tpu.memory_space<vmem>>, %arg8: memref<128x128xf32, #tpu.memory_space<vmem>>, %arg9: memref<!tpu.dma_semaphore, #tpu.memory_space<semaphore_mem>>) attributes {dimension_semantics = [#tpu.dimension_semantics<core_parallel>, #tpu.dimension_semantics<subcore_parallel>], iteration_bounds = array<i64: 2, 16>, scalar_prefetch = 0 : i64, scratch_operands = 4 : i64, tpu.core_type = #tpu.core_type<sc_vector_subcore>, window_params = [{transform_indices = #map}, {transform_indices = #map1}, {transform_indices = #map1}, {transform_indices = #map1}]} {
    "tpu.region"() ({
      %run_scoped3A = tpu.sem_alloc : memref<!tpu.dma_semaphore, #tpu.memory_space<semaphore_mem>>
      %dma_start3A = arith.constant 0 : i32
      %dma_start3A_31 = arith.constant 0 : i32
      %dma_start3A_32 = tpu.memref_slice %arg2[%arg1, %dma_start3A, %dma_start3A_31] : memref<16x80x128xi32, #tpu.memory_space<hbm>> -> memref<1x80x128xi32, #tpu.memory_space<hbm>>
      %dma_start3A_33 = tpu.memref_squeeze %dma_start3A_32 : memref<1x80x128xi32, #tpu.memory_space<hbm>> -> memref<80x128xi32, #tpu.memory_space<hbm>>
      %dma_start3A_34 = arith.constant 0 : i32
      %dma_start3A_35 = arith.constant 0 : i32
      %dma_start3A_36 = tpu.memref_slice %arg2[%arg1, %dma_start3A_34, %dma_start3A_35] : memref<16x80x128xi32, #tpu.memory_space<hbm>> -> memref<1x80x128xi32, #tpu.memory_space<hbm>>
      %dma_start3A_37 = tpu.memref_squeeze %dma_start3A_36 : memref<1x80x128xi32, #tpu.memory_space<hbm>> -> memref<80x128xi32, #tpu.memory_space<hbm>>
      tpu.enqueue_dma source(%dma_start3A_37 : memref<80x128xi32, #tpu.memory_space<hbm>>) target(%arg7 : memref<80x128xi32, #tpu.memory_space<vmem>>) target_semaphore(%run_scoped3A : memref<!tpu.dma_semaphore, #tpu.memory_space<semaphore_mem>>)
      %dma_wait3A = arith.constant 0 : i32
      %dma_wait3A_38 = arith.constant 0 : i32
      %dma_wait3A_39 = tpu.memref_slice %arg2[%arg1, %dma_wait3A, %dma_wait3A_38] : memref<16x80x128xi32, #tpu.memory_space<hbm>> -> memref<1x80x128xi32, #tpu.memory_space<hbm>>
      %dma_wait3A_40 = tpu.memref_squeeze %dma_wait3A_39 : memref<1x80x128xi32, #tpu.memory_space<hbm>> -> memref<80x128xi32, #tpu.memory_space<hbm>>
      %dma_wait3A_41 = arith.constant 0 : i32
      %dma_wait3A_42 = arith.constant 0 : i32
      %dma_wait3A_43 = tpu.memref_slice %arg2[%arg1, %dma_wait3A_41, %dma_wait3A_42] : memref<16x80x128xi32, #tpu.memory_space<hbm>> -> memref<1x80x128xi32, #tpu.memory_space<hbm>>
      %dma_wait3A_44 = tpu.memref_squeeze %dma_wait3A_43 : memref<1x80x128xi32, #tpu.memory_space<hbm>> -> memref<80x128xi32, #tpu.memory_space<hbm>>
      tpu.wait_dma2 semaphore(%run_scoped3A : memref<!tpu.dma_semaphore, #tpu.memory_space<semaphore_mem>>) src(%dma_wait3A_44 : memref<80x128xi32, #tpu.memory_space<hbm>>) dst(%arg7 : memref<80x128xi32, #tpu.memory_space<vmem>>)
      tpu.yield
    }) : () -> ()
    "tpu.region"() ({
      %run_scoped3A = tpu.sem_alloc : memref<!tpu.dma_semaphore, #tpu.memory_space<semaphore_mem>>
      tpu.enqueue_dma source(%arg3 : memref<128x128xf32, #tpu.memory_space<hbm>>) target(%arg8 : memref<128x128xf32, #tpu.memory_space<vmem>>) target_semaphore(%run_scoped3A : memref<!tpu.dma_semaphore, #tpu.memory_space<semaphore_mem>>)
      tpu.wait_dma2 semaphore(%run_scoped3A : memref<!tpu.dma_semaphore, #tpu.memory_space<semaphore_mem>>) src(%arg3 : memref<128x128xf32, #tpu.memory_space<hbm>>) dst(%arg8 : memref<128x128xf32, #tpu.memory_space<vmem>>)
      tpu.yield
    }) : () -> ()
    %mul3A = arith.constant 624 : i32
    %mul3A_0 = arith.muli %arg0, %mul3A : i32
    %mul3A_1 = arith.constant 624 : i32
    %mul3A_2 = arith.muli %arg1, %mul3A_1 : i32
    "tpu.region"() ({
      %run_scoped3A = tpu.sem_alloc : memref<!tpu.dma_semaphore, #tpu.memory_space<semaphore_mem>>
      %dma_start3A = arith.constant 0 : i32
      %dma_start3A_31 = tpu.memref_slice %arg6[%mul3A_2, %dma_start3A] : memref<10016x128xf32, #tpu.memory_space<vmem_shared>> -> memref<624x128xf32, #tpu.memory_space<vmem_shared>>
      %dma_start3A_32 = arith.constant 0 : i32
      %dma_start3A_33 = tpu.memref_slice %arg4[%mul3A_0, %dma_start3A_32] : memref<1248x128xf32, #tpu.memory_space<hbm>> -> memref<624x128xf32, #tpu.memory_space<hbm>>
      tpu.enqueue_dma source(%dma_start3A_33 : memref<624x128xf32, #tpu.memory_space<hbm>>) target(%dma_start3A_31 : memref<624x128xf32, #tpu.memory_space<vmem_shared>>) target_semaphore(%run_scoped3A : memref<!tpu.dma_semaphore, #tpu.memory_space<semaphore_mem>>)
      %dma_wait3A = arith.constant 0 : i32
      %dma_wait3A_34 = tpu.memref_slice %arg6[%mul3A_2, %dma_wait3A] : memref<10016x128xf32, #tpu.memory_space<vmem_shared>> -> memref<624x128xf32, #tpu.memory_space<vmem_shared>>
      %dma_wait3A_35 = arith.constant 0 : i32
      %dma_wait3A_36 = tpu.memref_slice %arg4[%mul3A_0, %dma_wait3A_35] : memref<1248x128xf32, #tpu.memory_space<hbm>> -> memref<624x128xf32, #tpu.memory_space<hbm>>
      tpu.wait_dma2 semaphore(%run_scoped3A : memref<!tpu.dma_semaphore, #tpu.memory_space<semaphore_mem>>) src(%dma_wait3A_36 : memref<624x128xf32, #tpu.memory_space<hbm>>) dst(%dma_wait3A_34 : memref<624x128xf32, #tpu.memory_space<vmem_shared>>)
      tpu.yield
    }) : () -> ()
    %eq3A = arith.constant 15 : i32
    %eq3A_3 = arith.cmpi eq, %arg1, %eq3A : i32
    %convert_element_type3A = arith.extui %eq3A_3 : i1 to i32
    %cond3A = arith.constant 0 : i32
    %cond3A_4 = arith.cmpi ne, %convert_element_type3A, %cond3A : i32
    scf.if %cond3A_4 {
      %mul3A_31 = arith.constant 624 : i32
      %mul3A_32 = arith.muli %arg0, %mul3A_31 : i32
      "tpu.region"() ({
        %run_scoped3A = tpu.sem_alloc : memref<!tpu.dma_semaphore, #tpu.memory_space<semaphore_mem>>
        %dma_start3A = arith.constant 9984 : i32
        %dma_start3A_33 = arith.constant 0 : i32
        %dma_start3A_34 = tpu.memref_slice %arg6[%dma_start3A, %dma_start3A_33] : memref<10016x128xf32, #tpu.memory_space<vmem_shared>> -> memref<16x128xf32, #tpu.memory_space<vmem_shared>>
        %dma_start3A_35 = arith.constant 0 : i32
        %dma_start3A_36 = tpu.memref_slice %arg4[%mul3A_32, %dma_start3A_35] : memref<1248x128xf32, #tpu.memory_space<hbm>> -> memref<16x128xf32, #tpu.memory_space<hbm>>
        tpu.enqueue_dma source(%dma_start3A_36 : memref<16x128xf32, #tpu.memory_space<hbm>>) target(%dma_start3A_34 : memref<16x128xf32, #tpu.memory_space<vmem_shared>>) target_semaphore(%run_scoped3A : memref<!tpu.dma_semaphore, #tpu.memory_space<semaphore_mem>>)
        %dma_wait3A = arith.constant 9984 : i32
        %dma_wait3A_37 = arith.constant 0 : i32
        %dma_wait3A_38 = tpu.memref_slice %arg6[%dma_wait3A, %dma_wait3A_37] : memref<10016x128xf32, #tpu.memory_space<vmem_shared>> -> memref<16x128xf32, #tpu.memory_space<vmem_shared>>
        %dma_wait3A_39 = arith.constant 0 : i32
        %dma_wait3A_40 = tpu.memref_slice %arg4[%mul3A_32, %dma_wait3A_39] : memref<1248x128xf32, #tpu.memory_space<hbm>> -> memref<16x128xf32, #tpu.memory_space<hbm>>
        tpu.wait_dma2 semaphore(%run_scoped3A : memref<!tpu.dma_semaphore, #tpu.memory_space<semaphore_mem>>) src(%dma_wait3A_40 : memref<16x128xf32, #tpu.memory_space<hbm>>) dst(%dma_wait3A_38 : memref<16x128xf32, #tpu.memory_space<vmem_shared>>)
        tpu.yield
      }) : () -> ()
    } else {
    }
    %barrier3A = arith.constant 0 : index
    tpu.barrier barrier_id(%barrier3A)
    %mul3A_5 = arith.constant 40 : i32
    %mul3A_6 = arith.muli %arg0, %mul3A_5 : i32
    %add3A = arith.constant 1 : i32
    %add3A_7 = arith.addi %arg0, %add3A : i32
    %mul3A_8 = arith.constant 40 : i32
    %mul3A_9 = arith.muli %add3A_7, %mul3A_8 : i32
    %while3A = arith.constant 0 : i32
    %while3A_10 = arith.subi %mul3A_9, %mul3A_6 : i32
    %while3A_11 = arith.addi %mul3A_6, %while3A_10 : i32
    %while3A_12 = arith.constant 1 : i32
    %while3A_13 = arith.divsi %while3A_10, %while3A_12 : i32
    %while3A_14 = arith.muli %while3A_13, %while3A_12 : i32
    %while3A_15 = arith.addi %mul3A_6, %while3A_14 : i32
    %while3A_16 = arith.constant 1 : i32
    scf.for %while3A_31 = %mul3A_6 to %while3A_15 step %while3A_16  : i32 {
      "tpu.region"() ({
        %run_scoped3A = tpu.sem_alloc : memref<!tpu.dma_semaphore, #tpu.memory_space<semaphore_mem>>
        %dma_start3A = arith.constant 0 : i32
        %dma_start3A_32 = tpu.memref_slice %arg7[%while3A_31, %dma_start3A] : memref<80x128xi32, #tpu.memory_space<vmem>> -> memref<1x128xi32, #tpu.memory_space<vmem>>
        %dma_start3A_33 = tpu.memref_squeeze %dma_start3A_32 : memref<1x128xi32, #tpu.memory_space<vmem>> -> memref<128xi32, #tpu.memory_space<vmem>>
        %dma_start3A_34 = arith.constant 0 : i32
        %dma_start3A_35 = arith.constant 0 : i32
        %dma_start3A_36 = tpu.memref_slice %arg6[%dma_start3A_34, %dma_start3A_35] : memref<10016x128xf32, #tpu.memory_space<vmem_shared>> -> memref<10016x128xf32, #tpu.memory_space<vmem_shared>>
        tpu.enqueue_indirect_dma source(%arg8 : memref<128x128xf32, #tpu.memory_space<vmem>>) target(%dma_start3A_36 : memref<10016x128xf32, #tpu.memory_space<vmem_shared>>) offsets(%dma_start3A_33 : memref<128xi32, #tpu.memory_space<vmem>>) semaphore(%run_scoped3A : memref<!tpu.dma_semaphore, #tpu.memory_space<semaphore_mem>>) {add = true}
        %dma_wait3A = arith.constant 0 : i32
        %dma_wait3A_37 = tpu.memref_slice %arg7[%while3A_31, %dma_wait3A] : memref<80x128xi32, #tpu.memory_space<vmem>> -> memref<1x128xi32, #tpu.memory_space<vmem>>
        %dma_wait3A_38 = tpu.memref_squeeze %dma_wait3A_37 : memref<1x128xi32, #tpu.memory_space<vmem>> -> memref<128xi32, #tpu.memory_space<vmem>>
        %dma_wait3A_39 = arith.constant 0 : i32
        %dma_wait3A_40 = arith.constant 0 : i32
        %dma_wait3A_41 = tpu.memref_slice %arg6[%dma_wait3A_39, %dma_wait3A_40] : memref<10016x128xf32, #tpu.memory_space<vmem_shared>> -> memref<10016x128xf32, #tpu.memory_space<vmem_shared>>
        tpu.wait_indirect_dma semaphore(%run_scoped3A : memref<!tpu.dma_semaphore, #tpu.memory_space<semaphore_mem>>) src(%arg8 : memref<128x128xf32, #tpu.memory_space<vmem>>) dst(%dma_wait3A_41 : memref<10016x128xf32, #tpu.memory_space<vmem_shared>>)
        tpu.yield
      }) : () -> ()
    }
    %while3A_17 = arith.constant 1 : i32
    scf.for %while3A_31 = %while3A_15 to %while3A_11 step %while3A_17  : i32 {
      "tpu.region"() ({
        %run_scoped3A = tpu.sem_alloc : memref<!tpu.dma_semaphore, #tpu.memory_space<semaphore_mem>>
        %dma_start3A = arith.constant 0 : i32
        %dma_start3A_32 = tpu.memref_slice %arg7[%while3A_31, %dma_start3A] : memref<80x128xi32, #tpu.memory_space<vmem>> -> memref<1x128xi32, #tpu.memory_space<vmem>>
        %dma_start3A_33 = tpu.memref_squeeze %dma_start3A_32 : memref<1x128xi32, #tpu.memory_space<vmem>> -> memref<128xi32, #tpu.memory_space<vmem>>
        %dma_start3A_34 = arith.constant 0 : i32
        %dma_start3A_35 = arith.constant 0 : i32
        %dma_start3A_36 = tpu.memref_slice %arg6[%dma_start3A_34, %dma_start3A_35] : memref<10016x128xf32, #tpu.memory_space<vmem_shared>> -> memref<10016x128xf32, #tpu.memory_space<vmem_shared>>
        tpu.enqueue_indirect_dma source(%arg8 : memref<128x128xf32, #tpu.memory_space<vmem>>) target(%dma_start3A_36 : memref<10016x128xf32, #tpu.memory_space<vmem_shared>>) offsets(%dma_start3A_33 : memref<128xi32, #tpu.memory_space<vmem>>) semaphore(%run_scoped3A : memref<!tpu.dma_semaphore, #tpu.memory_space<semaphore_mem>>) {add = true}
        %dma_wait3A = arith.constant 0 : i32
        %dma_wait3A_37 = tpu.memref_slice %arg7[%while3A_31, %dma_wait3A] : memref<80x128xi32, #tpu.memory_space<vmem>> -> memref<1x128xi32, #tpu.memory_space<vmem>>
        %dma_wait3A_38 = tpu.memref_squeeze %dma_wait3A_37 : memref<1x128xi32, #tpu.memory_space<vmem>> -> memref<128xi32, #tpu.memory_space<vmem>>
        %dma_wait3A_39 = arith.constant 0 : i32
        %dma_wait3A_40 = arith.constant 0 : i32
        %dma_wait3A_41 = tpu.memref_slice %arg6[%dma_wait3A_39, %dma_wait3A_40] : memref<10016x128xf32, #tpu.memory_space<vmem_shared>> -> memref<10016x128xf32, #tpu.memory_space<vmem_shared>>
        tpu.wait_indirect_dma semaphore(%run_scoped3A : memref<!tpu.dma_semaphore, #tpu.memory_space<semaphore_mem>>) src(%arg8 : memref<128x128xf32, #tpu.memory_space<vmem>>) dst(%dma_wait3A_41 : memref<10016x128xf32, #tpu.memory_space<vmem_shared>>)
        tpu.yield
      }) : () -> ()
    }
    %barrier3A_18 = arith.constant 0 : index
    tpu.barrier barrier_id(%barrier3A_18)
    %mul3A_19 = arith.constant 10000 : i32
    %mul3A_20 = arith.muli %arg0, %mul3A_19 : i32
    %mul3A_21 = arith.constant 624 : i32
    %mul3A_22 = arith.muli %arg1, %mul3A_21 : i32
    %mul3A_23 = arith.constant 624 : i32
    %mul3A_24 = arith.muli %arg1, %mul3A_23 : i32
    %add3A_25 = arith.addi %mul3A_20, %mul3A_24 : i32
    "tpu.region"() ({
      %run_scoped3A = tpu.sem_alloc : memref<!tpu.dma_semaphore, #tpu.memory_space<semaphore_mem>>
      %dma_start3A = arith.constant 0 : i32
      %dma_start3A_31 = tpu.memref_slice %arg5[%add3A_25, %dma_start3A] : memref<20000x128xf32, #tpu.memory_space<hbm>> -> memref<624x128xf32, #tpu.memory_space<hbm>>
      %dma_start3A_32 = arith.constant 0 : i32
      %dma_start3A_33 = tpu.memref_slice %arg6[%mul3A_22, %dma_start3A_32] : memref<10016x128xf32, #tpu.memory_space<vmem_shared>> -> memref<624x128xf32, #tpu.memory_space<vmem_shared>>
      tpu.enqueue_dma source(%dma_start3A_33 : memref<624x128xf32, #tpu.memory_space<vmem_shared>>) target(%dma_start3A_31 : memref<624x128xf32, #tpu.memory_space<hbm>>) target_semaphore(%run_scoped3A : memref<!tpu.dma_semaphore, #tpu.memory_space<semaphore_mem>>)
      %dma_wait3A = arith.constant 0 : i32
      %dma_wait3A_34 = tpu.memref_slice %arg5[%add3A_25, %dma_wait3A] : memref<20000x128xf32, #tpu.memory_space<hbm>> -> memref<624x128xf32, #tpu.memory_space<hbm>>
      %dma_wait3A_35 = arith.constant 0 : i32
      %dma_wait3A_36 = tpu.memref_slice %arg6[%mul3A_22, %dma_wait3A_35] : memref<10016x128xf32, #tpu.memory_space<vmem_shared>> -> memref<624x128xf32, #tpu.memory_space<vmem_shared>>
      tpu.wait_dma2 semaphore(%run_scoped3A : memref<!tpu.dma_semaphore, #tpu.memory_space<semaphore_mem>>) src(%dma_wait3A_36 : memref<624x128xf32, #tpu.memory_space<vmem_shared>>) dst(%dma_wait3A_34 : memref<624x128xf32, #tpu.memory_space<hbm>>)
      tpu.yield
    }) : () -> ()
    %eq3A_26 = arith.constant 15 : i32
    %eq3A_27 = arith.cmpi eq, %arg1, %eq3A_26 : i32
    %convert_element_type3A_28 = arith.extui %eq3A_27 : i1 to i32
    %cond3A_29 = arith.constant 0 : i32
    %cond3A_30 = arith.cmpi ne, %convert_element_type3A_28, %cond3A_29 : i32
    scf.if %cond3A_30 {
      %add3A_31 = arith.constant 9984 : i32
      %add3A_32 = arith.addi %mul3A_20, %add3A_31 : i32
      "tpu.region"() ({
        %run_scoped3A = tpu.sem_alloc : memref<!tpu.dma_semaphore, #tpu.memory_space<semaphore_mem>>
        %dma_start3A = arith.constant 0 : i32
        %dma_start3A_33 = tpu.memref_slice %arg5[%add3A_32, %dma_start3A] : memref<20000x128xf32, #tpu.memory_space<hbm>> -> memref<16x128xf32, #tpu.memory_space<hbm>>
        %dma_start3A_34 = arith.constant 9984 : i32
        %dma_start3A_35 = arith.constant 0 : i32
        %dma_start3A_36 = tpu.memref_slice %arg6[%dma_start3A_34, %dma_start3A_35] : memref<10016x128xf32, #tpu.memory_space<vmem_shared>> -> memref<16x128xf32, #tpu.memory_space<vmem_shared>>
        tpu.enqueue_dma source(%dma_start3A_36 : memref<16x128xf32, #tpu.memory_space<vmem_shared>>) target(%dma_start3A_33 : memref<16x128xf32, #tpu.memory_space<hbm>>) target_semaphore(%run_scoped3A : memref<!tpu.dma_semaphore, #tpu.memory_space<semaphore_mem>>)
        %dma_wait3A = arith.constant 0 : i32
        %dma_wait3A_37 = tpu.memref_slice %arg5[%add3A_32, %dma_wait3A] : memref<20000x128xf32, #tpu.memory_space<hbm>> -> memref<16x128xf32, #tpu.memory_space<hbm>>
        %dma_wait3A_38 = arith.constant 9984 : i32
        %dma_wait3A_39 = arith.constant 0 : i32
        %dma_wait3A_40 = tpu.memref_slice %arg6[%dma_wait3A_38, %dma_wait3A_39] : memref<10016x128xf32, #tpu.memory_space<vmem_shared>> -> memref<16x128xf32, #tpu.memory_space<vmem_shared>>
        tpu.wait_dma2 semaphore(%run_scoped3A : memref<!tpu.dma_semaphore, #tpu.memory_space<semaphore_mem>>) src(%dma_wait3A_40 : memref<16x128xf32, #tpu.memory_space<vmem_shared>>) dst(%dma_wait3A_37 : memref<16x128xf32, #tpu.memory_space<hbm>>)
        tpu.yield
      }) : () -> ()
    } else {
    }
    return
  }
}

#map = affine_map<(d0, d1) -> (0, 0)>
#map1 = affine_map<(d0, d1) -> (0, 0, 0)>
module attributes {stable_mosaic.version = 14 : i64} {
  func.func @_sc_edge_body(%arg0: i32, %arg1: i32, %arg2: memref<20000x128xf32, #tpu.memory_space<hbm>>, %arg3: memref<16x80x128xi32, #tpu.memory_space<hbm>>, %arg4: memref<20000x128xf32, #tpu.memory_space<hbm>>, %arg5: memref<10016x128xf32, #tpu.memory_space<vmem_shared>>, %arg6: memref<80x128xi32, #tpu.memory_space<vmem>>, %arg7: memref<128xi32, #tpu.memory_space<vmem>>, %arg8: memref<128xi32, #tpu.memory_space<vmem>>, %arg9: memref<128xi32, #tpu.memory_space<vmem>>, %arg10: memref<128xi32, #tpu.memory_space<vmem>>, %arg11: memref<128x128xf32, #tpu.memory_space<vmem>>, %arg12: memref<128x128xf32, #tpu.memory_space<vmem>>, %arg13: memref<!tpu.dma_semaphore, #tpu.memory_space<semaphore_mem>>, %arg14: memref<!tpu.dma_semaphore, #tpu.memory_space<semaphore_mem>>) attributes {dimension_semantics = [#tpu.dimension_semantics<core_parallel>, #tpu.dimension_semantics<subcore_parallel>], iteration_bounds = array<i64: 2, 16>, scalar_prefetch = 0 : i64, scratch_operands = 10 : i64, tpu.core_type = #tpu.core_type<sc_vector_subcore>, window_params = [{transform_indices = #map}, {transform_indices = #map1}, {transform_indices = #map}]} {
    %mul3A = arith.constant 10000 : i32
    %mul3A_0 = arith.muli %arg0, %mul3A : i32
    "tpu.region"() ({
      %run_scoped3A = tpu.sem_alloc : memref<!tpu.dma_semaphore, #tpu.memory_space<semaphore_mem>>
      %dma_start3A_365 = arith.constant 0 : i32
      %dma_start3A_366 = arith.constant 0 : i32
      %dma_start3A_367 = tpu.memref_slice %arg3[%arg1, %dma_start3A_365, %dma_start3A_366] : memref<16x80x128xi32, #tpu.memory_space<hbm>> -> memref<1x80x128xi32, #tpu.memory_space<hbm>>
      %dma_start3A_368 = tpu.memref_squeeze %dma_start3A_367 : memref<1x80x128xi32, #tpu.memory_space<hbm>> -> memref<80x128xi32, #tpu.memory_space<hbm>>
      %dma_start3A_369 = arith.constant 0 : i32
      %dma_start3A_370 = arith.constant 0 : i32
      %dma_start3A_371 = tpu.memref_slice %arg3[%arg1, %dma_start3A_369, %dma_start3A_370] : memref<16x80x128xi32, #tpu.memory_space<hbm>> -> memref<1x80x128xi32, #tpu.memory_space<hbm>>
      %dma_start3A_372 = tpu.memref_squeeze %dma_start3A_371 : memref<1x80x128xi32, #tpu.memory_space<hbm>> -> memref<80x128xi32, #tpu.memory_space<hbm>>
      tpu.enqueue_dma source(%dma_start3A_372 : memref<80x128xi32, #tpu.memory_space<hbm>>) target(%arg6 : memref<80x128xi32, #tpu.memory_space<vmem>>) target_semaphore(%run_scoped3A : memref<!tpu.dma_semaphore, #tpu.memory_space<semaphore_mem>>)
      %dma_wait3A_373 = arith.constant 0 : i32
      %dma_wait3A_374 = arith.constant 0 : i32
      %dma_wait3A_375 = tpu.memref_slice %arg3[%arg1, %dma_wait3A_373, %dma_wait3A_374] : memref<16x80x128xi32, #tpu.memory_space<hbm>> -> memref<1x80x128xi32, #tpu.memory_space<hbm>>
      %dma_wait3A_376 = tpu.memref_squeeze %dma_wait3A_375 : memref<1x80x128xi32, #tpu.memory_space<hbm>> -> memref<80x128xi32, #tpu.memory_space<hbm>>
      %dma_wait3A_377 = arith.constant 0 : i32
      %dma_wait3A_378 = arith.constant 0 : i32
      %dma_wait3A_379 = tpu.memref_slice %arg3[%arg1, %dma_wait3A_377, %dma_wait3A_378] : memref<16x80x128xi32, #tpu.memory_space<hbm>> -> memref<1x80x128xi32, #tpu.memory_space<hbm>>
      %dma_wait3A_380 = tpu.memref_squeeze %dma_wait3A_379 : memref<1x80x128xi32, #tpu.memory_space<hbm>> -> memref<80x128xi32, #tpu.memory_space<hbm>>
      tpu.wait_dma2 semaphore(%run_scoped3A : memref<!tpu.dma_semaphore, #tpu.memory_space<semaphore_mem>>) src(%dma_wait3A_380 : memref<80x128xi32, #tpu.memory_space<hbm>>) dst(%arg6 : memref<80x128xi32, #tpu.memory_space<vmem>>)
      tpu.yield
    }) : () -> ()
    %mul3A_1 = arith.constant 624 : i32
    %mul3A_2 = arith.muli %arg1, %mul3A_1 : i32
    %add3A = arith.addi %mul3A_0, %mul3A_2 : i32
    %mul3A_3 = arith.constant 624 : i32
    %mul3A_4 = arith.muli %arg1, %mul3A_3 : i32
    "tpu.region"() ({
      %run_scoped3A = tpu.sem_alloc : memref<!tpu.dma_semaphore, #tpu.memory_space<semaphore_mem>>
      %dma_start3A_365 = arith.constant 0 : i32
      %dma_start3A_366 = tpu.memref_slice %arg5[%mul3A_4, %dma_start3A_365] : memref<10016x128xf32, #tpu.memory_space<vmem_shared>> -> memref<624x128xf32, #tpu.memory_space<vmem_shared>>
      %dma_start3A_367 = arith.constant 0 : i32
      %dma_start3A_368 = tpu.memref_slice %arg2[%add3A, %dma_start3A_367] : memref<20000x128xf32, #tpu.memory_space<hbm>> -> memref<624x128xf32, #tpu.memory_space<hbm>>
      tpu.enqueue_dma source(%dma_start3A_368 : memref<624x128xf32, #tpu.memory_space<hbm>>) target(%dma_start3A_366 : memref<624x128xf32, #tpu.memory_space<vmem_shared>>) target_semaphore(%run_scoped3A : memref<!tpu.dma_semaphore, #tpu.memory_space<semaphore_mem>>)
      %dma_wait3A_369 = arith.constant 0 : i32
      %dma_wait3A_370 = tpu.memref_slice %arg5[%mul3A_4, %dma_wait3A_369] : memref<10016x128xf32, #tpu.memory_space<vmem_shared>> -> memref<624x128xf32, #tpu.memory_space<vmem_shared>>
      %dma_wait3A_371 = arith.constant 0 : i32
      %dma_wait3A_372 = tpu.memref_slice %arg2[%add3A, %dma_wait3A_371] : memref<20000x128xf32, #tpu.memory_space<hbm>> -> memref<624x128xf32, #tpu.memory_space<hbm>>
      tpu.wait_dma2 semaphore(%run_scoped3A : memref<!tpu.dma_semaphore, #tpu.memory_space<semaphore_mem>>) src(%dma_wait3A_372 : memref<624x128xf32, #tpu.memory_space<hbm>>) dst(%dma_wait3A_370 : memref<624x128xf32, #tpu.memory_space<vmem_shared>>)
      tpu.yield
    }) : () -> ()
    %eq3A = arith.constant 15 : i32
    %eq3A_5 = arith.cmpi eq, %arg1, %eq3A : i32
    %convert_element_type3A = arith.extui %eq3A_5 : i1 to i32
    %cond3A = arith.constant 0 : i32
    %cond3A_6 = arith.cmpi ne, %convert_element_type3A, %cond3A : i32
    scf.if %cond3A_6 {
      %add3A_365 = arith.constant 9984 : i32
      %add3A_366 = arith.addi %mul3A_0, %add3A_365 : i32
      "tpu.region"() ({
        %run_scoped3A = tpu.sem_alloc : memref<!tpu.dma_semaphore, #tpu.memory_space<semaphore_mem>>
        %dma_start3A_367 = arith.constant 9984 : i32
        %dma_start3A_368 = arith.constant 0 : i32
        %dma_start3A_369 = tpu.memref_slice %arg5[%dma_start3A_367, %dma_start3A_368] : memref<10016x128xf32, #tpu.memory_space<vmem_shared>> -> memref<16x128xf32, #tpu.memory_space<vmem_shared>>
        %dma_start3A_370 = arith.constant 0 : i32
        %dma_start3A_371 = tpu.memref_slice %arg2[%add3A_366, %dma_start3A_370] : memref<20000x128xf32, #tpu.memory_space<hbm>> -> memref<16x128xf32, #tpu.memory_space<hbm>>
        tpu.enqueue_dma source(%dma_start3A_371 : memref<16x128xf32, #tpu.memory_space<hbm>>) target(%dma_start3A_369 : memref<16x128xf32, #tpu.memory_space<vmem_shared>>) target_semaphore(%run_scoped3A : memref<!tpu.dma_semaphore, #tpu.memory_space<semaphore_mem>>)
        %dma_wait3A_372 = arith.constant 9984 : i32
        %dma_wait3A_373 = arith.constant 0 : i32
        %dma_wait3A_374 = tpu.memref_slice %arg5[%dma_wait3A_372, %dma_wait3A_373] : memref<10016x128xf32, #tpu.memory_space<vmem_shared>> -> memref<16x128xf32, #tpu.memory_space<vmem_shared>>
        %dma_wait3A_375 = arith.constant 0 : i32
        %dma_wait3A_376 = tpu.memref_slice %arg2[%add3A_366, %dma_wait3A_375] : memref<20000x128xf32, #tpu.memory_space<hbm>> -> memref<16x128xf32, #tpu.memory_space<hbm>>
        tpu.wait_dma2 semaphore(%run_scoped3A : memref<!tpu.dma_semaphore, #tpu.memory_space<semaphore_mem>>) src(%dma_wait3A_376 : memref<16x128xf32, #tpu.memory_space<hbm>>) dst(%dma_wait3A_374 : memref<16x128xf32, #tpu.memory_space<vmem_shared>>)
        tpu.yield
      }) : () -> ()
    } else {
    }
    %barrier3A = arith.constant 0 : index
    tpu.barrier barrier_id(%barrier3A)
    %get3A = arith.constant 0 : i32
    %get3A_7 = arith.index_cast %get3A : i32 to index
    %get3A_8 = arith.constant 0 : index
    %get3A_9 = tpu.vector_load %arg6[%get3A_7, %get3A_8] {strides = array<i32>} : memref<80x128xi32, #tpu.memory_space<vmem>>, vector<1x16xi32>,
    %get3A_10 = vector.shape_cast %get3A_9 : vector<1x16xi32> to vector<16xi32>
    %and3A = arith.constant 32767 : i32
    %and3A_11 = vector.broadcast %and3A : i32 to vector<16xi32>
    %and3A_12 = arith.andi %get3A_10, %and3A_11 : vector<16xi32>
    %add3A_13 = vector.broadcast %mul3A_0 : i32 to vector<16xi32>
    %add3A_14 = arith.addi %and3A_12, %add3A_13 : vector<16xi32>
    %swap3A = arith.constant 0 : index
    %swap3A_15 = tpu.vector_load %arg7[%swap3A] {strides = array<i32>} : memref<128xi32, #tpu.memory_space<vmem>>, vector<16xi32>,
    %swap3A_16 = vector.shape_cast %swap3A_15 : vector<16xi32> to vector<16xi32>
    %swap3A_17 = vector.shape_cast %add3A_14 : vector<16xi32> to vector<16xi32>
    tpu.vector_store %arg7[%swap3A], %swap3A_17 {strides = array<i32>} : memref<128xi32, #tpu.memory_space<vmem>>, vector<16xi32>,
    %shift_right_logical3A = arith.constant 15 : i32
    %shift_right_logical3A_18 = vector.broadcast %shift_right_logical3A : i32 to vector<16xi32>
    %shift_right_logical3A_19 = arith.shrui %get3A_10, %shift_right_logical3A_18 : vector<16xi32>
    %swap3A_20 = arith.constant 0 : index
    %swap3A_21 = tpu.vector_load %arg9[%swap3A_20] {strides = array<i32>} : memref<128xi32, #tpu.memory_space<vmem>>, vector<16xi32>,
    %swap3A_22 = vector.shape_cast %swap3A_21 : vector<16xi32> to vector<16xi32>
    %swap3A_23 = vector.shape_cast %shift_right_logical3A_19 : vector<16xi32> to vector<16xi32>
    tpu.vector_store %arg9[%swap3A_20], %swap3A_23 {strides = array<i32>} : memref<128xi32, #tpu.memory_space<vmem>>, vector<16xi32>,
    %get3A_24 = arith.constant 0 : i32
    %get3A_25 = arith.index_cast %get3A_24 : i32 to index
    %get3A_26 = arith.constant 16 : index
    %get3A_27 = tpu.vector_load %arg6[%get3A_25, %get3A_26] {strides = array<i32>} : memref<80x128xi32, #tpu.memory_space<vmem>>, vector<1x16xi32>,
    %get3A_28 = vector.shape_cast %get3A_27 : vector<1x16xi32> to vector<16xi32>
    %and3A_29 = arith.constant 32767 : i32
    %and3A_30 = vector.broadcast %and3A_29 : i32 to vector<16xi32>
    %and3A_31 = arith.andi %get3A_28, %and3A_30 : vector<16xi32>
    %add3A_32 = vector.broadcast %mul3A_0 : i32 to vector<16xi32>
    %add3A_33 = arith.addi %and3A_31, %add3A_32 : vector<16xi32>
    %swap3A_34 = arith.constant 16 : index
    %swap3A_35 = tpu.vector_load %arg7[%swap3A_34] {strides = array<i32>} : memref<128xi32, #tpu.memory_space<vmem>>, vector<16xi32>,
    %swap3A_36 = vector.shape_cast %swap3A_35 : vector<16xi32> to vector<16xi32>
    %swap3A_37 = vector.shape_cast %add3A_33 : vector<16xi32> to vector<16xi32>
    tpu.vector_store %arg7[%swap3A_34], %swap3A_37 {strides = array<i32>} : memref<128xi32, #tpu.memory_space<vmem>>, vector<16xi32>,
    %shift_right_logical3A_38 = arith.constant 15 : i32
    %shift_right_logical3A_39 = vector.broadcast %shift_right_logical3A_38 : i32 to vector<16xi32>
    %shift_right_logical3A_40 = arith.shrui %get3A_28, %shift_right_logical3A_39 : vector<16xi32>
    %swap3A_41 = arith.constant 16 : index
    %swap3A_42 = tpu.vector_load %arg9[%swap3A_41] {strides = array<i32>} : memref<128xi32, #tpu.memory_space<vmem>>, vector<16xi32>,
    %swap3A_43 = vector.shape_cast %swap3A_42 : vector<16xi32> to vector<16xi32>
    %swap3A_44 = vector.shape_cast %shift_right_logical3A_40 : vector<16xi32> to vector<16xi32>
    tpu.vector_store %arg9[%swap3A_41], %swap3A_44 {strides = array<i32>} : memref<128xi32, #tpu.memory_space<vmem>>, vector<16xi32>,
    %get3A_45 = arith.constant 0 : i32
    %get3A_46 = arith.index_cast %get3A_45 : i32 to index
    %get3A_47 = arith.constant 32 : index
    %get3A_48 = tpu.vector_load %arg6[%get3A_46, %get3A_47] {strides = array<i32>} : memref<80x128xi32, #tpu.memory_space<vmem>>, vector<1x16xi32>,
    %get3A_49 = vector.shape_cast %get3A_48 : vector<1x16xi32> to vector<16xi32>
    %and3A_50 = arith.constant 32767 : i32
    %and3A_51 = vector.broadcast %and3A_50 : i32 to vector<16xi32>
    %and3A_52 = arith.andi %get3A_49, %and3A_51 : vector<16xi32>
    %add3A_53 = vector.broadcast %mul3A_0 : i32 to vector<16xi32>
    %add3A_54 = arith.addi %and3A_52, %add3A_53 : vector<16xi32>
    %swap3A_55 = arith.constant 32 : index
    %swap3A_56 = tpu.vector_load %arg7[%swap3A_55] {strides = array<i32>} : memref<128xi32, #tpu.memory_space<vmem>>, vector<16xi32>,
    %swap3A_57 = vector.shape_cast %swap3A_56 : vector<16xi32> to vector<16xi32>
    %swap3A_58 = vector.shape_cast %add3A_54 : vector<16xi32> to vector<16xi32>
    tpu.vector_store %arg7[%swap3A_55], %swap3A_58 {strides = array<i32>} : memref<128xi32, #tpu.memory_space<vmem>>, vector<16xi32>,
    %shift_right_logical3A_59 = arith.constant 15 : i32
    %shift_right_logical3A_60 = vector.broadcast %shift_right_logical3A_59 : i32 to vector<16xi32>
    %shift_right_logical3A_61 = arith.shrui %get3A_49, %shift_right_logical3A_60 : vector<16xi32>
    %swap3A_62 = arith.constant 32 : index
    %swap3A_63 = tpu.vector_load %arg9[%swap3A_62] {strides = array<i32>} : memref<128xi32, #tpu.memory_space<vmem>>, vector<16xi32>,
    %swap3A_64 = vector.shape_cast %swap3A_63 : vector<16xi32> to vector<16xi32>
    %swap3A_65 = vector.shape_cast %shift_right_logical3A_61 : vector<16xi32> to vector<16xi32>
    tpu.vector_store %arg9[%swap3A_62], %swap3A_65 {strides = array<i32>} : memref<128xi32, #tpu.memory_space<vmem>>, vector<16xi32>,
    %get3A_66 = arith.constant 0 : i32
    %get3A_67 = arith.index_cast %get3A_66 : i32 to index
    %get3A_68 = arith.constant 48 : index
    %get3A_69 = tpu.vector_load %arg6[%get3A_67, %get3A_68] {strides = array<i32>} : memref<80x128xi32, #tpu.memory_space<vmem>>, vector<1x16xi32>,
    %get3A_70 = vector.shape_cast %get3A_69 : vector<1x16xi32> to vector<16xi32>
    %and3A_71 = arith.constant 32767 : i32
    %and3A_72 = vector.broadcast %and3A_71 : i32 to vector<16xi32>
    %and3A_73 = arith.andi %get3A_70, %and3A_72 : vector<16xi32>
    %add3A_74 = vector.broadcast %mul3A_0 : i32 to vector<16xi32>
    %add3A_75 = arith.addi %and3A_73, %add3A_74 : vector<16xi32>
    %swap3A_76 = arith.constant 48 : index
    %swap3A_77 = tpu.vector_load %arg7[%swap3A_76] {strides = array<i32>} : memref<128xi32, #tpu.memory_space<vmem>>, vector<16xi32>,
    %swap3A_78 = vector.shape_cast %swap3A_77 : vector<16xi32> to vector<16xi32>
    %swap3A_79 = vector.shape_cast %add3A_75 : vector<16xi32> to vector<16xi32>
    tpu.vector_store %arg7[%swap3A_76], %swap3A_79 {strides = array<i32>} : memref<128xi32, #tpu.memory_space<vmem>>, vector<16xi32>,
    %shift_right_logical3A_80 = arith.constant 15 : i32
    %shift_right_logical3A_81 = vector.broadcast %shift_right_logical3A_80 : i32 to vector<16xi32>
    %shift_right_logical3A_82 = arith.shrui %get3A_70, %shift_right_logical3A_81 : vector<16xi32>
    %swap3A_83 = arith.constant 48 : index
    %swap3A_84 = tpu.vector_load %arg9[%swap3A_83] {strides = array<i32>} : memref<128xi32, #tpu.memory_space<vmem>>, vector<16xi32>,
    %swap3A_85 = vector.shape_cast %swap3A_84 : vector<16xi32> to vector<16xi32>
    %swap3A_86 = vector.shape_cast %shift_right_logical3A_82 : vector<16xi32> to vector<16xi32>
    tpu.vector_store %arg9[%swap3A_83], %swap3A_86 {strides = array<i32>} : memref<128xi32, #tpu.memory_space<vmem>>, vector<16xi32>,
    %get3A_87 = arith.constant 0 : i32
    %get3A_88 = arith.index_cast %get3A_87 : i32 to index
    %get3A_89 = arith.constant 64 : index
    %get3A_90 = tpu.vector_load %arg6[%get3A_88, %get3A_89] {strides = array<i32>} : memref<80x128xi32, #tpu.memory_space<vmem>>, vector<1x16xi32>,
    %get3A_91 = vector.shape_cast %get3A_90 : vector<1x16xi32> to vector<16xi32>
    %and3A_92 = arith.constant 32767 : i32
    %and3A_93 = vector.broadcast %and3A_92 : i32 to vector<16xi32>
    %and3A_94 = arith.andi %get3A_91, %and3A_93 : vector<16xi32>
    %add3A_95 = vector.broadcast %mul3A_0 : i32 to vector<16xi32>
    %add3A_96 = arith.addi %and3A_94, %add3A_95 : vector<16xi32>
    %swap3A_97 = arith.constant 64 : index
    %swap3A_98 = tpu.vector_load %arg7[%swap3A_97] {strides = array<i32>} : memref<128xi32, #tpu.memory_space<vmem>>, vector<16xi32>,
    %swap3A_99 = vector.shape_cast %swap3A_98 : vector<16xi32> to vector<16xi32>
    %swap3A_100 = vector.shape_cast %add3A_96 : vector<16xi32> to vector<16xi32>
    tpu.vector_store %arg7[%swap3A_97], %swap3A_100 {strides = array<i32>} : memref<128xi32, #tpu.memory_space<vmem>>, vector<16xi32>,
    %shift_right_logical3A_101 = arith.constant 15 : i32
    %shift_right_logical3A_102 = vector.broadcast %shift_right_logical3A_101 : i32 to vector<16xi32>
    %shift_right_logical3A_103 = arith.shrui %get3A_91, %shift_right_logical3A_102 : vector<16xi32>
    %swap3A_104 = arith.constant 64 : index
    %swap3A_105 = tpu.vector_load %arg9[%swap3A_104] {strides = array<i32>} : memref<128xi32, #tpu.memory_space<vmem>>, vector<16xi32>,
    %swap3A_106 = vector.shape_cast %swap3A_105 : vector<16xi32> to vector<16xi32>
    %swap3A_107 = vector.shape_cast %shift_right_logical3A_103 : vector<16xi32> to vector<16xi32>
    tpu.vector_store %arg9[%swap3A_104], %swap3A_107 {strides = array<i32>} : memref<128xi32, #tpu.memory_space<vmem>>, vector<16xi32>,
    %get3A_108 = arith.constant 0 : i32
    %get3A_109 = arith.index_cast %get3A_108 : i32 to index
    %get3A_110 = arith.constant 80 : index
    %get3A_111 = tpu.vector_load %arg6[%get3A_109, %get3A_110] {strides = array<i32>} : memref<80x128xi32, #tpu.memory_space<vmem>>, vector<1x16xi32>,
    %get3A_112 = vector.shape_cast %get3A_111 : vector<1x16xi32> to vector<16xi32>
    %and3A_113 = arith.constant 32767 : i32
    %and3A_114 = vector.broadcast %and3A_113 : i32 to vector<16xi32>
    %and3A_115 = arith.andi %get3A_112, %and3A_114 : vector<16xi32>
    %add3A_116 = vector.broadcast %mul3A_0 : i32 to vector<16xi32>
    %add3A_117 = arith.addi %and3A_115, %add3A_116 : vector<16xi32>
    %swap3A_118 = arith.constant 80 : index
    %swap3A_119 = tpu.vector_load %arg7[%swap3A_118] {strides = array<i32>} : memref<128xi32, #tpu.memory_space<vmem>>, vector<16xi32>,
    %swap3A_120 = vector.shape_cast %swap3A_119 : vector<16xi32> to vector<16xi32>
    %swap3A_121 = vector.shape_cast %add3A_117 : vector<16xi32> to vector<16xi32>
    tpu.vector_store %arg7[%swap3A_118], %swap3A_121 {strides = array<i32>} : memref<128xi32, #tpu.memory_space<vmem>>, vector<16xi32>,
    %shift_right_logical3A_122 = arith.constant 15 : i32
    %shift_right_logical3A_123 = vector.broadcast %shift_right_logical3A_122 : i32 to vector<16xi32>
    %shift_right_logical3A_124 = arith.shrui %get3A_112, %shift_right_logical3A_123 : vector<16xi32>
    %swap3A_125 = arith.constant 80 : index
    %swap3A_126 = tpu.vector_load %arg9[%swap3A_125] {strides = array<i32>} : memref<128xi32, #tpu.memory_space<vmem>>, vector<16xi32>,
    %swap3A_127 = vector.shape_cast %swap3A_126 : vector<16xi32> to vector<16xi32>
    %swap3A_128 = vector.shape_cast %shift_right_logical3A_124 : vector<16xi32> to vector<16xi32>
    tpu.vector_store %arg9[%swap3A_125], %swap3A_128 {strides = array<i32>} : memref<128xi32, #tpu.memory_space<vmem>>, vector<16xi32>,
    %get3A_129 = arith.constant 0 : i32
    %get3A_130 = arith.index_cast %get3A_129 : i32 to index
    %get3A_131 = arith.constant 96 : index
    %get3A_132 = tpu.vector_load %arg6[%get3A_130, %get3A_131] {strides = array<i32>} : memref<80x128xi32, #tpu.memory_space<vmem>>, vector<1x16xi32>,
    %get3A_133 = vector.shape_cast %get3A_132 : vector<1x16xi32> to vector<16xi32>
    %and3A_134 = arith.constant 32767 : i32
    %and3A_135 = vector.broadcast %and3A_134 : i32 to vector<16xi32>
    %and3A_136 = arith.andi %get3A_133, %and3A_135 : vector<16xi32>
    %add3A_137 = vector.broadcast %mul3A_0 : i32 to vector<16xi32>
    %add3A_138 = arith.addi %and3A_136, %add3A_137 : vector<16xi32>
    %swap3A_139 = arith.constant 96 : index
    %swap3A_140 = tpu.vector_load %arg7[%swap3A_139] {strides = array<i32>} : memref<128xi32, #tpu.memory_space<vmem>>, vector<16xi32>,
    %swap3A_141 = vector.shape_cast %swap3A_140 : vector<16xi32> to vector<16xi32>
    %swap3A_142 = vector.shape_cast %add3A_138 : vector<16xi32> to vector<16xi32>
    tpu.vector_store %arg7[%swap3A_139], %swap3A_142 {strides = array<i32>} : memref<128xi32, #tpu.memory_space<vmem>>, vector<16xi32>,
    %shift_right_logical3A_143 = arith.constant 15 : i32
    %shift_right_logical3A_144 = vector.broadcast %shift_right_logical3A_143 : i32 to vector<16xi32>
    %shift_right_logical3A_145 = arith.shrui %get3A_133, %shift_right_logical3A_144 : vector<16xi32>
    %swap3A_146 = arith.constant 96 : index
    %swap3A_147 = tpu.vector_load %arg9[%swap3A_146] {strides = array<i32>} : memref<128xi32, #tpu.memory_space<vmem>>, vector<16xi32>,
    %swap3A_148 = vector.shape_cast %swap3A_147 : vector<16xi32> to vector<16xi32>
    %swap3A_149 = vector.shape_cast %shift_right_logical3A_145 : vector<16xi32> to vector<16xi32>
    tpu.vector_store %arg9[%swap3A_146], %swap3A_149 {strides = array<i32>} : memref<128xi32, #tpu.memory_space<vmem>>, vector<16xi32>,
    %get3A_150 = arith.constant 0 : i32
    %get3A_151 = arith.index_cast %get3A_150 : i32 to index
    %get3A_152 = arith.constant 112 : index
    %get3A_153 = tpu.vector_load %arg6[%get3A_151, %get3A_152] {strides = array<i32>} : memref<80x128xi32, #tpu.memory_space<vmem>>, vector<1x16xi32>,
    %get3A_154 = vector.shape_cast %get3A_153 : vector<1x16xi32> to vector<16xi32>
    %and3A_155 = arith.constant 32767 : i32
    %and3A_156 = vector.broadcast %and3A_155 : i32 to vector<16xi32>
    %and3A_157 = arith.andi %get3A_154, %and3A_156 : vector<16xi32>
    %add3A_158 = vector.broadcast %mul3A_0 : i32 to vector<16xi32>
    %add3A_159 = arith.addi %and3A_157, %add3A_158 : vector<16xi32>
    %swap3A_160 = arith.constant 112 : index
    %swap3A_161 = tpu.vector_load %arg7[%swap3A_160] {strides = array<i32>} : memref<128xi32, #tpu.memory_space<vmem>>, vector<16xi32>,
    %swap3A_162 = vector.shape_cast %swap3A_161 : vector<16xi32> to vector<16xi32>
    %swap3A_163 = vector.shape_cast %add3A_159 : vector<16xi32> to vector<16xi32>
    tpu.vector_store %arg7[%swap3A_160], %swap3A_163 {strides = array<i32>} : memref<128xi32, #tpu.memory_space<vmem>>, vector<16xi32>,
    %shift_right_logical3A_164 = arith.constant 15 : i32
    %shift_right_logical3A_165 = vector.broadcast %shift_right_logical3A_164 : i32 to vector<16xi32>
    %shift_right_logical3A_166 = arith.shrui %get3A_154, %shift_right_logical3A_165 : vector<16xi32>
    %swap3A_167 = arith.constant 112 : index
    %swap3A_168 = tpu.vector_load %arg9[%swap3A_167] {strides = array<i32>} : memref<128xi32, #tpu.memory_space<vmem>>, vector<16xi32>,
    %swap3A_169 = vector.shape_cast %swap3A_168 : vector<16xi32> to vector<16xi32>
    %swap3A_170 = vector.shape_cast %shift_right_logical3A_166 : vector<16xi32> to vector<16xi32>
    tpu.vector_store %arg9[%swap3A_167], %swap3A_170 {strides = array<i32>} : memref<128xi32, #tpu.memory_space<vmem>>, vector<16xi32>,
    %dma_start3A = arith.constant 0 : i32
    %dma_start3A_171 = arith.constant 0 : i32
    %dma_start3A_172 = tpu.memref_slice %arg2[%dma_start3A, %dma_start3A_171] : memref<20000x128xf32, #tpu.memory_space<hbm>> -> memref<20000x128xf32, #tpu.memory_space<hbm>>
    tpu.enqueue_indirect_dma source(%dma_start3A_172 : memref<20000x128xf32, #tpu.memory_space<hbm>>) target(%arg11 : memref<128x128xf32, #tpu.memory_space<vmem>>) offsets(%arg7 : memref<128xi32, #tpu.memory_space<vmem>>) semaphore(%arg13 : memref<!tpu.dma_semaphore, #tpu.memory_space<semaphore_mem>>)
    %get3A_173 = arith.constant 1 : i32
    %get3A_174 = arith.index_cast %get3A_173 : i32 to index
    %get3A_175 = arith.constant 0 : index
    %get3A_176 = tpu.vector_load %arg6[%get3A_174, %get3A_175] {strides = array<i32>} : memref<80x128xi32, #tpu.memory_space<vmem>>, vector<1x16xi32>,
    %get3A_177 = vector.shape_cast %get3A_176 : vector<1x16xi32> to vector<16xi32>
    %and3A_178 = arith.constant 32767 : i32
    %and3A_179 = vector.broadcast %and3A_178 : i32 to vector<16xi32>
    %and3A_180 = arith.andi %get3A_177, %and3A_179 : vector<16xi32>
    %add3A_181 = vector.broadcast %mul3A_0 : i32 to vector<16xi32>
    %add3A_182 = arith.addi %and3A_180, %add3A_181 : vector<16xi32>
    %swap3A_183 = arith.constant 0 : index
    %swap3A_184 = tpu.vector_load %arg8[%swap3A_183] {strides = array<i32>} : memref<128xi32, #tpu.memory_space<vmem>>, vector<16xi32>,
    %swap3A_185 = vector.shape_cast %swap3A_184 : vector<16xi32> to vector<16xi32>
    %swap3A_186 = vector.shape_cast %add3A_182 : vector<16xi32> to vector<16xi32>
    tpu.vector_store %arg8[%swap3A_183], %swap3A_186 {strides = array<i32>} : memref<128xi32, #tpu.memory_space<vmem>>, vector<16xi32>,
    %shift_right_logical3A_187 = arith.constant 15 : i32
    %shift_right_logical3A_188 = vector.broadcast %shift_right_logical3A_187 : i32 to vector<16xi32>
    %shift_right_logical3A_189 = arith.shrui %get3A_177, %shift_right_logical3A_188 : vector<16xi32>
    %swap3A_190 = arith.constant 0 : index
    %swap3A_191 = tpu.vector_load %arg10[%swap3A_190] {strides = array<i32>} : memref<128xi32, #tpu.memory_space<vmem>>, vector<16xi32>,
    %swap3A_192 = vector.shape_cast %swap3A_191 : vector<16xi32> to vector<16xi32>
    %swap3A_193 = vector.shape_cast %shift_right_logical3A_189 : vector<16xi32> to vector<16xi32>
    tpu.vector_store %arg10[%swap3A_190], %swap3A_193 {strides = array<i32>} : memref<128xi32, #tpu.memory_space<vmem>>, vector<16xi32>,
    %get3A_194 = arith.constant 1 : i32
    %get3A_195 = arith.index_cast %get3A_194 : i32 to index
    %get3A_196 = arith.constant 16 : index
    %get3A_197 = tpu.vector_load %arg6[%get3A_195, %get3A_196] {strides = array<i32>} : memref<80x128xi32, #tpu.memory_space<vmem>>, vector<1x16xi32>,
    %get3A_198 = vector.shape_cast %get3A_197 : vector<1x16xi32> to vector<16xi32>
    %and3A_199 = arith.constant 32767 : i32
    %and3A_200 = vector.broadcast %and3A_199 : i32 to vector<16xi32>
    %and3A_201 = arith.andi %get3A_198, %and3A_200 : vector<16xi32>
    %add3A_202 = vector.broadcast %mul3A_0 : i32 to vector<16xi32>
    %add3A_203 = arith.addi %and3A_201, %add3A_202 : vector<16xi32>
    %swap3A_204 = arith.constant 16 : index
    %swap3A_205 = tpu.vector_load %arg8[%swap3A_204] {strides = array<i32>} : memref<128xi32, #tpu.memory_space<vmem>>, vector<16xi32>,
    %swap3A_206 = vector.shape_cast %swap3A_205 : vector<16xi32> to vector<16xi32>
    %swap3A_207 = vector.shape_cast %add3A_203 : vector<16xi32> to vector<16xi32>
    tpu.vector_store %arg8[%swap3A_204], %swap3A_207 {strides = array<i32>} : memref<128xi32, #tpu.memory_space<vmem>>, vector<16xi32>,
    %shift_right_logical3A_208 = arith.constant 15 : i32
    %shift_right_logical3A_209 = vector.broadcast %shift_right_logical3A_208 : i32 to vector<16xi32>
    %shift_right_logical3A_210 = arith.shrui %get3A_198, %shift_right_logical3A_209 : vector<16xi32>
    %swap3A_211 = arith.constant 16 : index
    %swap3A_212 = tpu.vector_load %arg10[%swap3A_211] {strides = array<i32>} : memref<128xi32, #tpu.memory_space<vmem>>, vector<16xi32>,
    %swap3A_213 = vector.shape_cast %swap3A_212 : vector<16xi32> to vector<16xi32>
    %swap3A_214 = vector.shape_cast %shift_right_logical3A_210 : vector<16xi32> to vector<16xi32>
    tpu.vector_store %arg10[%swap3A_211], %swap3A_214 {strides = array<i32>} : memref<128xi32, #tpu.memory_space<vmem>>, vector<16xi32>,
    %get3A_215 = arith.constant 1 : i32
    %get3A_216 = arith.index_cast %get3A_215 : i32 to index
    %get3A_217 = arith.constant 32 : index
    %get3A_218 = tpu.vector_load %arg6[%get3A_216, %get3A_217] {strides = array<i32>} : memref<80x128xi32, #tpu.memory_space<vmem>>, vector<1x16xi32>,
    %get3A_219 = vector.shape_cast %get3A_218 : vector<1x16xi32> to vector<16xi32>
    %and3A_220 = arith.constant 32767 : i32
    %and3A_221 = vector.broadcast %and3A_220 : i32 to vector<16xi32>
    %and3A_222 = arith.andi %get3A_219, %and3A_221 : vector<16xi32>
    %add3A_223 = vector.broadcast %mul3A_0 : i32 to vector<16xi32>
    %add3A_224 = arith.addi %and3A_222, %add3A_223 : vector<16xi32>
    %swap3A_225 = arith.constant 32 : index
    %swap3A_226 = tpu.vector_load %arg8[%swap3A_225] {strides = array<i32>} : memref<128xi32, #tpu.memory_space<vmem>>, vector<16xi32>,
    %swap3A_227 = vector.shape_cast %swap3A_226 : vector<16xi32> to vector<16xi32>
    %swap3A_228 = vector.shape_cast %add3A_224 : vector<16xi32> to vector<16xi32>
    tpu.vector_store %arg8[%swap3A_225], %swap3A_228 {strides = array<i32>} : memref<128xi32, #tpu.memory_space<vmem>>, vector<16xi32>,
    %shift_right_logical3A_229 = arith.constant 15 : i32
    %shift_right_logical3A_230 = vector.broadcast %shift_right_logical3A_229 : i32 to vector<16xi32>
    %shift_right_logical3A_231 = arith.shrui %get3A_219, %shift_right_logical3A_230 : vector<16xi32>
    %swap3A_232 = arith.constant 32 : index
    %swap3A_233 = tpu.vector_load %arg10[%swap3A_232] {strides = array<i32>} : memref<128xi32, #tpu.memory_space<vmem>>, vector<16xi32>,
    %swap3A_234 = vector.shape_cast %swap3A_233 : vector<16xi32> to vector<16xi32>
    %swap3A_235 = vector.shape_cast %shift_right_logical3A_231 : vector<16xi32> to vector<16xi32>
    tpu.vector_store %arg10[%swap3A_232], %swap3A_235 {strides = array<i32>} : memref<128xi32, #tpu.memory_space<vmem>>, vector<16xi32>,
    %get3A_236 = arith.constant 1 : i32
    %get3A_237 = arith.index_cast %get3A_236 : i32 to index
    %get3A_238 = arith.constant 48 : index
    %get3A_239 = tpu.vector_load %arg6[%get3A_237, %get3A_238] {strides = array<i32>} : memref<80x128xi32, #tpu.memory_space<vmem>>, vector<1x16xi32>,
    %get3A_240 = vector.shape_cast %get3A_239 : vector<1x16xi32> to vector<16xi32>
    %and3A_241 = arith.constant 32767 : i32
    %and3A_242 = vector.broadcast %and3A_241 : i32 to vector<16xi32>
    %and3A_243 = arith.andi %get3A_240, %and3A_242 : vector<16xi32>
    %add3A_244 = vector.broadcast %mul3A_0 : i32 to vector<16xi32>
    %add3A_245 = arith.addi %and3A_243, %add3A_244 : vector<16xi32>
    %swap3A_246 = arith.constant 48 : index
    %swap3A_247 = tpu.vector_load %arg8[%swap3A_246] {strides = array<i32>} : memref<128xi32, #tpu.memory_space<vmem>>, vector<16xi32>,
    %swap3A_248 = vector.shape_cast %swap3A_247 : vector<16xi32> to vector<16xi32>
    %swap3A_249 = vector.shape_cast %add3A_245 : vector<16xi32> to vector<16xi32>
    tpu.vector_store %arg8[%swap3A_246], %swap3A_249 {strides = array<i32>} : memref<128xi32, #tpu.memory_space<vmem>>, vector<16xi32>,
    %shift_right_logical3A_250 = arith.constant 15 : i32
    %shift_right_logical3A_251 = vector.broadcast %shift_right_logical3A_250 : i32 to vector<16xi32>
    %shift_right_logical3A_252 = arith.shrui %get3A_240, %shift_right_logical3A_251 : vector<16xi32>
    %swap3A_253 = arith.constant 48 : index
    %swap3A_254 = tpu.vector_load %arg10[%swap3A_253] {strides = array<i32>} : memref<128xi32, #tpu.memory_space<vmem>>, vector<16xi32>,
    %swap3A_255 = vector.shape_cast %swap3A_254 : vector<16xi32> to vector<16xi32>
    %swap3A_256 = vector.shape_cast %shift_right_logical3A_252 : vector<16xi32> to vector<16xi32>
    tpu.vector_store %arg10[%swap3A_253], %swap3A_256 {strides = array<i32>} : memref<128xi32, #tpu.memory_space<vmem>>, vector<16xi32>,
    %get3A_257 = arith.constant 1 : i32
    %get3A_258 = arith.index_cast %get3A_257 : i32 to index
    %get3A_259 = arith.constant 64 : index
    %get3A_260 = tpu.vector_load %arg6[%get3A_258, %get3A_259] {strides = array<i32>} : memref<80x128xi32, #tpu.memory_space<vmem>>, vector<1x16xi32>,
    %get3A_261 = vector.shape_cast %get3A_260 : vector<1x16xi32> to vector<16xi32>
    %and3A_262 = arith.constant 32767 : i32
    %and3A_263 = vector.broadcast %and3A_262 : i32 to vector<16xi32>
    %and3A_264 = arith.andi %get3A_261, %and3A_263 : vector<16xi32>
    %add3A_265 = vector.broadcast %mul3A_0 : i32 to vector<16xi32>
    %add3A_266 = arith.addi %and3A_264, %add3A_265 : vector<16xi32>
    %swap3A_267 = arith.constant 64 : index
    %swap3A_268 = tpu.vector_load %arg8[%swap3A_267] {strides = array<i32>} : memref<128xi32, #tpu.memory_space<vmem>>, vector<16xi32>,
    %swap3A_269 = vector.shape_cast %swap3A_268 : vector<16xi32> to vector<16xi32>
    %swap3A_270 = vector.shape_cast %add3A_266 : vector<16xi32> to vector<16xi32>
    tpu.vector_store %arg8[%swap3A_267], %swap3A_270 {strides = array<i32>} : memref<128xi32, #tpu.memory_space<vmem>>, vector<16xi32>,
    %shift_right_logical3A_271 = arith.constant 15 : i32
    %shift_right_logical3A_272 = vector.broadcast %shift_right_logical3A_271 : i32 to vector<16xi32>
    %shift_right_logical3A_273 = arith.shrui %get3A_261, %shift_right_logical3A_272 : vector<16xi32>
    %swap3A_274 = arith.constant 64 : index
    %swap3A_275 = tpu.vector_load %arg10[%swap3A_274] {strides = array<i32>} : memref<128xi32, #tpu.memory_space<vmem>>, vector<16xi32>,
    %swap3A_276 = vector.shape_cast %swap3A_275 : vector<16xi32> to vector<16xi32>
    %swap3A_277 = vector.shape_cast %shift_right_logical3A_273 : vector<16xi32> to vector<16xi32>
    tpu.vector_store %arg10[%swap3A_274], %swap3A_277 {strides = array<i32>} : memref<128xi32, #tpu.memory_space<vmem>>, vector<16xi32>,
    %get3A_278 = arith.constant 1 : i32
    %get3A_279 = arith.index_cast %get3A_278 : i32 to index
    %get3A_280 = arith.constant 80 : index
    %get3A_281 = tpu.vector_load %arg6[%get3A_279, %get3A_280] {strides = array<i32>} : memref<80x128xi32, #tpu.memory_space<vmem>>, vector<1x16xi32>,
    %get3A_282 = vector.shape_cast %get3A_281 : vector<1x16xi32> to vector<16xi32>
    %and3A_283 = arith.constant 32767 : i32
    %and3A_284 = vector.broadcast %and3A_283 : i32 to vector<16xi32>
    %and3A_285 = arith.andi %get3A_282, %and3A_284 : vector<16xi32>
    %add3A_286 = vector.broadcast %mul3A_0 : i32 to vector<16xi32>
    %add3A_287 = arith.addi %and3A_285, %add3A_286 : vector<16xi32>
    %swap3A_288 = arith.constant 80 : index
    %swap3A_289 = tpu.vector_load %arg8[%swap3A_288] {strides = array<i32>} : memref<128xi32, #tpu.memory_space<vmem>>, vector<16xi32>,
    %swap3A_290 = vector.shape_cast %swap3A_289 : vector<16xi32> to vector<16xi32>
    %swap3A_291 = vector.shape_cast %add3A_287 : vector<16xi32> to vector<16xi32>
    tpu.vector_store %arg8[%swap3A_288], %swap3A_291 {strides = array<i32>} : memref<128xi32, #tpu.memory_space<vmem>>, vector<16xi32>,
    %shift_right_logical3A_292 = arith.constant 15 : i32
    %shift_right_logical3A_293 = vector.broadcast %shift_right_logical3A_292 : i32 to vector<16xi32>
    %shift_right_logical3A_294 = arith.shrui %get3A_282, %shift_right_logical3A_293 : vector<16xi32>
    %swap3A_295 = arith.constant 80 : index
    %swap3A_296 = tpu.vector_load %arg10[%swap3A_295] {strides = array<i32>} : memref<128xi32, #tpu.memory_space<vmem>>, vector<16xi32>,
    %swap3A_297 = vector.shape_cast %swap3A_296 : vector<16xi32> to vector<16xi32>
    %swap3A_298 = vector.shape_cast %shift_right_logical3A_294 : vector<16xi32> to vector<16xi32>
    tpu.vector_store %arg10[%swap3A_295], %swap3A_298 {strides = array<i32>} : memref<128xi32, #tpu.memory_space<vmem>>, vector<16xi32>,
    %get3A_299 = arith.constant 1 : i32
    %get3A_300 = arith.index_cast %get3A_299 : i32 to index
    %get3A_301 = arith.constant 96 : index
    %get3A_302 = tpu.vector_load %arg6[%get3A_300, %get3A_301] {strides = array<i32>} : memref<80x128xi32, #tpu.memory_space<vmem>>, vector<1x16xi32>,
    %get3A_303 = vector.shape_cast %get3A_302 : vector<1x16xi32> to vector<16xi32>
    %and3A_304 = arith.constant 32767 : i32
    %and3A_305 = vector.broadcast %and3A_304 : i32 to vector<16xi32>
    %and3A_306 = arith.andi %get3A_303, %and3A_305 : vector<16xi32>
    %add3A_307 = vector.broadcast %mul3A_0 : i32 to vector<16xi32>
    %add3A_308 = arith.addi %and3A_306, %add3A_307 : vector<16xi32>
    %swap3A_309 = arith.constant 96 : index
    %swap3A_310 = tpu.vector_load %arg8[%swap3A_309] {strides = array<i32>} : memref<128xi32, #tpu.memory_space<vmem>>, vector<16xi32>,
    %swap3A_311 = vector.shape_cast %swap3A_310 : vector<16xi32> to vector<16xi32>
    %swap3A_312 = vector.shape_cast %add3A_308 : vector<16xi32> to vector<16xi32>
    tpu.vector_store %arg8[%swap3A_309], %swap3A_312 {strides = array<i32>} : memref<128xi32, #tpu.memory_space<vmem>>, vector<16xi32>,
    %shift_right_logical3A_313 = arith.constant 15 : i32
    %shift_right_logical3A_314 = vector.broadcast %shift_right_logical3A_313 : i32 to vector<16xi32>
    %shift_right_logical3A_315 = arith.shrui %get3A_303, %shift_right_logical3A_314 : vector<16xi32>
    %swap3A_316 = arith.constant 96 : index
    %swap3A_317 = tpu.vector_load %arg10[%swap3A_316] {strides = array<i32>} : memref<128xi32, #tpu.memory_space<vmem>>, vector<16xi32>,
    %swap3A_318 = vector.shape_cast %swap3A_317 : vector<16xi32> to vector<16xi32>
    %swap3A_319 = vector.shape_cast %shift_right_logical3A_315 : vector<16xi32> to vector<16xi32>
    tpu.vector_store %arg10[%swap3A_316], %swap3A_319 {strides = array<i32>} : memref<128xi32, #tpu.memory_space<vmem>>, vector<16xi32>,
    %get3A_320 = arith.constant 1 : i32
    %get3A_321 = arith.index_cast %get3A_320 : i32 to index
    %get3A_322 = arith.constant 112 : index
    %get3A_323 = tpu.vector_load %arg6[%get3A_321, %get3A_322] {strides = array<i32>} : memref<80x128xi32, #tpu.memory_space<vmem>>, vector<1x16xi32>,
    %get3A_324 = vector.shape_cast %get3A_323 : vector<1x16xi32> to vector<16xi32>
    %and3A_325 = arith.constant 32767 : i32
    %and3A_326 = vector.broadcast %and3A_325 : i32 to vector<16xi32>
    %and3A_327 = arith.andi %get3A_324, %and3A_326 : vector<16xi32>
    %add3A_328 = vector.broadcast %mul3A_0 : i32 to vector<16xi32>
    %add3A_329 = arith.addi %and3A_327, %add3A_328 : vector<16xi32>
    %swap3A_330 = arith.constant 112 : index
    %swap3A_331 = tpu.vector_load %arg8[%swap3A_330] {strides = array<i32>} : memref<128xi32, #tpu.memory_space<vmem>>, vector<16xi32>,
    %swap3A_332 = vector.shape_cast %swap3A_331 : vector<16xi32> to vector<16xi32>
    %swap3A_333 = vector.shape_cast %add3A_329 : vector<16xi32> to vector<16xi32>
    tpu.vector_store %arg8[%swap3A_330], %swap3A_333 {strides = array<i32>} : memref<128xi32, #tpu.memory_space<vmem>>, vector<16xi32>,
    %shift_right_logical3A_334 = arith.constant 15 : i32
    %shift_right_logical3A_335 = vector.broadcast %shift_right_logical3A_334 : i32 to vector<16xi32>
    %shift_right_logical3A_336 = arith.shrui %get3A_324, %shift_right_logical3A_335 : vector<16xi32>
    %swap3A_337 = arith.constant 112 : index
    %swap3A_338 = tpu.vector_load %arg10[%swap3A_337] {strides = array<i32>} : memref<128xi32, #tpu.memory_space<vmem>>, vector<16xi32>,
    %swap3A_339 = vector.shape_cast %swap3A_338 : vector<16xi32> to vector<16xi32>
    %swap3A_340 = vector.shape_cast %shift_right_logical3A_336 : vector<16xi32> to vector<16xi32>
    tpu.vector_store %arg10[%swap3A_337], %swap3A_340 {strides = array<i32>} : memref<128xi32, #tpu.memory_space<vmem>>, vector<16xi32>,
    %dma_start3A_341 = arith.constant 0 : i32
    %dma_start3A_342 = arith.constant 0 : i32
    %dma_start3A_343 = tpu.memref_slice %arg2[%dma_start3A_341, %dma_start3A_342] : memref<20000x128xf32, #tpu.memory_space<hbm>> -> memref<20000x128xf32, #tpu.memory_space<hbm>>
    tpu.enqueue_indirect_dma source(%dma_start3A_343 : memref<20000x128xf32, #tpu.memory_space<hbm>>) target(%arg12 : memref<128x128xf32, #tpu.memory_space<vmem>>) offsets(%arg8 : memref<128xi32, #tpu.memory_space<vmem>>) semaphore(%arg14 : memref<!tpu.dma_semaphore, #tpu.memory_space<semaphore_mem>>)
    %scan3A = arith.constant 0 : i32
    %scan3A_344 = arith.constant 0 : i32
    %scan3A_345 = arith.constant 39 : i32
    %scan3A_346 = arith.addi %scan3A_344, %scan3A_345 : i32
    %scan3A_347 = arith.constant 1 : i32
    scf.for %scan3A_365 = %scan3A_344 to %scan3A_346 step %scan3A_347  : i32 {
      %mul3A_366 = arith.constant 2 : i32
      %mul3A_367 = arith.muli %scan3A_365, %mul3A_366 : i32
      %dma_wait3A_368 = arith.constant 0 : i32
      %dma_wait3A_369 = arith.constant 0 : i32
      %dma_wait3A_370 = tpu.memref_slice %arg2[%dma_wait3A_368, %dma_wait3A_369] : memref<20000x128xf32, #tpu.memory_space<hbm>> -> memref<20000x128xf32, #tpu.memory_space<hbm>>
      tpu.wait_indirect_dma semaphore(%arg13 : memref<!tpu.dma_semaphore, #tpu.memory_space<semaphore_mem>>) src(%dma_wait3A_370 : memref<20000x128xf32, #tpu.memory_space<hbm>>) dst(%arg11 : memref<128x128xf32, #tpu.memory_space<vmem>>)
      "tpu.region"() ({
        %run_scoped3A = tpu.sem_alloc : memref<!tpu.dma_semaphore, #tpu.memory_space<semaphore_mem>>
        %dma_start3A_708 = arith.constant 0 : i32
        %dma_start3A_709 = arith.constant 0 : i32
        %dma_start3A_710 = tpu.memref_slice %arg5[%dma_start3A_708, %dma_start3A_709] : memref<10016x128xf32, #tpu.memory_space<vmem_shared>> -> memref<10016x128xf32, #tpu.memory_space<vmem_shared>>
        tpu.enqueue_indirect_dma source(%arg11 : memref<128x128xf32, #tpu.memory_space<vmem>>) target(%dma_start3A_710 : memref<10016x128xf32, #tpu.memory_space<vmem_shared>>) offsets(%arg9 : memref<128xi32, #tpu.memory_space<vmem>>) semaphore(%run_scoped3A : memref<!tpu.dma_semaphore, #tpu.memory_space<semaphore_mem>>) {add = true}
        %dma_wait3A_711 = arith.constant 0 : i32
        %dma_wait3A_712 = arith.constant 0 : i32
        %dma_wait3A_713 = tpu.memref_slice %arg5[%dma_wait3A_711, %dma_wait3A_712] : memref<10016x128xf32, #tpu.memory_space<vmem_shared>> -> memref<10016x128xf32, #tpu.memory_space<vmem_shared>>
        tpu.wait_indirect_dma semaphore(%run_scoped3A : memref<!tpu.dma_semaphore, #tpu.memory_space<semaphore_mem>>) src(%arg11 : memref<128x128xf32, #tpu.memory_space<vmem>>) dst(%dma_wait3A_713 : memref<10016x128xf32, #tpu.memory_space<vmem_shared>>)
        tpu.yield
      }) : () -> ()
      %add3A_371 = arith.constant 0 : i32
      %add3A_372 = arith.addi %mul3A_367, %add3A_371 : i32
      %add3A_373 = arith.constant 2 : i32
      %add3A_374 = arith.addi %add3A_372, %add3A_373 : i32
      %get3A_375 = arith.index_cast %add3A_374 : i32 to index
      %get3A_376 = arith.constant 0 : index
      %get3A_377 = tpu.vector_load %arg6[%get3A_375, %get3A_376] {strides = array<i32>} : memref<80x128xi32, #tpu.memory_space<vmem>>, vector<1x16xi32>,
      %get3A_378 = vector.shape_cast %get3A_377 : vector<1x16xi32> to vector<16xi32>
      %and3A_379 = arith.constant 32767 : i32
      %and3A_380 = vector.broadcast %and3A_379 : i32 to vector<16xi32>
      %and3A_381 = arith.andi %get3A_378, %and3A_380 : vector<16xi32>
      %add3A_382 = vector.broadcast %mul3A_0 : i32 to vector<16xi32>
      %add3A_383 = arith.addi %and3A_381, %add3A_382 : vector<16xi32>
      %swap3A_384 = arith.constant 0 : index
      %swap3A_385 = tpu.vector_load %arg7[%swap3A_384] {strides = array<i32>} : memref<128xi32, #tpu.memory_space<vmem>>, vector<16xi32>,
      %swap3A_386 = vector.shape_cast %swap3A_385 : vector<16xi32> to vector<16xi32>
      %swap3A_387 = vector.shape_cast %add3A_383 : vector<16xi32> to vector<16xi32>
      tpu.vector_store %arg7[%swap3A_384], %swap3A_387 {strides = array<i32>} : memref<128xi32, #tpu.memory_space<vmem>>, vector<16xi32>,
      %shift_right_logical3A_388 = arith.constant 15 : i32
      %shift_right_logical3A_389 = vector.broadcast %shift_right_logical3A_388 : i32 to vector<16xi32>
      %shift_right_logical3A_390 = arith.shrui %get3A_378, %shift_right_logical3A_389 : vector<16xi32>
      %swap3A_391 = arith.constant 0 : index
      %swap3A_392 = tpu.vector_load %arg9[%swap3A_391] {strides = array<i32>} : memref<128xi32, #tpu.memory_space<vmem>>, vector<16xi32>,
      %swap3A_393 = vector.shape_cast %swap3A_392 : vector<16xi32> to vector<16xi32>
      %swap3A_394 = vector.shape_cast %shift_right_logical3A_390 : vector<16xi32> to vector<16xi32>
      tpu.vector_store %arg9[%swap3A_391], %swap3A_394 {strides = array<i32>} : memref<128xi32, #tpu.memory_space<vmem>>, vector<16xi32>,
      %get3A_395 = arith.index_cast %add3A_374 : i32 to index
      %get3A_396 = arith.constant 16 : index
      %get3A_397 = tpu.vector_load %arg6[%get3A_395, %get3A_396] {strides = array<i32>} : memref<80x128xi32, #tpu.memory_space<vmem>>, vector<1x16xi32>,
      %get3A_398 = vector.shape_cast %get3A_397 : vector<1x16xi32> to vector<16xi32>
      %and3A_399 = arith.constant 32767 : i32
      %and3A_400 = vector.broadcast %and3A_399 : i32 to vector<16xi32>
      %and3A_401 = arith.andi %get3A_398, %and3A_400 : vector<16xi32>
      %add3A_402 = vector.broadcast %mul3A_0 : i32 to vector<16xi32>
      %add3A_403 = arith.addi %and3A_401, %add3A_402 : vector<16xi32>
      %swap3A_404 = arith.constant 16 : index
      %swap3A_405 = tpu.vector_load %arg7[%swap3A_404] {strides = array<i32>} : memref<128xi32, #tpu.memory_space<vmem>>, vector<16xi32>,
      %swap3A_406 = vector.shape_cast %swap3A_405 : vector<16xi32> to vector<16xi32>
      %swap3A_407 = vector.shape_cast %add3A_403 : vector<16xi32> to vector<16xi32>
      tpu.vector_store %arg7[%swap3A_404], %swap3A_407 {strides = array<i32>} : memref<128xi32, #tpu.memory_space<vmem>>, vector<16xi32>,
      %shift_right_logical3A_408 = arith.constant 15 : i32
      %shift_right_logical3A_409 = vector.broadcast %shift_right_logical3A_408 : i32 to vector<16xi32>
      %shift_right_logical3A_410 = arith.shrui %get3A_398, %shift_right_logical3A_409 : vector<16xi32>
      %swap3A_411 = arith.constant 16 : index
      %swap3A_412 = tpu.vector_load %arg9[%swap3A_411] {strides = array<i32>} : memref<128xi32, #tpu.memory_space<vmem>>, vector<16xi32>,
      %swap3A_413 = vector.shape_cast %swap3A_412 : vector<16xi32> to vector<16xi32>
      %swap3A_414 = vector.shape_cast %shift_right_logical3A_410 : vector<16xi32> to vector<16xi32>
      tpu.vector_store %arg9[%swap3A_411], %swap3A_414 {strides = array<i32>} : memref<128xi32, #tpu.memory_space<vmem>>, vector<16xi32>,
      %get3A_415 = arith.index_cast %add3A_374 : i32 to index
      %get3A_416 = arith.constant 32 : index
      %get3A_417 = tpu.vector_load %arg6[%get3A_415, %get3A_416] {strides = array<i32>} : memref<80x128xi32, #tpu.memory_space<vmem>>, vector<1x16xi32>,
      %get3A_418 = vector.shape_cast %get3A_417 : vector<1x16xi32> to vector<16xi32>
      %and3A_419 = arith.constant 32767 : i32
      %and3A_420 = vector.broadcast %and3A_419 : i32 to vector<16xi32>
      %and3A_421 = arith.andi %get3A_418, %and3A_420 : vector<16xi32>
      %add3A_422 = vector.broadcast %mul3A_0 : i32 to vector<16xi32>
      %add3A_423 = arith.addi %and3A_421, %add3A_422 : vector<16xi32>
      %swap3A_424 = arith.constant 32 : index
      %swap3A_425 = tpu.vector_load %arg7[%swap3A_424] {strides = array<i32>} : memref<128xi32, #tpu.memory_space<vmem>>, vector<16xi32>,
      %swap3A_426 = vector.shape_cast %swap3A_425 : vector<16xi32> to vector<16xi32>
      %swap3A_427 = vector.shape_cast %add3A_423 : vector<16xi32> to vector<16xi32>
      tpu.vector_store %arg7[%swap3A_424], %swap3A_427 {strides = array<i32>} : memref<128xi32, #tpu.memory_space<vmem>>, vector<16xi32>,
      %shift_right_logical3A_428 = arith.constant 15 : i32
      %shift_right_logical3A_429 = vector.broadcast %shift_right_logical3A_428 : i32 to vector<16xi32>
      %shift_right_logical3A_430 = arith.shrui %get3A_418, %shift_right_logical3A_429 : vector<16xi32>
      %swap3A_431 = arith.constant 32 : index
      %swap3A_432 = tpu.vector_load %arg9[%swap3A_431] {strides = array<i32>} : memref<128xi32, #tpu.memory_space<vmem>>, vector<16xi32>,
      %swap3A_433 = vector.shape_cast %swap3A_432 : vector<16xi32> to vector<16xi32>
      %swap3A_434 = vector.shape_cast %shift_right_logical3A_430 : vector<16xi32> to vector<16xi32>
      tpu.vector_store %arg9[%swap3A_431], %swap3A_434 {strides = array<i32>} : memref<128xi32, #tpu.memory_space<vmem>>, vector<16xi32>,
      %get3A_435 = arith.index_cast %add3A_374 : i32 to index
      %get3A_436 = arith.constant 48 : index
      %get3A_437 = tpu.vector_load %arg6[%get3A_435, %get3A_436] {strides = array<i32>} : memref<80x128xi32, #tpu.memory_space<vmem>>, vector<1x16xi32>,
      %get3A_438 = vector.shape_cast %get3A_437 : vector<1x16xi32> to vector<16xi32>
      %and3A_439 = arith.constant 32767 : i32
      %and3A_440 = vector.broadcast %and3A_439 : i32 to vector<16xi32>
      %and3A_441 = arith.andi %get3A_438, %and3A_440 : vector<16xi32>
      %add3A_442 = vector.broadcast %mul3A_0 : i32 to vector<16xi32>
      %add3A_443 = arith.addi %and3A_441, %add3A_442 : vector<16xi32>
      %swap3A_444 = arith.constant 48 : index
      %swap3A_445 = tpu.vector_load %arg7[%swap3A_444] {strides = array<i32>} : memref<128xi32, #tpu.memory_space<vmem>>, vector<16xi32>,
      %swap3A_446 = vector.shape_cast %swap3A_445 : vector<16xi32> to vector<16xi32>
      %swap3A_447 = vector.shape_cast %add3A_443 : vector<16xi32> to vector<16xi32>
      tpu.vector_store %arg7[%swap3A_444], %swap3A_447 {strides = array<i32>} : memref<128xi32, #tpu.memory_space<vmem>>, vector<16xi32>,
      %shift_right_logical3A_448 = arith.constant 15 : i32
      %shift_right_logical3A_449 = vector.broadcast %shift_right_logical3A_448 : i32 to vector<16xi32>
      %shift_right_logical3A_450 = arith.shrui %get3A_438, %shift_right_logical3A_449 : vector<16xi32>
      %swap3A_451 = arith.constant 48 : index
      %swap3A_452 = tpu.vector_load %arg9[%swap3A_451] {strides = array<i32>} : memref<128xi32, #tpu.memory_space<vmem>>, vector<16xi32>,
      %swap3A_453 = vector.shape_cast %swap3A_452 : vector<16xi32> to vector<16xi32>
      %swap3A_454 = vector.shape_cast %shift_right_logical3A_450 : vector<16xi32> to vector<16xi32>
      tpu.vector_store %arg9[%swap3A_451], %swap3A_454 {strides = array<i32>} : memref<128xi32, #tpu.memory_space<vmem>>, vector<16xi32>,
      %get3A_455 = arith.index_cast %add3A_374 : i32 to index
      %get3A_456 = arith.constant 64 : index
      %get3A_457 = tpu.vector_load %arg6[%get3A_455, %get3A_456] {strides = array<i32>} : memref<80x128xi32, #tpu.memory_space<vmem>>, vector<1x16xi32>,
      %get3A_458 = vector.shape_cast %get3A_457 : vector<1x16xi32> to vector<16xi32>
      %and3A_459 = arith.constant 32767 : i32
      %and3A_460 = vector.broadcast %and3A_459 : i32 to vector<16xi32>
      %and3A_461 = arith.andi %get3A_458, %and3A_460 : vector<16xi32>
      %add3A_462 = vector.broadcast %mul3A_0 : i32 to vector<16xi32>
      %add3A_463 = arith.addi %and3A_461, %add3A_462 : vector<16xi32>
      %swap3A_464 = arith.constant 64 : index
      %swap3A_465 = tpu.vector_load %arg7[%swap3A_464] {strides = array<i32>} : memref<128xi32, #tpu.memory_space<vmem>>, vector<16xi32>,
      %swap3A_466 = vector.shape_cast %swap3A_465 : vector<16xi32> to vector<16xi32>
      %swap3A_467 = vector.shape_cast %add3A_463 : vector<16xi32> to vector<16xi32>
      tpu.vector_store %arg7[%swap3A_464], %swap3A_467 {strides = array<i32>} : memref<128xi32, #tpu.memory_space<vmem>>, vector<16xi32>,
      %shift_right_logical3A_468 = arith.constant 15 : i32
      %shift_right_logical3A_469 = vector.broadcast %shift_right_logical3A_468 : i32 to vector<16xi32>
      %shift_right_logical3A_470 = arith.shrui %get3A_458, %shift_right_logical3A_469 : vector<16xi32>
      %swap3A_471 = arith.constant 64 : index
      %swap3A_472 = tpu.vector_load %arg9[%swap3A_471] {strides = array<i32>} : memref<128xi32, #tpu.memory_space<vmem>>, vector<16xi32>,
      %swap3A_473 = vector.shape_cast %swap3A_472 : vector<16xi32> to vector<16xi32>
      %swap3A_474 = vector.shape_cast %shift_right_logical3A_470 : vector<16xi32> to vector<16xi32>
      tpu.vector_store %arg9[%swap3A_471], %swap3A_474 {strides = array<i32>} : memref<128xi32, #tpu.memory_space<vmem>>, vector<16xi32>,
      %get3A_475 = arith.index_cast %add3A_374 : i32 to index
      %get3A_476 = arith.constant 80 : index
      %get3A_477 = tpu.vector_load %arg6[%get3A_475, %get3A_476] {strides = array<i32>} : memref<80x128xi32, #tpu.memory_space<vmem>>, vector<1x16xi32>,
      %get3A_478 = vector.shape_cast %get3A_477 : vector<1x16xi32> to vector<16xi32>
      %and3A_479 = arith.constant 32767 : i32
      %and3A_480 = vector.broadcast %and3A_479 : i32 to vector<16xi32>
      %and3A_481 = arith.andi %get3A_478, %and3A_480 : vector<16xi32>
      %add3A_482 = vector.broadcast %mul3A_0 : i32 to vector<16xi32>
      %add3A_483 = arith.addi %and3A_481, %add3A_482 : vector<16xi32>
      %swap3A_484 = arith.constant 80 : index
      %swap3A_485 = tpu.vector_load %arg7[%swap3A_484] {strides = array<i32>} : memref<128xi32, #tpu.memory_space<vmem>>, vector<16xi32>,
      %swap3A_486 = vector.shape_cast %swap3A_485 : vector<16xi32> to vector<16xi32>
      %swap3A_487 = vector.shape_cast %add3A_483 : vector<16xi32> to vector<16xi32>
      tpu.vector_store %arg7[%swap3A_484], %swap3A_487 {strides = array<i32>} : memref<128xi32, #tpu.memory_space<vmem>>, vector<16xi32>,
      %shift_right_logical3A_488 = arith.constant 15 : i32
      %shift_right_logical3A_489 = vector.broadcast %shift_right_logical3A_488 : i32 to vector<16xi32>
      %shift_right_logical3A_490 = arith.shrui %get3A_478, %shift_right_logical3A_489 : vector<16xi32>
      %swap3A_491 = arith.constant 80 : index
      %swap3A_492 = tpu.vector_load %arg9[%swap3A_491] {strides = array<i32>} : memref<128xi32, #tpu.memory_space<vmem>>, vector<16xi32>,
      %swap3A_493 = vector.shape_cast %swap3A_492 : vector<16xi32> to vector<16xi32>
      %swap3A_494 = vector.shape_cast %shift_right_logical3A_490 : vector<16xi32> to vector<16xi32>
      tpu.vector_store %arg9[%swap3A_491], %swap3A_494 {strides = array<i32>} : memref<128xi32, #tpu.memory_space<vmem>>, vector<16xi32>,
      %get3A_495 = arith.index_cast %add3A_374 : i32 to index
      %get3A_496 = arith.constant 96 : index
      %get3A_497 = tpu.vector_load %arg6[%get3A_495, %get3A_496] {strides = array<i32>} : memref<80x128xi32, #tpu.memory_space<vmem>>, vector<1x16xi32>,
      %get3A_498 = vector.shape_cast %get3A_497 : vector<1x16xi32> to vector<16xi32>
      %and3A_499 = arith.constant 32767 : i32
      %and3A_500 = vector.broadcast %and3A_499 : i32 to vector<16xi32>
      %and3A_501 = arith.andi %get3A_498, %and3A_500 : vector<16xi32>
      %add3A_502 = vector.broadcast %mul3A_0 : i32 to vector<16xi32>
      %add3A_503 = arith.addi %and3A_501, %add3A_502 : vector<16xi32>
      %swap3A_504 = arith.constant 96 : index
      %swap3A_505 = tpu.vector_load %arg7[%swap3A_504] {strides = array<i32>} : memref<128xi32, #tpu.memory_space<vmem>>, vector<16xi32>,
      %swap3A_506 = vector.shape_cast %swap3A_505 : vector<16xi32> to vector<16xi32>
      %swap3A_507 = vector.shape_cast %add3A_503 : vector<16xi32> to vector<16xi32>
      tpu.vector_store %arg7[%swap3A_504], %swap3A_507 {strides = array<i32>} : memref<128xi32, #tpu.memory_space<vmem>>, vector<16xi32>,
      %shift_right_logical3A_508 = arith.constant 15 : i32
      %shift_right_logical3A_509 = vector.broadcast %shift_right_logical3A_508 : i32 to vector<16xi32>
      %shift_right_logical3A_510 = arith.shrui %get3A_498, %shift_right_logical3A_509 : vector<16xi32>
      %swap3A_511 = arith.constant 96 : index
      %swap3A_512 = tpu.vector_load %arg9[%swap3A_511] {strides = array<i32>} : memref<128xi32, #tpu.memory_space<vmem>>, vector<16xi32>,
      %swap3A_513 = vector.shape_cast %swap3A_512 : vector<16xi32> to vector<16xi32>
      %swap3A_514 = vector.shape_cast %shift_right_logical3A_510 : vector<16xi32> to vector<16xi32>
      tpu.vector_store %arg9[%swap3A_511], %swap3A_514 {strides = array<i32>} : memref<128xi32, #tpu.memory_space<vmem>>, vector<16xi32>,
      %get3A_515 = arith.index_cast %add3A_374 : i32 to index
      %get3A_516 = arith.constant 112 : index
      %get3A_517 = tpu.vector_load %arg6[%get3A_515, %get3A_516] {strides = array<i32>} : memref<80x128xi32, #tpu.memory_space<vmem>>, vector<1x16xi32>,
      %get3A_518 = vector.shape_cast %get3A_517 : vector<1x16xi32> to vector<16xi32>
      %and3A_519 = arith.constant 32767 : i32
      %and3A_520 = vector.broadcast %and3A_519 : i32 to vector<16xi32>
      %and3A_521 = arith.andi %get3A_518, %and3A_520 : vector<16xi32>
      %add3A_522 = vector.broadcast %mul3A_0 : i32 to vector<16xi32>
      %add3A_523 = arith.addi %and3A_521, %add3A_522 : vector<16xi32>
      %swap3A_524 = arith.constant 112 : index
      %swap3A_525 = tpu.vector_load %arg7[%swap3A_524] {strides = array<i32>} : memref<128xi32, #tpu.memory_space<vmem>>, vector<16xi32>,
      %swap3A_526 = vector.shape_cast %swap3A_525 : vector<16xi32> to vector<16xi32>
      %swap3A_527 = vector.shape_cast %add3A_523 : vector<16xi32> to vector<16xi32>
      tpu.vector_store %arg7[%swap3A_524], %swap3A_527 {strides = array<i32>} : memref<128xi32, #tpu.memory_space<vmem>>, vector<16xi32>,
      %shift_right_logical3A_528 = arith.constant 15 : i32
      %shift_right_logical3A_529 = vector.broadcast %shift_right_logical3A_528 : i32 to vector<16xi32>
      %shift_right_logical3A_530 = arith.shrui %get3A_518, %shift_right_logical3A_529 : vector<16xi32>
      %swap3A_531 = arith.constant 112 : index
      %swap3A_532 = tpu.vector_load %arg9[%swap3A_531] {strides = array<i32>} : memref<128xi32, #tpu.memory_space<vmem>>, vector<16xi32>,
      %swap3A_533 = vector.shape_cast %swap3A_532 : vector<16xi32> to vector<16xi32>
      %swap3A_534 = vector.shape_cast %shift_right_logical3A_530 : vector<16xi32> to vector<16xi32>
      tpu.vector_store %arg9[%swap3A_531], %swap3A_534 {strides = array<i32>} : memref<128xi32, #tpu.memory_space<vmem>>, vector<16xi32>,
      %dma_start3A_535 = arith.constant 0 : i32
      %dma_start3A_536 = arith.constant 0 : i32
      %dma_start3A_537 = tpu.memref_slice %arg2[%dma_start3A_535, %dma_start3A_536] : memref<20000x128xf32, #tpu.memory_space<hbm>> -> memref<20000x128xf32, #tpu.memory_space<hbm>>
      tpu.enqueue_indirect_dma source(%dma_start3A_537 : memref<20000x128xf32, #tpu.memory_space<hbm>>) target(%arg11 : memref<128x128xf32, #tpu.memory_space<vmem>>) offsets(%arg7 : memref<128xi32, #tpu.memory_space<vmem>>) semaphore(%arg13 : memref<!tpu.dma_semaphore, #tpu.memory_space<semaphore_mem>>)
      %dma_wait3A_538 = arith.constant 0 : i32
      %dma_wait3A_539 = arith.constant 0 : i32
      %dma_wait3A_540 = tpu.memref_slice %arg2[%dma_wait3A_538, %dma_wait3A_539] : memref<20000x128xf32, #tpu.memory_space<hbm>> -> memref<20000x128xf32, #tpu.memory_space<hbm>>
      tpu.wait_indirect_dma semaphore(%arg14 : memref<!tpu.dma_semaphore, #tpu.memory_space<semaphore_mem>>) src(%dma_wait3A_540 : memref<20000x128xf32, #tpu.memory_space<hbm>>) dst(%arg12 : memref<128x128xf32, #tpu.memory_space<vmem>>)
      "tpu.region"() ({
        %run_scoped3A = tpu.sem_alloc : memref<!tpu.dma_semaphore, #tpu.memory_space<semaphore_mem>>
        %dma_start3A_708 = arith.constant 0 : i32
        %dma_start3A_709 = arith.constant 0 : i32
        %dma_start3A_710 = tpu.memref_slice %arg5[%dma_start3A_708, %dma_start3A_709] : memref<10016x128xf32, #tpu.memory_space<vmem_shared>> -> memref<10016x128xf32, #tpu.memory_space<vmem_shared>>
        tpu.enqueue_indirect_dma source(%arg12 : memref<128x128xf32, #tpu.memory_space<vmem>>) target(%dma_start3A_710 : memref<10016x128xf32, #tpu.memory_space<vmem_shared>>) offsets(%arg10 : memref<128xi32, #tpu.memory_space<vmem>>) semaphore(%run_scoped3A : memref<!tpu.dma_semaphore, #tpu.memory_space<semaphore_mem>>) {add = true}
        %dma_wait3A_711 = arith.constant 0 : i32
        %dma_wait3A_712 = arith.constant 0 : i32
        %dma_wait3A_713 = tpu.memref_slice %arg5[%dma_wait3A_711, %dma_wait3A_712] : memref<10016x128xf32, #tpu.memory_space<vmem_shared>> -> memref<10016x128xf32, #tpu.memory_space<vmem_shared>>
        tpu.wait_indirect_dma semaphore(%run_scoped3A : memref<!tpu.dma_semaphore, #tpu.memory_space<semaphore_mem>>) src(%arg12 : memref<128x128xf32, #tpu.memory_space<vmem>>) dst(%dma_wait3A_713 : memref<10016x128xf32, #tpu.memory_space<vmem_shared>>)
        tpu.yield
      }) : () -> ()
      %add3A_541 = arith.constant 1 : i32
      %add3A_542 = arith.addi %mul3A_367, %add3A_541 : i32
      %add3A_543 = arith.constant 2 : i32
      %add3A_544 = arith.addi %add3A_542, %add3A_543 : i32
      %get3A_545 = arith.index_cast %add3A_544 : i32 to index
      %get3A_546 = arith.constant 0 : index
      %get3A_547 = tpu.vector_load %arg6[%get3A_545, %get3A_546] {strides = array<i32>} : memref<80x128xi32, #tpu.memory_space<vmem>>, vector<1x16xi32>,
      %get3A_548 = vector.shape_cast %get3A_547 : vector<1x16xi32> to vector<16xi32>
      %and3A_549 = arith.constant 32767 : i32
      %and3A_550 = vector.broadcast %and3A_549 : i32 to vector<16xi32>
      %and3A_551 = arith.andi %get3A_548, %and3A_550 : vector<16xi32>
      %add3A_552 = vector.broadcast %mul3A_0 : i32 to vector<16xi32>
      %add3A_553 = arith.addi %and3A_551, %add3A_552 : vector<16xi32>
      %swap3A_554 = arith.constant 0 : index
      %swap3A_555 = tpu.vector_load %arg8[%swap3A_554] {strides = array<i32>} : memref<128xi32, #tpu.memory_space<vmem>>, vector<16xi32>,
      %swap3A_556 = vector.shape_cast %swap3A_555 : vector<16xi32> to vector<16xi32>
      %swap3A_557 = vector.shape_cast %add3A_553 : vector<16xi32> to vector<16xi32>
      tpu.vector_store %arg8[%swap3A_554], %swap3A_557 {strides = array<i32>} : memref<128xi32, #tpu.memory_space<vmem>>, vector<16xi32>,
      %shift_right_logical3A_558 = arith.constant 15 : i32
      %shift_right_logical3A_559 = vector.broadcast %shift_right_logical3A_558 : i32 to vector<16xi32>
      %shift_right_logical3A_560 = arith.shrui %get3A_548, %shift_right_logical3A_559 : vector<16xi32>
      %swap3A_561 = arith.constant 0 : index
      %swap3A_562 = tpu.vector_load %arg10[%swap3A_561] {strides = array<i32>} : memref<128xi32, #tpu.memory_space<vmem>>, vector<16xi32>,
      %swap3A_563 = vector.shape_cast %swap3A_562 : vector<16xi32> to vector<16xi32>
      %swap3A_564 = vector.shape_cast %shift_right_logical3A_560 : vector<16xi32> to vector<16xi32>
      tpu.vector_store %arg10[%swap3A_561], %swap3A_564 {strides = array<i32>} : memref<128xi32, #tpu.memory_space<vmem>>, vector<16xi32>,
      %get3A_565 = arith.index_cast %add3A_544 : i32 to index
      %get3A_566 = arith.constant 16 : index
      %get3A_567 = tpu.vector_load %arg6[%get3A_565, %get3A_566] {strides = array<i32>} : memref<80x128xi32, #tpu.memory_space<vmem>>, vector<1x16xi32>,
      %get3A_568 = vector.shape_cast %get3A_567 : vector<1x16xi32> to vector<16xi32>
      %and3A_569 = arith.constant 32767 : i32
      %and3A_570 = vector.broadcast %and3A_569 : i32 to vector<16xi32>
      %and3A_571 = arith.andi %get3A_568, %and3A_570 : vector<16xi32>
      %add3A_572 = vector.broadcast %mul3A_0 : i32 to vector<16xi32>
      %add3A_573 = arith.addi %and3A_571, %add3A_572 : vector<16xi32>
      %swap3A_574 = arith.constant 16 : index
      %swap3A_575 = tpu.vector_load %arg8[%swap3A_574] {strides = array<i32>} : memref<128xi32, #tpu.memory_space<vmem>>, vector<16xi32>,
      %swap3A_576 = vector.shape_cast %swap3A_575 : vector<16xi32> to vector<16xi32>
      %swap3A_577 = vector.shape_cast %add3A_573 : vector<16xi32> to vector<16xi32>
      tpu.vector_store %arg8[%swap3A_574], %swap3A_577 {strides = array<i32>} : memref<128xi32, #tpu.memory_space<vmem>>, vector<16xi32>,
      %shift_right_logical3A_578 = arith.constant 15 : i32
      %shift_right_logical3A_579 = vector.broadcast %shift_right_logical3A_578 : i32 to vector<16xi32>
      %shift_right_logical3A_580 = arith.shrui %get3A_568, %shift_right_logical3A_579 : vector<16xi32>
      %swap3A_581 = arith.constant 16 : index
      %swap3A_582 = tpu.vector_load %arg10[%swap3A_581] {strides = array<i32>} : memref<128xi32, #tpu.memory_space<vmem>>, vector<16xi32>,
      %swap3A_583 = vector.shape_cast %swap3A_582 : vector<16xi32> to vector<16xi32>
      %swap3A_584 = vector.shape_cast %shift_right_logical3A_580 : vector<16xi32> to vector<16xi32>
      tpu.vector_store %arg10[%swap3A_581], %swap3A_584 {strides = array<i32>} : memref<128xi32, #tpu.memory_space<vmem>>, vector<16xi32>,
      %get3A_585 = arith.index_cast %add3A_544 : i32 to index
      %get3A_586 = arith.constant 32 : index
      %get3A_587 = tpu.vector_load %arg6[%get3A_585, %get3A_586] {strides = array<i32>} : memref<80x128xi32, #tpu.memory_space<vmem>>, vector<1x16xi32>,
      %get3A_588 = vector.shape_cast %get3A_587 : vector<1x16xi32> to vector<16xi32>
      %and3A_589 = arith.constant 32767 : i32
      %and3A_590 = vector.broadcast %and3A_589 : i32 to vector<16xi32>
      %and3A_591 = arith.andi %get3A_588, %and3A_590 : vector<16xi32>
      %add3A_592 = vector.broadcast %mul3A_0 : i32 to vector<16xi32>
      %add3A_593 = arith.addi %and3A_591, %add3A_592 : vector<16xi32>
      %swap3A_594 = arith.constant 32 : index
      %swap3A_595 = tpu.vector_load %arg8[%swap3A_594] {strides = array<i32>} : memref<128xi32, #tpu.memory_space<vmem>>, vector<16xi32>,
      %swap3A_596 = vector.shape_cast %swap3A_595 : vector<16xi32> to vector<16xi32>
      %swap3A_597 = vector.shape_cast %add3A_593 : vector<16xi32> to vector<16xi32>
      tpu.vector_store %arg8[%swap3A_594], %swap3A_597 {strides = array<i32>} : memref<128xi32, #tpu.memory_space<vmem>>, vector<16xi32>,
      %shift_right_logical3A_598 = arith.constant 15 : i32
      %shift_right_logical3A_599 = vector.broadcast %shift_right_logical3A_598 : i32 to vector<16xi32>
      %shift_right_logical3A_600 = arith.shrui %get3A_588, %shift_right_logical3A_599 : vector<16xi32>
      %swap3A_601 = arith.constant 32 : index
      %swap3A_602 = tpu.vector_load %arg10[%swap3A_601] {strides = array<i32>} : memref<128xi32, #tpu.memory_space<vmem>>, vector<16xi32>,
      %swap3A_603 = vector.shape_cast %swap3A_602 : vector<16xi32> to vector<16xi32>
      %swap3A_604 = vector.shape_cast %shift_right_logical3A_600 : vector<16xi32> to vector<16xi32>
      tpu.vector_store %arg10[%swap3A_601], %swap3A_604 {strides = array<i32>} : memref<128xi32, #tpu.memory_space<vmem>>, vector<16xi32>,
      %get3A_605 = arith.index_cast %add3A_544 : i32 to index
      %get3A_606 = arith.constant 48 : index
      %get3A_607 = tpu.vector_load %arg6[%get3A_605, %get3A_606] {strides = array<i32>} : memref<80x128xi32, #tpu.memory_space<vmem>>, vector<1x16xi32>,
      %get3A_608 = vector.shape_cast %get3A_607 : vector<1x16xi32> to vector<16xi32>
      %and3A_609 = arith.constant 32767 : i32
      %and3A_610 = vector.broadcast %and3A_609 : i32 to vector<16xi32>
      %and3A_611 = arith.andi %get3A_608, %and3A_610 : vector<16xi32>
      %add3A_612 = vector.broadcast %mul3A_0 : i32 to vector<16xi32>
      %add3A_613 = arith.addi %and3A_611, %add3A_612 : vector<16xi32>
      %swap3A_614 = arith.constant 48 : index
      %swap3A_615 = tpu.vector_load %arg8[%swap3A_614] {strides = array<i32>} : memref<128xi32, #tpu.memory_space<vmem>>, vector<16xi32>,
      %swap3A_616 = vector.shape_cast %swap3A_615 : vector<16xi32> to vector<16xi32>
      %swap3A_617 = vector.shape_cast %add3A_613 : vector<16xi32> to vector<16xi32>
      tpu.vector_store %arg8[%swap3A_614], %swap3A_617 {strides = array<i32>} : memref<128xi32, #tpu.memory_space<vmem>>, vector<16xi32>,
      %shift_right_logical3A_618 = arith.constant 15 : i32
      %shift_right_logical3A_619 = vector.broadcast %shift_right_logical3A_618 : i32 to vector<16xi32>
      %shift_right_logical3A_620 = arith.shrui %get3A_608, %shift_right_logical3A_619 : vector<16xi32>
      %swap3A_621 = arith.constant 48 : index
      %swap3A_622 = tpu.vector_load %arg10[%swap3A_621] {strides = array<i32>} : memref<128xi32, #tpu.memory_space<vmem>>, vector<16xi32>,
      %swap3A_623 = vector.shape_cast %swap3A_622 : vector<16xi32> to vector<16xi32>
      %swap3A_624 = vector.shape_cast %shift_right_logical3A_620 : vector<16xi32> to vector<16xi32>
      tpu.vector_store %arg10[%swap3A_621], %swap3A_624 {strides = array<i32>} : memref<128xi32, #tpu.memory_space<vmem>>, vector<16xi32>,
      %get3A_625 = arith.index_cast %add3A_544 : i32 to index
      %get3A_626 = arith.constant 64 : index
      %get3A_627 = tpu.vector_load %arg6[%get3A_625, %get3A_626] {strides = array<i32>} : memref<80x128xi32, #tpu.memory_space<vmem>>, vector<1x16xi32>,
      %get3A_628 = vector.shape_cast %get3A_627 : vector<1x16xi32> to vector<16xi32>
      %and3A_629 = arith.constant 32767 : i32
      %and3A_630 = vector.broadcast %and3A_629 : i32 to vector<16xi32>
      %and3A_631 = arith.andi %get3A_628, %and3A_630 : vector<16xi32>
      %add3A_632 = vector.broadcast %mul3A_0 : i32 to vector<16xi32>
      %add3A_633 = arith.addi %and3A_631, %add3A_632 : vector<16xi32>
      %swap3A_634 = arith.constant 64 : index
      %swap3A_635 = tpu.vector_load %arg8[%swap3A_634] {strides = array<i32>} : memref<128xi32, #tpu.memory_space<vmem>>, vector<16xi32>,
      %swap3A_636 = vector.shape_cast %swap3A_635 : vector<16xi32> to vector<16xi32>
      %swap3A_637 = vector.shape_cast %add3A_633 : vector<16xi32> to vector<16xi32>
      tpu.vector_store %arg8[%swap3A_634], %swap3A_637 {strides = array<i32>} : memref<128xi32, #tpu.memory_space<vmem>>, vector<16xi32>,
      %shift_right_logical3A_638 = arith.constant 15 : i32
      %shift_right_logical3A_639 = vector.broadcast %shift_right_logical3A_638 : i32 to vector<16xi32>
      %shift_right_logical3A_640 = arith.shrui %get3A_628, %shift_right_logical3A_639 : vector<16xi32>
      %swap3A_641 = arith.constant 64 : index
      %swap3A_642 = tpu.vector_load %arg10[%swap3A_641] {strides = array<i32>} : memref<128xi32, #tpu.memory_space<vmem>>, vector<16xi32>,
      %swap3A_643 = vector.shape_cast %swap3A_642 : vector<16xi32> to vector<16xi32>
      %swap3A_644 = vector.shape_cast %shift_right_logical3A_640 : vector<16xi32> to vector<16xi32>
      tpu.vector_store %arg10[%swap3A_641], %swap3A_644 {strides = array<i32>} : memref<128xi32, #tpu.memory_space<vmem>>, vector<16xi32>,
      %get3A_645 = arith.index_cast %add3A_544 : i32 to index
      %get3A_646 = arith.constant 80 : index
      %get3A_647 = tpu.vector_load %arg6[%get3A_645, %get3A_646] {strides = array<i32>} : memref<80x128xi32, #tpu.memory_space<vmem>>, vector<1x16xi32>,
      %get3A_648 = vector.shape_cast %get3A_647 : vector<1x16xi32> to vector<16xi32>
      %and3A_649 = arith.constant 32767 : i32
      %and3A_650 = vector.broadcast %and3A_649 : i32 to vector<16xi32>
      %and3A_651 = arith.andi %get3A_648, %and3A_650 : vector<16xi32>
      %add3A_652 = vector.broadcast %mul3A_0 : i32 to vector<16xi32>
      %add3A_653 = arith.addi %and3A_651, %add3A_652 : vector<16xi32>
      %swap3A_654 = arith.constant 80 : index
      %swap3A_655 = tpu.vector_load %arg8[%swap3A_654] {strides = array<i32>} : memref<128xi32, #tpu.memory_space<vmem>>, vector<16xi32>,
      %swap3A_656 = vector.shape_cast %swap3A_655 : vector<16xi32> to vector<16xi32>
      %swap3A_657 = vector.shape_cast %add3A_653 : vector<16xi32> to vector<16xi32>
      tpu.vector_store %arg8[%swap3A_654], %swap3A_657 {strides = array<i32>} : memref<128xi32, #tpu.memory_space<vmem>>, vector<16xi32>,
      %shift_right_logical3A_658 = arith.constant 15 : i32
      %shift_right_logical3A_659 = vector.broadcast %shift_right_logical3A_658 : i32 to vector<16xi32>
      %shift_right_logical3A_660 = arith.shrui %get3A_648, %shift_right_logical3A_659 : vector<16xi32>
      %swap3A_661 = arith.constant 80 : index
      %swap3A_662 = tpu.vector_load %arg10[%swap3A_661] {strides = array<i32>} : memref<128xi32, #tpu.memory_space<vmem>>, vector<16xi32>,
      %swap3A_663 = vector.shape_cast %swap3A_662 : vector<16xi32> to vector<16xi32>
      %swap3A_664 = vector.shape_cast %shift_right_logical3A_660 : vector<16xi32> to vector<16xi32>
      tpu.vector_store %arg10[%swap3A_661], %swap3A_664 {strides = array<i32>} : memref<128xi32, #tpu.memory_space<vmem>>, vector<16xi32>,
      %get3A_665 = arith.index_cast %add3A_544 : i32 to index
      %get3A_666 = arith.constant 96 : index
      %get3A_667 = tpu.vector_load %arg6[%get3A_665, %get3A_666] {strides = array<i32>} : memref<80x128xi32, #tpu.memory_space<vmem>>, vector<1x16xi32>,
      %get3A_668 = vector.shape_cast %get3A_667 : vector<1x16xi32> to vector<16xi32>
      %and3A_669 = arith.constant 32767 : i32
      %and3A_670 = vector.broadcast %and3A_669 : i32 to vector<16xi32>
      %and3A_671 = arith.andi %get3A_668, %and3A_670 : vector<16xi32>
      %add3A_672 = vector.broadcast %mul3A_0 : i32 to vector<16xi32>
      %add3A_673 = arith.addi %and3A_671, %add3A_672 : vector<16xi32>
      %swap3A_674 = arith.constant 96 : index
      %swap3A_675 = tpu.vector_load %arg8[%swap3A_674] {strides = array<i32>} : memref<128xi32, #tpu.memory_space<vmem>>, vector<16xi32>,
      %swap3A_676 = vector.shape_cast %swap3A_675 : vector<16xi32> to vector<16xi32>
      %swap3A_677 = vector.shape_cast %add3A_673 : vector<16xi32> to vector<16xi32>
      tpu.vector_store %arg8[%swap3A_674], %swap3A_677 {strides = array<i32>} : memref<128xi32, #tpu.memory_space<vmem>>, vector<16xi32>,
      %shift_right_logical3A_678 = arith.constant 15 : i32
      %shift_right_logical3A_679 = vector.broadcast %shift_right_logical3A_678 : i32 to vector<16xi32>
      %shift_right_logical3A_680 = arith.shrui %get3A_668, %shift_right_logical3A_679 : vector<16xi32>
      %swap3A_681 = arith.constant 96 : index
      %swap3A_682 = tpu.vector_load %arg10[%swap3A_681] {strides = array<i32>} : memref<128xi32, #tpu.memory_space<vmem>>, vector<16xi32>,
      %swap3A_683 = vector.shape_cast %swap3A_682 : vector<16xi32> to vector<16xi32>
      %swap3A_684 = vector.shape_cast %shift_right_logical3A_680 : vector<16xi32> to vector<16xi32>
      tpu.vector_store %arg10[%swap3A_681], %swap3A_684 {strides = array<i32>} : memref<128xi32, #tpu.memory_space<vmem>>, vector<16xi32>,
      %get3A_685 = arith.index_cast %add3A_544 : i32 to index
      %get3A_686 = arith.constant 112 : index
      %get3A_687 = tpu.vector_load %arg6[%get3A_685, %get3A_686] {strides = array<i32>} : memref<80x128xi32, #tpu.memory_space<vmem>>, vector<1x16xi32>,
      %get3A_688 = vector.shape_cast %get3A_687 : vector<1x16xi32> to vector<16xi32>
      %and3A_689 = arith.constant 32767 : i32
      %and3A_690 = vector.broadcast %and3A_689 : i32 to vector<16xi32>
      %and3A_691 = arith.andi %get3A_688, %and3A_690 : vector<16xi32>
      %add3A_692 = vector.broadcast %mul3A_0 : i32 to vector<16xi32>
      %add3A_693 = arith.addi %and3A_691, %add3A_692 : vector<16xi32>
      %swap3A_694 = arith.constant 112 : index
      %swap3A_695 = tpu.vector_load %arg8[%swap3A_694] {strides = array<i32>} : memref<128xi32, #tpu.memory_space<vmem>>, vector<16xi32>,
      %swap3A_696 = vector.shape_cast %swap3A_695 : vector<16xi32> to vector<16xi32>
      %swap3A_697 = vector.shape_cast %add3A_693 : vector<16xi32> to vector<16xi32>
      tpu.vector_store %arg8[%swap3A_694], %swap3A_697 {strides = array<i32>} : memref<128xi32, #tpu.memory_space<vmem>>, vector<16xi32>,
      %shift_right_logical3A_698 = arith.constant 15 : i32
      %shift_right_logical3A_699 = vector.broadcast %shift_right_logical3A_698 : i32 to vector<16xi32>
      %shift_right_logical3A_700 = arith.shrui %get3A_688, %shift_right_logical3A_699 : vector<16xi32>
      %swap3A_701 = arith.constant 112 : index
      %swap3A_702 = tpu.vector_load %arg10[%swap3A_701] {strides = array<i32>} : memref<128xi32, #tpu.memory_space<vmem>>, vector<16xi32>,
      %swap3A_703 = vector.shape_cast %swap3A_702 : vector<16xi32> to vector<16xi32>
      %swap3A_704 = vector.shape_cast %shift_right_logical3A_700 : vector<16xi32> to vector<16xi32>
      tpu.vector_store %arg10[%swap3A_701], %swap3A_704 {strides = array<i32>} : memref<128xi32, #tpu.memory_space<vmem>>, vector<16xi32>,
      %dma_start3A_705 = arith.constant 0 : i32
      %dma_start3A_706 = arith.constant 0 : i32
      %dma_start3A_707 = tpu.memref_slice %arg2[%dma_start3A_705, %dma_start3A_706] : memref<20000x128xf32, #tpu.memory_space<hbm>> -> memref<20000x128xf32, #tpu.memory_space<hbm>>
      tpu.enqueue_indirect_dma source(%dma_start3A_707 : memref<20000x128xf32, #tpu.memory_space<hbm>>) target(%arg12 : memref<128x128xf32, #tpu.memory_space<vmem>>) offsets(%arg8 : memref<128xi32, #tpu.memory_space<vmem>>) semaphore(%arg14 : memref<!tpu.dma_semaphore, #tpu.memory_space<semaphore_mem>>)
    }
    %scan3A_348 = arith.constant 39 : i32
    %dma_wait3A = arith.constant 0 : i32
    %dma_wait3A_349 = arith.constant 0 : i32
    %dma_wait3A_350 = tpu.memref_slice %arg2[%dma_wait3A, %dma_wait3A_349] : memref<20000x128xf32, #tpu.memory_space<hbm>> -> memref<20000x128xf32, #tpu.memory_space<hbm>>
    tpu.wait_indirect_dma semaphore(%arg13 : memref<!tpu.dma_semaphore, #tpu.memory_space<semaphore_mem>>) src(%dma_wait3A_350 : memref<20000x128xf32, #tpu.memory_space<hbm>>) dst(%arg11 : memref<128x128xf32, #tpu.memory_space<vmem>>)
    "tpu.region"() ({
      %run_scoped3A = tpu.sem_alloc : memref<!tpu.dma_semaphore, #tpu.memory_space<semaphore_mem>>
      %dma_start3A_365 = arith.constant 0 : i32
      %dma_start3A_366 = arith.constant 0 : i32
      %dma_start3A_367 = tpu.memref_slice %arg5[%dma_start3A_365, %dma_start3A_366] : memref<10016x128xf32, #tpu.memory_space<vmem_shared>> -> memref<10016x128xf32, #tpu.memory_space<vmem_shared>>
      tpu.enqueue_indirect_dma source(%arg11 : memref<128x128xf32, #tpu.memory_space<vmem>>) target(%dma_start3A_367 : memref<10016x128xf32, #tpu.memory_space<vmem_shared>>) offsets(%arg9 : memref<128xi32, #tpu.memory_space<vmem>>) semaphore(%run_scoped3A : memref<!tpu.dma_semaphore, #tpu.memory_space<semaphore_mem>>) {add = true}
      %dma_wait3A_368 = arith.constant 0 : i32
      %dma_wait3A_369 = arith.constant 0 : i32
      %dma_wait3A_370 = tpu.memref_slice %arg5[%dma_wait3A_368, %dma_wait3A_369] : memref<10016x128xf32, #tpu.memory_space<vmem_shared>> -> memref<10016x128xf32, #tpu.memory_space<vmem_shared>>
      tpu.wait_indirect_dma semaphore(%run_scoped3A : memref<!tpu.dma_semaphore, #tpu.memory_space<semaphore_mem>>) src(%arg11 : memref<128x128xf32, #tpu.memory_space<vmem>>) dst(%dma_wait3A_370 : memref<10016x128xf32, #tpu.memory_space<vmem_shared>>)
      tpu.yield
    }) : () -> ()
    %dma_wait3A_351 = arith.constant 0 : i32
    %dma_wait3A_352 = arith.constant 0 : i32
    %dma_wait3A_353 = tpu.memref_slice %arg2[%dma_wait3A_351, %dma_wait3A_352] : memref<20000x128xf32, #tpu.memory_space<hbm>> -> memref<20000x128xf32, #tpu.memory_space<hbm>>
    tpu.wait_indirect_dma semaphore(%arg14 : memref<!tpu.dma_semaphore, #tpu.memory_space<semaphore_mem>>) src(%dma_wait3A_353 : memref<20000x128xf32, #tpu.memory_space<hbm>>) dst(%arg12 : memref<128x128xf32, #tpu.memory_space<vmem>>)
    "tpu.region"() ({
      %run_scoped3A = tpu.sem_alloc : memref<!tpu.dma_semaphore, #tpu.memory_space<semaphore_mem>>
      %dma_start3A_365 = arith.constant 0 : i32
      %dma_start3A_366 = arith.constant 0 : i32
      %dma_start3A_367 = tpu.memref_slice %arg5[%dma_start3A_365, %dma_start3A_366] : memref<10016x128xf32, #tpu.memory_space<vmem_shared>> -> memref<10016x128xf32, #tpu.memory_space<vmem_shared>>
      tpu.enqueue_indirect_dma source(%arg12 : memref<128x128xf32, #tpu.memory_space<vmem>>) target(%dma_start3A_367 : memref<10016x128xf32, #tpu.memory_space<vmem_shared>>) offsets(%arg10 : memref<128xi32, #tpu.memory_space<vmem>>) semaphore(%run_scoped3A : memref<!tpu.dma_semaphore, #tpu.memory_space<semaphore_mem>>) {add = true}
      %dma_wait3A_368 = arith.constant 0 : i32
      %dma_wait3A_369 = arith.constant 0 : i32
      %dma_wait3A_370 = tpu.memref_slice %arg5[%dma_wait3A_368, %dma_wait3A_369] : memref<10016x128xf32, #tpu.memory_space<vmem_shared>> -> memref<10016x128xf32, #tpu.memory_space<vmem_shared>>
      tpu.wait_indirect_dma semaphore(%run_scoped3A : memref<!tpu.dma_semaphore, #tpu.memory_space<semaphore_mem>>) src(%arg12 : memref<128x128xf32, #tpu.memory_space<vmem>>) dst(%dma_wait3A_370 : memref<10016x128xf32, #tpu.memory_space<vmem_shared>>)
      tpu.yield
    }) : () -> ()
    %barrier3A_354 = arith.constant 0 : index
    tpu.barrier barrier_id(%barrier3A_354)
    %mul3A_355 = arith.constant 624 : i32
    %mul3A_356 = arith.muli %arg1, %mul3A_355 : i32
    %mul3A_357 = arith.constant 624 : i32
    %mul3A_358 = arith.muli %arg1, %mul3A_357 : i32
    %add3A_359 = arith.addi %mul3A_0, %mul3A_358 : i32
    "tpu.region"() ({
      %run_scoped3A = tpu.sem_alloc : memref<!tpu.dma_semaphore, #tpu.memory_space<semaphore_mem>>
      %dma_start3A_365 = arith.constant 0 : i32
      %dma_start3A_366 = tpu.memref_slice %arg4[%add3A_359, %dma_start3A_365] : memref<20000x128xf32, #tpu.memory_space<hbm>> -> memref<624x128xf32, #tpu.memory_space<hbm>>
      %dma_start3A_367 = arith.constant 0 : i32
      %dma_start3A_368 = tpu.memref_slice %arg5[%mul3A_356, %dma_start3A_367] : memref<10016x128xf32, #tpu.memory_space<vmem_shared>> -> memref<624x128xf32, #tpu.memory_space<vmem_shared>>
      tpu.enqueue_dma source(%dma_start3A_368 : memref<624x128xf32, #tpu.memory_space<vmem_shared>>) target(%dma_start3A_366 : memref<624x128xf32, #tpu.memory_space<hbm>>) target_semaphore(%run_scoped3A : memref<!tpu.dma_semaphore, #tpu.memory_space<semaphore_mem>>)
      %dma_wait3A_369 = arith.constant 0 : i32
      %dma_wait3A_370 = tpu.memref_slice %arg4[%add3A_359, %dma_wait3A_369] : memref<20000x128xf32, #tpu.memory_space<hbm>> -> memref<624x128xf32, #tpu.memory_space<hbm>>
      %dma_wait3A_371 = arith.constant 0 : i32
      %dma_wait3A_372 = tpu.memref_slice %arg5[%mul3A_356, %dma_wait3A_371] : memref<10016x128xf32, #tpu.memory_space<vmem_shared>> -> memref<624x128xf32, #tpu.memory_space<vmem_shared>>
      tpu.wait_dma2 semaphore(%run_scoped3A : memref<!tpu.dma_semaphore, #tpu.memory_space<semaphore_mem>>) src(%dma_wait3A_372 : memref<624x128xf32, #tpu.memory_space<vmem_shared>>) dst(%dma_wait3A_370 : memref<624x128xf32, #tpu.memory_space<hbm>>)
      tpu.yield
    }) : () -> ()
    %eq3A_360 = arith.constant 15 : i32
    %eq3A_361 = arith.cmpi eq, %arg1, %eq3A_360 : i32
    %convert_element_type3A_362 = arith.extui %eq3A_361 : i1 to i32
    %cond3A_363 = arith.constant 0 : i32
    %cond3A_364 = arith.cmpi ne, %convert_element_type3A_362, %cond3A_363 : i32
    scf.if %cond3A_364 {
      %add3A_365 = arith.constant 9984 : i32
      %add3A_366 = arith.addi %mul3A_0, %add3A_365 : i32
      "tpu.region"() ({
        %run_scoped3A = tpu.sem_alloc : memref<!tpu.dma_semaphore, #tpu.memory_space<semaphore_mem>>
        %dma_start3A_367 = arith.constant 0 : i32
        %dma_start3A_368 = tpu.memref_slice %arg4[%add3A_366, %dma_start3A_367] : memref<20000x128xf32, #tpu.memory_space<hbm>> -> memref<16x128xf32, #tpu.memory_space<hbm>>
        %dma_start3A_369 = arith.constant 9984 : i32
        %dma_start3A_370 = arith.constant 0 : i32
        %dma_start3A_371 = tpu.memref_slice %arg5[%dma_start3A_369, %dma_start3A_370] : memref<10016x128xf32, #tpu.memory_space<vmem_shared>> -> memref<16x128xf32, #tpu.memory_space<vmem_shared>>
        tpu.enqueue_dma source(%dma_start3A_371 : memref<16x128xf32, #tpu.memory_space<vmem_shared>>) target(%dma_start3A_368 : memref<16x128xf32, #tpu.memory_space<hbm>>) target_semaphore(%run_scoped3A : memref<!tpu.dma_semaphore, #tpu.memory_space<semaphore_mem>>)
        %dma_wait3A_372 = arith.constant 0 : i32
        %dma_wait3A_373 = tpu.memref_slice %arg4[%add3A_366, %dma_wait3A_372] : memref<20000x128xf32, #tpu.memory_space<hbm>> -> memref<16x128xf32, #tpu.memory_space<hbm>>
        %dma_wait3A_374 = arith.constant 9984 : i32
        %dma_wait3A_375 = arith.constant 0 : i32
        %dma_wait3A_376 = tpu.memref_slice %arg5[%dma_wait3A_374, %dma_wait3A_375] : memref<10016x128xf32, #tpu.memory_space<vmem_shared>> -> memref<16x128xf32, #tpu.memory_space<vmem_shared>>
        tpu.wait_dma2 semaphore(%run_scoped3A : memref<!tpu.dma_semaphore, #tpu.memory_space<semaphore_mem>>) src(%dma_wait3A_376 : memref<16x128xf32, #tpu.memory_space<vmem_shared>>) dst(%dma_wait3A_373 : memref<16x128xf32, #tpu.memory_space<hbm>>)
        tpu.yield
      }) : () -> ()
    } else {
    }
    return
  }
}

module attributes {stable_mosaic.version = 14 : i64} {
  func.func @_tc_l0_body(%arg0: i32, %arg1: memref<1000x128xf32, #tpu.memory_space<vmem>>, %arg2: memref<128x256xf32, #tpu.memory_space<vmem>>, %arg3: memref<1x256xf32, #tpu.memory_space<vmem>>, %arg4: memref<256x256xf32, #tpu.memory_space<vmem>>, %arg5: memref<1x256xf32, #tpu.memory_space<vmem>>, %arg6: memref<2x1000x128xf32, #tpu.memory_space<vmem>>, %arg7: memref<2x1000x128xf32, #tpu.memory_space<vmem>>) attributes {dimension_semantics = [#tpu.dimension_semantics<arbitrary>], iteration_bounds = array<i64: 10>, scalar_prefetch = 0 : i64, scratch_operands = 0 : i64, tpu.core_type = #tpu.core_type<tc>, window_params = [{transform_indices = @transform_0, window_bounds = array<i64: 1000, 128>}, {pipeline_mode = #tpu.pipeline_mode<synchronous>, transform_indices = @transform_1, window_bounds = array<i64: 128, 256>}, {pipeline_mode = #tpu.pipeline_mode<synchronous>, transform_indices = @transform_2, window_bounds = array<i64: 1, 256>}, {pipeline_mode = #tpu.pipeline_mode<synchronous>, transform_indices = @transform_3, window_bounds = array<i64: 256, 256>}, {pipeline_mode = #tpu.pipeline_mode<synchronous>, transform_indices = @transform_4, window_bounds = array<i64: 1, 256>}, {transform_indices = @transform_5, window_bounds = array<i64: 2, 1000, 128>}, {transform_indices = @transform_6, window_bounds = array<i64: 2, 1000, 128>}]} {
    %get3A = arith.constant 0 : index
    %get3A_0 = arith.constant 0 : index
    %get3A_1 = vector.load %arg1[%get3A, %get3A_0] : memref<1000x128xf32, #tpu.memory_space<vmem>>, vector<1000x128xf32>
    %get3A_2 = arith.constant 0 : index
    %get3A_3 = arith.constant 0 : index
    %get3A_4 = vector.load %arg2[%get3A_2, %get3A_3] : memref<128x256xf32, #tpu.memory_space<vmem>>, vector<128x256xf32>
    %convert_element_type3A = arith.truncf %get3A_1 : vector<1000x128xf32> to vector<1000x128xbf16>
    %convert_element_type3A_5 = arith.extf %convert_element_type3A : vector<1000x128xbf16> to vector<1000x128xf32>
    %sub3A = arith.subf %get3A_1, %convert_element_type3A_5 : vector<1000x128xf32>
    %convert_element_type3A_6 = arith.truncf %sub3A : vector<1000x128xf32> to vector<1000x128xbf16>
    %convert_element_type3A_7 = arith.truncf %get3A_4 : vector<128x256xf32> to vector<128x256xbf16>
    %convert_element_type3A_8 = arith.extf %convert_element_type3A_7 : vector<128x256xbf16> to vector<128x256xf32>
    %sub3A_9 = arith.subf %get3A_4, %convert_element_type3A_8 : vector<128x256xf32>
    %convert_element_type3A_10 = arith.truncf %sub3A_9 : vector<128x256xf32> to vector<128x256xbf16>
    %dot_general3A = arith.constant dense<0.000000e+00> : vector<1000x256xf32>
    %dot_general3A_11 = tpu.matmul %convert_element_type3A, %convert_element_type3A_10, %dot_general3A {dimension_numbers = #tpu.dot_dimension_numbers<[1], [0], [0], [1], [0, 0, 1, 1], [], []>, transpose_lhs_hint = false} : vector<1000x128xbf16>, vector<128x256xbf16>, vector<1000x256xf32> -> vector<1000x256xf32>
    %dot_general3A_12 = arith.constant dense<0.000000e+00> : vector<1000x256xf32>
    %dot_general3A_13 = tpu.matmul %convert_element_type3A_6, %convert_element_type3A_7, %dot_general3A_12 {dimension_numbers = #tpu.dot_dimension_numbers<[1], [0], [0], [1], [0, 0, 1, 1], [], []>, transpose_lhs_hint = false} : vector<1000x128xbf16>, vector<128x256xbf16>, vector<1000x256xf32> -> vector<1000x256xf32>
    %add3A = arith.addf %dot_general3A_11, %dot_general3A_13 : vector<1000x256xf32>
    %dot_general3A_14 = arith.constant dense<0.000000e+00> : vector<1000x256xf32>
    %dot_general3A_15 = tpu.matmul %convert_element_type3A, %convert_element_type3A_7, %dot_general3A_14 {dimension_numbers = #tpu.dot_dimension_numbers<[1], [0], [0], [1], [0, 0, 1, 1], [], []>, transpose_lhs_hint = false} : vector<1000x128xbf16>, vector<128x256xbf16>, vector<1000x256xf32> -> vector<1000x256xf32>
    %add3A_16 = arith.addf %add3A, %dot_general3A_15 : vector<1000x256xf32>
    %get3A_17 = arith.constant 0 : index
    %get3A_18 = arith.constant 0 : index
    %get3A_19 = vector.load %arg3[%get3A_17, %get3A_18] : memref<1x256xf32, #tpu.memory_space<vmem>>, vector<1x256xf32>
    %add3A_20 = vector.broadcast %get3A_19 : vector<1x256xf32> to vector<1000x256xf32>
    %add3A_21 = arith.addf %add3A_16, %add3A_20 : vector<1000x256xf32>
    %get3A_22 = arith.constant 0 : index
    %get3A_23 = arith.constant 0 : index
    %get3A_24 = vector.load %arg4[%get3A_22, %get3A_23] : memref<256x256xf32, #tpu.memory_space<vmem>>, vector<256x256xf32>
    %convert_element_type3A_25 = arith.truncf %add3A_21 : vector<1000x256xf32> to vector<1000x256xbf16>
    %convert_element_type3A_26 = arith.extf %convert_element_type3A_25 : vector<1000x256xbf16> to vector<1000x256xf32>
    %sub3A_27 = arith.subf %add3A_21, %convert_element_type3A_26 : vector<1000x256xf32>
    %convert_element_type3A_28 = arith.truncf %sub3A_27 : vector<1000x256xf32> to vector<1000x256xbf16>
    %convert_element_type3A_29 = arith.truncf %get3A_24 : vector<256x256xf32> to vector<256x256xbf16>
    %convert_element_type3A_30 = arith.extf %convert_element_type3A_29 : vector<256x256xbf16> to vector<256x256xf32>
    %sub3A_31 = arith.subf %get3A_24, %convert_element_type3A_30 : vector<256x256xf32>
    %convert_element_type3A_32 = arith.truncf %sub3A_31 : vector<256x256xf32> to vector<256x256xbf16>
    %dot_general3A_33 = arith.constant dense<0.000000e+00> : vector<1000x256xf32>
    %dot_general3A_34 = tpu.matmul %convert_element_type3A_25, %convert_element_type3A_32, %dot_general3A_33 {dimension_numbers = #tpu.dot_dimension_numbers<[1], [0], [0], [1], [0, 0, 1, 1], [], []>, transpose_lhs_hint = false} : vector<1000x256xbf16>, vector<256x256xbf16>, vector<1000x256xf32> -> vector<1000x256xf32>
    %dot_general3A_35 = arith.constant dense<0.000000e+00> : vector<1000x256xf32>
    %dot_general3A_36 = tpu.matmul %convert_element_type3A_28, %convert_element_type3A_29, %dot_general3A_35 {dimension_numbers = #tpu.dot_dimension_numbers<[1], [0], [0], [1], [0, 0, 1, 1], [], []>, transpose_lhs_hint = false} : vector<1000x256xbf16>, vector<256x256xbf16>, vector<1000x256xf32> -> vector<1000x256xf32>
    %add3A_37 = arith.addf %dot_general3A_34, %dot_general3A_36 : vector<1000x256xf32>
    %dot_general3A_38 = arith.constant dense<0.000000e+00> : vector<1000x256xf32>
    %dot_general3A_39 = tpu.matmul %convert_element_type3A_25, %convert_element_type3A_29, %dot_general3A_38 {dimension_numbers = #tpu.dot_dimension_numbers<[1], [0], [0], [1], [0, 0, 1, 1], [], []>, transpose_lhs_hint = false} : vector<1000x256xbf16>, vector<256x256xbf16>, vector<1000x256xf32> -> vector<1000x256xf32>
    %add3A_40 = arith.addf %add3A_37, %dot_general3A_39 : vector<1000x256xf32>
    %get3A_41 = arith.constant 0 : index
    %get3A_42 = arith.constant 0 : index
    %get3A_43 = vector.load %arg5[%get3A_41, %get3A_42] : memref<1x256xf32, #tpu.memory_space<vmem>>, vector<1x256xf32>
    %add3A_44 = vector.broadcast %get3A_43 : vector<1x256xf32> to vector<1000x256xf32>
    %add3A_45 = arith.addf %add3A_40, %add3A_44 : vector<1000x256xf32>
    %get3A_46 = arith.constant 0 : index
    %get3A_47 = arith.constant 0 : index
    %get3A_48 = arith.constant 0 : index
    %get3A_49 = vector.load %arg6[%get3A_46, %get3A_47, %get3A_48] : memref<2x1000x128xf32, #tpu.memory_space<vmem>>, vector<1x1000x128xf32>
    %get3A_50 = vector.shape_cast %get3A_49 : vector<1x1000x128xf32> to vector<1000x128xf32>
    %get3A_51 = arith.constant 1 : index
    %get3A_52 = arith.constant 0 : index
    %get3A_53 = arith.constant 0 : index
    %get3A_54 = vector.load %arg6[%get3A_51, %get3A_52, %get3A_53] : memref<2x1000x128xf32, #tpu.memory_space<vmem>>, vector<1x1000x128xf32>
    %get3A_55 = vector.shape_cast %get3A_54 : vector<1x1000x128xf32> to vector<1000x128xf32>
    %add3A_56 = arith.addf %get3A_50, %get3A_55 : vector<1000x128xf32>
    %sqrt3A = math.sqrt %add3A_56 : vector<1000x128xf32>
    %div3A = arith.constant 1.000000e+00 : f32
    %div3A_57 = vector.broadcast %div3A : f32 to vector<1000x128xf32>
    %div3A_58 = arith.divf %div3A_57, %sqrt3A : vector<1000x128xf32>
    %slice3A = vector.extract_strided_slice %add3A_45 {offsets = [0, 0], sizes = [1000, 128], strides = [1, 1]} : vector<1000x256xf32> to vector<1000x128xf32>
    %mul3A = arith.mulf %slice3A, %div3A_58 : vector<1000x128xf32>
    %swap3A = arith.constant 0 : index
    %swap3A_59 = arith.constant 0 : index
    %swap3A_60 = arith.constant 0 : index
    %swap3A_61 = vector.load %arg7[%swap3A, %swap3A_59, %swap3A_60] : memref<2x1000x128xf32, #tpu.memory_space<vmem>>, vector<1x1000x128xf32>
    %swap3A_62 = vector.shape_cast %swap3A_61 : vector<1x1000x128xf32> to vector<1000x128xf32>
    %swap3A_63 = vector.shape_cast %mul3A : vector<1000x128xf32> to vector<1x1000x128xf32>
    tpu.vector_store %arg7[%swap3A, %swap3A_59, %swap3A_60], %swap3A_63 {strides = array<i32>} : memref<2x1000x128xf32, #tpu.memory_space<vmem>>, vector<1x1000x128xf32>,
    %slice3A_64 = vector.extract_strided_slice %add3A_45 {offsets = [0, 128], sizes = [1000, 128], strides = [1, 1]} : vector<1000x256xf32> to vector<1000x128xf32>
    %mul3A_65 = arith.mulf %slice3A_64, %div3A_58 : vector<1000x128xf32>
    %swap3A_66 = arith.constant 1 : index
    %swap3A_67 = arith.constant 0 : index
    %swap3A_68 = arith.constant 0 : index
    %swap3A_69 = vector.load %arg7[%swap3A_66, %swap3A_67, %swap3A_68] : memref<2x1000x128xf32, #tpu.memory_space<vmem>>, vector<1x1000x128xf32>
    %swap3A_70 = vector.shape_cast %swap3A_69 : vector<1x1000x128xf32> to vector<1000x128xf32>
    %swap3A_71 = vector.shape_cast %mul3A_65 : vector<1000x128xf32> to vector<1x1000x128xf32>
    tpu.vector_store %arg7[%swap3A_66, %swap3A_67, %swap3A_68], %swap3A_71 {strides = array<i32>} : memref<2x1000x128xf32, #tpu.memory_space<vmem>>, vector<1x1000x128xf32>,
    return
  }
  func.func @transform_0(%arg0: i32) -> (i32, i32) {
    %c0_i32 = arith.constant 0 : i32
    %c0_i32_0 = arith.constant 0 : i32
    return %arg0, %c0_i32 : i32, i32
  }
  func.func @transform_1(%arg0: i32) -> (i32, i32) {
    %c0_i32 = arith.constant 0 : i32
    %c0_i32_0 = arith.constant 0 : i32
    %c0_i32_1 = arith.constant 0 : i32
    return %c0_i32, %c0_i32_0 : i32, i32
  }
  func.func @transform_2(%arg0: i32) -> (i32, i32) {
    %c0_i32 = arith.constant 0 : i32
    %c0_i32_0 = arith.constant 0 : i32
    %c0_i32_1 = arith.constant 0 : i32
    return %c0_i32, %c0_i32_0 : i32, i32
  }
  func.func @transform_3(%arg0: i32) -> (i32, i32) {
    %c0_i32 = arith.constant 0 : i32
    %c0_i32_0 = arith.constant 0 : i32
    %c0_i32_1 = arith.constant 0 : i32
    return %c0_i32, %c0_i32_0 : i32, i32
  }
  func.func @transform_4(%arg0: i32) -> (i32, i32) {
    %c0_i32 = arith.constant 0 : i32
    %c0_i32_0 = arith.constant 0 : i32
    %c0_i32_1 = arith.constant 0 : i32
    return %c0_i32, %c0_i32_0 : i32, i32
  }
  func.func @transform_5(%arg0: i32) -> (i32, i32, i32) {
    %c0_i32 = arith.constant 0 : i32
    %c0_i32_0 = arith.constant 0 : i32
    %c0_i32_1 = arith.constant 0 : i32
    return %c0_i32, %arg0, %c0_i32_0 : i32, i32, i32
  }
  func.func @transform_6(%arg0: i32) -> (i32, i32, i32) {
    %c0_i32 = arith.constant 0 : i32
    %c0_i32_0 = arith.constant 0 : i32
    %c0_i32_1 = arith.constant 0 : i32
    return %c0_i32, %arg0, %c0_i32_0 : i32, i32, i32
  }
}

module attributes {stable_mosaic.version = 14 : i64} {
  func.func @_tc_bn_layer_body(%arg0: i32, %arg1: i32, %arg2: memref<2x1000x128xf32, #tpu.memory_space<vmem>>, %arg3: memref<2x1000x128xf32, #tpu.memory_space<vmem>>, %arg4: memref<1x256xf32, #tpu.memory_space<vmem>>, %arg5: memref<1x256xf32, #tpu.memory_space<vmem>>, %arg6: memref<256x256xf32, #tpu.memory_space<vmem>>, %arg7: memref<1x256xf32, #tpu.memory_space<vmem>>, %arg8: memref<2x1000x128xf32, #tpu.memory_space<vmem>>, %arg9: memref<3x256xf32, #tpu.memory_space<vmem>>) attributes {dimension_semantics = [#tpu.dimension_semantics<arbitrary>, #tpu.dimension_semantics<arbitrary>], iteration_bounds = array<i64: 2, 10>, scalar_prefetch = 0 : i64, scratch_operands = 1 : i64, tpu.core_type = #tpu.core_type<tc>, window_params = [{transform_indices = @transform_0, window_bounds = array<i64: 2, 1000, 128>}, {transform_indices = @transform_1, window_bounds = array<i64: 2, 1000, 128>}, {pipeline_mode = #tpu.pipeline_mode<synchronous>, transform_indices = @transform_2, window_bounds = array<i64: 1, 256>}, {pipeline_mode = #tpu.pipeline_mode<synchronous>, transform_indices = @transform_3, window_bounds = array<i64: 1, 256>}, {pipeline_mode = #tpu.pipeline_mode<synchronous>, transform_indices = @transform_4, window_bounds = array<i64: 256, 256>}, {pipeline_mode = #tpu.pipeline_mode<synchronous>, transform_indices = @transform_5, window_bounds = array<i64: 1, 256>}, {transform_indices = @transform_6, window_bounds = array<i64: 2, 1000, 128>}]} {
    %get3A = arith.constant 0 : index
    %get3A_0 = arith.constant 0 : index
    %get3A_1 = arith.constant 0 : index
    %get3A_2 = vector.load %arg3[%get3A, %get3A_0, %get3A_1] : memref<2x1000x128xf32, #tpu.memory_space<vmem>>, vector<1x1000x128xf32>
    %get3A_3 = vector.shape_cast %get3A_2 : vector<1x1000x128xf32> to vector<1000x128xf32>
    %get3A_4 = arith.constant 1 : index
    %get3A_5 = arith.constant 0 : index
    %get3A_6 = arith.constant 0 : index
    %get3A_7 = vector.load %arg3[%get3A_4, %get3A_5, %get3A_6] : memref<2x1000x128xf32, #tpu.memory_space<vmem>>, vector<1x1000x128xf32>
    %get3A_8 = vector.shape_cast %get3A_7 : vector<1x1000x128xf32> to vector<1000x128xf32>
    %add3A = arith.addf %get3A_3, %get3A_8 : vector<1000x128xf32>
    %sqrt3A = math.sqrt %add3A : vector<1000x128xf32>
    %div3A = arith.constant 1.000000e+00 : f32
    %div3A_9 = vector.broadcast %div3A : f32 to vector<1000x128xf32>
    %div3A_10 = arith.divf %div3A_9, %sqrt3A : vector<1000x128xf32>
    %get3A_11 = arith.constant 0 : index
    %get3A_12 = arith.constant 0 : index
    %get3A_13 = arith.constant 0 : index
    %get3A_14 = vector.load %arg2[%get3A_11, %get3A_12, %get3A_13] : memref<2x1000x128xf32, #tpu.memory_space<vmem>>, vector<1x1000x128xf32>
    %get3A_15 = vector.shape_cast %get3A_14 : vector<1x1000x128xf32> to vector<1000x128xf32>
    %mul3A = arith.mulf %get3A_15, %div3A_10 : vector<1000x128xf32>
    %get3A_16 = arith.constant 1 : index
    %get3A_17 = arith.constant 0 : index
    %get3A_18 = arith.constant 0 : index
    %get3A_19 = vector.load %arg2[%get3A_16, %get3A_17, %get3A_18] : memref<2x1000x128xf32, #tpu.memory_space<vmem>>, vector<1x1000x128xf32>
    %get3A_20 = vector.shape_cast %get3A_19 : vector<1x1000x128xf32> to vector<1000x128xf32>
    %mul3A_21 = arith.mulf %get3A_20, %div3A_10 : vector<1000x128xf32>
    %eq3A = arith.constant 0 : i32
    %eq3A_22 = arith.cmpi eq, %arg0, %eq3A : i32
    %convert_element_type3A = arith.extui %eq3A_22 : i1 to i32
    %cond3A = arith.constant 0 : i32
    %cond3A_23 = arith.cmpi ne, %convert_element_type3A, %cond3A : i32
    scf.if %cond3A_23 {
      %eq3A_29 = arith.constant 0 : i32
      %eq3A_30 = arith.cmpi eq, %arg1, %eq3A_29 : i32
      %convert_element_type3A_31 = arith.extui %eq3A_30 : i1 to i32
      %cond3A_32 = arith.constant 0 : i32
      %cond3A_33 = arith.cmpi ne, %convert_element_type3A_31, %cond3A_32 : i32
      scf.if %cond3A_33 {
        %reduce_sum3A_61 = arith.constant dense<0.000000e+00> : vector<128xf32>
        %reduce_sum3A_62 = vector.multi_reduction <add>, %mul3A, %reduce_sum3A_61 [0] : vector<1000x128xf32> to vector<128xf32>
        %broadcast_in_dim3A_63 = vector.shape_cast %reduce_sum3A_62 : vector<128xf32> to vector<1x128xf32>
        %reduce_sum3A_64 = arith.constant dense<0.000000e+00> : vector<128xf32>
        %reduce_sum3A_65 = vector.multi_reduction <add>, %mul3A_21, %reduce_sum3A_64 [0] : vector<1000x128xf32> to vector<128xf32>
        %broadcast_in_dim3A_66 = vector.shape_cast %reduce_sum3A_65 : vector<128xf32> to vector<1x128xf32>
        %concatenate3A_67 = tpu.concatenate %broadcast_in_dim3A_63, %broadcast_in_dim3A_66 in 1 : vector<1x128xf32>, vector<1x128xf32> -> vector<1x256xf32>
        %mul3A_68 = arith.constant 1.000000e-03 : f32
        %mul3A_69 = vector.broadcast %mul3A_68 : f32 to vector<1x256xf32>
        %mul3A_70 = arith.mulf %concatenate3A_67, %mul3A_69 : vector<1x256xf32>
        %swap3A_71 = arith.constant 2 : index
        %swap3A_72 = arith.constant 0 : index
        %swap3A_73 = vector.load %arg9[%swap3A_71, %swap3A_72] : memref<3x256xf32, #tpu.memory_space<vmem>>, vector<1x256xf32>
        tpu.vector_store %arg9[%swap3A_71, %swap3A_72], %mul3A_70 {strides = array<i32>} : memref<3x256xf32, #tpu.memory_space<vmem>>, vector<1x256xf32>,
        %broadcast_in_dim3A_74 = arith.constant 0.000000e+00 : f32
        %broadcast_in_dim3A_75 = vector.broadcast %broadcast_in_dim3A_74 : f32 to vector<2x256xf32>
        %swap3A_76 = arith.constant 0 : index
        %swap3A_77 = arith.constant 0 : index
        %swap3A_78 = vector.load %arg9[%swap3A_76, %swap3A_77] : memref<3x256xf32, #tpu.memory_space<vmem>>, vector<2x256xf32>
        tpu.vector_store %arg9[%swap3A_76, %swap3A_77], %broadcast_in_dim3A_75 {strides = array<i32>} : memref<3x256xf32, #tpu.memory_space<vmem>>, vector<2x256xf32>,
      } else {
      }
      %get3A_34 = arith.constant 2 : index
      %get3A_35 = arith.constant 0 : index
      %get3A_36 = vector.load %arg9[%get3A_34, %get3A_35] : memref<3x256xf32, #tpu.memory_space<vmem>>, vector<1x256xf32>
      %slice3A = vector.extract_strided_slice %get3A_36 {offsets = [0, 0], sizes = [1, 128], strides = [1, 1]} : vector<1x256xf32> to vector<1x128xf32>
      %sub3A = vector.broadcast %slice3A : vector<1x128xf32> to vector<1000x128xf32>
      %sub3A_37 = arith.subf %mul3A, %sub3A : vector<1000x128xf32>
      %slice3A_38 = vector.extract_strided_slice %get3A_36 {offsets = [0, 128], sizes = [1, 128], strides = [1, 1]} : vector<1x256xf32> to vector<1x128xf32>
      %sub3A_39 = vector.broadcast %slice3A_38 : vector<1x128xf32> to vector<1000x128xf32>
      %sub3A_40 = arith.subf %mul3A_21, %sub3A_39 : vector<1000x128xf32>
      %reduce_sum3A = arith.constant dense<0.000000e+00> : vector<128xf32>
      %reduce_sum3A_41 = vector.multi_reduction <add>, %sub3A_37, %reduce_sum3A [0] : vector<1000x128xf32> to vector<128xf32>
      %broadcast_in_dim3A = vector.shape_cast %reduce_sum3A_41 : vector<128xf32> to vector<1x128xf32>
      %reduce_sum3A_42 = arith.constant dense<0.000000e+00> : vector<128xf32>
      %reduce_sum3A_43 = vector.multi_reduction <add>, %sub3A_40, %reduce_sum3A_42 [0] : vector<1000x128xf32> to vector<128xf32>
      %broadcast_in_dim3A_44 = vector.shape_cast %reduce_sum3A_43 : vector<128xf32> to vector<1x128xf32>
      %concatenate3A = tpu.concatenate %broadcast_in_dim3A, %broadcast_in_dim3A_44 in 1 : vector<1x128xf32>, vector<1x128xf32> -> vector<1x256xf32>
      %mul3A_45 = arith.mulf %sub3A_37, %sub3A_37 : vector<1000x128xf32>
      %reduce_sum3A_46 = arith.constant dense<0.000000e+00> : vector<128xf32>
      %reduce_sum3A_47 = vector.multi_reduction <add>, %mul3A_45, %reduce_sum3A_46 [0] : vector<1000x128xf32> to vector<128xf32>
      %broadcast_in_dim3A_48 = vector.shape_cast %reduce_sum3A_47 : vector<128xf32> to vector<1x128xf32>
      %mul3A_49 = arith.mulf %sub3A_40, %sub3A_40 : vector<1000x128xf32>
      %reduce_sum3A_50 = arith.constant dense<0.000000e+00> : vector<128xf32>
      %reduce_sum3A_51 = vector.multi_reduction <add>, %mul3A_49, %reduce_sum3A_50 [0] : vector<1000x128xf32> to vector<128xf32>
      %broadcast_in_dim3A_52 = vector.shape_cast %reduce_sum3A_51 : vector<128xf32> to vector<1x128xf32>
      %concatenate3A_53 = tpu.concatenate %broadcast_in_dim3A_48, %broadcast_in_dim3A_52 in 1 : vector<1x128xf32>, vector<1x128xf32> -> vector<1x256xf32>
      %get3A_54 = arith.constant 0 : index
      %get3A_55 = arith.constant 0 : index
      %get3A_56 = vector.load %arg9[%get3A_54, %get3A_55] : memref<3x256xf32, #tpu.memory_space<vmem>>, vector<2x256xf32>
      %concatenate3A_57 = tpu.concatenate %concatenate3A, %concatenate3A_53 in 0 : vector<1x256xf32>, vector<1x256xf32> -> vector<2x256xf32>
      %add3A_58 = arith.addf %get3A_56, %concatenate3A_57 : vector<2x256xf32>
      %swap3A = arith.constant 0 : index
      %swap3A_59 = arith.constant 0 : index
      %swap3A_60 = vector.load %arg9[%swap3A, %swap3A_59] : memref<3x256xf32, #tpu.memory_space<vmem>>, vector<2x256xf32>
      tpu.vector_store %arg9[%swap3A, %swap3A_59], %add3A_58 {strides = array<i32>} : memref<3x256xf32, #tpu.memory_space<vmem>>, vector<2x256xf32>,
    } else {
    }
    %eq3A_24 = arith.constant 1 : i32
    %eq3A_25 = arith.cmpi eq, %arg0, %eq3A_24 : i32
    %convert_element_type3A_26 = arith.extui %eq3A_25 : i1 to i32
    %cond3A_27 = arith.constant 0 : i32
    %cond3A_28 = arith.cmpi ne, %convert_element_type3A_26, %cond3A_27 : i32
    scf.if %cond3A_28 {
      %get3A_29 = arith.constant 0 : index
      %get3A_30 = arith.constant 0 : index
      %get3A_31 = vector.load %arg9[%get3A_29, %get3A_30] : memref<3x256xf32, #tpu.memory_space<vmem>>, vector<3x256xf32>
      %get3A_32 = arith.constant 0 : index
      %get3A_33 = arith.constant 0 : index
      %get3A_34 = vector.load %arg4[%get3A_32, %get3A_33] : memref<1x256xf32, #tpu.memory_space<vmem>>, vector<1x256xf32>
      %get3A_35 = arith.constant 0 : index
      %get3A_36 = arith.constant 0 : index
      %get3A_37 = vector.load %arg5[%get3A_35, %get3A_36] : memref<1x256xf32, #tpu.memory_space<vmem>>, vector<1x256xf32>
      %slice3A = vector.extract_strided_slice %get3A_31 {offsets = [0, 0], sizes = [1, 256], strides = [1, 1]} : vector<3x256xf32> to vector<1x256xf32>
      %mul3A_38 = arith.constant 9.99999974E-5 : f32
      %mul3A_39 = vector.broadcast %mul3A_38 : f32 to vector<1x256xf32>
      %mul3A_40 = arith.mulf %slice3A, %mul3A_39 : vector<1x256xf32>
      %slice3A_41 = vector.extract_strided_slice %get3A_31 {offsets = [2, 0], sizes = [1, 256], strides = [1, 1]} : vector<3x256xf32> to vector<1x256xf32>
      %add3A_42 = arith.addf %slice3A_41, %mul3A_40 : vector<1x256xf32>
      %slice3A_43 = vector.extract_strided_slice %get3A_31 {offsets = [1, 0], sizes = [1, 256], strides = [1, 1]} : vector<3x256xf32> to vector<1x256xf32>
      %mul3A_44 = arith.constant 9.99999974E-5 : f32
      %mul3A_45 = vector.broadcast %mul3A_44 : f32 to vector<1x256xf32>
      %mul3A_46 = arith.mulf %slice3A_43, %mul3A_45 : vector<1x256xf32>
      %mul3A_47 = arith.mulf %mul3A_40, %mul3A_40 : vector<1x256xf32>
      %sub3A = arith.subf %mul3A_46, %mul3A_47 : vector<1x256xf32>
      %add3A_48 = arith.constant 9.99999974E-6 : f32
      %add3A_49 = vector.broadcast %add3A_48 : f32 to vector<1x256xf32>
      %add3A_50 = arith.addf %sub3A, %add3A_49 : vector<1x256xf32>
      %sqrt3A_51 = math.sqrt %add3A_50 : vector<1x256xf32>
      %div3A_52 = arith.constant 1.000000e+00 : f32
      %div3A_53 = vector.broadcast %div3A_52 : f32 to vector<1x256xf32>
      %div3A_54 = arith.divf %div3A_53, %sqrt3A_51 : vector<1x256xf32>
      %mul3A_55 = arith.mulf %div3A_54, %get3A_34 : vector<1x256xf32>
      %mul3A_56 = arith.mulf %add3A_42, %mul3A_55 : vector<1x256xf32>
      %sub3A_57 = arith.subf %get3A_37, %mul3A_56 : vector<1x256xf32>
      %slice3A_58 = vector.extract_strided_slice %mul3A_55 {offsets = [0, 0], sizes = [1, 128], strides = [1, 1]} : vector<1x256xf32> to vector<1x128xf32>
      %mul3A_59 = vector.broadcast %slice3A_58 : vector<1x128xf32> to vector<1000x128xf32>
      %mul3A_60 = arith.mulf %mul3A, %mul3A_59 : vector<1000x128xf32>
      %slice3A_61 = vector.extract_strided_slice %sub3A_57 {offsets = [0, 0], sizes = [1, 128], strides = [1, 1]} : vector<1x256xf32> to vector<1x128xf32>
      %add3A_62 = vector.broadcast %slice3A_61 : vector<1x128xf32> to vector<1000x128xf32>
      %add3A_63 = arith.addf %mul3A_60, %add3A_62 : vector<1000x128xf32>
      %max3A = arith.constant 0.000000e+00 : f32
      %max3A_64 = vector.broadcast %max3A : f32 to vector<1000x128xf32>
      %max3A_65 = arith.maximumf %add3A_63, %max3A_64 : vector<1000x128xf32>
      %slice3A_66 = vector.extract_strided_slice %mul3A_55 {offsets = [0, 128], sizes = [1, 128], strides = [1, 1]} : vector<1x256xf32> to vector<1x128xf32>
      %mul3A_67 = vector.broadcast %slice3A_66 : vector<1x128xf32> to vector<1000x128xf32>
      %mul3A_68 = arith.mulf %mul3A_21, %mul3A_67 : vector<1000x128xf32>
      %slice3A_69 = vector.extract_strided_slice %sub3A_57 {offsets = [0, 128], sizes = [1, 128], strides = [1, 1]} : vector<1x256xf32> to vector<1x128xf32>
      %add3A_70 = vector.broadcast %slice3A_69 : vector<1x128xf32> to vector<1000x128xf32>
      %add3A_71 = arith.addf %mul3A_68, %add3A_70 : vector<1000x128xf32>
      %max3A_72 = arith.constant 0.000000e+00 : f32
      %max3A_73 = vector.broadcast %max3A_72 : f32 to vector<1000x128xf32>
      %max3A_74 = arith.maximumf %add3A_71, %max3A_73 : vector<1000x128xf32>
      %concatenate3A = tpu.concatenate %max3A_65, %max3A_74 in 1 : vector<1000x128xf32>, vector<1000x128xf32> -> vector<1000x256xf32>
      %get3A_75 = arith.constant 0 : index
      %get3A_76 = arith.constant 0 : index
      %get3A_77 = vector.load %arg6[%get3A_75, %get3A_76] : memref<256x256xf32, #tpu.memory_space<vmem>>, vector<256x256xf32>
      %convert_element_type3A_78 = arith.truncf %concatenate3A : vector<1000x256xf32> to vector<1000x256xbf16>
      %convert_element_type3A_79 = arith.extf %convert_element_type3A_78 : vector<1000x256xbf16> to vector<1000x256xf32>
      %sub3A_80 = arith.subf %concatenate3A, %convert_element_type3A_79 : vector<1000x256xf32>
      %convert_element_type3A_81 = arith.truncf %sub3A_80 : vector<1000x256xf32> to vector<1000x256xbf16>
      %convert_element_type3A_82 = arith.truncf %get3A_77 : vector<256x256xf32> to vector<256x256xbf16>
      %convert_element_type3A_83 = arith.extf %convert_element_type3A_82 : vector<256x256xbf16> to vector<256x256xf32>
      %sub3A_84 = arith.subf %get3A_77, %convert_element_type3A_83 : vector<256x256xf32>
      %convert_element_type3A_85 = arith.truncf %sub3A_84 : vector<256x256xf32> to vector<256x256xbf16>
      %dot_general3A = arith.constant dense<0.000000e+00> : vector<1000x256xf32>
      %dot_general3A_86 = tpu.matmul %convert_element_type3A_78, %convert_element_type3A_85, %dot_general3A {dimension_numbers = #tpu.dot_dimension_numbers<[1], [0], [0], [1], [0, 0, 1, 1], [], []>, transpose_lhs_hint = false} : vector<1000x256xbf16>, vector<256x256xbf16>, vector<1000x256xf32> -> vector<1000x256xf32>
      %dot_general3A_87 = arith.constant dense<0.000000e+00> : vector<1000x256xf32>
      %dot_general3A_88 = tpu.matmul %convert_element_type3A_81, %convert_element_type3A_82, %dot_general3A_87 {dimension_numbers = #tpu.dot_dimension_numbers<[1], [0], [0], [1], [0, 0, 1, 1], [], []>, transpose_lhs_hint = false} : vector<1000x256xbf16>, vector<256x256xbf16>, vector<1000x256xf32> -> vector<1000x256xf32>
      %add3A_89 = arith.addf %dot_general3A_86, %dot_general3A_88 : vector<1000x256xf32>
      %dot_general3A_90 = arith.constant dense<0.000000e+00> : vector<1000x256xf32>
      %dot_general3A_91 = tpu.matmul %convert_element_type3A_78, %convert_element_type3A_82, %dot_general3A_90 {dimension_numbers = #tpu.dot_dimension_numbers<[1], [0], [0], [1], [0, 0, 1, 1], [], []>, transpose_lhs_hint = false} : vector<1000x256xbf16>, vector<256x256xbf16>, vector<1000x256xf32> -> vector<1000x256xf32>
      %add3A_92 = arith.addf %add3A_89, %dot_general3A_91 : vector<1000x256xf32>
      %get3A_93 = arith.constant 0 : index
      %get3A_94 = arith.constant 0 : index
      %get3A_95 = vector.load %arg7[%get3A_93, %get3A_94] : memref<1x256xf32, #tpu.memory_space<vmem>>, vector<1x256xf32>
      %add3A_96 = vector.broadcast %get3A_95 : vector<1x256xf32> to vector<1000x256xf32>
      %add3A_97 = arith.addf %add3A_92, %add3A_96 : vector<1000x256xf32>
      %slice3A_98 = vector.extract_strided_slice %add3A_97 {offsets = [0, 0], sizes = [1000, 128], strides = [1, 1]} : vector<1000x256xf32> to vector<1000x128xf32>
      %mul3A_99 = arith.mulf %slice3A_98, %div3A_10 : vector<1000x128xf32>
      %swap3A = arith.constant 0 : index
      %swap3A_100 = arith.constant 0 : index
      %swap3A_101 = arith.constant 0 : index
      %swap3A_102 = vector.load %arg8[%swap3A, %swap3A_100, %swap3A_101] : memref<2x1000x128xf32, #tpu.memory_space<vmem>>, vector<1x1000x128xf32>
      %swap3A_103 = vector.shape_cast %swap3A_102 : vector<1x1000x128xf32> to vector<1000x128xf32>
      %swap3A_104 = vector.shape_cast %mul3A_99 : vector<1000x128xf32> to vector<1x1000x128xf32>
      tpu.vector_store %arg8[%swap3A, %swap3A_100, %swap3A_101], %swap3A_104 {strides = array<i32>} : memref<2x1000x128xf32, #tpu.memory_space<vmem>>, vector<1x1000x128xf32>,
      %slice3A_105 = vector.extract_strided_slice %add3A_97 {offsets = [0, 128], sizes = [1000, 128], strides = [1, 1]} : vector<1000x256xf32> to vector<1000x128xf32>
      %mul3A_106 = arith.mulf %slice3A_105, %div3A_10 : vector<1000x128xf32>
      %swap3A_107 = arith.constant 1 : index
      %swap3A_108 = arith.constant 0 : index
      %swap3A_109 = arith.constant 0 : index
      %swap3A_110 = vector.load %arg8[%swap3A_107, %swap3A_108, %swap3A_109] : memref<2x1000x128xf32, #tpu.memory_space<vmem>>, vector<1x1000x128xf32>
      %swap3A_111 = vector.shape_cast %swap3A_110 : vector<1x1000x128xf32> to vector<1000x128xf32>
      %swap3A_112 = vector.shape_cast %mul3A_106 : vector<1000x128xf32> to vector<1x1000x128xf32>
      tpu.vector_store %arg8[%swap3A_107, %swap3A_108, %swap3A_109], %swap3A_112 {strides = array<i32>} : memref<2x1000x128xf32, #tpu.memory_space<vmem>>, vector<1x1000x128xf32>,
    } else {
    }
    return
  }
  func.func @transform_0(%arg0: i32, %arg1: i32) -> (i32, i32, i32) {
    %c0_i32 = arith.constant 0 : i32
    %c0_i32_0 = arith.constant 0 : i32
    %c0_i32_1 = arith.constant 0 : i32
    return %c0_i32, %arg1, %c0_i32_0 : i32, i32, i32
  }
  func.func @transform_1(%arg0: i32, %arg1: i32) -> (i32, i32, i32) {
    %c0_i32 = arith.constant 0 : i32
    %c0_i32_0 = arith.constant 0 : i32
    %c0_i32_1 = arith.constant 0 : i32
    return %c0_i32, %arg1, %c0_i32_0 : i32, i32, i32
  }
  func.func @transform_2(%arg0: i32, %arg1: i32) -> (i32, i32) {
    %c0_i32 = arith.constant 0 : i32
    %c0_i32_0 = arith.constant 0 : i32
    %c0_i32_1 = arith.constant 0 : i32
    return %c0_i32, %c0_i32_0 : i32, i32
  }
  func.func @transform_3(%arg0: i32, %arg1: i32) -> (i32, i32) {
    %c0_i32 = arith.constant 0 : i32
    %c0_i32_0 = arith.constant 0 : i32
    %c0_i32_1 = arith.constant 0 : i32
    return %c0_i32, %c0_i32_0 : i32, i32
  }
  func.func @transform_4(%arg0: i32, %arg1: i32) -> (i32, i32) {
    %c0_i32 = arith.constant 0 : i32
    %c0_i32_0 = arith.constant 0 : i32
    %c0_i32_1 = arith.constant 0 : i32
    return %c0_i32, %c0_i32_0 : i32, i32
  }
  func.func @transform_5(%arg0: i32, %arg1: i32) -> (i32, i32) {
    %c0_i32 = arith.constant 0 : i32
    %c0_i32_0 = arith.constant 0 : i32
    %c0_i32_1 = arith.constant 0 : i32
    return %c0_i32, %c0_i32_0 : i32, i32
  }
  func.func @transform_6(%arg0: i32, %arg1: i32) -> (i32, i32, i32) {
    %mul3A = arith.muli %arg1, %arg0 : i32
    %c0_i32 = arith.constant 0 : i32
    %c0_i32_0 = arith.constant 0 : i32
    %c0_i32_1 = arith.constant 0 : i32
    return %c0_i32, %mul3A, %c0_i32_0 : i32, i32, i32
  }
}

module attributes {stable_mosaic.version = 14 : i64} {
  func.func @_tc_pool_pred_body(%arg0: i32, %arg1: i32, %arg2: memref<2x1000x128xf32, #tpu.memory_space<vmem>>, %arg3: memref<2x1000x128xf32, #tpu.memory_space<vmem>>, %arg4: memref<1x256xf32, #tpu.memory_space<vmem>>, %arg5: memref<1x256xf32, #tpu.memory_space<vmem>>, %arg6: memref<1x1x1000xi32, #tpu.memory_space<vmem>>, %arg7: memref<256x256xf32, #tpu.memory_space<vmem>>, %arg8: memref<1x256xf32, #tpu.memory_space<vmem>>, %arg9: memref<256x128xf32, #tpu.memory_space<vmem>>, %arg10: memref<1x128xf32, #tpu.memory_space<vmem>>, %arg11: memref<64x128xf32, #tpu.memory_space<vmem>>, %arg12: memref<3x256xf32, #tpu.memory_space<vmem>>, %arg13: memref<64x256xf32, #tpu.memory_space<vmem>>) attributes {dimension_semantics = [#tpu.dimension_semantics<arbitrary>, #tpu.dimension_semantics<arbitrary>], iteration_bounds = array<i64: 2, 10>, scalar_prefetch = 0 : i64, scratch_operands = 2 : i64, tpu.core_type = #tpu.core_type<tc>, window_params = [{transform_indices = @transform_0, window_bounds = array<i64: 2, 1000, 128>}, {transform_indices = @transform_1, window_bounds = array<i64: 2, 1000, 128>}, {pipeline_mode = #tpu.pipeline_mode<synchronous>, transform_indices = @transform_2, window_bounds = array<i64: 1, 256>}, {pipeline_mode = #tpu.pipeline_mode<synchronous>, transform_indices = @transform_3, window_bounds = array<i64: 1, 256>}, {transform_indices = @transform_4, window_bounds = array<i64: 1, 1, 1000>}, {pipeline_mode = #tpu.pipeline_mode<synchronous>, transform_indices = @transform_5, window_bounds = array<i64: 256, 256>}, {pipeline_mode = #tpu.pipeline_mode<synchronous>, transform_indices = @transform_6, window_bounds = array<i64: 1, 256>}, {pipeline_mode = #tpu.pipeline_mode<synchronous>, transform_indices = @transform_7, window_bounds = array<i64: 256, 128>}, {pipeline_mode = #tpu.pipeline_mode<synchronous>, transform_indices = @transform_8, window_bounds = array<i64: 1, 128>}, {pipeline_mode = #tpu.pipeline_mode<synchronous>, transform_indices = @transform_9, window_bounds = array<i64: 64, 128>}]} {
    %get3A = arith.constant 0 : index
    %get3A_0 = arith.constant 0 : index
    %get3A_1 = arith.constant 0 : index
    %get3A_2 = vector.load %arg3[%get3A, %get3A_0, %get3A_1] : memref<2x1000x128xf32, #tpu.memory_space<vmem>>, vector<1x1000x128xf32>
    %get3A_3 = vector.shape_cast %get3A_2 : vector<1x1000x128xf32> to vector<1000x128xf32>
    %get3A_4 = arith.constant 1 : index
    %get3A_5 = arith.constant 0 : index
    %get3A_6 = arith.constant 0 : index
    %get3A_7 = vector.load %arg3[%get3A_4, %get3A_5, %get3A_6] : memref<2x1000x128xf32, #tpu.memory_space<vmem>>, vector<1x1000x128xf32>
    %get3A_8 = vector.shape_cast %get3A_7 : vector<1x1000x128xf32> to vector<1000x128xf32>
    %add3A = arith.addf %get3A_3, %get3A_8 : vector<1000x128xf32>
    %sqrt3A = math.sqrt %add3A : vector<1000x128xf32>
    %div3A = arith.constant 1.000000e+00 : f32
    %div3A_9 = vector.broadcast %div3A : f32 to vector<1000x128xf32>
    %div3A_10 = arith.divf %div3A_9, %sqrt3A : vector<1000x128xf32>
    %get3A_11 = arith.constant 0 : index
    %get3A_12 = arith.constant 0 : index
    %get3A_13 = arith.constant 0 : index
    %get3A_14 = vector.load %arg2[%get3A_11, %get3A_12, %get3A_13] : memref<2x1000x128xf32, #tpu.memory_space<vmem>>, vector<1x1000x128xf32>
    %get3A_15 = vector.shape_cast %get3A_14 : vector<1x1000x128xf32> to vector<1000x128xf32>
    %mul3A = arith.mulf %get3A_15, %div3A_10 : vector<1000x128xf32>
    %get3A_16 = arith.constant 1 : index
    %get3A_17 = arith.constant 0 : index
    %get3A_18 = arith.constant 0 : index
    %get3A_19 = vector.load %arg2[%get3A_16, %get3A_17, %get3A_18] : memref<2x1000x128xf32, #tpu.memory_space<vmem>>, vector<1x1000x128xf32>
    %get3A_20 = vector.shape_cast %get3A_19 : vector<1x1000x128xf32> to vector<1000x128xf32>
    %mul3A_21 = arith.mulf %get3A_20, %div3A_10 : vector<1000x128xf32>
    %eq3A = arith.constant 0 : i32
    %eq3A_22 = arith.cmpi eq, %arg0, %eq3A : i32
    %convert_element_type3A = arith.extui %eq3A_22 : i1 to i32
    %cond3A = arith.constant 0 : i32
    %cond3A_23 = arith.cmpi ne, %convert_element_type3A, %cond3A : i32
    scf.if %cond3A_23 {
      %eq3A_29 = arith.constant 0 : i32
      %eq3A_30 = arith.cmpi eq, %arg1, %eq3A_29 : i32
      %convert_element_type3A_31 = arith.extui %eq3A_30 : i1 to i32
      %cond3A_32 = arith.constant 0 : i32
      %cond3A_33 = arith.cmpi ne, %convert_element_type3A_31, %cond3A_32 : i32
      scf.if %cond3A_33 {
        %reduce_sum3A_61 = arith.constant dense<0.000000e+00> : vector<128xf32>
        %reduce_sum3A_62 = vector.multi_reduction <add>, %mul3A, %reduce_sum3A_61 [0] : vector<1000x128xf32> to vector<128xf32>
        %broadcast_in_dim3A_63 = vector.shape_cast %reduce_sum3A_62 : vector<128xf32> to vector<1x128xf32>
        %reduce_sum3A_64 = arith.constant dense<0.000000e+00> : vector<128xf32>
        %reduce_sum3A_65 = vector.multi_reduction <add>, %mul3A_21, %reduce_sum3A_64 [0] : vector<1000x128xf32> to vector<128xf32>
        %broadcast_in_dim3A_66 = vector.shape_cast %reduce_sum3A_65 : vector<128xf32> to vector<1x128xf32>
        %concatenate3A_67 = tpu.concatenate %broadcast_in_dim3A_63, %broadcast_in_dim3A_66 in 1 : vector<1x128xf32>, vector<1x128xf32> -> vector<1x256xf32>
        %mul3A_68 = arith.constant 1.000000e-03 : f32
        %mul3A_69 = vector.broadcast %mul3A_68 : f32 to vector<1x256xf32>
        %mul3A_70 = arith.mulf %concatenate3A_67, %mul3A_69 : vector<1x256xf32>
        %swap3A_71 = arith.constant 2 : index
        %swap3A_72 = arith.constant 0 : index
        %swap3A_73 = vector.load %arg12[%swap3A_71, %swap3A_72] : memref<3x256xf32, #tpu.memory_space<vmem>>, vector<1x256xf32>
        tpu.vector_store %arg12[%swap3A_71, %swap3A_72], %mul3A_70 {strides = array<i32>} : memref<3x256xf32, #tpu.memory_space<vmem>>, vector<1x256xf32>,
        %broadcast_in_dim3A_74 = arith.constant 0.000000e+00 : f32
        %broadcast_in_dim3A_75 = vector.broadcast %broadcast_in_dim3A_74 : f32 to vector<2x256xf32>
        %swap3A_76 = arith.constant 0 : index
        %swap3A_77 = arith.constant 0 : index
        %swap3A_78 = vector.load %arg12[%swap3A_76, %swap3A_77] : memref<3x256xf32, #tpu.memory_space<vmem>>, vector<2x256xf32>
        tpu.vector_store %arg12[%swap3A_76, %swap3A_77], %broadcast_in_dim3A_75 {strides = array<i32>} : memref<3x256xf32, #tpu.memory_space<vmem>>, vector<2x256xf32>,
      } else {
      }
      %get3A_34 = arith.constant 2 : index
      %get3A_35 = arith.constant 0 : index
      %get3A_36 = vector.load %arg12[%get3A_34, %get3A_35] : memref<3x256xf32, #tpu.memory_space<vmem>>, vector<1x256xf32>
      %slice3A = vector.extract_strided_slice %get3A_36 {offsets = [0, 0], sizes = [1, 128], strides = [1, 1]} : vector<1x256xf32> to vector<1x128xf32>
      %sub3A = vector.broadcast %slice3A : vector<1x128xf32> to vector<1000x128xf32>
      %sub3A_37 = arith.subf %mul3A, %sub3A : vector<1000x128xf32>
      %slice3A_38 = vector.extract_strided_slice %get3A_36 {offsets = [0, 128], sizes = [1, 128], strides = [1, 1]} : vector<1x256xf32> to vector<1x128xf32>
      %sub3A_39 = vector.broadcast %slice3A_38 : vector<1x128xf32> to vector<1000x128xf32>
      %sub3A_40 = arith.subf %mul3A_21, %sub3A_39 : vector<1000x128xf32>
      %reduce_sum3A = arith.constant dense<0.000000e+00> : vector<128xf32>
      %reduce_sum3A_41 = vector.multi_reduction <add>, %sub3A_37, %reduce_sum3A [0] : vector<1000x128xf32> to vector<128xf32>
      %broadcast_in_dim3A = vector.shape_cast %reduce_sum3A_41 : vector<128xf32> to vector<1x128xf32>
      %reduce_sum3A_42 = arith.constant dense<0.000000e+00> : vector<128xf32>
      %reduce_sum3A_43 = vector.multi_reduction <add>, %sub3A_40, %reduce_sum3A_42 [0] : vector<1000x128xf32> to vector<128xf32>
      %broadcast_in_dim3A_44 = vector.shape_cast %reduce_sum3A_43 : vector<128xf32> to vector<1x128xf32>
      %concatenate3A = tpu.concatenate %broadcast_in_dim3A, %broadcast_in_dim3A_44 in 1 : vector<1x128xf32>, vector<1x128xf32> -> vector<1x256xf32>
      %mul3A_45 = arith.mulf %sub3A_37, %sub3A_37 : vector<1000x128xf32>
      %reduce_sum3A_46 = arith.constant dense<0.000000e+00> : vector<128xf32>
      %reduce_sum3A_47 = vector.multi_reduction <add>, %mul3A_45, %reduce_sum3A_46 [0] : vector<1000x128xf32> to vector<128xf32>
      %broadcast_in_dim3A_48 = vector.shape_cast %reduce_sum3A_47 : vector<128xf32> to vector<1x128xf32>
      %mul3A_49 = arith.mulf %sub3A_40, %sub3A_40 : vector<1000x128xf32>
      %reduce_sum3A_50 = arith.constant dense<0.000000e+00> : vector<128xf32>
      %reduce_sum3A_51 = vector.multi_reduction <add>, %mul3A_49, %reduce_sum3A_50 [0] : vector<1000x128xf32> to vector<128xf32>
      %broadcast_in_dim3A_52 = vector.shape_cast %reduce_sum3A_51 : vector<128xf32> to vector<1x128xf32>
      %concatenate3A_53 = tpu.concatenate %broadcast_in_dim3A_48, %broadcast_in_dim3A_52 in 1 : vector<1x128xf32>, vector<1x128xf32> -> vector<1x256xf32>
      %get3A_54 = arith.constant 0 : index
      %get3A_55 = arith.constant 0 : index
      %get3A_56 = vector.load %arg12[%get3A_54, %get3A_55] : memref<3x256xf32, #tpu.memory_space<vmem>>, vector<2x256xf32>
      %concatenate3A_57 = tpu.concatenate %concatenate3A, %concatenate3A_53 in 0 : vector<1x256xf32>, vector<1x256xf32> -> vector<2x256xf32>
      %add3A_58 = arith.addf %get3A_56, %concatenate3A_57 : vector<2x256xf32>
      %swap3A = arith.constant 0 : index
      %swap3A_59 = arith.constant 0 : index
      %swap3A_60 = vector.load %arg12[%swap3A, %swap3A_59] : memref<3x256xf32, #tpu.memory_space<vmem>>, vector<2x256xf32>
      tpu.vector_store %arg12[%swap3A, %swap3A_59], %add3A_58 {strides = array<i32>} : memref<3x256xf32, #tpu.memory_space<vmem>>, vector<2x256xf32>,
    } else {
    }
    %eq3A_24 = arith.constant 1 : i32
    %eq3A_25 = arith.cmpi eq, %arg0, %eq3A_24 : i32
    %convert_element_type3A_26 = arith.extui %eq3A_25 : i1 to i32
    %cond3A_27 = arith.constant 0 : i32
    %cond3A_28 = arith.cmpi ne, %convert_element_type3A_26, %cond3A_27 : i32
    scf.if %cond3A_28 {
      %get3A_29 = arith.constant 0 : index
      %get3A_30 = arith.constant 0 : index
      %get3A_31 = vector.load %arg12[%get3A_29, %get3A_30] : memref<3x256xf32, #tpu.memory_space<vmem>>, vector<3x256xf32>
      %get3A_32 = arith.constant 0 : index
      %get3A_33 = arith.constant 0 : index
      %get3A_34 = vector.load %arg4[%get3A_32, %get3A_33] : memref<1x256xf32, #tpu.memory_space<vmem>>, vector<1x256xf32>
      %get3A_35 = arith.constant 0 : index
      %get3A_36 = arith.constant 0 : index
      %get3A_37 = vector.load %arg5[%get3A_35, %get3A_36] : memref<1x256xf32, #tpu.memory_space<vmem>>, vector<1x256xf32>
      %slice3A = vector.extract_strided_slice %get3A_31 {offsets = [0, 0], sizes = [1, 256], strides = [1, 1]} : vector<3x256xf32> to vector<1x256xf32>
      %mul3A_38 = arith.constant 9.99999974E-5 : f32
      %mul3A_39 = vector.broadcast %mul3A_38 : f32 to vector<1x256xf32>
      %mul3A_40 = arith.mulf %slice3A, %mul3A_39 : vector<1x256xf32>
      %slice3A_41 = vector.extract_strided_slice %get3A_31 {offsets = [2, 0], sizes = [1, 256], strides = [1, 1]} : vector<3x256xf32> to vector<1x256xf32>
      %add3A_42 = arith.addf %slice3A_41, %mul3A_40 : vector<1x256xf32>
      %slice3A_43 = vector.extract_strided_slice %get3A_31 {offsets = [1, 0], sizes = [1, 256], strides = [1, 1]} : vector<3x256xf32> to vector<1x256xf32>
      %mul3A_44 = arith.constant 9.99999974E-5 : f32
      %mul3A_45 = vector.broadcast %mul3A_44 : f32 to vector<1x256xf32>
      %mul3A_46 = arith.mulf %slice3A_43, %mul3A_45 : vector<1x256xf32>
      %mul3A_47 = arith.mulf %mul3A_40, %mul3A_40 : vector<1x256xf32>
      %sub3A = arith.subf %mul3A_46, %mul3A_47 : vector<1x256xf32>
      %add3A_48 = arith.constant 9.99999974E-6 : f32
      %add3A_49 = vector.broadcast %add3A_48 : f32 to vector<1x256xf32>
      %add3A_50 = arith.addf %sub3A, %add3A_49 : vector<1x256xf32>
      %sqrt3A_51 = math.sqrt %add3A_50 : vector<1x256xf32>
      %div3A_52 = arith.constant 1.000000e+00 : f32
      %div3A_53 = vector.broadcast %div3A_52 : f32 to vector<1x256xf32>
      %div3A_54 = arith.divf %div3A_53, %sqrt3A_51 : vector<1x256xf32>
      %mul3A_55 = arith.mulf %div3A_54, %get3A_34 : vector<1x256xf32>
      %mul3A_56 = arith.mulf %add3A_42, %mul3A_55 : vector<1x256xf32>
      %sub3A_57 = arith.subf %get3A_37, %mul3A_56 : vector<1x256xf32>
      %slice3A_58 = vector.extract_strided_slice %mul3A_55 {offsets = [0, 0], sizes = [1, 128], strides = [1, 1]} : vector<1x256xf32> to vector<1x128xf32>
      %mul3A_59 = vector.broadcast %slice3A_58 : vector<1x128xf32> to vector<1000x128xf32>
      %mul3A_60 = arith.mulf %mul3A, %mul3A_59 : vector<1000x128xf32>
      %slice3A_61 = vector.extract_strided_slice %sub3A_57 {offsets = [0, 0], sizes = [1, 128], strides = [1, 1]} : vector<1x256xf32> to vector<1x128xf32>
      %add3A_62 = vector.broadcast %slice3A_61 : vector<1x128xf32> to vector<1000x128xf32>
      %add3A_63 = arith.addf %mul3A_60, %add3A_62 : vector<1000x128xf32>
      %max3A = arith.constant 0.000000e+00 : f32
      %max3A_64 = vector.broadcast %max3A : f32 to vector<1000x128xf32>
      %max3A_65 = arith.maximumf %add3A_63, %max3A_64 : vector<1000x128xf32>
      %slice3A_66 = vector.extract_strided_slice %mul3A_55 {offsets = [0, 128], sizes = [1, 128], strides = [1, 1]} : vector<1x256xf32> to vector<1x128xf32>
      %mul3A_67 = vector.broadcast %slice3A_66 : vector<1x128xf32> to vector<1000x128xf32>
      %mul3A_68 = arith.mulf %mul3A_21, %mul3A_67 : vector<1000x128xf32>
      %slice3A_69 = vector.extract_strided_slice %sub3A_57 {offsets = [0, 128], sizes = [1, 128], strides = [1, 1]} : vector<1x256xf32> to vector<1x128xf32>
      %add3A_70 = vector.broadcast %slice3A_69 : vector<1x128xf32> to vector<1000x128xf32>
      %add3A_71 = arith.addf %mul3A_68, %add3A_70 : vector<1000x128xf32>
      %max3A_72 = arith.constant 0.000000e+00 : f32
      %max3A_73 = vector.broadcast %max3A_72 : f32 to vector<1000x128xf32>
      %max3A_74 = arith.maximumf %add3A_71, %max3A_73 : vector<1000x128xf32>
      %get3A_75 = arith.constant 0 : index
      %get3A_76 = arith.constant 0 : index
      %get3A_77 = arith.constant 0 : index
      %get3A_78 = vector.load %arg6[%get3A_75, %get3A_76, %get3A_77] : memref<1x1x1000xi32, #tpu.memory_space<vmem>>, vector<1x1x1000xi32>
      %get3A_79 = vector.shape_cast %get3A_78 : vector<1x1x1000xi32> to vector<1x1000xi32>
      %iota3A = tpu.iota {dimensions = array<i32: 0>} : vector<64x1000xi32>
      %eq3A_80 = vector.broadcast %get3A_79 : vector<1x1000xi32> to vector<64x1000xi32>
      %eq3A_81 = arith.cmpi eq, %iota3A, %eq3A_80 : vector<64x1000xi32>
      %convert_element_type3A_82 = arith.extui %eq3A_81 : vector<64x1000xi1> to vector<64x1000xi32>
      %convert_element_type3A_83 = arith.sitofp %convert_element_type3A_82 : vector<64x1000xi32> to vector<64x1000xf32>
      %convert_element_type3A_84 = arith.truncf %convert_element_type3A_83 : vector<64x1000xf32> to vector<64x1000xbf16>
      %convert_element_type3A_85 = arith.extf %convert_element_type3A_84 : vector<64x1000xbf16> to vector<64x1000xf32>
      %sub3A_86 = arith.subf %convert_element_type3A_83, %convert_element_type3A_85 : vector<64x1000xf32>
      %convert_element_type3A_87 = arith.truncf %sub3A_86 : vector<64x1000xf32> to vector<64x1000xbf16>
      %convert_element_type3A_88 = arith.truncf %max3A_65 : vector<1000x128xf32> to vector<1000x128xbf16>
      %convert_element_type3A_89 = arith.extf %convert_element_type3A_88 : vector<1000x128xbf16> to vector<1000x128xf32>
      %sub3A_90 = arith.subf %max3A_65, %convert_element_type3A_89 : vector<1000x128xf32>
      %convert_element_type3A_91 = arith.truncf %sub3A_90 : vector<1000x128xf32> to vector<1000x128xbf16>
      %dot_general3A = arith.constant dense<0.000000e+00> : vector<64x128xf32>
      %dot_general3A_92 = tpu.matmul %convert_element_type3A_84, %convert_element_type3A_91, %dot_general3A {dimension_numbers = #tpu.dot_dimension_numbers<[1], [0], [0], [1], [0, 0, 1, 1], [], []>, transpose_lhs_hint = false} : vector<64x1000xbf16>, vector<1000x128xbf16>, vector<64x128xf32> -> vector<64x128xf32>
      %dot_general3A_93 = arith.constant dense<0.000000e+00> : vector<64x128xf32>
      %dot_general3A_94 = tpu.matmul %convert_element_type3A_87, %convert_element_type3A_88, %dot_general3A_93 {dimension_numbers = #tpu.dot_dimension_numbers<[1], [0], [0], [1], [0, 0, 1, 1], [], []>, transpose_lhs_hint = false} : vector<64x1000xbf16>, vector<1000x128xbf16>, vector<64x128xf32> -> vector<64x128xf32>
      %add3A_95 = arith.addf %dot_general3A_92, %dot_general3A_94 : vector<64x128xf32>
      %dot_general3A_96 = arith.constant dense<0.000000e+00> : vector<64x128xf32>
      %dot_general3A_97 = tpu.matmul %convert_element_type3A_84, %convert_element_type3A_88, %dot_general3A_96 {dimension_numbers = #tpu.dot_dimension_numbers<[1], [0], [0], [1], [0, 0, 1, 1], [], []>, transpose_lhs_hint = false} : vector<64x1000xbf16>, vector<1000x128xbf16>, vector<64x128xf32> -> vector<64x128xf32>
      %add3A_98 = arith.addf %add3A_95, %dot_general3A_97 : vector<64x128xf32>
      %convert_element_type3A_99 = arith.truncf %convert_element_type3A_83 : vector<64x1000xf32> to vector<64x1000xbf16>
      %convert_element_type3A_100 = arith.extf %convert_element_type3A_99 : vector<64x1000xbf16> to vector<64x1000xf32>
      %sub3A_101 = arith.subf %convert_element_type3A_83, %convert_element_type3A_100 : vector<64x1000xf32>
      %convert_element_type3A_102 = arith.truncf %sub3A_101 : vector<64x1000xf32> to vector<64x1000xbf16>
      %convert_element_type3A_103 = arith.truncf %max3A_74 : vector<1000x128xf32> to vector<1000x128xbf16>
      %convert_element_type3A_104 = arith.extf %convert_element_type3A_103 : vector<1000x128xbf16> to vector<1000x128xf32>
      %sub3A_105 = arith.subf %max3A_74, %convert_element_type3A_104 : vector<1000x128xf32>
      %convert_element_type3A_106 = arith.truncf %sub3A_105 : vector<1000x128xf32> to vector<1000x128xbf16>
      %dot_general3A_107 = arith.constant dense<0.000000e+00> : vector<64x128xf32>
      %dot_general3A_108 = tpu.matmul %convert_element_type3A_99, %convert_element_type3A_106, %dot_general3A_107 {dimension_numbers = #tpu.dot_dimension_numbers<[1], [0], [0], [1], [0, 0, 1, 1], [], []>, transpose_lhs_hint = false} : vector<64x1000xbf16>, vector<1000x128xbf16>, vector<64x128xf32> -> vector<64x128xf32>
      %dot_general3A_109 = arith.constant dense<0.000000e+00> : vector<64x128xf32>
      %dot_general3A_110 = tpu.matmul %convert_element_type3A_102, %convert_element_type3A_103, %dot_general3A_109 {dimension_numbers = #tpu.dot_dimension_numbers<[1], [0], [0], [1], [0, 0, 1, 1], [], []>, transpose_lhs_hint = false} : vector<64x1000xbf16>, vector<1000x128xbf16>, vector<64x128xf32> -> vector<64x128xf32>
      %add3A_111 = arith.addf %dot_general3A_108, %dot_general3A_110 : vector<64x128xf32>
      %dot_general3A_112 = arith.constant dense<0.000000e+00> : vector<64x128xf32>
      %dot_general3A_113 = tpu.matmul %convert_element_type3A_99, %convert_element_type3A_103, %dot_general3A_112 {dimension_numbers = #tpu.dot_dimension_numbers<[1], [0], [0], [1], [0, 0, 1, 1], [], []>, transpose_lhs_hint = false} : vector<64x1000xbf16>, vector<1000x128xbf16>, vector<64x128xf32> -> vector<64x128xf32>
      %add3A_114 = arith.addf %add3A_111, %dot_general3A_113 : vector<64x128xf32>
      %concatenate3A = tpu.concatenate %add3A_98, %add3A_114 in 1 : vector<64x128xf32>, vector<64x128xf32> -> vector<64x256xf32>
      %eq3A_115 = arith.constant 0 : i32
      %eq3A_116 = arith.cmpi eq, %arg1, %eq3A_115 : i32
      %convert_element_type3A_117 = arith.extui %eq3A_116 : i1 to i32
      %cond3A_118 = arith.constant 0 : i32
      %cond3A_119 = arith.cmpi ne, %convert_element_type3A_117, %cond3A_118 : i32
      scf.if %cond3A_119 {
        %swap3A = arith.constant 0 : index
        %swap3A_129 = arith.constant 0 : index
        %swap3A_130 = vector.load %arg13[%swap3A, %swap3A_129] : memref<64x256xf32, #tpu.memory_space<vmem>>, vector<64x256xf32>
        tpu.vector_store %arg13[%swap3A, %swap3A_129], %concatenate3A {strides = array<i32>} : memref<64x256xf32, #tpu.memory_space<vmem>>, vector<64x256xf32>,
      } else {
      }
      %gt3A = arith.constant 0 : i32
      %gt3A_120 = arith.cmpi sgt, %arg1, %gt3A : i32
      %convert_element_type3A_121 = arith.extui %gt3A_120 : i1 to i32
      %cond3A_122 = arith.constant 0 : i32
      %cond3A_123 = arith.cmpi ne, %convert_element_type3A_121, %cond3A_122 : i32
      scf.if %cond3A_123 {
        %get3A_129 = arith.constant 0 : index
        %get3A_130 = arith.constant 0 : index
        %get3A_131 = vector.load %arg13[%get3A_129, %get3A_130] : memref<64x256xf32, #tpu.memory_space<vmem>>, vector<64x256xf32>
        %add3A_132 = arith.addf %get3A_131, %concatenate3A : vector<64x256xf32>
        %swap3A = arith.constant 0 : index
        %swap3A_133 = arith.constant 0 : index
        %swap3A_134 = vector.load %arg13[%swap3A, %swap3A_133] : memref<64x256xf32, #tpu.memory_space<vmem>>, vector<64x256xf32>
        tpu.vector_store %arg13[%swap3A, %swap3A_133], %add3A_132 {strides = array<i32>} : memref<64x256xf32, #tpu.memory_space<vmem>>, vector<64x256xf32>,
      } else {
      }
      %eq3A_124 = arith.constant 9 : i32
      %eq3A_125 = arith.cmpi eq, %arg1, %eq3A_124 : i32
      %convert_element_type3A_126 = arith.extui %eq3A_125 : i1 to i32
      %cond3A_127 = arith.constant 0 : i32
      %cond3A_128 = arith.cmpi ne, %convert_element_type3A_126, %cond3A_127 : i32
      scf.if %cond3A_128 {
        %get3A_129 = arith.constant 0 : index
        %get3A_130 = arith.constant 0 : index
        %get3A_131 = vector.load %arg13[%get3A_129, %get3A_130] : memref<64x256xf32, #tpu.memory_space<vmem>>, vector<64x256xf32>
        %get3A_132 = arith.constant 0 : index
        %get3A_133 = arith.constant 0 : index
        %get3A_134 = vector.load %arg7[%get3A_132, %get3A_133] : memref<256x256xf32, #tpu.memory_space<vmem>>, vector<256x256xf32>
        %convert_element_type3A_135 = arith.truncf %get3A_131 : vector<64x256xf32> to vector<64x256xbf16>
        %convert_element_type3A_136 = arith.extf %convert_element_type3A_135 : vector<64x256xbf16> to vector<64x256xf32>
        %sub3A_137 = arith.subf %get3A_131, %convert_element_type3A_136 : vector<64x256xf32>
        %convert_element_type3A_138 = arith.truncf %sub3A_137 : vector<64x256xf32> to vector<64x256xbf16>
        %convert_element_type3A_139 = arith.truncf %get3A_134 : vector<256x256xf32> to vector<256x256xbf16>
        %convert_element_type3A_140 = arith.extf %convert_element_type3A_139 : vector<256x256xbf16> to vector<256x256xf32>
        %sub3A_141 = arith.subf %get3A_134, %convert_element_type3A_140 : vector<256x256xf32>
        %convert_element_type3A_142 = arith.truncf %sub3A_141 : vector<256x256xf32> to vector<256x256xbf16>
        %dot_general3A_143 = arith.constant dense<0.000000e+00> : vector<64x256xf32>
        %dot_general3A_144 = tpu.matmul %convert_element_type3A_135, %convert_element_type3A_142, %dot_general3A_143 {dimension_numbers = #tpu.dot_dimension_numbers<[1], [0], [0], [1], [0, 0, 1, 1], [], []>, transpose_lhs_hint = false} : vector<64x256xbf16>, vector<256x256xbf16>, vector<64x256xf32> -> vector<64x256xf32>
        %dot_general3A_145 = arith.constant dense<0.000000e+00> : vector<64x256xf32>
        %dot_general3A_146 = tpu.matmul %convert_element_type3A_138, %convert_element_type3A_139, %dot_general3A_145 {dimension_numbers = #tpu.dot_dimension_numbers<[1], [0], [0], [1], [0, 0, 1, 1], [], []>, transpose_lhs_hint = false} : vector<64x256xbf16>, vector<256x256xbf16>, vector<64x256xf32> -> vector<64x256xf32>
        %add3A_147 = arith.addf %dot_general3A_144, %dot_general3A_146 : vector<64x256xf32>
        %dot_general3A_148 = arith.constant dense<0.000000e+00> : vector<64x256xf32>
        %dot_general3A_149 = tpu.matmul %convert_element_type3A_135, %convert_element_type3A_139, %dot_general3A_148 {dimension_numbers = #tpu.dot_dimension_numbers<[1], [0], [0], [1], [0, 0, 1, 1], [], []>, transpose_lhs_hint = false} : vector<64x256xbf16>, vector<256x256xbf16>, vector<64x256xf32> -> vector<64x256xf32>
        %add3A_150 = arith.addf %add3A_147, %dot_general3A_149 : vector<64x256xf32>
        %get3A_151 = arith.constant 0 : index
        %get3A_152 = arith.constant 0 : index
        %get3A_153 = vector.load %arg8[%get3A_151, %get3A_152] : memref<1x256xf32, #tpu.memory_space<vmem>>, vector<1x256xf32>
        %add3A_154 = vector.broadcast %get3A_153 : vector<1x256xf32> to vector<64x256xf32>
        %add3A_155 = arith.addf %add3A_150, %add3A_154 : vector<64x256xf32>
        %max3A_156 = arith.constant 0.000000e+00 : f32
        %max3A_157 = vector.broadcast %max3A_156 : f32 to vector<64x256xf32>
        %max3A_158 = arith.maximumf %add3A_155, %max3A_157 : vector<64x256xf32>
        %get3A_159 = arith.constant 0 : index
        %get3A_160 = arith.constant 0 : index
        %get3A_161 = vector.load %arg9[%get3A_159, %get3A_160] : memref<256x128xf32, #tpu.memory_space<vmem>>, vector<256x128xf32>
        %convert_element_type3A_162 = arith.truncf %max3A_158 : vector<64x256xf32> to vector<64x256xbf16>
        %convert_element_type3A_163 = arith.extf %convert_element_type3A_162 : vector<64x256xbf16> to vector<64x256xf32>
        %sub3A_164 = arith.subf %max3A_158, %convert_element_type3A_163 : vector<64x256xf32>
        %convert_element_type3A_165 = arith.truncf %sub3A_164 : vector<64x256xf32> to vector<64x256xbf16>
        %convert_element_type3A_166 = arith.truncf %get3A_161 : vector<256x128xf32> to vector<256x128xbf16>
        %convert_element_type3A_167 = arith.extf %convert_element_type3A_166 : vector<256x128xbf16> to vector<256x128xf32>
        %sub3A_168 = arith.subf %get3A_161, %convert_element_type3A_167 : vector<256x128xf32>
        %convert_element_type3A_169 = arith.truncf %sub3A_168 : vector<256x128xf32> to vector<256x128xbf16>
        %dot_general3A_170 = arith.constant dense<0.000000e+00> : vector<64x128xf32>
        %dot_general3A_171 = tpu.matmul %convert_element_type3A_162, %convert_element_type3A_169, %dot_general3A_170 {dimension_numbers = #tpu.dot_dimension_numbers<[1], [0], [0], [1], [0, 0, 1, 1], [], []>, transpose_lhs_hint = false} : vector<64x256xbf16>, vector<256x128xbf16>, vector<64x128xf32> -> vector<64x128xf32>
        %dot_general3A_172 = arith.constant dense<0.000000e+00> : vector<64x128xf32>
        %dot_general3A_173 = tpu.matmul %convert_element_type3A_165, %convert_element_type3A_166, %dot_general3A_172 {dimension_numbers = #tpu.dot_dimension_numbers<[1], [0], [0], [1], [0, 0, 1, 1], [], []>, transpose_lhs_hint = false} : vector<64x256xbf16>, vector<256x128xbf16>, vector<64x128xf32> -> vector<64x128xf32>
        %add3A_174 = arith.addf %dot_general3A_171, %dot_general3A_173 : vector<64x128xf32>
        %dot_general3A_175 = arith.constant dense<0.000000e+00> : vector<64x128xf32>
        %dot_general3A_176 = tpu.matmul %convert_element_type3A_162, %convert_element_type3A_166, %dot_general3A_175 {dimension_numbers = #tpu.dot_dimension_numbers<[1], [0], [0], [1], [0, 0, 1, 1], [], []>, transpose_lhs_hint = false} : vector<64x256xbf16>, vector<256x128xbf16>, vector<64x128xf32> -> vector<64x128xf32>
        %add3A_177 = arith.addf %add3A_174, %dot_general3A_176 : vector<64x128xf32>
        %get3A_178 = arith.constant 0 : index
        %get3A_179 = arith.constant 0 : index
        %get3A_180 = vector.load %arg10[%get3A_178, %get3A_179] : memref<1x128xf32, #tpu.memory_space<vmem>>, vector<1x128xf32>
        %add3A_181 = vector.broadcast %get3A_180 : vector<1x128xf32> to vector<64x128xf32>
        %add3A_182 = arith.addf %add3A_177, %add3A_181 : vector<64x128xf32>
        %swap3A = arith.constant 0 : index
        %swap3A_183 = arith.constant 0 : index
        %swap3A_184 = vector.load %arg11[%swap3A, %swap3A_183] : memref<64x128xf32, #tpu.memory_space<vmem>>, vector<64x128xf32>
        tpu.vector_store %arg11[%swap3A, %swap3A_183], %add3A_182 {strides = array<i32>} : memref<64x128xf32, #tpu.memory_space<vmem>>, vector<64x128xf32>,
      } else {
      }
    } else {
    }
    return
  }
  func.func @transform_0(%arg0: i32, %arg1: i32) -> (i32, i32, i32) {
    %c0_i32 = arith.constant 0 : i32
    %c0_i32_0 = arith.constant 0 : i32
    %c0_i32_1 = arith.constant 0 : i32
    return %c0_i32, %arg1, %c0_i32_0 : i32, i32, i32
  }
  func.func @transform_1(%arg0: i32, %arg1: i32) -> (i32, i32, i32) {
    %c0_i32 = arith.constant 0 : i32
    %c0_i32_0 = arith.constant 0 : i32
    %c0_i32_1 = arith.constant 0 : i32
    return %c0_i32, %arg1, %c0_i32_0 : i32, i32, i32
  }
  func.func @transform_2(%arg0: i32, %arg1: i32) -> (i32, i32) {
    %c0_i32 = arith.constant 0 : i32
    %c0_i32_0 = arith.constant 0 : i32
    %c0_i32_1 = arith.constant 0 : i32
    return %c0_i32, %c0_i32_0 : i32, i32
  }
  func.func @transform_3(%arg0: i32, %arg1: i32) -> (i32, i32) {
    %c0_i32 = arith.constant 0 : i32
    %c0_i32_0 = arith.constant 0 : i32
    %c0_i32_1 = arith.constant 0 : i32
    return %c0_i32, %c0_i32_0 : i32, i32
  }
  func.func @transform_4(%arg0: i32, %arg1: i32) -> (i32, i32, i32) {
    %c0_i32 = arith.constant 0 : i32
    %c0_i32_0 = arith.constant 0 : i32
    %c0_i32_1 = arith.constant 0 : i32
    return %arg1, %c0_i32, %c0_i32_0 : i32, i32, i32
  }
  func.func @transform_5(%arg0: i32, %arg1: i32) -> (i32, i32) {
    %c0_i32 = arith.constant 0 : i32
    %c0_i32_0 = arith.constant 0 : i32
    %c0_i32_1 = arith.constant 0 : i32
    return %c0_i32, %c0_i32_0 : i32, i32
  }
  func.func @transform_6(%arg0: i32, %arg1: i32) -> (i32, i32) {
    %c0_i32 = arith.constant 0 : i32
    %c0_i32_0 = arith.constant 0 : i32
    %c0_i32_1 = arith.constant 0 : i32
    return %c0_i32, %c0_i32_0 : i32, i32
  }
  func.func @transform_7(%arg0: i32, %arg1: i32) -> (i32, i32) {
    %c0_i32 = arith.constant 0 : i32
    %c0_i32_0 = arith.constant 0 : i32
    %c0_i32_1 = arith.constant 0 : i32
    return %c0_i32, %c0_i32_0 : i32, i32
  }
  func.func @transform_8(%arg0: i32, %arg1: i32) -> (i32, i32) {
    %c0_i32 = arith.constant 0 : i32
    %c0_i32_0 = arith.constant 0 : i32
    %c0_i32_1 = arith.constant 0 : i32
    return %c0_i32, %c0_i32_0 : i32, i32
  }
  func.func @transform_9(%arg0: i32, %arg1: i32) -> (i32, i32) {
    %c0_i32 = arith.constant 0 : i32
    %c0_i32_0 = arith.constant 0 : i32
    %c0_i32_1 = arith.constant 0 : i32
    return %c0_i32, %c0_i32_0 : i32, i32
  }
}

</mosaic_0001>

<sc_bundles>
// kernel: kernel.10.cloned.1.call-start
scs
__scs_entry_jumppad:
0x0: {  	(pc) =	sbr.rel $0x88, $3  }
0x1: {  	(tag) =	ssettag $0x0;
	lr =	simm.s32 $0x1  }
0x2: {  	[smem:$0x3F8C] =	sst lr;
	_ =	strace $0xD0000000  }
0x3: {  	_ = 	snop  }
0x4: {  	_ = 	snop  }
0x5: {  	_ = 	snop  }
0x6: {  	_ = 	snop  }
0x7: {  	_ = 	snop  }
__scs_overlays_trampoline_lowered:
0x8: {  	[smem:$0x3F9B] =	sst s0  }
0x9: {  	[smem:$0x3F9C] =	sst s1  }
0xa: {  	[smem:$0x3F9D] =	sst s2  }
0xb: {  	[smem:$0x3F9E] =	sst s3  }
0xc: {  	[smem:$0x3F9F] =	sst s4  }
0xd: {  	[smem:$0x3FA0] =	sst s5  }
0xe: {  	[smem:$0x3FA1] =	sst s6  }
0xf: {  	[smem:$0x3FA2] =	sst s7  }
0x10: {  	[smem:$0x3FA3] =	sst s8  }
0x11: {  	[smem:$0x3FA4] =	sst s9;
	s0 =	simm.s32 @!p0 $0x0  }
0x12: {  	s1 =	sld [smem:$0x3F8A];
	s0 =	simm.s32 @p0 $0x1  }
0x13: {  	[smem:$0x3FA5] =	sst s0;
	s0 =	simm.s32 @!p1 $0x0  }
0x14: {  	s2 =	sld [smem:$0x3F89];
	s0 =	simm.s32 @p1 $0x1  }
0x15: {  	[smem:$0x3FA6] =	sst s0;
	s0 =	simm.s32 @!p2 $0x0  }
0x16: {  	s3 =	sld [smem:$0x3FDB];
	s0 =	simm.s32 @p2 $0x1  }
0x17: {  	s4 =	simm.s32 $0x1BF5;
	[smem:$0x3FA8] =	sst s0  }
0x18: {  	s0 =	sld [smem:$0x3F8B];
	_ =	swait.ge [sflag:s4], $0x0  }
0x19: {  	s7 =	sld [smem:$0x3F8C]  }
0x1a: {  	s8 =	sadd.s32 $0xFFFFE003, lr  }
0x1b: {  	s9 =	sadd.s32 $0xFFFFFEF7, lr;
	s5 =	simm.s32 $0xFFFFFFFF;
	p2 =	slt.u32 s8, $0xFFFFF086  }
0x1c: {  	p1 =	slt.u32 s9, $0xF7A;
	s5 =	simm.s32 @!p2 $0x0  }
0x1d: {  	s5 =	simm.s32 @p1 $0x1;
	p0 =	seq.s32 s7, s2  }
0x1e: {  	s7 =	smul.u32 @!p0 $0xF7A, s2;
	p2 =	seq.s32 @!p0 s5, $0x0  }
0x1f: {  	s9 =	smul.u32 $0xF7A, s1;
	s8 =	simm.s32 @!p0 $0x1BF5;
	p2 =	por !p2, p0  }
0x20: {  	[sflag:s8] =	ssyncset.s32 @!p0 $0xFFFFF086;
	s6 =	sadd.s32 @!p0 s3, s7;
	s7 =	simm.s32 @!p0 $0x108  }
0x21: {  	s3 =	sadd.s32 s3, s9;
	s6 =	sadd.s32 @!p0 $0x88, s6;
	s7 =	simm.s32 @p2 $0x1082  }
0x22: {  	[simem:s7], [sflag:s8] =	dma.local @!p0 [hbm:s6], $0xF7A  }
0x23: {  	s9 =	sor.u32 $0xD0000000, s2;
	s6 =	simm.s32 $0x108;
	_ =	swait.ge @!p0 [sflag:s8], $0x0  }
0x24: {  	s3 =	sadd.s32 $0x88, s3;
	s6 =	simm.s32 @!p1 $0x1082;
	[sflag:s4] =	ssyncset.s32 $0xFFFFF086  }
0x25: {  	[simem:s6], [sflag:s4] =	dma.local [hbm:s3], $0xF7A  }
0x26: {  	[smem:$0x3F8C] =	sst s1;
	(tag) =	ssettag s2;
	_ =	strace s9  }
0x27: {  	s1 =	sld [smem:$0x3F9C]  }
0x28: {  	s2 =	sld [smem:$0x3F9D]  }
0x29: {  	s4 =	sld [smem:$0x3F9F]  }
0x2a: {  	p0 =	seq.s32 s5, $0x0;
	s5 =	sld [smem:$0x3FA0]  }
0x2b: {  	s6 =	sld [smem:$0x3FA1]  }
0x2c: {  	s7 =	sld [smem:$0x3FA2]  }
0x2d: {  	s3 =	simm.s32 $0x108;
	s8 =	sld [smem:$0x3FA3]  }
0x2e: {  	s3 =	simm.s32 @!p0 $0x1082;
	s9 =	sld [smem:$0x3FA4]  }
0x2f: {  	lr =	sadd.s32 s0, s3;
	s0 =	sld [smem:$0x3F9B]  }
0x30: {  	s3 =	sld [smem:$0x3F9E]  }
0x31: {  	[smem:$0x3FA7] =	sst s10  }
0x32: {  	s10 =	sld [smem:$0x3FA5];
	_ =	sdelay $0x3  }
0x33: {  	p0 =	seq.s32 s10, $0x1;
	s10 =	sld [smem:$0x3FA7];
	_ =	sdelay $0x3  }
0x34: {  	[smem:$0x3FA7] =	sst s10  }
0x35: {  	s10 =	sld [smem:$0x3FA6];
	_ =	sdelay $0x3  }
0x36: {  	p1 =	seq.s32 s10, $0x1;
	s10 =	sld [smem:$0x3FA7];
	_ =	sdelay $0x3  }
0x37: {  	[smem:$0x3FA7] =	sst s10  }
0x38: {  	s10 =	sld [smem:$0x3FA8]  }
0x39: {  	_ = 	snop;
	(pc) =	sbr.ind lr, $3  }
0x3a: {  	_ = 	snop  }
0x3b: {  	_ = 	snop  }
0x3c: {  	p2 =	seq.s32 s10, $0x1;
	s10 =	sld [smem:$0x3FA7]  }
0x3d: {  	_ =	shalt  }
0x3e: {  	_ =	shalt  }
0x3f: {  	_ =	shalt  }
0x40: {  	_ =	shalt  }
0x41: {  	_ =	shalt  }
0x42: {  	_ =	shalt  }
0x43: {  	_ =	shalt  }
0x44: {  	_ =	shalt  }
0x45: {  	_ =	shalt  }
0x46: {  	_ =	shalt  }
0x47: {  	_ =	shalt  }
0x48: {  	_ =	shalt  }
0x49: {  	_ =	shalt  }
0x4a: {  	_ =	shalt  }
0x4b: {  	_ =	shalt  }
0x4c: {  	_ =	shalt  }
0x4d: {  	_ =	shalt  }
0x4e: {  	_ =	shalt  }
0x4f: {  	_ =	shalt  }
0x50: {  	_ =	shalt  }
0x51: {  	_ =	shalt  }
0x52: {  	_ =	shalt  }
0x53: {  	_ =	shalt  }
0x54: {  	_ =	shalt  }
0x55: {  	_ =	shalt  }
0x56: {  	_ =	shalt  }
0x57: {  	_ =	shalt  }
0x58: {  	_ =	shalt  }
0x59: {  	_ =	shalt  }
0x5a: {  	_ =	shalt  }
0x5b: {  	_ =	shalt  }
0x5c: {  	_ =	shalt  }
0x5d: {  	_ =	shalt  }
0x5e: {  	_ =	shalt  }
0x5f: {  	_ =	shalt  }
0x60: {  	_ =	shalt  }
0x61: {  	_ =	shalt  }
0x62: {  	_ =	shalt  }
0x63: {  	_ =	shalt  }
0x64: {  	_ =	shalt  }
0x65: {  	_ =	shalt  }
0x66: {  	_ =	shalt  }
0x67: {  	_ =	shalt  }
0x68: {  	_ =	shalt  }
0x69: {  	_ =	shalt  }
0x6a: {  	_ =	shalt  }
0x6b: {  	_ =	shalt  }
0x6c: {  	_ =	shalt  }
0x6d: {  	_ =	shalt  }
0x6e: {  	_ =	shalt  }
0x6f: {  	_ =	shalt  }
0x70: {  	_ =	shalt  }
0x71: {  	_ =	shalt  }
0x72: {  	_ =	shalt  }
0x73: {  	_ =	shalt  }
0x74: {  	_ =	shalt  }
0x75: {  	_ =	shalt  }
0x76: {  	_ =	shalt  }
0x77: {  	_ =	shalt  }
0x78: {  	_ =	shalt  }
0x79: {  	_ =	shalt  }
0x7a: {  	_ =	shalt  }
0x7b: {  	_ =	shalt  }
0x7c: {  	_ =	shalt  }
0x7d: {  	_ =	shalt  }
0x7e: {  	_ =	shalt  }
0x7f: {  	_ =	shalt  }
0x80: {  	_ =	shalt  }
0x81: {  	_ =	shalt  }
0x82: {  	_ =	shalt  }
0x83: {  	_ =	shalt  }
0x84: {  	_ =	shalt  }
0x85: {  	_ =	shalt  }
0x86: {  	_ =	shalt  }
0x87: {  	_ =	shalt  }
.Lfunc_end0:
.L_simem_size_0:
called_computation_lowered:
.L_overlay_start_0:
0x88: {  	s2 =	sld [smem:$0x3FD9]  }
0x89: {  	s3 =	sld [smem:$0x3FFE];
	_ =	sdelay $0x1  }
0x8a: {  	s1 =	srdreg.scid  }
0x8b: {  	s0 =	sand.u32 $0x1, s1  }
0x8c: {  	s16 =	sshll.u32 s0, $0xA;
	s2 =	sadd.s32 s3, s2  }
0x8d: {  	s2 =	sadd.s32 s2, s16  }
0x8e: {  	[smem:$0x3FB3] =	sst s2  }
0x8f: {  	_ = 	snop  }
0x90: {  	(tm) =	ssettm $0x1  }
0x91: {  	s17 =	sld [smem:$0x3FFB];
	_ =	sdelay $0x3  }
0x92: {  	_ =	strace s17  }
0x93: {  	s2 =	sld [smem:$0x3FFC];
	_ =	sdelay $0x3  }
0x94: {  	_ =	strace s2  }
0x95: {  	s2 =	sld [smem:$0x3FFD];
	_ =	sdelay $0x3  }
0x96: {  	_ =	strace s2  }
0x97: {  	_ =	strace $0x8FFFFFFF  }
0x98: {  	s18 =	sld [smem:$0x3FDB];
	_ =	sdelay $0x1  }
0x99: {  	s19 =	simm.s32 $_scs_section_size  }
0x9a: {  	s4 =	simm.s32 $_size__tile_overlayer_lowered;
	s5 =	simm.s32 $_tile_overlayer_lowered  }
0x9b: {  	s22 =	simm.s32 $0x1BFF;
	s21 =	sshll.u32 s5, $0x1;
	s2 =	sadd.s32 s19, s18  }
0x9c: {  	s6 =	simm.s32 $0x0;
	s20 =	sshll.u32 s4, $0x1;
	s4 =	sadd.s32 s21, s2  }
0x9d: {  	[timem:s6], [sflag:s22] =	dma.local [hbm:s4], s20  }
0x9e: {  	_ =	swait.ge [sflag:s22], s20  }
0x9f: {  	s3 =	ssub.s32 $0x0, s20;
	[sflag:s22] =	ssyncset.done $0x0  }
0xa0: {  	[sflag:s22] =	ssyncadd.s32 s3;
	_ =	sdelay $0x1  }
0xa1: {  	s23 =	simm.s32 $0x1B8B  }
0xa2: {  	_ =	swait.ge [sflag:s23], $0x1  }
0xa3: {  	[sflag:s23] =	ssyncset.done $0x0  }
0xa4: {  	s25 =	simm.s32 $0x1B8E;
	s24 =	sld [smem:$0x3FFE];
	[sflag:s23] =	ssyncadd.s32 $0xFFFFFFFF  }
0xa5: {  	s26 =	simm.s32 $execute0_lowered;
	[smem:$0x3FD2] =	sst s25  }
0xa6: {  	s4 =	sshll.u32 s26, $0x1;
	_ =	strace $0x80000046;
	[dreg:$0x1] =	wrdreg $0xFFFFFFFF  }
0xa7: {  	s28 =	simm.s32 $_size_execute0_lowered;
	s2 =	sadd.s32 s2, s4;
	[dreg:$0x0] =	wrdreg $0x0  }
0xa8: {  	s4 =	sshll.u32 s28, $0x1;
	[dreg:$0x2] =	wrdreg s2  }
0xa9: {  	[dreg:$0x3] =	wrdreg s4  }
0xaa: {  	[dreg:$0x4] =	wrdreg $0xC0  }
0xab: {  	_ =	task [dreg:s6], $0x5FFFF  }
0xac: {  	[dreg:$0x1] =	wrdreg $0xFFFFFFFF  }
0xad: {  	[dreg:$0x0] =	wrdreg $0x60  }
0xae: {  	[dreg:$0x2] =	wrdreg s24  }
0xaf: {  	[dreg:$0x3] =	wrdreg $0x0  }
0xb0: {  	[dreg:$0x4] =	wrdreg $0x9  }
0xb1: {  	_ =	task.clear_ibuf [dreg:s6], $0x5FFFF;
	_ =	strace $0x90000046  }
0xb2: {  	s29 =	simm.s32 $0x9;
	_ =	strace $0x80000048  }
0xb3: {  	_ =	swait.ge [sflag:s29], $0x1  }
0xb4: {  	[sflag:s29] =	ssyncadd.s32 $0xFFFFFFFF  }
0xb5: {  	_ =	strace $0x90000048  }
0xb6: {  	_ =	sfence  }
0xb7: {  	s30 =	sld [smem:$0x0];
	_ =	sdelay $0x2  }
0xb8: {  	s31 =	sshll.u32 s1, $0xD;
	s1 =	sshrl.u32 s1, $0x2  }
0xb9: {  	s3 =	sand.u32 $0x4000, s31;
	s1 =	sadd.s32 s1, s30  }
0xba: {  	s0 =	sor.u32 s3, s0;
	s1 =	sshll.u32 s1, $0x11  }
0xbb: {  	s0 =	sor.u32 s1, s0  }
0xbc: {  	s0 =	sadd.s32 $0x8F2B, s0  }
0xbd: {  	[sflag:s0] =	ssyncadd.remote.s32 $0x1  }
0xbe: {  	_ =	sfence.sel $0xFFFF  }
0xbf: {  	[dreg:$0x0] =	wrdreg $0xFFFFFFFF;
	(pc) =	sbr.abs _section_cstart, $3  }
0xc0: {  	[dreg:$0x1] =	wrdreg $0xFFFFFFFF  }
0xc1: {  	_ =	task.clear_ibuf [dreg:s6], $0x2FFFF;
	_ =	strace $0x9FFFFFFF  }
0xc2: {  	(tm) =	ssettm $0x7FFFFFFF  }
0xc3: {  	_ =	shalt  }
tec
execute0_lowered:
.L_overlay_start_1:
0x0: {  	(tag) =	ssettag $0x1  }
0x1: {  	s5 =	rddreg [dreg:$0x0]  }
0x2: {  	s2 =	rddreg [dreg:$0x1]  }
0x3: {  	s0 =	rddreg [dreg:$0x2];
	s1 =	stileid.u32  }
0x4: {  	s4 =	srdreg.scid;
	s3 =	simm.s32 $0x0;
	s6 =	smul.u32 $0x500, s1  }
0x5: {  	s17 =	simm.s32 $0x80;
	s18 =	simm.s32 $0x0;
	s10 =	smul.u32 $0x4E000, s1  }
0x6: {  	s7 =	sand.u32 $0x1, s4;
	[smem:$0x7FF] =	sst s3;
	s12 =	smul.u32 $0x2700, s1  }
0x7: {  	s4 =	sadd.s32 $0xE600, s5;
	s11 =	sadd.s32 $0xEE00, s5;
	s8 =	smul.u32 $0x2700, s7  }
0x8: {  	s16 =	sadd.s32 $0x138000, s2;
	p0 =	sne.s32 s1, $0xF;
	s13 =	smul.u32 $0x138800, s7  }
0x9: {  	s14 =	sshll.u32 s1, $0x6;
	_ =	strace $0x80000047;
	s26 =	smul.u32 $0x27100, s7  }
0xa: {  	s9 =	ssub.s32 $0x2, s7;
	s29 =	smul.u32 $0x5000, s7;
	s14 =	sor.u32 $0x1C01, s14  }
0xb: {  	s16 =	sshrl.u32 @!p0 s16, $0x3;
	s6 =	sadd.s32 s6, s5;
	s25 =	sshrl.u32 s9, $0x1  }
0xc: {  	s10 =	sshrl.u32 s10, $0x2;
	s8 =	sadd.s32 s8, s5;
	s9 =	ssub.s32 s9, s25  }
0xd: {  	s5 =	sadd.s32 $0x4800, s6;
	s15 =	sadd.s32 s10, s2;
	s28 =	sshrl.u32 s13, $0x3  }
0xe: {  	s30 =	sadd.s32 s12, s26;
	s31 =	sshrl.u32 s29, $0x2;
	s12 =	simm.s32 $0x1  }
0xf: {  	s13 =	simm.s32 $0x16100;
	s6 =	sadd.s32 $0x9800, s8;
	s8 =	sadd.s32 s11, s28  }
0x10: {  	s7 =	sadd.s32 s11, s30;
	s9 =	smax.u32 s9, $0x1;
	s10 =	sadd.s32 $0x13900, s31  }
0x11: {  	s11 =	simm.s32 $0x13900;
	s15 =	sshrl.u32 s15, $0x3;
	s8 =	sadd.s32 $0x27000, s8  }
.LBB2_1:
0x12: {  	[tilespmem:s11], [sflag:$0x1] =	stream.linear.gather [hbm4b:s5+s3], $0x2800, $0x38;
	[tilespmem:$0x1A100] =	vst v63  }
0x13: {  	_ =	swait.ge [sflag:s12], $0x2800  }
0x14: {  	[sflag:s12] =	ssyncset.done $0x0  }
0x15: {  	[sflag:s12] =	ssyncadd.s32 $0xFFFFD800  }
0x16: {  	[tilespmem:s13], [sflag:$0x1] =	stream.linear.gather [hbm4b:s4+s3], $0x4000, $0x38;
	[tilespmem:$0x1A100] =	vst v63  }
0x17: {  	_ =	swait.ge [sflag:s12], $0x4000  }
0x18: {  	[sflag:s12] =	ssyncset.done $0x0  }
0x19: {  	[sflag:s12] =	ssyncadd.s32 $0xFFFFC000  }
0x1a: {  	[spmem:s15], [sflag:s14] =	dma.local [hbm:s6], $0x2700  }
0x1b: {  	_ =	swait.ge [sflag:s12], $0x2700  }
0x1c: {  	[sflag:s12] =	ssyncset.done $0x0  }
0x1d: {  	s19 =	simm.s32 @!p0 $0x1;
	[sflag:s12] =	ssyncadd.s32 $0xFFFFD900  }
0x1e: {  	[spmem:s16], [sflag:s14] =	dma.local @!p0 [hbm:s6], $0x100  }
0x1f: {  	_ =	swait.ge @!p0 [sflag:s19], $0x100  }
0x20: {  	[sflag:s19] =	ssyncset.done @!p0 $0x0  }
0x21: {  	[sflag:s19] =	ssyncadd.s32 @!p0 $0xFFFFFF00  }
0x22: {  	s31 =	sadd.s32 $0x0, s10;
	[bflag:$0x0] =	sbarrier.arrive $0xFFFF  }
0x23: {  	[spmem:s2] =	stream.indirect.scatter.add.f32 [tilespmem:s13], [sflag:$0x1], $0x80, s31, s17, $0xb8;
	[tilespmem:$0x1A100] =	vst v63  }
0x24: {  	s19 =	simm.s32 $0x200;
	_ =	swait.ge [sflag:s12], $0x4000  }
.LBB2_2:
0x25: {  	s20 =	sshra.s32 s19, $0x2;
	[sflag:s12] =	ssyncset.done $0x0;
	p1 =	sne.s32 s19, $0x4E00  }
.Ltmp0:
0x26: {  	s20 =	sadd.s32 s20, s10;
	[sflag:s12] =	ssyncadd.s32 $0xFFFFC000;
	(pc) =	sbr.rel @p1 .LBB2_2-.Ltmp0, $3  }
0x27: {  	[spmem:s2] =	stream.indirect.scatter.add.f32 [tilespmem:s13], [sflag:$0x1], $0x80, s20, s17, $0xb8;
	[tilespmem:$0x1A100] =	vst v63  }
0x28: {  	s19 =	sadd.s32 $0x200, s19;
	_ =	sdelay $0x1  }
0x29: {  	_ =	swait.ge [sflag:s12], $0x4000  }
0x2a: {  	[sflag:s12] =	ssyncset.done $0x0  }
0x2b: {  	[sflag:s12] =	ssyncadd.s32 $0xFFFFC000  }
0x2c: {  	[bflag:$0x0] =	sbarrier.arrive $0xFFFF  }
0x2d: {  	[hbm:s7], [sflag:s14] =	dma.local [spmem:s15], $0x2700  }
0x2e: {  	s18 =	sadd.s32 $0x1, s18;
	_ =	swait.ge [sflag:s12], $0x2700  }
0x2f: {  	p1 =	sne.s32 s18, s9;
	[sflag:s12] =	ssyncset.done $0x0  }
.Ltmp1:
0x30: {  	s19 =	simm.s32 @!p0 $0x1;
	[sflag:s12] =	ssyncadd.s32 $0xFFFFD900;
	(pc) =	sbr.rel @p1 .LBB2_1-.Ltmp1, $4  }
0x31: {  	[hbm:s8], [sflag:s14] =	dma.local @!p0 [spmem:s16], $0x100  }
0x32: {  	_ =	swait.ge @!p0 [sflag:s19], $0x100  }
0x33: {  	[sflag:s19] =	ssyncset.done @!p0 $0x0  }
0x34: {  	[sflag:s19] =	ssyncadd.s32 @!p0 $0xFFFFFF00  }
0x35: {  	_ =	sfence.sel $0x180000  }
0x36: {  	[bflag:$0x0] =	sbarrier.arrive $0xFFFF  }
0x37: {  	p0 =	sne.s32 s1, $0x0;
	_ =	strace $0x90000047  }
0x38: {  	s0 =	sadd.s32 @!p0 $0x100000, s0;
	[bflag:$0x2] =	sbarrier.arrive $0xFFFF  }
0x39: {  	[sflag:s0] =	ssyncadd.tile.s32 @!p0 $0x1;
	_ =	shalt  }
.Lfunc_end2:
_tile_overlayer_lowered:
.L_overlay_start_2:
0x3a: {  	(tag) =	ssettag $0x2  }
0x3b: {  	s0 =	rddreg [dreg:$0x0];
	s2 =	stileid.u32  }
0x3c: {  	s1 =	rddreg [dreg:$0x1];
	p0 =	sne.s32 s2, $0x0  }
0x3d: {  	s3 =	rddreg [dreg:$0x2];
	[bflag:$0x3] =	sbarrier.arrive $0xFFFF;
	s2 =	simm.s32 @!p0 $0x1C01  }
0x3e: {  	[timem:s3], [sflag:s2] =	dma.local @!p0 [hbm:s0], s1  }
0x3f: {  	s0 =	simm.s32 @!p0 $0x1  }
0x40: {  	_ =	swait.ge @!p0 [sflag:s0], s1  }
0x41: {  	s1 =	ssub.s32 @!p0 $0x0, s1;
	[sflag:s0] =	ssyncset.done @!p0 $0x0  }
0x42: {  	[sflag:s0] =	ssyncadd.s32 @!p0 s1  }
0x43: {  	[bflag:$0x3] =	sbarrier.arrive $0xFFFF  }
0x44: {  	_ =	shalt  }

// kernel: kernel.13.cloned.1.call-start
scs
__scs_entry_jumppad:
0x0: {  	(pc) =	sbr.rel $0x88, $3  }
0x1: {  	(tag) =	ssettag $0x0;
	lr =	simm.s32 $0x1  }
0x2: {  	[smem:$0x3F8C] =	sst lr;
	_ =	strace $0xD0000000  }
0x3: {  	_ = 	snop  }
0x4: {  	_ = 	snop  }
0x5: {  	_ = 	snop  }
0x6: {  	_ = 	snop  }
0x7: {  	_ = 	snop  }
__scs_overlays_trampoline_lowered:
0x8: {  	[smem:$0x3F9B] =	sst s0  }
0x9: {  	[smem:$0x3F9C] =	sst s1  }
0xa: {  	[smem:$0x3F9D] =	sst s2  }
0xb: {  	[smem:$0x3F9E] =	sst s3  }
0xc: {  	[smem:$0x3F9F] =	sst s4  }
0xd: {  	[smem:$0x3FA0] =	sst s5  }
0xe: {  	[smem:$0x3FA1] =	sst s6  }
0xf: {  	[smem:$0x3FA2] =	sst s7  }
0x10: {  	[smem:$0x3FA3] =	sst s8  }
0x11: {  	[smem:$0x3FA4] =	sst s9;
	s0 =	simm.s32 @!p0 $0x0  }
0x12: {  	s1 =	sld [smem:$0x3F8A];
	s0 =	simm.s32 @p0 $0x1  }
0x13: {  	[smem:$0x3FA5] =	sst s0;
	s0 =	simm.s32 @!p1 $0x0  }
0x14: {  	s2 =	sld [smem:$0x3F89];
	s0 =	simm.s32 @p1 $0x1  }
0x15: {  	[smem:$0x3FA6] =	sst s0;
	s0 =	simm.s32 @!p2 $0x0  }
0x16: {  	s3 =	sld [smem:$0x3FDB];
	s0 =	simm.s32 @p2 $0x1  }
0x17: {  	s4 =	simm.s32 $0x1BF5;
	[smem:$0x3FA8] =	sst s0  }
0x18: {  	s0 =	sld [smem:$0x3F8B];
	_ =	swait.ge [sflag:s4], $0x0  }
0x19: {  	s7 =	sld [smem:$0x3F8C]  }
0x1a: {  	s8 =	sadd.s32 $0xFFFFE003, lr  }
0x1b: {  	s9 =	sadd.s32 $0xFFFFFEF7, lr;
	s5 =	simm.s32 $0xFFFFFFFF;
	p2 =	slt.u32 s8, $0xFFFFF086  }
0x1c: {  	p1 =	slt.u32 s9, $0xF7A;
	s5 =	simm.s32 @!p2 $0x0  }
0x1d: {  	s5 =	simm.s32 @p1 $0x1;
	p0 =	seq.s32 s7, s2  }
0x1e: {  	s7 =	smul.u32 @!p0 $0xF7A, s2;
	p2 =	seq.s32 @!p0 s5, $0x0  }
0x1f: {  	s9 =	smul.u32 $0xF7A, s1;
	s8 =	simm.s32 @!p0 $0x1BF5;
	p2 =	por !p2, p0  }
0x20: {  	[sflag:s8] =	ssyncset.s32 @!p0 $0xFFFFF086;
	s6 =	sadd.s32 @!p0 s3, s7;
	s7 =	simm.s32 @!p0 $0x108  }
0x21: {  	s3 =	sadd.s32 s3, s9;
	s6 =	sadd.s32 @!p0 $0x88, s6;
	s7 =	simm.s32 @p2 $0x1082  }
0x22: {  	[simem:s7], [sflag:s8] =	dma.local @!p0 [hbm:s6], $0xF7A  }
0x23: {  	s9 =	sor.u32 $0xD0000000, s2;
	s6 =	simm.s32 $0x108;
	_ =	swait.ge @!p0 [sflag:s8], $0x0  }
0x24: {  	s3 =	sadd.s32 $0x88, s3;
	s6 =	simm.s32 @!p1 $0x1082;
	[sflag:s4] =	ssyncset.s32 $0xFFFFF086  }
0x25: {  	[simem:s6], [sflag:s4] =	dma.local [hbm:s3], $0xF7A  }
0x26: {  	[smem:$0x3F8C] =	sst s1;
	(tag) =	ssettag s2;
	_ =	strace s9  }
0x27: {  	s1 =	sld [smem:$0x3F9C]  }
0x28: {  	s2 =	sld [smem:$0x3F9D]  }
0x29: {  	s4 =	sld [smem:$0x3F9F]  }
0x2a: {  	p0 =	seq.s32 s5, $0x0;
	s5 =	sld [smem:$0x3FA0]  }
0x2b: {  	s6 =	sld [smem:$0x3FA1]  }
0x2c: {  	s7 =	sld [smem:$0x3FA2]  }
0x2d: {  	s3 =	simm.s32 $0x108;
	s8 =	sld [smem:$0x3FA3]  }
0x2e: {  	s3 =	simm.s32 @!p0 $0x1082;
	s9 =	sld [smem:$0x3FA4]  }
0x2f: {  	lr =	sadd.s32 s0, s3;
	s0 =	sld [smem:$0x3F9B]  }
0x30: {  	s3 =	sld [smem:$0x3F9E]  }
0x31: {  	[smem:$0x3FA7] =	sst s10  }
0x32: {  	s10 =	sld [smem:$0x3FA5];
	_ =	sdelay $0x3  }
0x33: {  	p0 =	seq.s32 s10, $0x1;
	s10 =	sld [smem:$0x3FA7];
	_ =	sdelay $0x3  }
0x34: {  	[smem:$0x3FA7] =	sst s10  }
0x35: {  	s10 =	sld [smem:$0x3FA6];
	_ =	sdelay $0x3  }
0x36: {  	p1 =	seq.s32 s10, $0x1;
	s10 =	sld [smem:$0x3FA7];
	_ =	sdelay $0x3  }
0x37: {  	[smem:$0x3FA7] =	sst s10  }
0x38: {  	s10 =	sld [smem:$0x3FA8]  }
0x39: {  	_ = 	snop;
	(pc) =	sbr.ind lr, $3  }
0x3a: {  	_ = 	snop  }
0x3b: {  	_ = 	snop  }
0x3c: {  	p2 =	seq.s32 s10, $0x1;
	s10 =	sld [smem:$0x3FA7]  }
0x3d: {  	_ =	shalt  }
0x3e: {  	_ =	shalt  }
0x3f: {  	_ =	shalt  }
0x40: {  	_ =	shalt  }
0x41: {  	_ =	shalt  }
0x42: {  	_ =	shalt  }
0x43: {  	_ =	shalt  }
0x44: {  	_ =	shalt  }
0x45: {  	_ =	shalt  }
0x46: {  	_ =	shalt  }
0x47: {  	_ =	shalt  }
0x48: {  	_ =	shalt  }
0x49: {  	_ =	shalt  }
0x4a: {  	_ =	shalt  }
0x4b: {  	_ =	shalt  }
0x4c: {  	_ =	shalt  }
0x4d: {  	_ =	shalt  }
0x4e: {  	_ =	shalt  }
0x4f: {  	_ =	shalt  }
0x50: {  	_ =	shalt  }
0x51: {  	_ =	shalt  }
0x52: {  	_ =	shalt  }
0x53: {  	_ =	shalt  }
0x54: {  	_ =	shalt  }
0x55: {  	_ =	shalt  }
0x56: {  	_ =	shalt  }
0x57: {  	_ =	shalt  }
0x58: {  	_ =	shalt  }
0x59: {  	_ =	shalt  }
0x5a: {  	_ =	shalt  }
0x5b: {  	_ =	shalt  }
0x5c: {  	_ =	shalt  }
0x5d: {  	_ =	shalt  }
0x5e: {  	_ =	shalt  }
0x5f: {  	_ =	shalt  }
0x60: {  	_ =	shalt  }
0x61: {  	_ =	shalt  }
0x62: {  	_ =	shalt  }
0x63: {  	_ =	shalt  }
0x64: {  	_ =	shalt  }
0x65: {  	_ =	shalt  }
0x66: {  	_ =	shalt  }
0x67: {  	_ =	shalt  }
0x68: {  	_ =	shalt  }
0x69: {  	_ =	shalt  }
0x6a: {  	_ =	shalt  }
0x6b: {  	_ =	shalt  }
0x6c: {  	_ =	shalt  }
0x6d: {  	_ =	shalt  }
0x6e: {  	_ =	shalt  }
0x6f: {  	_ =	shalt  }
0x70: {  	_ =	shalt  }
0x71: {  	_ =	shalt  }
0x72: {  	_ =	shalt  }
0x73: {  	_ =	shalt  }
0x74: {  	_ =	shalt  }
0x75: {  	_ =	shalt  }
0x76: {  	_ =	shalt  }
0x77: {  	_ =	shalt  }
0x78: {  	_ =	shalt  }
0x79: {  	_ =	shalt  }
0x7a: {  	_ =	shalt  }
0x7b: {  	_ =	shalt  }
0x7c: {  	_ =	shalt  }
0x7d: {  	_ =	shalt  }
0x7e: {  	_ =	shalt  }
0x7f: {  	_ =	shalt  }
0x80: {  	_ =	shalt  }
0x81: {  	_ =	shalt  }
0x82: {  	_ =	shalt  }
0x83: {  	_ =	shalt  }
0x84: {  	_ =	shalt  }
0x85: {  	_ =	shalt  }
0x86: {  	_ =	shalt  }
0x87: {  	_ =	shalt  }
.Lfunc_end0:
.L_simem_size_0:
called_computation.1_lowered:
.L_overlay_start_0:
0x88: {  	s2 =	sld [smem:$0x3FD9]  }
0x89: {  	s3 =	sld [smem:$0x3FFE];
	_ =	sdelay $0x1  }
0x8a: {  	s1 =	srdreg.scid  }
0x8b: {  	s0 =	sand.u32 $0x1, s1  }
0x8c: {  	s16 =	sshll.u32 s0, $0xA;
	s2 =	sadd.s32 s3, s2  }
0x8d: {  	s2 =	sadd.s32 s2, s16  }
0x8e: {  	[smem:$0x3FB3] =	sst s2  }
0x8f: {  	_ = 	snop  }
0x90: {  	(tm) =	ssettm $0x1  }
0x91: {  	s17 =	sld [smem:$0x3FFB];
	_ =	sdelay $0x3  }
0x92: {  	_ =	strace s17  }
0x93: {  	s2 =	sld [smem:$0x3FFC];
	_ =	sdelay $0x3  }
0x94: {  	_ =	strace s2  }
0x95: {  	s2 =	sld [smem:$0x3FFD];
	_ =	sdelay $0x3  }
0x96: {  	_ =	strace s2  }
0x97: {  	_ =	strace $0x8FFFFFFF  }
0x98: {  	s18 =	sld [smem:$0x3FDB];
	_ =	sdelay $0x1  }
0x99: {  	s19 =	simm.s32 $_scs_section_size  }
0x9a: {  	s4 =	simm.s32 $_size__tile_overlayer_lowered;
	s5 =	simm.s32 $_tile_overlayer_lowered  }
0x9b: {  	s22 =	simm.s32 $0x1BFF;
	s21 =	sshll.u32 s5, $0x1;
	s2 =	sadd.s32 s19, s18  }
0x9c: {  	s6 =	simm.s32 $0x0;
	s20 =	sshll.u32 s4, $0x1;
	s4 =	sadd.s32 s21, s2  }
0x9d: {  	[timem:s6], [sflag:s22] =	dma.local [hbm:s4], s20  }
0x9e: {  	_ =	swait.ge [sflag:s22], s20  }
0x9f: {  	s3 =	ssub.s32 $0x0, s20;
	[sflag:s22] =	ssyncset.done $0x0  }
0xa0: {  	[sflag:s22] =	ssyncadd.s32 s3;
	_ =	sdelay $0x1  }
0xa1: {  	s23 =	simm.s32 $0x1B8B  }
0xa2: {  	_ =	swait.ge [sflag:s23], $0x1  }
0xa3: {  	[sflag:s23] =	ssyncset.done $0x0  }
0xa4: {  	s25 =	simm.s32 $0x1B8E;
	s24 =	sld [smem:$0x3FFE];
	[sflag:s23] =	ssyncadd.s32 $0xFFFFFFFF  }
0xa5: {  	s26 =	simm.s32 $execute0_lowered;
	[smem:$0x3FD2] =	sst s25  }
0xa6: {  	s4 =	sshll.u32 s26, $0x1;
	_ =	strace $0x80000049;
	[dreg:$0x1] =	wrdreg $0xFFFFFFFF  }
0xa7: {  	s28 =	simm.s32 $_size_execute0_lowered;
	s2 =	sadd.s32 s2, s4;
	[dreg:$0x0] =	wrdreg $0x0  }
0xa8: {  	s4 =	sshll.u32 s28, $0x1;
	[dreg:$0x2] =	wrdreg s2  }
0xa9: {  	[dreg:$0x3] =	wrdreg s4  }
0xaa: {  	[dreg:$0x4] =	wrdreg $0xC0  }
0xab: {  	_ =	task [dreg:s6], $0x5FFFF  }
0xac: {  	[dreg:$0x1] =	wrdreg $0xFFFFFFFF  }
0xad: {  	[dreg:$0x0] =	wrdreg $0x60  }
0xae: {  	[dreg:$0x2] =	wrdreg s24  }
0xaf: {  	[dreg:$0x3] =	wrdreg $0x0  }
0xb0: {  	[dreg:$0x4] =	wrdreg $0x9  }
0xb1: {  	_ =	task.clear_ibuf [dreg:s6], $0x5FFFF;
	_ =	strace $0x90000049  }
0xb2: {  	s29 =	simm.s32 $0x9;
	_ =	strace $0x8000004B  }
0xb3: {  	_ =	swait.ge [sflag:s29], $0x1  }
0xb4: {  	[sflag:s29] =	ssyncadd.s32 $0xFFFFFFFF  }
0xb5: {  	_ =	strace $0x9000004B  }
0xb6: {  	_ =	sfence  }
0xb7: {  	s30 =	sld [smem:$0x0];
	_ =	sdelay $0x2  }
0xb8: {  	s31 =	sshll.u32 s1, $0xD;
	s1 =	sshrl.u32 s1, $0x2  }
0xb9: {  	s3 =	sand.u32 $0x4000, s31;
	s1 =	sadd.s32 s1, s30  }
0xba: {  	s0 =	sor.u32 s3, s0;
	s1 =	sshll.u32 s1, $0x11  }
0xbb: {  	s0 =	sor.u32 s1, s0  }
0xbc: {  	s0 =	sadd.s32 $0x8F2B, s0  }
0xbd: {  	[sflag:s0] =	ssyncadd.remote.s32 $0x1  }
0xbe: {  	_ =	sfence.sel $0xFFFF  }
0xbf: {  	[dreg:$0x0] =	wrdreg $0xFFFFFFFF;
	(pc) =	sbr.abs _section_cstart, $3  }
0xc0: {  	[dreg:$0x1] =	wrdreg $0xFFFFFFFF  }
0xc1: {  	_ =	task.clear_ibuf [dreg:s6], $0x2FFFF;
	_ =	strace $0x9FFFFFFF  }
0xc2: {  	(tm) =	ssettm $0x7FFFFFFF  }
0xc3: {  	_ =	shalt  }
tec
execute0_lowered:
.L_overlay_start_1:
0x0: {  	(tag) =	ssettag $0x1  }
0x1: {  	s5 =	rddreg [dreg:$0x0]  }
0x2: {  	s2 =	rddreg [dreg:$0x1]  }
0x3: {  	s0 =	rddreg [dreg:$0x2];
	s3 =	simm.s32 $0x0;
	s1 =	stileid.u32  }
0x4: {  	s4 =	srdreg.scid;
	s16 =	simm.s32 $0x80;
	s17 =	simm.s32 $0x16100  }
0x5: {  	s18 =	simm.s32 $0x16300;
	s19 =	simm.s32 $0x16180;
	s20 =	simm.s32 $0x1A300  }
0x6: {  	s21 =	simm.s32 $0x1;
	s22 =	simm.s32 $0x16200;
	s24 =	simm.s32 $0x16280  }
0x7: {  	s25 =	simm.s32 $0x0;
	[smem:$0x7FF] =	sst s3;
	s6 =	smul.u32 $0x500, s1  }
0x8: {  	s7 =	sand.u32 $0x1, s4;
	s4 =	sadd.s32 $0x62000, s5;
	s9 =	smul.u32 $0x4E000, s1  }
0x9: {  	s11 =	smul.u32 $0x270, s1;
	s12 =	sadd.s32 $0xB0200, s5;
	s15 =	sadd.s32 $0x138000, s2  }
0xa: {  	p0 =	sne.s32 s1, $0xF;
	s13 =	sshll.u32 s1, $0x6;
	s23 =	smul.u32 $0x2710, s7  }
0xb: {  	_ =	strace $0x8000004A;
	s8 =	ssub.s32 $0x2, s7;
	s7 =	smul.u32 $0x138800, s7  }
0xc: {  	s13 =	sor.u32 $0x1C03, s13;
	s15 =	sshrl.u32 @!p0 s15, $0x3;
	s10 =	sshrl.u32 s8, $0x1  }
0xd: {  	s6 =	sadd.s32 s6, s5;
	s29 =	sshrl.u32 s9, $0x2;
	s10 =	ssub.s32 s8, s10  }
0xe: {  	s5 =	sadd.s32 $0x5D000, s6;
	s30 =	sadd.s32 s11, s23;
	s14 =	sadd.s32 s29, s2  }
0xf: {  	s7 =	sshrl.u32 s7, $0x3;
	s11 =	simm.s32 $0x13900;
	v0 =	vmov s23;
	s23 =	simm.s32 $0x2  }
0x10: {  	s8 =	sshll.u32 s30, $0x4;
	s31 =	sadd.s32 $0x27000, s7;
	s10 =	smax.u32 s10, $0x1  }
0x11: {  	s14 =	sshrl.u32 s14, $0x3;
	s6 =	sadd.s32 s4, s8;
	s7 =	sadd.s32 s4, s31  }
0x12: {  	s8 =	sadd.s32 s12, s8;
	s9 =	sadd.s32 s12, s31;
	s12 =	simm.s32 $0x3  }
.LBB2_1:
0x13: {  	[tilespmem:s11], [sflag:$0x3] =	stream.linear.gather [hbm4b:s5+s3], $0x2800, $0x38;
	[tilespmem:$0x1E300] =	vst v63  }
0x14: {  	_ =	swait.ge [sflag:s12], $0x2800  }
0x15: {  	[sflag:s12] =	ssyncset.done $0x0  }
0x16: {  	[sflag:s12] =	ssyncadd.s32 $0xFFFFD800  }
0x17: {  	[spmem:s14], [sflag:s13] =	dma.local [hbm:s6], $0x2700  }
0x18: {  	_ =	swait.ge [sflag:s12], $0x2700  }
0x19: {  	[sflag:s12] =	ssyncset.done $0x0  }
0x1a: {  	s26 =	simm.s32 @!p0 $0x3;
	[sflag:s12] =	ssyncadd.s32 $0xFFFFD900  }
0x1b: {  	[spmem:s15], [sflag:s13] =	dma.local @!p0 [hbm:s7], $0x100  }
0x1c: {  	_ =	swait.ge @!p0 [sflag:s26], $0x100  }
0x1d: {  	[sflag:s26] =	ssyncset.done @!p0 $0x0  }
0x1e: {  	[sflag:s26] =	ssyncadd.s32 @!p0 $0xFFFFFF00  }
0x1f: {  	[bflag:$0x0] =	sbarrier.arrive $0xFFFF  }
0x20: {  	v1 =	vld [tilespmem:$0x13900]  }
0x21: {  	v2 =	vld [tilespmem:$0x13910];
	_ =	sdelay $0x1  }
0x22: {  	v3 =	vld [tilespmem:$0x13920];
	_ =	sdelay $0x1  }
0x23: {  	v5 =	vld [tilespmem:$0x13930];
	v4 =	vand.u32 $0x7FFF, v1;
	v1 =	vshrl.u32 v1, $0xF  }
0x24: {  	v52 =	vand.u32 $0x7FFF, v2;
	v4 =	vadd.s32 v0, v4;
	[tilespmem:$0x16200] =	vst v1  }
0x25: {  	v53 =	vld [tilespmem:$0x13940];
	v1 =	vadd.s32 v0, v52;
	[tilespmem:$0x16100] =	vst v4  }
0x26: {  	[tilespmem:$0x16110] =	vst v1;
	v1 =	vshrl.u32 v2, $0xF;
	v2 =	vand.u32 $0x7FFF, v3  }
0x27: {  	[tilespmem:$0x16210] =	vst v1;
	v1 =	vadd.s32 v0, v2;
	v2 =	vld [tilespmem:$0x13950]  }
0x28: {  	[tilespmem:$0x16120] =	vst v1;
	v1 =	vshrl.u32 v3, $0xF;
	v3 =	vand.u32 $0x7FFF, v5  }
0x29: {  	[tilespmem:$0x16220] =	vst v1;
	v1 =	vadd.s32 v0, v3;
	v3 =	vld [tilespmem:$0x13960]  }
0x2a: {  	v54 =	vand.u32 $0x7FFF, v53;
	[tilespmem:$0x16130] =	vst v1;
	v1 =	vshrl.u32 v5, $0xF  }
0x2b: {  	v55 =	vld [tilespmem:$0x13970];
	[tilespmem:$0x16230] =	vst v1;
	v1 =	vadd.s32 v0, v54  }
0x2c: {  	[tilespmem:$0x16140] =	vst v1;
	v1 =	vshrl.u32 v53, $0xF;
	v56 =	vand.u32 $0x7FFF, v2  }
0x2d: {  	[tilespmem:$0x16240] =	vst v1;
	v1 =	vadd.s32 v0, v56  }
0x2e: {  	[tilespmem:$0x16150] =	vst v1;
	v1 =	vshrl.u32 v2, $0xF;
	v2 =	vand.u32 $0x7FFF, v3  }
0x2f: {  	[tilespmem:$0x16250] =	vst v1;
	v1 =	vadd.s32 v0, v2  }
0x30: {  	v2 =	vand.u32 $0x7FFF, v55;
	[tilespmem:$0x16160] =	vst v1;
	v1 =	vshrl.u32 v3, $0xF  }
0x31: {  	[tilespmem:$0x16260] =	vst v1;
	v1 =	vadd.s32 v0, v2  }
0x32: {  	[tilespmem:$0x16170] =	vst v1;
	v1 =	vshrl.u32 v55, $0xF  }
0x33: {  	[tilespmem:$0x16270] =	vst v1  }
0x34: {  	[tilespmem:s18], [sflag:$0x1] =	stream.indirect.gather [hbm4b:s4+s16], $0x80, s17, s16, $0xb8;
	[tilespmem:$0x1E300] =	vst v63  }
0x35: {  	v1 =	vld [tilespmem:$0x13980]  }
0x36: {  	v2 =	vld [tilespmem:$0x13990];
	_ =	sdelay $0x1  }
0x37: {  	v3 =	vld [tilespmem:$0x139A0];
	_ =	sdelay $0x1  }
0x38: {  	v58 =	vld [tilespmem:$0x139B0];
	v57 =	vand.u32 $0x7FFF, v1;
	v1 =	vshrl.u32 v1, $0xF  }
0x39: {  	v59 =	vand.u32 $0x7FFF, v2;
	v4 =	vadd.s32 v0, v57;
	[tilespmem:$0x16280] =	vst v1  }
0x3a: {  	v60 =	vld [tilespmem:$0x139C0];
	v1 =	vadd.s32 v0, v59;
	[tilespmem:$0x16180] =	vst v4  }
0x3b: {  	[tilespmem:$0x16190] =	vst v1;
	v1 =	vshrl.u32 v2, $0xF;
	v2 =	vand.u32 $0x7FFF, v3  }
0x3c: {  	[tilespmem:$0x16290] =	vst v1;
	v1 =	vadd.s32 v0, v2;
	v2 =	vld [tilespmem:$0x139D0]  }
0x3d: {  	[tilespmem:$0x161A0] =	vst v1;
	v1 =	vshrl.u32 v3, $0xF;
	v3 =	vand.u32 $0x7FFF, v58  }
0x3e: {  	[tilespmem:$0x162A0] =	vst v1;
	v1 =	vadd.s32 v0, v3;
	v3 =	vld [tilespmem:$0x139E0]  }
0x3f: {  	v61 =	vand.u32 $0x7FFF, v60;
	[tilespmem:$0x161B0] =	vst v1;
	v1 =	vshrl.u32 v58, $0xF  }
0x40: {  	v62 =	vld [tilespmem:$0x139F0];
	[tilespmem:$0x162B0] =	vst v1;
	v1 =	vadd.s32 v0, v61  }
0x41: {  	[tilespmem:$0x161C0] =	vst v1;
	v1 =	vshrl.u32 v60, $0xF;
	v63 =	vand.u32 $0x7FFF, v2  }
0x42: {  	[tilespmem:$0x162C0] =	vst v1;
	v1 =	vadd.s32 v0, v63  }
0x43: {  	[tilespmem:$0x161D0] =	vst v1;
	v1 =	vshrl.u32 v2, $0xF;
	v2 =	vand.u32 $0x7FFF, v3  }
0x44: {  	[tilespmem:$0x162D0] =	vst v1;
	v1 =	vadd.s32 v0, v2  }
0x45: {  	v2 =	vand.u32 $0x7FFF, v62;
	[tilespmem:$0x161E0] =	vst v1;
	v1 =	vshrl.u32 v3, $0xF  }
0x46: {  	[tilespmem:$0x162E0] =	vst v1;
	v1 =	vadd.s32 v0, v2  }
0x47: {  	[tilespmem:$0x161F0] =	vst v1;
	v1 =	vshrl.u32 v62, $0xF  }
0x48: {  	[tilespmem:$0x162F0] =	vst v1  }
0x49: {  	[tilespmem:s20], [sflag:$0x2] =	stream.indirect.gather [hbm4b:s4+s16], $0x80, s19, s16, $0xb8;
	[tilespmem:$0x1E300] =	vst v63  }
0x4a: {  	_ =	swait.ge [sflag:s21], $0x4000  }
0x4b: {  	[sflag:s21] =	ssyncset.done $0x0  }
0x4c: {  	[sflag:s21] =	ssyncadd.s32 $0xFFFFC000  }
0x4d: {  	[spmem:s2] =	stream.indirect.scatter.add.f32 [tilespmem:s18], [sflag:$0x3], $0x80, s22, s16, $0xb8;
	[tilespmem:$0x1E300] =	vst v63  }
0x4e: {  	_ =	swait.ge [sflag:s12], $0x4000  }
0x4f: {  	[sflag:s12] =	ssyncset.done $0x0  }
0x50: {  	s31 =	simm.s32 $0x1F0;
	[sflag:s12] =	ssyncadd.s32 $0xFFFFC000  }
0x51: {  	v1 =	vld [tilespmem:s31+$0x13810];
	_ =	sdelay $0x4  }
0x52: {  	v2 =	vand.u32 $0x7FFF, v1;
	v1 =	vshrl.u32 v1, $0xF  }
0x53: {  	v2 =	vadd.s32 v0, v2;
	[tilespmem:$0x16200] =	vst v1  }
0x54: {  	[tilespmem:$0x16100] =	vst v2  }
0x55: {  	v1 =	vld [tilespmem:s31+$0x13820];
	_ =	sdelay $0x4  }
0x56: {  	v2 =	vand.u32 $0x7FFF, v1;
	v1 =	vshrl.u32 v1, $0xF  }
0x57: {  	v2 =	vadd.s32 v0, v2;
	[tilespmem:$0x16210] =	vst v1  }
0x58: {  	[tilespmem:$0x16110] =	vst v2  }
0x59: {  	v1 =	vld [tilespmem:s31+$0x13830];
	_ =	sdelay $0x4  }
0x5a: {  	v2 =	vand.u32 $0x7FFF, v1;
	v1 =	vshrl.u32 v1, $0xF  }
0x5b: {  	v2 =	vadd.s32 v0, v2;
	[tilespmem:$0x16220] =	vst v1  }
0x5c: {  	[tilespmem:$0x16120] =	vst v2  }
0x5d: {  	v1 =	vld [tilespmem:s31+$0x13840];
	_ =	sdelay $0x4  }
0x5e: {  	v2 =	vand.u32 $0x7FFF, v1;
	v1 =	vshrl.u32 v1, $0xF  }
0x5f: {  	v2 =	vadd.s32 v0, v2;
	[tilespmem:$0x16230] =	vst v1  }
0x60: {  	[tilespmem:$0x16130] =	vst v2  }
0x61: {  	v1 =	vld [tilespmem:s31+$0x13850];
	_ =	sdelay $0x4  }
0x62: {  	v2 =	vand.u32 $0x7FFF, v1;
	v1 =	vshrl.u32 v1, $0xF  }
0x63: {  	v2 =	vadd.s32 v0, v2;
	[tilespmem:$0x16240] =	vst v1  }
0x64: {  	[tilespmem:$0x16140] =	vst v2  }
0x65: {  	v1 =	vld [tilespmem:s31+$0x13860];
	_ =	sdelay $0x4  }
0x66: {  	v2 =	vand.u32 $0x7FFF, v1;
	v1 =	vshrl.u32 v1, $0xF  }
0x67: {  	v2 =	vadd.s32 v0, v2;
	[tilespmem:$0x16250] =	vst v1  }
0x68: {  	[tilespmem:$0x16150] =	vst v2  }
0x69: {  	v1 =	vld [tilespmem:s31+$0x13870];
	_ =	sdelay $0x4  }
0x6a: {  	v2 =	vand.u32 $0x7FFF, v1;
	v1 =	vshrl.u32 v1, $0xF  }
0x6b: {  	v2 =	vadd.s32 v0, v2;
	[tilespmem:$0x16260] =	vst v1  }
0x6c: {  	[tilespmem:$0x16160] =	vst v2  }
0x6d: {  	v1 =	vld [tilespmem:s31+$0x13880];
	_ =	sdelay $0x4  }
0x6e: {  	v2 =	vand.u32 $0x7FFF, v1;
	v1 =	vshrl.u32 v1, $0xF  }
0x6f: {  	v2 =	vadd.s32 v0, v2;
	[tilespmem:$0x16270] =	vst v1  }
0x70: {  	[tilespmem:$0x16170] =	vst v2  }
0x71: {  	[tilespmem:s18], [sflag:$0x1] =	stream.indirect.gather [hbm4b:s4+s16], $0x80, s17, s16, $0xb8;
	[tilespmem:$0x1E300] =	vst v63  }
0x72: {  	_ =	swait.ge [sflag:s23], $0x4000  }
0x73: {  	[sflag:s23] =	ssyncset.done $0x0  }
0x74: {  	[sflag:s23] =	ssyncadd.s32 $0xFFFFC000  }
0x75: {  	[spmem:s2] =	stream.indirect.scatter.add.f32 [tilespmem:s20], [sflag:$0x3], $0x80, s24, s16, $0xb8;
	[tilespmem:$0x1E300] =	vst v63  }
0x76: {  	_ =	swait.ge [sflag:s12], $0x4000  }
0x77: {  	[sflag:s12] =	ssyncset.done $0x0  }
0x78: {  	[sflag:s12] =	ssyncadd.s32 $0xFFFFC000  }
0x79: {  	v1 =	vld [tilespmem:s31+$0x13890];
	_ =	sdelay $0x4  }
0x7a: {  	v2 =	vand.u32 $0x7FFF, v1;
	v1 =	vshrl.u32 v1, $0xF  }
0x7b: {  	v2 =	vadd.s32 v0, v2;
	[tilespmem:$0x16280] =	vst v1  }
0x7c: {  	[tilespmem:$0x16180] =	vst v2  }
0x7d: {  	v1 =	vld [tilespmem:s31+$0x138A0];
	_ =	sdelay $0x4  }
0x7e: {  	v2 =	vand.u32 $0x7FFF, v1;
	v1 =	vshrl.u32 v1, $0xF  }
0x7f: {  	v2 =	vadd.s32 v0, v2;
	[tilespmem:$0x16290] =	vst v1  }
0x80: {  	[tilespmem:$0x16190] =	vst v2  }
0x81: {  	v1 =	vld [tilespmem:s31+$0x138B0];
	_ =	sdelay $0x4  }
0x82: {  	v2 =	vand.u32 $0x7FFF, v1;
	v1 =	vshrl.u32 v1, $0xF  }
0x83: {  	v2 =	vadd.s32 v0, v2;
	[tilespmem:$0x162A0] =	vst v1  }
0x84: {  	[tilespmem:$0x161A0] =	vst v2  }
0x85: {  	v1 =	vld [tilespmem:s31+$0x138C0];
	_ =	sdelay $0x4  }
0x86: {  	v2 =	vand.u32 $0x7FFF, v1;
	v1 =	vshrl.u32 v1, $0xF  }
0x87: {  	v2 =	vadd.s32 v0, v2;
	[tilespmem:$0x162B0] =	vst v1  }
0x88: {  	[tilespmem:$0x161B0] =	vst v2  }
0x89: {  	v1 =	vld [tilespmem:s31+$0x138D0];
	_ =	sdelay $0x4  }
0x8a: {  	v2 =	vand.u32 $0x7FFF, v1;
	v1 =	vshrl.u32 v1, $0xF  }
0x8b: {  	v2 =	vadd.s32 v0, v2;
	[tilespmem:$0x162C0] =	vst v1  }
0x8c: {  	[tilespmem:$0x161C0] =	vst v2  }
0x8d: {  	v1 =	vld [tilespmem:s31+$0x138E0];
	_ =	sdelay $0x4  }
0x8e: {  	v2 =	vand.u32 $0x7FFF, v1;
	v1 =	vshrl.u32 v1, $0xF  }
0x8f: {  	v2 =	vadd.s32 v0, v2;
	[tilespmem:$0x162D0] =	vst v1  }
0x90: {  	[tilespmem:$0x161D0] =	vst v2  }
0x91: {  	v1 =	vld [tilespmem:s31+$0x138F0];
	_ =	sdelay $0x4  }
0x92: {  	v2 =	vand.u32 $0x7FFF, v1;
	v1 =	vshrl.u32 v1, $0xF  }
0x93: {  	v2 =	vadd.s32 v0, v2;
	[tilespmem:$0x162E0] =	vst v1  }
0x94: {  	[tilespmem:$0x161E0] =	vst v2  }
0x95: {  	v1 =	vld [tilespmem:s31+$0x13900];
	_ =	sdelay $0x4  }
0x96: {  	v2 =	vand.u32 $0x7FFF, v1;
	v1 =	vshrl.u32 v1, $0xF  }
0x97: {  	v2 =	vadd.s32 v0, v2;
	[tilespmem:$0x162F0] =	vst v1  }
0x98: {  	s26 =	simm.s32 $0xBC0;
	[tilespmem:$0x161F0] =	vst v2  }
.LBB2_2:
0x99: {  	[tilespmem:s20], [sflag:$0x2] =	stream.indirect.gather [hbm4b:s4+s16], $0x80, s19, s16, $0xb8;
	[tilespmem:$0x1E300] =	vst v63  }
0x9a: {  	s28 =	smov.u32 s26  }
0x9b: {  	p1 =	sne.s32 s26, $0x9FC0;
	s26 =	sadd.s32 $0x400, s26;
	_ =	swait.ge [sflag:s21], $0x4000  }
0x9c: {  	[sflag:s21] =	ssyncset.done $0x0  }
0x9d: {  	[sflag:s21] =	ssyncadd.s32 $0xFFFFC000  }
0x9e: {  	[spmem:s2] =	stream.indirect.scatter.add.f32 [tilespmem:s18], [sflag:$0x3], $0x80, s22, s16, $0xb8;
	[tilespmem:$0x1E300] =	vst v63  }
0x9f: {  	_ =	swait.ge [sflag:s12], $0x4000  }
0xa0: {  	[sflag:s12] =	ssyncset.done $0x0  }
0xa1: {  	s28 =	sshra.s32 s28, $0x2;
	[sflag:s12] =	ssyncadd.s32 $0xFFFFC000  }
0xa2: {  	v1 =	vld [tilespmem:s28+$0x13810];
	_ =	sdelay $0x4  }
0xa3: {  	v2 =	vand.u32 $0x7FFF, v1;
	v1 =	vshrl.u32 v1, $0xF  }
0xa4: {  	v2 =	vadd.s32 v0, v2;
	[tilespmem:$0x16200] =	vst v1  }
0xa5: {  	[tilespmem:$0x16100] =	vst v2  }
0xa6: {  	v1 =	vld [tilespmem:s28+$0x13820];
	_ =	sdelay $0x4  }
0xa7: {  	v2 =	vand.u32 $0x7FFF, v1;
	v1 =	vshrl.u32 v1, $0xF  }
0xa8: {  	v2 =	vadd.s32 v0, v2;
	[tilespmem:$0x16210] =	vst v1  }
0xa9: {  	[tilespmem:$0x16110] =	vst v2  }
0xaa: {  	v1 =	vld [tilespmem:s28+$0x13830];
	_ =	sdelay $0x4  }
0xab: {  	v2 =	vand.u32 $0x7FFF, v1;
	v1 =	vshrl.u32 v1, $0xF  }
0xac: {  	v2 =	vadd.s32 v0, v2;
	[tilespmem:$0x16220] =	vst v1  }
0xad: {  	[tilespmem:$0x16120] =	vst v2  }
0xae: {  	v1 =	vld [tilespmem:s28+$0x13840];
	_ =	sdelay $0x4  }
0xaf: {  	v2 =	vand.u32 $0x7FFF, v1;
	v1 =	vshrl.u32 v1, $0xF  }
0xb0: {  	v2 =	vadd.s32 v0, v2;
	[tilespmem:$0x16230] =	vst v1  }
0xb1: {  	[tilespmem:$0x16130] =	vst v2  }
0xb2: {  	v1 =	vld [tilespmem:s28+$0x13850];
	_ =	sdelay $0x4  }
0xb3: {  	v2 =	vand.u32 $0x7FFF, v1;
	v1 =	vshrl.u32 v1, $0xF  }
0xb4: {  	v2 =	vadd.s32 v0, v2;
	[tilespmem:$0x16240] =	vst v1  }
0xb5: {  	[tilespmem:$0x16140] =	vst v2  }
0xb6: {  	v1 =	vld [tilespmem:s28+$0x13860];
	_ =	sdelay $0x4  }
0xb7: {  	v2 =	vand.u32 $0x7FFF, v1;
	v1 =	vshrl.u32 v1, $0xF  }
0xb8: {  	v2 =	vadd.s32 v0, v2;
	[tilespmem:$0x16250] =	vst v1  }
0xb9: {  	[tilespmem:$0x16150] =	vst v2  }
0xba: {  	v1 =	vld [tilespmem:s28+$0x13870];
	_ =	sdelay $0x4  }
0xbb: {  	v2 =	vand.u32 $0x7FFF, v1;
	v1 =	vshrl.u32 v1, $0xF  }
0xbc: {  	v2 =	vadd.s32 v0, v2;
	[tilespmem:$0x16260] =	vst v1  }
0xbd: {  	[tilespmem:$0x16160] =	vst v2  }
0xbe: {  	v1 =	vld [tilespmem:s28+$0x13880];
	_ =	sdelay $0x4  }
0xbf: {  	v2 =	vand.u32 $0x7FFF, v1;
	v1 =	vshrl.u32 v1, $0xF  }
0xc0: {  	v2 =	vadd.s32 v0, v2;
	[tilespmem:$0x16270] =	vst v1  }
0xc1: {  	[tilespmem:$0x16170] =	vst v2  }
0xc2: {  	[tilespmem:s18], [sflag:$0x1] =	stream.indirect.gather [hbm4b:s4+s16], $0x80, s17, s16, $0xb8;
	[tilespmem:$0x1E300] =	vst v63  }
0xc3: {  	_ =	swait.ge [sflag:s23], $0x4000  }
0xc4: {  	[sflag:s23] =	ssyncset.done $0x0  }
0xc5: {  	[sflag:s23] =	ssyncadd.s32 $0xFFFFC000  }
0xc6: {  	[spmem:s2] =	stream.indirect.scatter.add.f32 [tilespmem:s20], [sflag:$0x3], $0x80, s24, s16, $0xb8;
	[tilespmem:$0x1E300] =	vst v63  }
0xc7: {  	_ =	swait.ge [sflag:s12], $0x4000  }
0xc8: {  	[sflag:s12] =	ssyncset.done $0x0  }
0xc9: {  	[sflag:s12] =	ssyncadd.s32 $0xFFFFC000  }
0xca: {  	v1 =	vld [tilespmem:s28+$0x13890];
	_ =	sdelay $0x4  }
0xcb: {  	v2 =	vand.u32 $0x7FFF, v1;
	v1 =	vshrl.u32 v1, $0xF  }
0xcc: {  	v2 =	vadd.s32 v0, v2;
	[tilespmem:$0x16280] =	vst v1  }
0xcd: {  	[tilespmem:$0x16180] =	vst v2  }
0xce: {  	v1 =	vld [tilespmem:s28+$0x138A0];
	_ =	sdelay $0x4  }
0xcf: {  	v2 =	vand.u32 $0x7FFF, v1;
	v1 =	vshrl.u32 v1, $0xF  }
0xd0: {  	v2 =	vadd.s32 v0, v2;
	[tilespmem:$0x16290] =	vst v1  }
0xd1: {  	[tilespmem:$0x16190] =	vst v2  }
0xd2: {  	v1 =	vld [tilespmem:s28+$0x138B0];
	_ =	sdelay $0x4  }
0xd3: {  	v2 =	vand.u32 $0x7FFF, v1;
	v1 =	vshrl.u32 v1, $0xF  }
0xd4: {  	v2 =	vadd.s32 v0, v2;
	[tilespmem:$0x162A0] =	vst v1  }
0xd5: {  	[tilespmem:$0x161A0] =	vst v2  }
0xd6: {  	v1 =	vld [tilespmem:s28+$0x138C0];
	_ =	sdelay $0x4  }
0xd7: {  	v2 =	vand.u32 $0x7FFF, v1;
	v1 =	vshrl.u32 v1, $0xF  }
0xd8: {  	v2 =	vadd.s32 v0, v2;
	[tilespmem:$0x162B0] =	vst v1  }
0xd9: {  	[tilespmem:$0x161B0] =	vst v2  }
0xda: {  	v1 =	vld [tilespmem:s28+$0x138D0];
	_ =	sdelay $0x4  }
0xdb: {  	v2 =	vand.u32 $0x7FFF, v1;
	v1 =	vshrl.u32 v1, $0xF  }
0xdc: {  	v2 =	vadd.s32 v0, v2;
	[tilespmem:$0x162C0] =	vst v1  }
0xdd: {  	[tilespmem:$0x161C0] =	vst v2  }
0xde: {  	v1 =	vld [tilespmem:s28+$0x138E0];
	_ =	sdelay $0x4  }
0xdf: {  	v2 =	vand.u32 $0x7FFF, v1;
	v1 =	vshrl.u32 v1, $0xF  }
0xe0: {  	v2 =	vadd.s32 v0, v2;
	[tilespmem:$0x162D0] =	vst v1  }
0xe1: {  	[tilespmem:$0x161D0] =	vst v2  }
0xe2: {  	v1 =	vld [tilespmem:s28+$0x138F0];
	_ =	sdelay $0x4  }
0xe3: {  	v2 =	vand.u32 $0x7FFF, v1;
	v1 =	vshrl.u32 v1, $0xF  }
0xe4: {  	v2 =	vadd.s32 v0, v2;
	[tilespmem:$0x162E0] =	vst v1  }
0xe5: {  	[tilespmem:$0x161E0] =	vst v2  }
0xe6: {  	v1 =	vld [tilespmem:s28+$0x13900];
	_ =	sdelay $0x2  }
.Ltmp0:
0xe7: {  	(pc) =	sbr.rel @p1 .LBB2_2-.Ltmp0, $4  }
0xe8: {  	_ = 	snop  }
0xe9: {  	v2 =	vand.u32 $0x7FFF, v1;
	v1 =	vshrl.u32 v1, $0xF  }
0xea: {  	v2 =	vadd.s32 v0, v2;
	[tilespmem:$0x162F0] =	vst v1  }
0xeb: {  	[tilespmem:$0x161F0] =	vst v2  }
0xec: {  	[tilespmem:s20], [sflag:$0x2] =	stream.indirect.gather [hbm4b:s4+s16], $0x80, s19, s16, $0xb8;
	[tilespmem:$0x1E300] =	vst v63  }
0xed: {  	_ =	swait.ge [sflag:s21], $0x4000  }
0xee: {  	[sflag:s21] =	ssyncset.done $0x0  }
0xef: {  	[sflag:s21] =	ssyncadd.s32 $0xFFFFC000  }
0xf0: {  	[spmem:s2] =	stream.indirect.scatter.add.f32 [tilespmem:s18], [sflag:$0x3], $0x80, s22, s16, $0xb8;
	[tilespmem:$0x1E300] =	vst v63  }
0xf1: {  	_ =	swait.ge [sflag:s12], $0x4000  }
0xf2: {  	[sflag:s12] =	ssyncset.done $0x0  }
0xf3: {  	[sflag:s12] =	ssyncadd.s32 $0xFFFFC000  }
0xf4: {  	_ =	swait.ge [sflag:s23], $0x4000  }
0xf5: {  	[sflag:s23] =	ssyncset.done $0x0  }
0xf6: {  	[sflag:s23] =	ssyncadd.s32 $0xFFFFC000  }
0xf7: {  	[spmem:s2] =	stream.indirect.scatter.add.f32 [tilespmem:s20], [sflag:$0x3], $0x80, s24, s16, $0xb8;
	[tilespmem:$0x1E300] =	vst v63  }
0xf8: {  	_ =	swait.ge [sflag:s12], $0x4000  }
0xf9: {  	[sflag:s12] =	ssyncset.done $0x0  }
0xfa: {  	[sflag:s12] =	ssyncadd.s32 $0xFFFFC000  }
0xfb: {  	[bflag:$0x0] =	sbarrier.arrive $0xFFFF  }
0xfc: {  	[hbm:s8], [sflag:s13] =	dma.local [spmem:s14], $0x2700  }
0xfd: {  	s25 =	sadd.s32 $0x1, s25;
	_ =	swait.ge [sflag:s12], $0x2700  }
0xfe: {  	p1 =	sne.s32 s25, s10;
	[sflag:s12] =	ssyncset.done $0x0  }
.Ltmp1:
0xff: {  	s26 =	simm.s32 @!p0 $0x3;
	[sflag:s12] =	ssyncadd.s32 $0xFFFFD900;
	(pc) =	sbr.rel @p1 .LBB2_1-.Ltmp1, $4  }
0x100: {  	[hbm:s9], [sflag:s13] =	dma.local @!p0 [spmem:s15], $0x100  }
0x101: {  	_ =	swait.ge @!p0 [sflag:s26], $0x100  }
0x102: {  	[sflag:s26] =	ssyncset.done @!p0 $0x0  }
0x103: {  	[sflag:s26] =	ssyncadd.s32 @!p0 $0xFFFFFF00  }
0x104: {  	_ =	sfence.sel $0x180000  }
0x105: {  	[bflag:$0x0] =	sbarrier.arrive $0xFFFF  }
0x106: {  	p0 =	sne.s32 s1, $0x0;
	_ =	strace $0x9000004A  }
0x107: {  	s0 =	sadd.s32 @!p0 $0x100000, s0;
	[bflag:$0x2] =	sbarrier.arrive $0xFFFF  }
0x108: {  	[sflag:s0] =	ssyncadd.tile.s32 @!p0 $0x1;
	_ =	shalt  }
.Lfunc_end2:
_tile_overlayer_lowered:
.L_overlay_start_2:
0x109: {  	(tag) =	ssettag $0x2  }
0x10a: {  	s0 =	rddreg [dreg:$0x0];
	s2 =	stileid.u32  }
0x10b: {  	s1 =	rddreg [dreg:$0x1];
	p0 =	sne.s32 s2, $0x0  }
0x10c: {  	s3 =	rddreg [dreg:$0x2];
	[bflag:$0x3] =	sbarrier.arrive $0xFFFF;
	s2 =	simm.s32 @!p0 $0x1C03  }
0x10d: {  	[timem:s3], [sflag:s2] =	dma.local @!p0 [hbm:s0], s1  }
0x10e: {  	s0 =	simm.s32 @!p0 $0x3  }
0x10f: {  	_ =	swait.ge @!p0 [sflag:s0], s1  }
0x110: {  	s1 =	ssub.s32 @!p0 $0x0, s1;
	[sflag:s0] =	ssyncset.done @!p0 $0x0  }
0x111: {  	[sflag:s0] =	ssyncadd.s32 @!p0 s1  }
0x112: {  	[bflag:$0x3] =	sbarrier.arrive $0xFFFF  }
0x113: {  	_ =	shalt  }

// kernel: kernel.16.cloned.1.call-start
scs
__scs_entry_jumppad:
0x0: {  	(pc) =	sbr.rel $0x88, $3  }
0x1: {  	(tag) =	ssettag $0x0;
	lr =	simm.s32 $0x1  }
0x2: {  	[smem:$0x3F8C] =	sst lr;
	_ =	strace $0xD0000000  }
0x3: {  	_ = 	snop  }
0x4: {  	_ = 	snop  }
0x5: {  	_ = 	snop  }
0x6: {  	_ = 	snop  }
0x7: {  	_ = 	snop  }
__scs_overlays_trampoline_lowered:
0x8: {  	[smem:$0x3F9B] =	sst s0  }
0x9: {  	[smem:$0x3F9C] =	sst s1  }
0xa: {  	[smem:$0x3F9D] =	sst s2  }
0xb: {  	[smem:$0x3F9E] =	sst s3  }
0xc: {  	[smem:$0x3F9F] =	sst s4  }
0xd: {  	[smem:$0x3FA0] =	sst s5  }
0xe: {  	[smem:$0x3FA1] =	sst s6  }
0xf: {  	[smem:$0x3FA2] =	sst s7  }
0x10: {  	[smem:$0x3FA3] =	sst s8  }
0x11: {  	[smem:$0x3FA4] =	sst s9;
	s0 =	simm.s32 @!p0 $0x0  }
0x12: {  	s1 =	sld [smem:$0x3F8A];
	s0 =	simm.s32 @p0 $0x1  }
0x13: {  	[smem:$0x3FA5] =	sst s0;
	s0 =	simm.s32 @!p1 $0x0  }
0x14: {  	s2 =	sld [smem:$0x3F89];
	s0 =	simm.s32 @p1 $0x1  }
0x15: {  	[smem:$0x3FA6] =	sst s0;
	s0 =	simm.s32 @!p2 $0x0  }
0x16: {  	s3 =	sld [smem:$0x3FDB];
	s0 =	simm.s32 @p2 $0x1  }
0x17: {  	s4 =	simm.s32 $0x1BF5;
	[smem:$0x3FA8] =	sst s0  }
0x18: {  	s0 =	sld [smem:$0x3F8B];
	_ =	swait.ge [sflag:s4], $0x0  }
0x19: {  	s7 =	sld [smem:$0x3F8C]  }
0x1a: {  	s8 =	sadd.s32 $0xFFFFE003, lr  }
0x1b: {  	s9 =	sadd.s32 $0xFFFFFEF7, lr;
	s5 =	simm.s32 $0xFFFFFFFF;
	p2 =	slt.u32 s8, $0xFFFFF086  }
0x1c: {  	p1 =	slt.u32 s9, $0xF7A;
	s5 =	simm.s32 @!p2 $0x0  }
0x1d: {  	s5 =	simm.s32 @p1 $0x1;
	p0 =	seq.s32 s7, s2  }
0x1e: {  	s7 =	smul.u32 @!p0 $0xF7A, s2;
	p2 =	seq.s32 @!p0 s5, $0x0  }
0x1f: {  	s9 =	smul.u32 $0xF7A, s1;
	s8 =	simm.s32 @!p0 $0x1BF5;
	p2 =	por !p2, p0  }
0x20: {  	[sflag:s8] =	ssyncset.s32 @!p0 $0xFFFFF086;
	s6 =	sadd.s32 @!p0 s3, s7;
	s7 =	simm.s32 @!p0 $0x108  }
0x21: {  	s3 =	sadd.s32 s3, s9;
	s6 =	sadd.s32 @!p0 $0x88, s6;
	s7 =	simm.s32 @p2 $0x1082  }
0x22: {  	[simem:s7], [sflag:s8] =	dma.local @!p0 [hbm:s6], $0xF7A  }
0x23: {  	s9 =	sor.u32 $0xD0000000, s2;
	s6 =	simm.s32 $0x108;
	_ =	swait.ge @!p0 [sflag:s8], $0x0  }
0x24: {  	s3 =	sadd.s32 $0x88, s3;
	s6 =	simm.s32 @!p1 $0x1082;
	[sflag:s4] =	ssyncset.s32 $0xFFFFF086  }
0x25: {  	[simem:s6], [sflag:s4] =	dma.local [hbm:s3], $0xF7A  }
0x26: {  	[smem:$0x3F8C] =	sst s1;
	(tag) =	ssettag s2;
	_ =	strace s9  }
0x27: {  	s1 =	sld [smem:$0x3F9C]  }
0x28: {  	s2 =	sld [smem:$0x3F9D]  }
0x29: {  	s4 =	sld [smem:$0x3F9F]  }
0x2a: {  	p0 =	seq.s32 s5, $0x0;
	s5 =	sld [smem:$0x3FA0]  }
0x2b: {  	s6 =	sld [smem:$0x3FA1]  }
0x2c: {  	s7 =	sld [smem:$0x3FA2]  }
0x2d: {  	s3 =	simm.s32 $0x108;
	s8 =	sld [smem:$0x3FA3]  }
0x2e: {  	s3 =	simm.s32 @!p0 $0x1082;
	s9 =	sld [smem:$0x3FA4]  }
0x2f: {  	lr =	sadd.s32 s0, s3;
	s0 =	sld [smem:$0x3F9B]  }
0x30: {  	s3 =	sld [smem:$0x3F9E]  }
0x31: {  	[smem:$0x3FA7] =	sst s10  }
0x32: {  	s10 =	sld [smem:$0x3FA5];
	_ =	sdelay $0x3  }
0x33: {  	p0 =	seq.s32 s10, $0x1;
	s10 =	sld [smem:$0x3FA7];
	_ =	sdelay $0x3  }
0x34: {  	[smem:$0x3FA7] =	sst s10  }
0x35: {  	s10 =	sld [smem:$0x3FA6];
	_ =	sdelay $0x3  }
0x36: {  	p1 =	seq.s32 s10, $0x1;
	s10 =	sld [smem:$0x3FA7];
	_ =	sdelay $0x3  }
0x37: {  	[smem:$0x3FA7] =	sst s10  }
0x38: {  	s10 =	sld [smem:$0x3FA8]  }
0x39: {  	_ = 	snop;
	(pc) =	sbr.ind lr, $3  }
0x3a: {  	_ = 	snop  }
0x3b: {  	_ = 	snop  }
0x3c: {  	p2 =	seq.s32 s10, $0x1;
	s10 =	sld [smem:$0x3FA7]  }
0x3d: {  	_ =	shalt  }
0x3e: {  	_ =	shalt  }
0x3f: {  	_ =	shalt  }
0x40: {  	_ =	shalt  }
0x41: {  	_ =	shalt  }
0x42: {  	_ =	shalt  }
0x43: {  	_ =	shalt  }
0x44: {  	_ =	shalt  }
0x45: {  	_ =	shalt  }
0x46: {  	_ =	shalt  }
0x47: {  	_ =	shalt  }
0x48: {  	_ =	shalt  }
0x49: {  	_ =	shalt  }
0x4a: {  	_ =	shalt  }
0x4b: {  	_ =	shalt  }
0x4c: {  	_ =	shalt  }
0x4d: {  	_ =	shalt  }
0x4e: {  	_ =	shalt  }
0x4f: {  	_ =	shalt  }
0x50: {  	_ =	shalt  }
0x51: {  	_ =	shalt  }
0x52: {  	_ =	shalt  }
0x53: {  	_ =	shalt  }
0x54: {  	_ =	shalt  }
0x55: {  	_ =	shalt  }
0x56: {  	_ =	shalt  }
0x57: {  	_ =	shalt  }
0x58: {  	_ =	shalt  }
0x59: {  	_ =	shalt  }
0x5a: {  	_ =	shalt  }
0x5b: {  	_ =	shalt  }
0x5c: {  	_ =	shalt  }
0x5d: {  	_ =	shalt  }
0x5e: {  	_ =	shalt  }
0x5f: {  	_ =	shalt  }
0x60: {  	_ =	shalt  }
0x61: {  	_ =	shalt  }
0x62: {  	_ =	shalt  }
0x63: {  	_ =	shalt  }
0x64: {  	_ =	shalt  }
0x65: {  	_ =	shalt  }
0x66: {  	_ =	shalt  }
0x67: {  	_ =	shalt  }
0x68: {  	_ =	shalt  }
0x69: {  	_ =	shalt  }
0x6a: {  	_ =	shalt  }
0x6b: {  	_ =	shalt  }
0x6c: {  	_ =	shalt  }
0x6d: {  	_ =	shalt  }
0x6e: {  	_ =	shalt  }
0x6f: {  	_ =	shalt  }
0x70: {  	_ =	shalt  }
0x71: {  	_ =	shalt  }
0x72: {  	_ =	shalt  }
0x73: {  	_ =	shalt  }
0x74: {  	_ =	shalt  }
0x75: {  	_ =	shalt  }
0x76: {  	_ =	shalt  }
0x77: {  	_ =	shalt  }
0x78: {  	_ =	shalt  }
0x79: {  	_ =	shalt  }
0x7a: {  	_ =	shalt  }
0x7b: {  	_ =	shalt  }
0x7c: {  	_ =	shalt  }
0x7d: {  	_ =	shalt  }
0x7e: {  	_ =	shalt  }
0x7f: {  	_ =	shalt  }
0x80: {  	_ =	shalt  }
0x81: {  	_ =	shalt  }
0x82: {  	_ =	shalt  }
0x83: {  	_ =	shalt  }
0x84: {  	_ =	shalt  }
0x85: {  	_ =	shalt  }
0x86: {  	_ =	shalt  }
0x87: {  	_ =	shalt  }
.Lfunc_end0:
.L_simem_size_0:
called_computation.2_lowered:
.L_overlay_start_0:
0x88: {  	s2 =	sld [smem:$0x3FD9]  }
0x89: {  	s3 =	sld [smem:$0x3FFE];
	_ =	sdelay $0x1  }
0x8a: {  	s1 =	srdreg.scid  }
0x8b: {  	s0 =	sand.u32 $0x1, s1  }
0x8c: {  	s16 =	sshll.u32 s0, $0xA;
	s2 =	sadd.s32 s3, s2  }
0x8d: {  	s2 =	sadd.s32 s2, s16  }
0x8e: {  	[smem:$0x3FB3] =	sst s2  }
0x8f: {  	_ = 	snop  }
0x90: {  	(tm) =	ssettm $0x1  }
0x91: {  	s17 =	sld [smem:$0x3FFB];
	_ =	sdelay $0x3  }
0x92: {  	_ =	strace s17  }
0x93: {  	s2 =	sld [smem:$0x3FFC];
	_ =	sdelay $0x3  }
0x94: {  	_ =	strace s2  }
0x95: {  	s2 =	sld [smem:$0x3FFD];
	_ =	sdelay $0x3  }
0x96: {  	_ =	strace s2  }
0x97: {  	_ =	strace $0x8FFFFFFF  }
0x98: {  	s18 =	sld [smem:$0x3FDB];
	_ =	sdelay $0x1  }
0x99: {  	s19 =	simm.s32 $_scs_section_size  }
0x9a: {  	s4 =	simm.s32 $_size__tile_overlayer_lowered;
	s5 =	simm.s32 $_tile_overlayer_lowered  }
0x9b: {  	s22 =	simm.s32 $0x1BFF;
	s21 =	sshll.u32 s5, $0x1;
	s2 =	sadd.s32 s19, s18  }
0x9c: {  	s6 =	simm.s32 $0x0;
	s20 =	sshll.u32 s4, $0x1;
	s4 =	sadd.s32 s21, s2  }
0x9d: {  	[timem:s6], [sflag:s22] =	dma.local [hbm:s4], s20  }
0x9e: {  	_ =	swait.ge [sflag:s22], s20  }
0x9f: {  	s3 =	ssub.s32 $0x0, s20;
	[sflag:s22] =	ssyncset.done $0x0  }
0xa0: {  	[sflag:s22] =	ssyncadd.s32 s3;
	_ =	sdelay $0x1  }
0xa1: {  	s23 =	simm.s32 $0x1B8B  }
0xa2: {  	_ =	swait.ge [sflag:s23], $0x1  }
0xa3: {  	[sflag:s23] =	ssyncset.done $0x0  }
0xa4: {  	s25 =	simm.s32 $0x1B8E;
	s24 =	sld [smem:$0x3FFE];
	[sflag:s23] =	ssyncadd.s32 $0xFFFFFFFF  }
0xa5: {  	s26 =	simm.s32 $execute0_lowered;
	[smem:$0x3FD2] =	sst s25  }
0xa6: {  	s4 =	sshll.u32 s26, $0x1;
	_ =	strace $0x8000004C;
	[dreg:$0x1] =	wrdreg $0xFFFFFFFF  }
0xa7: {  	s28 =	simm.s32 $_size_execute0_lowered;
	s2 =	sadd.s32 s2, s4;
	[dreg:$0x0] =	wrdreg $0x0  }
0xa8: {  	s4 =	sshll.u32 s28, $0x1;
	[dreg:$0x2] =	wrdreg s2  }
0xa9: {  	[dreg:$0x3] =	wrdreg s4  }
0xaa: {  	[dreg:$0x4] =	wrdreg $0xC0  }
0xab: {  	_ =	task [dreg:s6], $0x5FFFF  }
0xac: {  	[dreg:$0x1] =	wrdreg $0xFFFFFFFF  }
0xad: {  	[dreg:$0x0] =	wrdreg $0x60  }
0xae: {  	[dreg:$0x2] =	wrdreg s24  }
0xaf: {  	[dreg:$0x3] =	wrdreg $0x0  }
0xb0: {  	[dreg:$0x4] =	wrdreg $0x9  }
0xb1: {  	_ =	task.clear_ibuf [dreg:s6], $0x5FFFF;
	_ =	strace $0x9000004C  }
0xb2: {  	s29 =	simm.s32 $0x9;
	_ =	strace $0x8000004E  }
0xb3: {  	_ =	swait.ge [sflag:s29], $0x1  }
0xb4: {  	[sflag:s29] =	ssyncadd.s32 $0xFFFFFFFF  }
0xb5: {  	_ =	strace $0x9000004E  }
0xb6: {  	_ =	sfence  }
0xb7: {  	s30 =	sld [smem:$0x0];
	_ =	sdelay $0x2  }
0xb8: {  	s31 =	sshll.u32 s1, $0xD;
	s1 =	sshrl.u32 s1, $0x2  }
0xb9: {  	s3 =	sand.u32 $0x4000, s31;
	s1 =	sadd.s32 s1, s30  }
0xba: {  	s0 =	sor.u32 s3, s0;
	s1 =	sshll.u32 s1, $0x11  }
0xbb: {  	s0 =	sor.u32 s1, s0  }
0xbc: {  	s0 =	sadd.s32 $0x8F2B, s0  }
0xbd: {  	[sflag:s0] =	ssyncadd.remote.s32 $0x1  }
0xbe: {  	_ =	sfence.sel $0xFFFF  }
0xbf: {  	[dreg:$0x0] =	wrdreg $0xFFFFFFFF;
	(pc) =	sbr.abs _section_cstart, $3  }
0xc0: {  	[dreg:$0x1] =	wrdreg $0xFFFFFFFF  }
0xc1: {  	_ =	task.clear_ibuf [dreg:s6], $0x2FFFF;
	_ =	strace $0x9FFFFFFF  }
0xc2: {  	(tm) =	ssettm $0x7FFFFFFF  }
0xc3: {  	_ =	shalt  }
tec
execute0_lowered:
.L_overlay_start_1:
0x0: {  	(tag) =	ssettag $0x1  }
0x1: {  	s5 =	rddreg [dreg:$0x0]  }
0x2: {  	s2 =	rddreg [dreg:$0x1]  }
0x3: {  	s0 =	rddreg [dreg:$0x2];
	s3 =	simm.s32 $0x0;
	s1 =	stileid.u32  }
0x4: {  	s4 =	srdreg.scid;
	s16 =	simm.s32 $0x80;
	s17 =	simm.s32 $0x16100  }
0x5: {  	s18 =	simm.s32 $0x16300;
	s19 =	simm.s32 $0x16180;
	s20 =	simm.s32 $0x1A300  }
0x6: {  	s21 =	simm.s32 $0x1;
	s22 =	simm.s32 $0x16200;
	s24 =	simm.s32 $0x16280  }
0x7: {  	s25 =	simm.s32 $0x0;
	[smem:$0x7FF] =	sst s3;
	s6 =	smul.u32 $0x500, s1  }
0x8: {  	s7 =	sand.u32 $0x1, s4;
	s4 =	sadd.s32 $0x62000, s5;
	s9 =	smul.u32 $0x4E000, s1  }
0x9: {  	s11 =	smul.u32 $0x270, s1;
	s12 =	sadd.s32 $0xB0200, s5;
	s15 =	sadd.s32 $0x138000, s2  }
0xa: {  	p0 =	sne.s32 s1, $0xF;
	s13 =	sshll.u32 s1, $0x6;
	s23 =	smul.u32 $0x2710, s7  }
0xb: {  	_ =	strace $0x8000004D;
	s8 =	ssub.s32 $0x2, s7;
	s7 =	smul.u32 $0x138800, s7  }
0xc: {  	s13 =	sor.u32 $0x1C03, s13;
	s15 =	sshrl.u32 @!p0 s15, $0x3;
	s10 =	sshrl.u32 s8, $0x1  }
0xd: {  	s6 =	sadd.s32 s6, s5;
	s29 =	sshrl.u32 s9, $0x2;
	s10 =	ssub.s32 s8, s10  }
0xe: {  	s5 =	sadd.s32 $0x5D000, s6;
	s30 =	sadd.s32 s11, s23;
	s14 =	sadd.s32 s29, s2  }
0xf: {  	s7 =	sshrl.u32 s7, $0x3;
	s11 =	simm.s32 $0x13900;
	v0 =	vmov s23;
	s23 =	simm.s32 $0x2  }
0x10: {  	s8 =	sshll.u32 s30, $0x4;
	s31 =	sadd.s32 $0x27000, s7;
	s10 =	smax.u32 s10, $0x1  }
0x11: {  	s14 =	sshrl.u32 s14, $0x3;
	s6 =	sadd.s32 s4, s8;
	s7 =	sadd.s32 s4, s31  }
0x12: {  	s8 =	sadd.s32 s12, s8;
	s9 =	sadd.s32 s12, s31;
	s12 =	simm.s32 $0x3  }
.LBB2_1:
0x13: {  	[tilespmem:s11], [sflag:$0x3] =	stream.linear.gather [hbm4b:s5+s3], $0x2800, $0x38;
	[tilespmem:$0x1E300] =	vst v63  }
0x14: {  	_ =	swait.ge [sflag:s12], $0x2800  }
0x15: {  	[sflag:s12] =	ssyncset.done $0x0  }
0x16: {  	[sflag:s12] =	ssyncadd.s32 $0xFFFFD800  }
0x17: {  	[spmem:s14], [sflag:s13] =	dma.local [hbm:s6], $0x2700  }
0x18: {  	_ =	swait.ge [sflag:s12], $0x2700  }
0x19: {  	[sflag:s12] =	ssyncset.done $0x0  }
0x1a: {  	s26 =	simm.s32 @!p0 $0x3;
	[sflag:s12] =	ssyncadd.s32 $0xFFFFD900  }
0x1b: {  	[spmem:s15], [sflag:s13] =	dma.local @!p0 [hbm:s7], $0x100  }
0x1c: {  	_ =	swait.ge @!p0 [sflag:s26], $0x100  }
0x1d: {  	[sflag:s26] =	ssyncset.done @!p0 $0x0  }
0x1e: {  	[sflag:s26] =	ssyncadd.s32 @!p0 $0xFFFFFF00  }
0x1f: {  	[bflag:$0x0] =	sbarrier.arrive $0xFFFF  }
0x20: {  	v1 =	vld [tilespmem:$0x13900]  }
0x21: {  	v2 =	vld [tilespmem:$0x13910];
	_ =	sdelay $0x1  }
0x22: {  	v3 =	vld [tilespmem:$0x13920];
	_ =	sdelay $0x1  }
0x23: {  	v5 =	vld [tilespmem:$0x13930];
	v4 =	vand.u32 $0x7FFF, v1;
	v1 =	vshrl.u32 v1, $0xF  }
0x24: {  	v52 =	vand.u32 $0x7FFF, v2;
	v4 =	vadd.s32 v0, v4;
	[tilespmem:$0x16200] =	vst v1  }
0x25: {  	v53 =	vld [tilespmem:$0x13940];
	v1 =	vadd.s32 v0, v52;
	[tilespmem:$0x16100] =	vst v4  }
0x26: {  	[tilespmem:$0x16110] =	vst v1;
	v1 =	vshrl.u32 v2, $0xF;
	v2 =	vand.u32 $0x7FFF, v3  }
0x27: {  	[tilespmem:$0x16210] =	vst v1;
	v1 =	vadd.s32 v0, v2;
	v2 =	vld [tilespmem:$0x13950]  }
0x28: {  	[tilespmem:$0x16120] =	vst v1;
	v1 =	vshrl.u32 v3, $0xF;
	v3 =	vand.u32 $0x7FFF, v5  }
0x29: {  	[tilespmem:$0x16220] =	vst v1;
	v1 =	vadd.s32 v0, v3;
	v3 =	vld [tilespmem:$0x13960]  }
0x2a: {  	v54 =	vand.u32 $0x7FFF, v53;
	[tilespmem:$0x16130] =	vst v1;
	v1 =	vshrl.u32 v5, $0xF  }
0x2b: {  	v55 =	vld [tilespmem:$0x13970];
	[tilespmem:$0x16230] =	vst v1;
	v1 =	vadd.s32 v0, v54  }
0x2c: {  	[tilespmem:$0x16140] =	vst v1;
	v1 =	vshrl.u32 v53, $0xF;
	v56 =	vand.u32 $0x7FFF, v2  }
0x2d: {  	[tilespmem:$0x16240] =	vst v1;
	v1 =	vadd.s32 v0, v56  }
0x2e: {  	[tilespmem:$0x16150] =	vst v1;
	v1 =	vshrl.u32 v2, $0xF;
	v2 =	vand.u32 $0x7FFF, v3  }
0x2f: {  	[tilespmem:$0x16250] =	vst v1;
	v1 =	vadd.s32 v0, v2  }
0x30: {  	v2 =	vand.u32 $0x7FFF, v55;
	[tilespmem:$0x16160] =	vst v1;
	v1 =	vshrl.u32 v3, $0xF  }
0x31: {  	[tilespmem:$0x16260] =	vst v1;
	v1 =	vadd.s32 v0, v2  }
0x32: {  	[tilespmem:$0x16170] =	vst v1;
	v1 =	vshrl.u32 v55, $0xF  }
0x33: {  	[tilespmem:$0x16270] =	vst v1  }
0x34: {  	[tilespmem:s18], [sflag:$0x1] =	stream.indirect.gather [hbm4b:s4+s16], $0x80, s17, s16, $0xb8;
	[tilespmem:$0x1E300] =	vst v63  }
0x35: {  	v1 =	vld [tilespmem:$0x13980]  }
0x36: {  	v2 =	vld [tilespmem:$0x13990];
	_ =	sdelay $0x1  }
0x37: {  	v3 =	vld [tilespmem:$0x139A0];
	_ =	sdelay $0x1  }
0x38: {  	v58 =	vld [tilespmem:$0x139B0];
	v57 =	vand.u32 $0x7FFF, v1;
	v1 =	vshrl.u32 v1, $0xF  }
0x39: {  	v59 =	vand.u32 $0x7FFF, v2;
	v4 =	vadd.s32 v0, v57;
	[tilespmem:$0x16280] =	vst v1  }
0x3a: {  	v60 =	vld [tilespmem:$0x139C0];
	v1 =	vadd.s32 v0, v59;
	[tilespmem:$0x16180] =	vst v4  }
0x3b: {  	[tilespmem:$0x16190] =	vst v1;
	v1 =	vshrl.u32 v2, $0xF;
	v2 =	vand.u32 $0x7FFF, v3  }
0x3c: {  	[tilespmem:$0x16290] =	vst v1;
	v1 =	vadd.s32 v0, v2;
	v2 =	vld [tilespmem:$0x139D0]  }
0x3d: {  	[tilespmem:$0x161A0] =	vst v1;
	v1 =	vshrl.u32 v3, $0xF;
	v3 =	vand.u32 $0x7FFF, v58  }
0x3e: {  	[tilespmem:$0x162A0] =	vst v1;
	v1 =	vadd.s32 v0, v3;
	v3 =	vld [tilespmem:$0x139E0]  }
0x3f: {  	v61 =	vand.u32 $0x7FFF, v60;
	[tilespmem:$0x161B0] =	vst v1;
	v1 =	vshrl.u32 v58, $0xF  }
0x40: {  	v62 =	vld [tilespmem:$0x139F0];
	[tilespmem:$0x162B0] =	vst v1;
	v1 =	vadd.s32 v0, v61  }
0x41: {  	[tilespmem:$0x161C0] =	vst v1;
	v1 =	vshrl.u32 v60, $0xF;
	v63 =	vand.u32 $0x7FFF, v2  }
0x42: {  	[tilespmem:$0x162C0] =	vst v1;
	v1 =	vadd.s32 v0, v63  }
0x43: {  	[tilespmem:$0x161D0] =	vst v1;
	v1 =	vshrl.u32 v2, $0xF;
	v2 =	vand.u32 $0x7FFF, v3  }
0x44: {  	[tilespmem:$0x162D0] =	vst v1;
	v1 =	vadd.s32 v0, v2  }
0x45: {  	v2 =	vand.u32 $0x7FFF, v62;
	[tilespmem:$0x161E0] =	vst v1;
	v1 =	vshrl.u32 v3, $0xF  }
0x46: {  	[tilespmem:$0x162E0] =	vst v1;
	v1 =	vadd.s32 v0, v2  }
0x47: {  	[tilespmem:$0x161F0] =	vst v1;
	v1 =	vshrl.u32 v62, $0xF  }
0x48: {  	[tilespmem:$0x162F0] =	vst v1  }
0x49: {  	[tilespmem:s20], [sflag:$0x2] =	stream.indirect.gather [hbm4b:s4+s16], $0x80, s19, s16, $0xb8;
	[tilespmem:$0x1E300] =	vst v63  }
0x4a: {  	_ =	swait.ge [sflag:s21], $0x4000  }
0x4b: {  	[sflag:s21] =	ssyncset.done $0x0  }
0x4c: {  	[sflag:s21] =	ssyncadd.s32 $0xFFFFC000  }
0x4d: {  	[spmem:s2] =	stream.indirect.scatter.add.f32 [tilespmem:s18], [sflag:$0x3], $0x80, s22, s16, $0xb8;
	[tilespmem:$0x1E300] =	vst v63  }
0x4e: {  	_ =	swait.ge [sflag:s12], $0x4000  }
0x4f: {  	[sflag:s12] =	ssyncset.done $0x0  }
0x50: {  	s31 =	simm.s32 $0x1F0;
	[sflag:s12] =	ssyncadd.s32 $0xFFFFC000  }
0x51: {  	v1 =	vld [tilespmem:s31+$0x13810];
	_ =	sdelay $0x4  }
0x52: {  	v2 =	vand.u32 $0x7FFF, v1;
	v1 =	vshrl.u32 v1, $0xF  }
0x53: {  	v2 =	vadd.s32 v0, v2;
	[tilespmem:$0x16200] =	vst v1  }
0x54: {  	[tilespmem:$0x16100] =	vst v2  }
0x55: {  	v1 =	vld [tilespmem:s31+$0x13820];
	_ =	sdelay $0x4  }
0x56: {  	v2 =	vand.u32 $0x7FFF, v1;
	v1 =	vshrl.u32 v1, $0xF  }
0x57: {  	v2 =	vadd.s32 v0, v2;
	[tilespmem:$0x16210] =	vst v1  }
0x58: {  	[tilespmem:$0x16110] =	vst v2  }
0x59: {  	v1 =	vld [tilespmem:s31+$0x13830];
	_ =	sdelay $0x4  }
0x5a: {  	v2 =	vand.u32 $0x7FFF, v1;
	v1 =	vshrl.u32 v1, $0xF  }
0x5b: {  	v2 =	vadd.s32 v0, v2;
	[tilespmem:$0x16220] =	vst v1  }
0x5c: {  	[tilespmem:$0x16120] =	vst v2  }
0x5d: {  	v1 =	vld [tilespmem:s31+$0x13840];
	_ =	sdelay $0x4  }
0x5e: {  	v2 =	vand.u32 $0x7FFF, v1;
	v1 =	vshrl.u32 v1, $0xF  }
0x5f: {  	v2 =	vadd.s32 v0, v2;
	[tilespmem:$0x16230] =	vst v1  }
0x60: {  	[tilespmem:$0x16130] =	vst v2  }
0x61: {  	v1 =	vld [tilespmem:s31+$0x13850];
	_ =	sdelay $0x4  }
0x62: {  	v2 =	vand.u32 $0x7FFF, v1;
	v1 =	vshrl.u32 v1, $0xF  }
0x63: {  	v2 =	vadd.s32 v0, v2;
	[tilespmem:$0x16240] =	vst v1  }
0x64: {  	[tilespmem:$0x16140] =	vst v2  }
0x65: {  	v1 =	vld [tilespmem:s31+$0x13860];
	_ =	sdelay $0x4  }
0x66: {  	v2 =	vand.u32 $0x7FFF, v1;
	v1 =	vshrl.u32 v1, $0xF  }
0x67: {  	v2 =	vadd.s32 v0, v2;
	[tilespmem:$0x16250] =	vst v1  }
0x68: {  	[tilespmem:$0x16150] =	vst v2  }
0x69: {  	v1 =	vld [tilespmem:s31+$0x13870];
	_ =	sdelay $0x4  }
0x6a: {  	v2 =	vand.u32 $0x7FFF, v1;
	v1 =	vshrl.u32 v1, $0xF  }
0x6b: {  	v2 =	vadd.s32 v0, v2;
	[tilespmem:$0x16260] =	vst v1  }
0x6c: {  	[tilespmem:$0x16160] =	vst v2  }
0x6d: {  	v1 =	vld [tilespmem:s31+$0x13880];
	_ =	sdelay $0x4  }
0x6e: {  	v2 =	vand.u32 $0x7FFF, v1;
	v1 =	vshrl.u32 v1, $0xF  }
0x6f: {  	v2 =	vadd.s32 v0, v2;
	[tilespmem:$0x16270] =	vst v1  }
0x70: {  	[tilespmem:$0x16170] =	vst v2  }
0x71: {  	[tilespmem:s18], [sflag:$0x1] =	stream.indirect.gather [hbm4b:s4+s16], $0x80, s17, s16, $0xb8;
	[tilespmem:$0x1E300] =	vst v63  }
0x72: {  	_ =	swait.ge [sflag:s23], $0x4000  }
0x73: {  	[sflag:s23] =	ssyncset.done $0x0  }
0x74: {  	[sflag:s23] =	ssyncadd.s32 $0xFFFFC000  }
0x75: {  	[spmem:s2] =	stream.indirect.scatter.add.f32 [tilespmem:s20], [sflag:$0x3], $0x80, s24, s16, $0xb8;
	[tilespmem:$0x1E300] =	vst v63  }
0x76: {  	_ =	swait.ge [sflag:s12], $0x4000  }
0x77: {  	[sflag:s12] =	ssyncset.done $0x0  }
0x78: {  	[sflag:s12] =	ssyncadd.s32 $0xFFFFC000  }
0x79: {  	v1 =	vld [tilespmem:s31+$0x13890];
	_ =	sdelay $0x4  }
0x7a: {  	v2 =	vand.u32 $0x7FFF, v1;
	v1 =	vshrl.u32 v1, $0xF  }
0x7b: {  	v2 =	vadd.s32 v0, v2;
	[tilespmem:$0x16280] =	vst v1  }
0x7c: {  	[tilespmem:$0x16180] =	vst v2  }
0x7d: {  	v1 =	vld [tilespmem:s31+$0x138A0];
	_ =	sdelay $0x4  }
0x7e: {  	v2 =	vand.u32 $0x7FFF, v1;
	v1 =	vshrl.u32 v1, $0xF  }
0x7f: {  	v2 =	vadd.s32 v0, v2;
	[tilespmem:$0x16290] =	vst v1  }
0x80: {  	[tilespmem:$0x16190] =	vst v2  }
0x81: {  	v1 =	vld [tilespmem:s31+$0x138B0];
	_ =	sdelay $0x4  }
0x82: {  	v2 =	vand.u32 $0x7FFF, v1;
	v1 =	vshrl.u32 v1, $0xF  }
0x83: {  	v2 =	vadd.s32 v0, v2;
	[tilespmem:$0x162A0] =	vst v1  }
0x84: {  	[tilespmem:$0x161A0] =	vst v2  }
0x85: {  	v1 =	vld [tilespmem:s31+$0x138C0];
	_ =	sdelay $0x4  }
0x86: {  	v2 =	vand.u32 $0x7FFF, v1;
	v1 =	vshrl.u32 v1, $0xF  }
0x87: {  	v2 =	vadd.s32 v0, v2;
	[tilespmem:$0x162B0] =	vst v1  }
0x88: {  	[tilespmem:$0x161B0] =	vst v2  }
0x89: {  	v1 =	vld [tilespmem:s31+$0x138D0];
	_ =	sdelay $0x4  }
0x8a: {  	v2 =	vand.u32 $0x7FFF, v1;
	v1 =	vshrl.u32 v1, $0xF  }
0x8b: {  	v2 =	vadd.s32 v0, v2;
	[tilespmem:$0x162C0] =	vst v1  }
0x8c: {  	[tilespmem:$0x161C0] =	vst v2  }
0x8d: {  	v1 =	vld [tilespmem:s31+$0x138E0];
	_ =	sdelay $0x4  }
0x8e: {  	v2 =	vand.u32 $0x7FFF, v1;
	v1 =	vshrl.u32 v1, $0xF  }
0x8f: {  	v2 =	vadd.s32 v0, v2;
	[tilespmem:$0x162D0] =	vst v1  }
0x90: {  	[tilespmem:$0x161D0] =	vst v2  }
0x91: {  	v1 =	vld [tilespmem:s31+$0x138F0];
	_ =	sdelay $0x4  }
0x92: {  	v2 =	vand.u32 $0x7FFF, v1;
	v1 =	vshrl.u32 v1, $0xF  }
0x93: {  	v2 =	vadd.s32 v0, v2;
	[tilespmem:$0x162E0] =	vst v1  }
0x94: {  	[tilespmem:$0x161E0] =	vst v2  }
0x95: {  	v1 =	vld [tilespmem:s31+$0x13900];
	_ =	sdelay $0x4  }
0x96: {  	v2 =	vand.u32 $0x7FFF, v1;
	v1 =	vshrl.u32 v1, $0xF  }
0x97: {  	v2 =	vadd.s32 v0, v2;
	[tilespmem:$0x162F0] =	vst v1  }
0x98: {  	s26 =	simm.s32 $0xBC0;
	[tilespmem:$0x161F0] =	vst v2  }
.LBB2_2:
0x99: {  	[tilespmem:s20], [sflag:$0x2] =	stream.indirect.gather [hbm4b:s4+s16], $0x80, s19, s16, $0xb8;
	[tilespmem:$0x1E300] =	vst v63  }
0x9a: {  	s28 =	smov.u32 s26  }
0x9b: {  	p1 =	sne.s32 s26, $0x9FC0;
	s26 =	sadd.s32 $0x400, s26;
	_ =	swait.ge [sflag:s21], $0x4000  }
0x9c: {  	[sflag:s21] =	ssyncset.done $0x0  }
0x9d: {  	[sflag:s21] =	ssyncadd.s32 $0xFFFFC000  }
0x9e: {  	[spmem:s2] =	stream.indirect.scatter.add.f32 [tilespmem:s18], [sflag:$0x3], $0x80, s22, s16, $0xb8;
	[tilespmem:$0x1E300] =	vst v63  }
0x9f: {  	_ =	swait.ge [sflag:s12], $0x4000  }
0xa0: {  	[sflag:s12] =	ssyncset.done $0x0  }
0xa1: {  	s28 =	sshra.s32 s28, $0x2;
	[sflag:s12] =	ssyncadd.s32 $0xFFFFC000  }
0xa2: {  	v1 =	vld [tilespmem:s28+$0x13810];
	_ =	sdelay $0x4  }
0xa3: {  	v2 =	vand.u32 $0x7FFF, v1;
	v1 =	vshrl.u32 v1, $0xF  }
0xa4: {  	v2 =	vadd.s32 v0, v2;
	[tilespmem:$0x16200] =	vst v1  }
0xa5: {  	[tilespmem:$0x16100] =	vst v2  }
0xa6: {  	v1 =	vld [tilespmem:s28+$0x13820];
	_ =	sdelay $0x4  }
0xa7: {  	v2 =	vand.u32 $0x7FFF, v1;
	v1 =	vshrl.u32 v1, $0xF  }
0xa8: {  	v2 =	vadd.s32 v0, v2;
	[tilespmem:$0x16210] =	vst v1  }
0xa9: {  	[tilespmem:$0x16110] =	vst v2  }
0xaa: {  	v1 =	vld [tilespmem:s28+$0x13830];
	_ =	sdelay $0x4  }
0xab: {  	v2 =	vand.u32 $0x7FFF, v1;
	v1 =	vshrl.u32 v1, $0xF  }
0xac: {  	v2 =	vadd.s32 v0, v2;
	[tilespmem:$0x16220] =	vst v1  }
0xad: {  	[tilespmem:$0x16120] =	vst v2  }
0xae: {  	v1 =	vld [tilespmem:s28+$0x13840];
	_ =	sdelay $0x4  }
0xaf: {  	v2 =	vand.u32 $0x7FFF, v1;
	v1 =	vshrl.u32 v1, $0xF  }
0xb0: {  	v2 =	vadd.s32 v0, v2;
	[tilespmem:$0x16230] =	vst v1  }
0xb1: {  	[tilespmem:$0x16130] =	vst v2  }
0xb2: {  	v1 =	vld [tilespmem:s28+$0x13850];
	_ =	sdelay $0x4  }
0xb3: {  	v2 =	vand.u32 $0x7FFF, v1;
	v1 =	vshrl.u32 v1, $0xF  }
0xb4: {  	v2 =	vadd.s32 v0, v2;
	[tilespmem:$0x16240] =	vst v1  }
0xb5: {  	[tilespmem:$0x16140] =	vst v2  }
0xb6: {  	v1 =	vld [tilespmem:s28+$0x13860];
	_ =	sdelay $0x4  }
0xb7: {  	v2 =	vand.u32 $0x7FFF, v1;
	v1 =	vshrl.u32 v1, $0xF  }
0xb8: {  	v2 =	vadd.s32 v0, v2;
	[tilespmem:$0x16250] =	vst v1  }
0xb9: {  	[tilespmem:$0x16150] =	vst v2  }
0xba: {  	v1 =	vld [tilespmem:s28+$0x13870];
	_ =	sdelay $0x4  }
0xbb: {  	v2 =	vand.u32 $0x7FFF, v1;
	v1 =	vshrl.u32 v1, $0xF  }
0xbc: {  	v2 =	vadd.s32 v0, v2;
	[tilespmem:$0x16260] =	vst v1  }
0xbd: {  	[tilespmem:$0x16160] =	vst v2  }
0xbe: {  	v1 =	vld [tilespmem:s28+$0x13880];
	_ =	sdelay $0x4  }
0xbf: {  	v2 =	vand.u32 $0x7FFF, v1;
	v1 =	vshrl.u32 v1, $0xF  }
0xc0: {  	v2 =	vadd.s32 v0, v2;
	[tilespmem:$0x16270] =	vst v1  }
0xc1: {  	[tilespmem:$0x16170] =	vst v2  }
0xc2: {  	[tilespmem:s18], [sflag:$0x1] =	stream.indirect.gather [hbm4b:s4+s16], $0x80, s17, s16, $0xb8;
	[tilespmem:$0x1E300] =	vst v63  }
0xc3: {  	_ =	swait.ge [sflag:s23], $0x4000  }
0xc4: {  	[sflag:s23] =	ssyncset.done $0x0  }
0xc5: {  	[sflag:s23] =	ssyncadd.s32 $0xFFFFC000  }
0xc6: {  	[spmem:s2] =	stream.indirect.scatter.add.f32 [tilespmem:s20], [sflag:$0x3], $0x80, s24, s16, $0xb8;
	[tilespmem:$0x1E300] =	vst v63  }
0xc7: {  	_ =	swait.ge [sflag:s12], $0x4000  }
0xc8: {  	[sflag:s12] =	ssyncset.done $0x0  }
0xc9: {  	[sflag:s12] =	ssyncadd.s32 $0xFFFFC000  }
0xca: {  	v1 =	vld [tilespmem:s28+$0x13890];
	_ =	sdelay $0x4  }
0xcb: {  	v2 =	vand.u32 $0x7FFF, v1;
	v1 =	vshrl.u32 v1, $0xF  }
0xcc: {  	v2 =	vadd.s32 v0, v2;
	[tilespmem:$0x16280] =	vst v1  }
0xcd: {  	[tilespmem:$0x16180] =	vst v2  }
0xce: {  	v1 =	vld [tilespmem:s28+$0x138A0];
	_ =	sdelay $0x4  }
0xcf: {  	v2 =	vand.u32 $0x7FFF, v1;
	v1 =	vshrl.u32 v1, $0xF  }
0xd0: {  	v2 =	vadd.s32 v0, v2;
	[tilespmem:$0x16290] =	vst v1  }
0xd1: {  	[tilespmem:$0x16190] =	vst v2  }
0xd2: {  	v1 =	vld [tilespmem:s28+$0x138B0];
	_ =	sdelay $0x4  }
0xd3: {  	v2 =	vand.u32 $0x7FFF, v1;
	v1 =	vshrl.u32 v1, $0xF  }
0xd4: {  	v2 =	vadd.s32 v0, v2;
	[tilespmem:$0x162A0] =	vst v1  }
0xd5: {  	[tilespmem:$0x161A0] =	vst v2  }
0xd6: {  	v1 =	vld [tilespmem:s28+$0x138C0];
	_ =	sdelay $0x4  }
0xd7: {  	v2 =	vand.u32 $0x7FFF, v1;
	v1 =	vshrl.u32 v1, $0xF  }
0xd8: {  	v2 =	vadd.s32 v0, v2;
	[tilespmem:$0x162B0] =	vst v1  }
0xd9: {  	[tilespmem:$0x161B0] =	vst v2  }
0xda: {  	v1 =	vld [tilespmem:s28+$0x138D0];
	_ =	sdelay $0x4  }
0xdb: {  	v2 =	vand.u32 $0x7FFF, v1;
	v1 =	vshrl.u32 v1, $0xF  }
0xdc: {  	v2 =	vadd.s32 v0, v2;
	[tilespmem:$0x162C0] =	vst v1  }
0xdd: {  	[tilespmem:$0x161C0] =	vst v2  }
0xde: {  	v1 =	vld [tilespmem:s28+$0x138E0];
	_ =	sdelay $0x4  }
0xdf: {  	v2 =	vand.u32 $0x7FFF, v1;
	v1 =	vshrl.u32 v1, $0xF  }
0xe0: {  	v2 =	vadd.s32 v0, v2;
	[tilespmem:$0x162D0] =	vst v1  }
0xe1: {  	[tilespmem:$0x161D0] =	vst v2  }
0xe2: {  	v1 =	vld [tilespmem:s28+$0x138F0];
	_ =	sdelay $0x4  }
0xe3: {  	v2 =	vand.u32 $0x7FFF, v1;
	v1 =	vshrl.u32 v1, $0xF  }
0xe4: {  	v2 =	vadd.s32 v0, v2;
	[tilespmem:$0x162E0] =	vst v1  }
0xe5: {  	[tilespmem:$0x161E0] =	vst v2  }
0xe6: {  	v1 =	vld [tilespmem:s28+$0x13900];
	_ =	sdelay $0x2  }
.Ltmp0:
0xe7: {  	(pc) =	sbr.rel @p1 .LBB2_2-.Ltmp0, $4  }
0xe8: {  	_ = 	snop  }
0xe9: {  	v2 =	vand.u32 $0x7FFF, v1;
	v1 =	vshrl.u32 v1, $0xF  }
0xea: {  	v2 =	vadd.s32 v0, v2;
	[tilespmem:$0x162F0] =	vst v1  }
0xeb: {  	[tilespmem:$0x161F0] =	vst v2  }
0xec: {  	[tilespmem:s20], [sflag:$0x2] =	stream.indirect.gather [hbm4b:s4+s16], $0x80, s19, s16, $0xb8;
	[tilespmem:$0x1E300] =	vst v63  }
0xed: {  	_ =	swait.ge [sflag:s21], $0x4000  }
0xee: {  	[sflag:s21] =	ssyncset.done $0x0  }
0xef: {  	[sflag:s21] =	ssyncadd.s32 $0xFFFFC000  }
0xf0: {  	[spmem:s2] =	stream.indirect.scatter.add.f32 [tilespmem:s18], [sflag:$0x3], $0x80, s22, s16, $0xb8;
	[tilespmem:$0x1E300] =	vst v63  }
0xf1: {  	_ =	swait.ge [sflag:s12], $0x4000  }
0xf2: {  	[sflag:s12] =	ssyncset.done $0x0  }
0xf3: {  	[sflag:s12] =	ssyncadd.s32 $0xFFFFC000  }
0xf4: {  	_ =	swait.ge [sflag:s23], $0x4000  }
0xf5: {  	[sflag:s23] =	ssyncset.done $0x0  }
0xf6: {  	[sflag:s23] =	ssyncadd.s32 $0xFFFFC000  }
0xf7: {  	[spmem:s2] =	stream.indirect.scatter.add.f32 [tilespmem:s20], [sflag:$0x3], $0x80, s24, s16, $0xb8;
	[tilespmem:$0x1E300] =	vst v63  }
0xf8: {  	_ =	swait.ge [sflag:s12], $0x4000  }
0xf9: {  	[sflag:s12] =	ssyncset.done $0x0  }
0xfa: {  	[sflag:s12] =	ssyncadd.s32 $0xFFFFC000  }
0xfb: {  	[bflag:$0x0] =	sbarrier.arrive $0xFFFF  }
0xfc: {  	[hbm:s8], [sflag:s13] =	dma.local [spmem:s14], $0x2700  }
0xfd: {  	s25 =	sadd.s32 $0x1, s25;
	_ =	swait.ge [sflag:s12], $0x2700  }
0xfe: {  	p1 =	sne.s32 s25, s10;
	[sflag:s12] =	ssyncset.done $0x0  }
.Ltmp1:
0xff: {  	s26 =	simm.s32 @!p0 $0x3;
	[sflag:s12] =	ssyncadd.s32 $0xFFFFD900;
	(pc) =	sbr.rel @p1 .LBB2_1-.Ltmp1, $4  }
0x100: {  	[hbm:s9], [sflag:s13] =	dma.local @!p0 [spmem:s15], $0x100  }
0x101: {  	_ =	swait.ge @!p0 [sflag:s26], $0x100  }
0x102: {  	[sflag:s26] =	ssyncset.done @!p0 $0x0  }
0x103: {  	[sflag:s26] =	ssyncadd.s32 @!p0 $0xFFFFFF00  }
0x104: {  	_ =	sfence.sel $0x180000  }
0x105: {  	[bflag:$0x0] =	sbarrier.arrive $0xFFFF  }
0x106: {  	p0 =	sne.s32 s1, $0x0;
	_ =	strace $0x9000004D  }
0x107: {  	s0 =	sadd.s32 @!p0 $0x100000, s0;
	[bflag:$0x2] =	sbarrier.arrive $0xFFFF  }
0x108: {  	[sflag:s0] =	ssyncadd.tile.s32 @!p0 $0x1;
	_ =	shalt  }
.Lfunc_end2:
_tile_overlayer_lowered:
.L_overlay_start_2:
0x109: {  	(tag) =	ssettag $0x2  }
0x10a: {  	s0 =	rddreg [dreg:$0x0];
	s2 =	stileid.u32  }
0x10b: {  	s1 =	rddreg [dreg:$0x1];
	p0 =	sne.s32 s2, $0x0  }
0x10c: {  	s3 =	rddreg [dreg:$0x2];
	[bflag:$0x3] =	sbarrier.arrive $0xFFFF;
	s2 =	simm.s32 @!p0 $0x1C03  }
0x10d: {  	[timem:s3], [sflag:s2] =	dma.local @!p0 [hbm:s0], s1  }
0x10e: {  	s0 =	simm.s32 @!p0 $0x3  }
0x10f: {  	_ =	swait.ge @!p0 [sflag:s0], s1  }
0x110: {  	s1 =	ssub.s32 @!p0 $0x0, s1;
	[sflag:s0] =	ssyncset.done @!p0 $0x0  }
0x111: {  	[sflag:s0] =	ssyncadd.s32 @!p0 s1  }
0x112: {  	[bflag:$0x3] =	sbarrier.arrive $0xFFFF  }
0x113: {  	_ =	shalt  }

// kernel: kernel.19.cloned.1.call-start
scs
__scs_entry_jumppad:
0x0: {  	(pc) =	sbr.rel $0x88, $3  }
0x1: {  	(tag) =	ssettag $0x0;
	lr =	simm.s32 $0x1  }
0x2: {  	[smem:$0x3F8C] =	sst lr;
	_ =	strace $0xD0000000  }
0x3: {  	_ = 	snop  }
0x4: {  	_ = 	snop  }
0x5: {  	_ = 	snop  }
0x6: {  	_ = 	snop  }
0x7: {  	_ = 	snop  }
__scs_overlays_trampoline_lowered:
0x8: {  	[smem:$0x3F9B] =	sst s0  }
0x9: {  	[smem:$0x3F9C] =	sst s1  }
0xa: {  	[smem:$0x3F9D] =	sst s2  }
0xb: {  	[smem:$0x3F9E] =	sst s3  }
0xc: {  	[smem:$0x3F9F] =	sst s4  }
0xd: {  	[smem:$0x3FA0] =	sst s5  }
0xe: {  	[smem:$0x3FA1] =	sst s6  }
0xf: {  	[smem:$0x3FA2] =	sst s7  }
0x10: {  	[smem:$0x3FA3] =	sst s8  }
0x11: {  	[smem:$0x3FA4] =	sst s9;
	s0 =	simm.s32 @!p0 $0x0  }
0x12: {  	s1 =	sld [smem:$0x3F8A];
	s0 =	simm.s32 @p0 $0x1  }
0x13: {  	[smem:$0x3FA5] =	sst s0;
	s0 =	simm.s32 @!p1 $0x0  }
0x14: {  	s2 =	sld [smem:$0x3F89];
	s0 =	simm.s32 @p1 $0x1  }
0x15: {  	[smem:$0x3FA6] =	sst s0;
	s0 =	simm.s32 @!p2 $0x0  }
0x16: {  	s3 =	sld [smem:$0x3FDB];
	s0 =	simm.s32 @p2 $0x1  }
0x17: {  	s4 =	simm.s32 $0x1BF5;
	[smem:$0x3FA8] =	sst s0  }
0x18: {  	s0 =	sld [smem:$0x3F8B];
	_ =	swait.ge [sflag:s4], $0x0  }
0x19: {  	s7 =	sld [smem:$0x3F8C]  }
0x1a: {  	s8 =	sadd.s32 $0xFFFFE003, lr  }
0x1b: {  	s9 =	sadd.s32 $0xFFFFFEF7, lr;
	s5 =	simm.s32 $0xFFFFFFFF;
	p2 =	slt.u32 s8, $0xFFFFF086  }
0x1c: {  	p1 =	slt.u32 s9, $0xF7A;
	s5 =	simm.s32 @!p2 $0x0  }
0x1d: {  	s5 =	simm.s32 @p1 $0x1;
	p0 =	seq.s32 s7, s2  }
0x1e: {  	s7 =	smul.u32 @!p0 $0xF7A, s2;
	p2 =	seq.s32 @!p0 s5, $0x0  }
0x1f: {  	s9 =	smul.u32 $0xF7A, s1;
	s8 =	simm.s32 @!p0 $0x1BF5;
	p2 =	por !p2, p0  }
0x20: {  	[sflag:s8] =	ssyncset.s32 @!p0 $0xFFFFF086;
	s6 =	sadd.s32 @!p0 s3, s7;
	s7 =	simm.s32 @!p0 $0x108  }
0x21: {  	s3 =	sadd.s32 s3, s9;
	s6 =	sadd.s32 @!p0 $0x88, s6;
	s7 =	simm.s32 @p2 $0x1082  }
0x22: {  	[simem:s7], [sflag:s8] =	dma.local @!p0 [hbm:s6], $0xF7A  }
0x23: {  	s9 =	sor.u32 $0xD0000000, s2;
	s6 =	simm.s32 $0x108;
	_ =	swait.ge @!p0 [sflag:s8], $0x0  }
0x24: {  	s3 =	sadd.s32 $0x88, s3;
	s6 =	simm.s32 @!p1 $0x1082;
	[sflag:s4] =	ssyncset.s32 $0xFFFFF086  }
0x25: {  	[simem:s6], [sflag:s4] =	dma.local [hbm:s3], $0xF7A  }
0x26: {  	[smem:$0x3F8C] =	sst s1;
	(tag) =	ssettag s2;
	_ =	strace s9  }
0x27: {  	s1 =	sld [smem:$0x3F9C]  }
0x28: {  	s2 =	sld [smem:$0x3F9D]  }
0x29: {  	s4 =	sld [smem:$0x3F9F]  }
0x2a: {  	p0 =	seq.s32 s5, $0x0;
	s5 =	sld [smem:$0x3FA0]  }
0x2b: {  	s6 =	sld [smem:$0x3FA1]  }
0x2c: {  	s7 =	sld [smem:$0x3FA2]  }
0x2d: {  	s3 =	simm.s32 $0x108;
	s8 =	sld [smem:$0x3FA3]  }
0x2e: {  	s3 =	simm.s32 @!p0 $0x1082;
	s9 =	sld [smem:$0x3FA4]  }
0x2f: {  	lr =	sadd.s32 s0, s3;
	s0 =	sld [smem:$0x3F9B]  }
0x30: {  	s3 =	sld [smem:$0x3F9E]  }
0x31: {  	[smem:$0x3FA7] =	sst s10  }
0x32: {  	s10 =	sld [smem:$0x3FA5];
	_ =	sdelay $0x3  }
0x33: {  	p0 =	seq.s32 s10, $0x1;
	s10 =	sld [smem:$0x3FA7];
	_ =	sdelay $0x3  }
0x34: {  	[smem:$0x3FA7] =	sst s10  }
0x35: {  	s10 =	sld [smem:$0x3FA6];
	_ =	sdelay $0x3  }
0x36: {  	p1 =	seq.s32 s10, $0x1;
	s10 =	sld [smem:$0x3FA7];
	_ =	sdelay $0x3  }
0x37: {  	[smem:$0x3FA7] =	sst s10  }
0x38: {  	s10 =	sld [smem:$0x3FA8]  }
0x39: {  	_ = 	snop;
	(pc) =	sbr.ind lr, $3  }
0x3a: {  	_ = 	snop  }
0x3b: {  	_ = 	snop  }
0x3c: {  	p2 =	seq.s32 s10, $0x1;
	s10 =	sld [smem:$0x3FA7]  }
0x3d: {  	_ =	shalt  }
0x3e: {  	_ =	shalt  }
0x3f: {  	_ =	shalt  }
0x40: {  	_ =	shalt  }
0x41: {  	_ =	shalt  }
0x42: {  	_ =	shalt  }
0x43: {  	_ =	shalt  }
0x44: {  	_ =	shalt  }
0x45: {  	_ =	shalt  }
0x46: {  	_ =	shalt  }
0x47: {  	_ =	shalt  }
0x48: {  	_ =	shalt  }
0x49: {  	_ =	shalt  }
0x4a: {  	_ =	shalt  }
0x4b: {  	_ =	shalt  }
0x4c: {  	_ =	shalt  }
0x4d: {  	_ =	shalt  }
0x4e: {  	_ =	shalt  }
0x4f: {  	_ =	shalt  }
0x50: {  	_ =	shalt  }
0x51: {  	_ =	shalt  }
0x52: {  	_ =	shalt  }
0x53: {  	_ =	shalt  }
0x54: {  	_ =	shalt  }
0x55: {  	_ =	shalt  }
0x56: {  	_ =	shalt  }
0x57: {  	_ =	shalt  }
0x58: {  	_ =	shalt  }
0x59: {  	_ =	shalt  }
0x5a: {  	_ =	shalt  }
0x5b: {  	_ =	shalt  }
0x5c: {  	_ =	shalt  }
0x5d: {  	_ =	shalt  }
0x5e: {  	_ =	shalt  }
0x5f: {  	_ =	shalt  }
0x60: {  	_ =	shalt  }
0x61: {  	_ =	shalt  }
0x62: {  	_ =	shalt  }
0x63: {  	_ =	shalt  }
0x64: {  	_ =	shalt  }
0x65: {  	_ =	shalt  }
0x66: {  	_ =	shalt  }
0x67: {  	_ =	shalt  }
0x68: {  	_ =	shalt  }
0x69: {  	_ =	shalt  }
0x6a: {  	_ =	shalt  }
0x6b: {  	_ =	shalt  }
0x6c: {  	_ =	shalt  }
0x6d: {  	_ =	shalt  }
0x6e: {  	_ =	shalt  }
0x6f: {  	_ =	shalt  }
0x70: {  	_ =	shalt  }
0x71: {  	_ =	shalt  }
0x72: {  	_ =	shalt  }
0x73: {  	_ =	shalt  }
0x74: {  	_ =	shalt  }
0x75: {  	_ =	shalt  }
0x76: {  	_ =	shalt  }
0x77: {  	_ =	shalt  }
0x78: {  	_ =	shalt  }
0x79: {  	_ =	shalt  }
0x7a: {  	_ =	shalt  }
0x7b: {  	_ =	shalt  }
0x7c: {  	_ =	shalt  }
0x7d: {  	_ =	shalt  }
0x7e: {  	_ =	shalt  }
0x7f: {  	_ =	shalt  }
0x80: {  	_ =	shalt  }
0x81: {  	_ =	shalt  }
0x82: {  	_ =	shalt  }
0x83: {  	_ =	shalt  }
0x84: {  	_ =	shalt  }
0x85: {  	_ =	shalt  }
0x86: {  	_ =	shalt  }
0x87: {  	_ =	shalt  }
.Lfunc_end0:
.L_simem_size_0:
called_computation.3_lowered:
.L_overlay_start_0:
0x88: {  	s2 =	sld [smem:$0x3FD9]  }
0x89: {  	s3 =	sld [smem:$0x3FFE];
	_ =	sdelay $0x1  }
0x8a: {  	s1 =	srdreg.scid  }
0x8b: {  	s0 =	sand.u32 $0x1, s1  }
0x8c: {  	s16 =	sshll.u32 s0, $0xA;
	s2 =	sadd.s32 s3, s2  }
0x8d: {  	s2 =	sadd.s32 s2, s16  }
0x8e: {  	[smem:$0x3FB3] =	sst s2  }
0x8f: {  	_ = 	snop  }
0x90: {  	(tm) =	ssettm $0x1  }
0x91: {  	s17 =	sld [smem:$0x3FFB];
	_ =	sdelay $0x3  }
0x92: {  	_ =	strace s17  }
0x93: {  	s2 =	sld [smem:$0x3FFC];
	_ =	sdelay $0x3  }
0x94: {  	_ =	strace s2  }
0x95: {  	s2 =	sld [smem:$0x3FFD];
	_ =	sdelay $0x3  }
0x96: {  	_ =	strace s2  }
0x97: {  	_ =	strace $0x8FFFFFFF  }
0x98: {  	s18 =	sld [smem:$0x3FDB];
	_ =	sdelay $0x1  }
0x99: {  	s19 =	simm.s32 $_scs_section_size  }
0x9a: {  	s4 =	simm.s32 $_size__tile_overlayer_lowered;
	s5 =	simm.s32 $_tile_overlayer_lowered  }
0x9b: {  	s22 =	simm.s32 $0x1BFF;
	s21 =	sshll.u32 s5, $0x1;
	s2 =	sadd.s32 s19, s18  }
0x9c: {  	s6 =	simm.s32 $0x0;
	s20 =	sshll.u32 s4, $0x1;
	s4 =	sadd.s32 s21, s2  }
0x9d: {  	[timem:s6], [sflag:s22] =	dma.local [hbm:s4], s20  }
0x9e: {  	_ =	swait.ge [sflag:s22], s20  }
0x9f: {  	s3 =	ssub.s32 $0x0, s20;
	[sflag:s22] =	ssyncset.done $0x0  }
0xa0: {  	[sflag:s22] =	ssyncadd.s32 s3;
	_ =	sdelay $0x1  }
0xa1: {  	s23 =	simm.s32 $0x1B8B  }
0xa2: {  	_ =	swait.ge [sflag:s23], $0x1  }
0xa3: {  	[sflag:s23] =	ssyncset.done $0x0  }
0xa4: {  	s25 =	simm.s32 $0x1B8E;
	s24 =	sld [smem:$0x3FFE];
	[sflag:s23] =	ssyncadd.s32 $0xFFFFFFFF  }
0xa5: {  	s26 =	simm.s32 $execute0_lowered;
	[smem:$0x3FD2] =	sst s25  }
0xa6: {  	s4 =	sshll.u32 s26, $0x1;
	_ =	strace $0x8000004F;
	[dreg:$0x1] =	wrdreg $0xFFFFFFFF  }
0xa7: {  	s28 =	simm.s32 $_size_execute0_lowered;
	s2 =	sadd.s32 s2, s4;
	[dreg:$0x0] =	wrdreg $0x0  }
0xa8: {  	s4 =	sshll.u32 s28, $0x1;
	[dreg:$0x2] =	wrdreg s2  }
0xa9: {  	[dreg:$0x3] =	wrdreg s4  }
0xaa: {  	[dreg:$0x4] =	wrdreg $0xC0  }
0xab: {  	_ =	task [dreg:s6], $0x5FFFF  }
0xac: {  	[dreg:$0x1] =	wrdreg $0xFFFFFFFF  }
0xad: {  	[dreg:$0x0] =	wrdreg $0x60  }
0xae: {  	[dreg:$0x2] =	wrdreg s24  }
0xaf: {  	[dreg:$0x3] =	wrdreg $0x0  }
0xb0: {  	[dreg:$0x4] =	wrdreg $0x9  }
0xb1: {  	_ =	task.clear_ibuf [dreg:s6], $0x5FFFF;
	_ =	strace $0x9000004F  }
0xb2: {  	s29 =	simm.s32 $0x9;
	_ =	strace $0x80000051  }
0xb3: {  	_ =	swait.ge [sflag:s29], $0x1  }
0xb4: {  	[sflag:s29] =	ssyncadd.s32 $0xFFFFFFFF  }
0xb5: {  	_ =	strace $0x90000051  }
0xb6: {  	_ =	sfence  }
0xb7: {  	s30 =	sld [smem:$0x0];
	_ =	sdelay $0x2  }
0xb8: {  	s31 =	sshll.u32 s1, $0xD;
	s1 =	sshrl.u32 s1, $0x2  }
0xb9: {  	s3 =	sand.u32 $0x4000, s31;
	s1 =	sadd.s32 s1, s30  }
0xba: {  	s0 =	sor.u32 s3, s0;
	s1 =	sshll.u32 s1, $0x11  }
0xbb: {  	s0 =	sor.u32 s1, s0  }
0xbc: {  	s0 =	sadd.s32 $0x8F2B, s0  }
0xbd: {  	[sflag:s0] =	ssyncadd.remote.s32 $0x1  }
0xbe: {  	_ =	sfence.sel $0xFFFF  }
0xbf: {  	[dreg:$0x0] =	wrdreg $0xFFFFFFFF;
	(pc) =	sbr.abs _section_cstart, $3  }
0xc0: {  	[dreg:$0x1] =	wrdreg $0xFFFFFFFF  }
0xc1: {  	_ =	task.clear_ibuf [dreg:s6], $0x2FFFF;
	_ =	strace $0x9FFFFFFF  }
0xc2: {  	(tm) =	ssettm $0x7FFFFFFF  }
0xc3: {  	_ =	shalt  }
tec
execute0_lowered:
.L_overlay_start_1:
0x0: {  	(tag) =	ssettag $0x1  }
0x1: {  	s5 =	rddreg [dreg:$0x0]  }
0x2: {  	s2 =	rddreg [dreg:$0x1]  }
0x3: {  	s0 =	rddreg [dreg:$0x2];
	s3 =	simm.s32 $0x0;
	s1 =	stileid.u32  }
0x4: {  	s4 =	srdreg.scid;
	s16 =	simm.s32 $0x80;
	s17 =	simm.s32 $0x16100  }
0x5: {  	s18 =	simm.s32 $0x16300;
	s19 =	simm.s32 $0x16180;
	s20 =	simm.s32 $0x1A300  }
0x6: {  	s21 =	simm.s32 $0x1;
	s22 =	simm.s32 $0x16200;
	s24 =	simm.s32 $0x16280  }
0x7: {  	s25 =	simm.s32 $0x0;
	[smem:$0x7FF] =	sst s3;
	s6 =	smul.u32 $0x500, s1  }
0x8: {  	s7 =	sand.u32 $0x1, s4;
	s4 =	sadd.s32 $0x62000, s5;
	s9 =	smul.u32 $0x4E000, s1  }
0x9: {  	s11 =	smul.u32 $0x270, s1;
	s12 =	sadd.s32 $0xB0200, s5;
	s15 =	sadd.s32 $0x138000, s2  }
0xa: {  	p0 =	sne.s32 s1, $0xF;
	s13 =	sshll.u32 s1, $0x6;
	s23 =	smul.u32 $0x2710, s7  }
0xb: {  	_ =	strace $0x80000050;
	s8 =	ssub.s32 $0x2, s7;
	s7 =	smul.u32 $0x138800, s7  }
0xc: {  	s13 =	sor.u32 $0x1C03, s13;
	s15 =	sshrl.u32 @!p0 s15, $0x3;
	s10 =	sshrl.u32 s8, $0x1  }
0xd: {  	s6 =	sadd.s32 s6, s5;
	s29 =	sshrl.u32 s9, $0x2;
	s10 =	ssub.s32 s8, s10  }
0xe: {  	s5 =	sadd.s32 $0x5D000, s6;
	s30 =	sadd.s32 s11, s23;
	s14 =	sadd.s32 s29, s2  }
0xf: {  	s7 =	sshrl.u32 s7, $0x3;
	s11 =	simm.s32 $0x13900;
	v0 =	vmov s23;
	s23 =	simm.s32 $0x2  }
0x10: {  	s8 =	sshll.u32 s30, $0x4;
	s31 =	sadd.s32 $0x27000, s7;
	s10 =	smax.u32 s10, $0x1  }
0x11: {  	s14 =	sshrl.u32 s14, $0x3;
	s6 =	sadd.s32 s4, s8;
	s7 =	sadd.s32 s4, s31  }
0x12: {  	s8 =	sadd.s32 s12, s8;
	s9 =	sadd.s32 s12, s31;
	s12 =	simm.s32 $0x3  }
.LBB2_1:
0x13: {  	[tilespmem:s11], [sflag:$0x3] =	stream.linear.gather [hbm4b:s5+s3], $0x2800, $0x38;
	[tilespmem:$0x1E300] =	vst v63  }
0x14: {  	_ =	swait.ge [sflag:s12], $0x2800  }
0x15: {  	[sflag:s12] =	ssyncset.done $0x0  }
0x16: {  	[sflag:s12] =	ssyncadd.s32 $0xFFFFD800  }
0x17: {  	[spmem:s14], [sflag:s13] =	dma.local [hbm:s6], $0x2700  }
0x18: {  	_ =	swait.ge [sflag:s12], $0x2700  }
0x19: {  	[sflag:s12] =	ssyncset.done $0x0  }
0x1a: {  	s26 =	simm.s32 @!p0 $0x3;
	[sflag:s12] =	ssyncadd.s32 $0xFFFFD900  }
0x1b: {  	[spmem:s15], [sflag:s13] =	dma.local @!p0 [hbm:s7], $0x100  }
0x1c: {  	_ =	swait.ge @!p0 [sflag:s26], $0x100  }
0x1d: {  	[sflag:s26] =	ssyncset.done @!p0 $0x0  }
0x1e: {  	[sflag:s26] =	ssyncadd.s32 @!p0 $0xFFFFFF00  }
0x1f: {  	[bflag:$0x0] =	sbarrier.arrive $0xFFFF  }
0x20: {  	v1 =	vld [tilespmem:$0x13900]  }
0x21: {  	v2 =	vld [tilespmem:$0x13910];
	_ =	sdelay $0x1  }
0x22: {  	v3 =	vld [tilespmem:$0x13920];
	_ =	sdelay $0x1  }
0x23: {  	v5 =	vld [tilespmem:$0x13930];
	v4 =	vand.u32 $0x7FFF, v1;
	v1 =	vshrl.u32 v1, $0xF  }
0x24: {  	v52 =	vand.u32 $0x7FFF, v2;
	v4 =	vadd.s32 v0, v4;
	[tilespmem:$0x16200] =	vst v1  }
0x25: {  	v53 =	vld [tilespmem:$0x13940];
	v1 =	vadd.s32 v0, v52;
	[tilespmem:$0x16100] =	vst v4  }
0x26: {  	[tilespmem:$0x16110] =	vst v1;
	v1 =	vshrl.u32 v2, $0xF;
	v2 =	vand.u32 $0x7FFF, v3  }
0x27: {  	[tilespmem:$0x16210] =	vst v1;
	v1 =	vadd.s32 v0, v2;
	v2 =	vld [tilespmem:$0x13950]  }
0x28: {  	[tilespmem:$0x16120] =	vst v1;
	v1 =	vshrl.u32 v3, $0xF;
	v3 =	vand.u32 $0x7FFF, v5  }
0x29: {  	[tilespmem:$0x16220] =	vst v1;
	v1 =	vadd.s32 v0, v3;
	v3 =	vld [tilespmem:$0x13960]  }
0x2a: {  	v54 =	vand.u32 $0x7FFF, v53;
	[tilespmem:$0x16130] =	vst v1;
	v1 =	vshrl.u32 v5, $0xF  }
0x2b: {  	v55 =	vld [tilespmem:$0x13970];
	[tilespmem:$0x16230] =	vst v1;
	v1 =	vadd.s32 v0, v54  }
0x2c: {  	[tilespmem:$0x16140] =	vst v1;
	v1 =	vshrl.u32 v53, $0xF;
	v56 =	vand.u32 $0x7FFF, v2  }
0x2d: {  	[tilespmem:$0x16240] =	vst v1;
	v1 =	vadd.s32 v0, v56  }
0x2e: {  	[tilespmem:$0x16150] =	vst v1;
	v1 =	vshrl.u32 v2, $0xF;
	v2 =	vand.u32 $0x7FFF, v3  }
0x2f: {  	[tilespmem:$0x16250] =	vst v1;
	v1 =	vadd.s32 v0, v2  }
0x30: {  	v2 =	vand.u32 $0x7FFF, v55;
	[tilespmem:$0x16160] =	vst v1;
	v1 =	vshrl.u32 v3, $0xF  }
0x31: {  	[tilespmem:$0x16260] =	vst v1;
	v1 =	vadd.s32 v0, v2  }
0x32: {  	[tilespmem:$0x16170] =	vst v1;
	v1 =	vshrl.u32 v55, $0xF  }
0x33: {  	[tilespmem:$0x16270] =	vst v1  }
0x34: {  	[tilespmem:s18], [sflag:$0x1] =	stream.indirect.gather [hbm4b:s4+s16], $0x80, s17, s16, $0xb8;
	[tilespmem:$0x1E300] =	vst v63  }
0x35: {  	v1 =	vld [tilespmem:$0x13980]  }
0x36: {  	v2 =	vld [tilespmem:$0x13990];
	_ =	sdelay $0x1  }
0x37: {  	v3 =	vld [tilespmem:$0x139A0];
	_ =	sdelay $0x1  }
0x38: {  	v58 =	vld [tilespmem:$0x139B0];
	v57 =	vand.u32 $0x7FFF, v1;
	v1 =	vshrl.u32 v1, $0xF  }
0x39: {  	v59 =	vand.u32 $0x7FFF, v2;
	v4 =	vadd.s32 v0, v57;
	[tilespmem:$0x16280] =	vst v1  }
0x3a: {  	v60 =	vld [tilespmem:$0x139C0];
	v1 =	vadd.s32 v0, v59;
	[tilespmem:$0x16180] =	vst v4  }
0x3b: {  	[tilespmem:$0x16190] =	vst v1;
	v1 =	vshrl.u32 v2, $0xF;
	v2 =	vand.u32 $0x7FFF, v3  }
0x3c: {  	[tilespmem:$0x16290] =	vst v1;
	v1 =	vadd.s32 v0, v2;
	v2 =	vld [tilespmem:$0x139D0]  }
0x3d: {  	[tilespmem:$0x161A0] =	vst v1;
	v1 =	vshrl.u32 v3, $0xF;
	v3 =	vand.u32 $0x7FFF, v58  }
0x3e: {  	[tilespmem:$0x162A0] =	vst v1;
	v1 =	vadd.s32 v0, v3;
	v3 =	vld [tilespmem:$0x139E0]  }
0x3f: {  	v61 =	vand.u32 $0x7FFF, v60;
	[tilespmem:$0x161B0] =	vst v1;
	v1 =	vshrl.u32 v58, $0xF  }
0x40: {  	v62 =	vld [tilespmem:$0x139F0];
	[tilespmem:$0x162B0] =	vst v1;
	v1 =	vadd.s32 v0, v61  }
0x41: {  	[tilespmem:$0x161C0] =	vst v1;
	v1 =	vshrl.u32 v60, $0xF;
	v63 =	vand.u32 $0x7FFF, v2  }
0x42: {  	[tilespmem:$0x162C0] =	vst v1;
	v1 =	vadd.s32 v0, v63  }
0x43: {  	[tilespmem:$0x161D0] =	vst v1;
	v1 =	vshrl.u32 v2, $0xF;
	v2 =	vand.u32 $0x7FFF, v3  }
0x44: {  	[tilespmem:$0x162D0] =	vst v1;
	v1 =	vadd.s32 v0, v2  }
0x45: {  	v2 =	vand.u32 $0x7FFF, v62;
	[tilespmem:$0x161E0] =	vst v1;
	v1 =	vshrl.u32 v3, $0xF  }
0x46: {  	[tilespmem:$0x162E0] =	vst v1;
	v1 =	vadd.s32 v0, v2  }
0x47: {  	[tilespmem:$0x161F0] =	vst v1;
	v1 =	vshrl.u32 v62, $0xF  }
0x48: {  	[tilespmem:$0x162F0] =	vst v1  }
0x49: {  	[tilespmem:s20], [sflag:$0x2] =	stream.indirect.gather [hbm4b:s4+s16], $0x80, s19, s16, $0xb8;
	[tilespmem:$0x1E300] =	vst v63  }
0x4a: {  	_ =	swait.ge [sflag:s21], $0x4000  }
0x4b: {  	[sflag:s21] =	ssyncset.done $0x0  }
0x4c: {  	[sflag:s21] =	ssyncadd.s32 $0xFFFFC000  }
0x4d: {  	[spmem:s2] =	stream.indirect.scatter.add.f32 [tilespmem:s18], [sflag:$0x3], $0x80, s22, s16, $0xb8;
	[tilespmem:$0x1E300] =	vst v63  }
0x4e: {  	_ =	swait.ge [sflag:s12], $0x4000  }
0x4f: {  	[sflag:s12] =	ssyncset.done $0x0  }
0x50: {  	s31 =	simm.s32 $0x1F0;
	[sflag:s12] =	ssyncadd.s32 $0xFFFFC000  }
0x51: {  	v1 =	vld [tilespmem:s31+$0x13810];
	_ =	sdelay $0x4  }
0x52: {  	v2 =	vand.u32 $0x7FFF, v1;
	v1 =	vshrl.u32 v1, $0xF  }
0x53: {  	v2 =	vadd.s32 v0, v2;
	[tilespmem:$0x16200] =	vst v1  }
0x54: {  	[tilespmem:$0x16100] =	vst v2  }
0x55: {  	v1 =	vld [tilespmem:s31+$0x13820];
	_ =	sdelay $0x4  }
0x56: {  	v2 =	vand.u32 $0x7FFF, v1;
	v1 =	vshrl.u32 v1, $0xF  }
0x57: {  	v2 =	vadd.s32 v0, v2;
	[tilespmem:$0x16210] =	vst v1  }
0x58: {  	[tilespmem:$0x16110] =	vst v2  }
0x59: {  	v1 =	vld [tilespmem:s31+$0x13830];
	_ =	sdelay $0x4  }
0x5a: {  	v2 =	vand.u32 $0x7FFF, v1;
	v1 =	vshrl.u32 v1, $0xF  }
0x5b: {  	v2 =	vadd.s32 v0, v2;
	[tilespmem:$0x16220] =	vst v1  }
0x5c: {  	[tilespmem:$0x16120] =	vst v2  }
0x5d: {  	v1 =	vld [tilespmem:s31+$0x13840];
	_ =	sdelay $0x4  }
0x5e: {  	v2 =	vand.u32 $0x7FFF, v1;
	v1 =	vshrl.u32 v1, $0xF  }
0x5f: {  	v2 =	vadd.s32 v0, v2;
	[tilespmem:$0x16230] =	vst v1  }
0x60: {  	[tilespmem:$0x16130] =	vst v2  }
0x61: {  	v1 =	vld [tilespmem:s31+$0x13850];
	_ =	sdelay $0x4  }
0x62: {  	v2 =	vand.u32 $0x7FFF, v1;
	v1 =	vshrl.u32 v1, $0xF  }
0x63: {  	v2 =	vadd.s32 v0, v2;
	[tilespmem:$0x16240] =	vst v1  }
0x64: {  	[tilespmem:$0x16140] =	vst v2  }
0x65: {  	v1 =	vld [tilespmem:s31+$0x13860];
	_ =	sdelay $0x4  }
0x66: {  	v2 =	vand.u32 $0x7FFF, v1;
	v1 =	vshrl.u32 v1, $0xF  }
0x67: {  	v2 =	vadd.s32 v0, v2;
	[tilespmem:$0x16250] =	vst v1  }
0x68: {  	[tilespmem:$0x16150] =	vst v2  }
0x69: {  	v1 =	vld [tilespmem:s31+$0x13870];
	_ =	sdelay $0x4  }
0x6a: {  	v2 =	vand.u32 $0x7FFF, v1;
	v1 =	vshrl.u32 v1, $0xF  }
0x6b: {  	v2 =	vadd.s32 v0, v2;
	[tilespmem:$0x16260] =	vst v1  }
0x6c: {  	[tilespmem:$0x16160] =	vst v2  }
0x6d: {  	v1 =	vld [tilespmem:s31+$0x13880];
	_ =	sdelay $0x4  }
0x6e: {  	v2 =	vand.u32 $0x7FFF, v1;
	v1 =	vshrl.u32 v1, $0xF  }
0x6f: {  	v2 =	vadd.s32 v0, v2;
	[tilespmem:$0x16270] =	vst v1  }
0x70: {  	[tilespmem:$0x16170] =	vst v2  }
0x71: {  	[tilespmem:s18], [sflag:$0x1] =	stream.indirect.gather [hbm4b:s4+s16], $0x80, s17, s16, $0xb8;
	[tilespmem:$0x1E300] =	vst v63  }
0x72: {  	_ =	swait.ge [sflag:s23], $0x4000  }
0x73: {  	[sflag:s23] =	ssyncset.done $0x0  }
0x74: {  	[sflag:s23] =	ssyncadd.s32 $0xFFFFC000  }
0x75: {  	[spmem:s2] =	stream.indirect.scatter.add.f32 [tilespmem:s20], [sflag:$0x3], $0x80, s24, s16, $0xb8;
	[tilespmem:$0x1E300] =	vst v63  }
0x76: {  	_ =	swait.ge [sflag:s12], $0x4000  }
0x77: {  	[sflag:s12] =	ssyncset.done $0x0  }
0x78: {  	[sflag:s12] =	ssyncadd.s32 $0xFFFFC000  }
0x79: {  	v1 =	vld [tilespmem:s31+$0x13890];
	_ =	sdelay $0x4  }
0x7a: {  	v2 =	vand.u32 $0x7FFF, v1;
	v1 =	vshrl.u32 v1, $0xF  }
0x7b: {  	v2 =	vadd.s32 v0, v2;
	[tilespmem:$0x16280] =	vst v1  }
0x7c: {  	[tilespmem:$0x16180] =	vst v2  }
0x7d: {  	v1 =	vld [tilespmem:s31+$0x138A0];
	_ =	sdelay $0x4  }
0x7e: {  	v2 =	vand.u32 $0x7FFF, v1;
	v1 =	vshrl.u32 v1, $0xF  }
0x7f: {  	v2 =	vadd.s32 v0, v2;
	[tilespmem:$0x16290] =	vst v1  }
0x80: {  	[tilespmem:$0x16190] =	vst v2  }
0x81: {  	v1 =	vld [tilespmem:s31+$0x138B0];
	_ =	sdelay $0x4  }
0x82: {  	v2 =	vand.u32 $0x7FFF, v1;
	v1 =	vshrl.u32 v1, $0xF  }
0x83: {  	v2 =	vadd.s32 v0, v2;
	[tilespmem:$0x162A0] =	vst v1  }
0x84: {  	[tilespmem:$0x161A0] =	vst v2  }
0x85: {  	v1 =	vld [tilespmem:s31+$0x138C0];
	_ =	sdelay $0x4  }
0x86: {  	v2 =	vand.u32 $0x7FFF, v1;
	v1 =	vshrl.u32 v1, $0xF  }
0x87: {  	v2 =	vadd.s32 v0, v2;
	[tilespmem:$0x162B0] =	vst v1  }
0x88: {  	[tilespmem:$0x161B0] =	vst v2  }
0x89: {  	v1 =	vld [tilespmem:s31+$0x138D0];
	_ =	sdelay $0x4  }
0x8a: {  	v2 =	vand.u32 $0x7FFF, v1;
	v1 =	vshrl.u32 v1, $0xF  }
0x8b: {  	v2 =	vadd.s32 v0, v2;
	[tilespmem:$0x162C0] =	vst v1  }
0x8c: {  	[tilespmem:$0x161C0] =	vst v2  }
0x8d: {  	v1 =	vld [tilespmem:s31+$0x138E0];
	_ =	sdelay $0x4  }
0x8e: {  	v2 =	vand.u32 $0x7FFF, v1;
	v1 =	vshrl.u32 v1, $0xF  }
0x8f: {  	v2 =	vadd.s32 v0, v2;
	[tilespmem:$0x162D0] =	vst v1  }
0x90: {  	[tilespmem:$0x161D0] =	vst v2  }
0x91: {  	v1 =	vld [tilespmem:s31+$0x138F0];
	_ =	sdelay $0x4  }
0x92: {  	v2 =	vand.u32 $0x7FFF, v1;
	v1 =	vshrl.u32 v1, $0xF  }
0x93: {  	v2 =	vadd.s32 v0, v2;
	[tilespmem:$0x162E0] =	vst v1  }
0x94: {  	[tilespmem:$0x161E0] =	vst v2  }
0x95: {  	v1 =	vld [tilespmem:s31+$0x13900];
	_ =	sdelay $0x4  }
0x96: {  	v2 =	vand.u32 $0x7FFF, v1;
	v1 =	vshrl.u32 v1, $0xF  }
0x97: {  	v2 =	vadd.s32 v0, v2;
	[tilespmem:$0x162F0] =	vst v1  }
0x98: {  	s26 =	simm.s32 $0xBC0;
	[tilespmem:$0x161F0] =	vst v2  }
.LBB2_2:
0x99: {  	[tilespmem:s20], [sflag:$0x2] =	stream.indirect.gather [hbm4b:s4+s16], $0x80, s19, s16, $0xb8;
	[tilespmem:$0x1E300] =	vst v63  }
0x9a: {  	s28 =	smov.u32 s26  }
0x9b: {  	p1 =	sne.s32 s26, $0x9FC0;
	s26 =	sadd.s32 $0x400, s26;
	_ =	swait.ge [sflag:s21], $0x4000  }
0x9c: {  	[sflag:s21] =	ssyncset.done $0x0  }
0x9d: {  	[sflag:s21] =	ssyncadd.s32 $0xFFFFC000  }
0x9e: {  	[spmem:s2] =	stream.indirect.scatter.add.f32 [tilespmem:s18], [sflag:$0x3], $0x80, s22, s16, $0xb8;
	[tilespmem:$0x1E300] =	vst v63  }
0x9f: {  	_ =	swait.ge [sflag:s12], $0x4000  }
0xa0: {  	[sflag:s12] =	ssyncset.done $0x0  }
0xa1: {  	s28 =	sshra.s32 s28, $0x2;
	[sflag:s12] =	ssyncadd.s32 $0xFFFFC000  }
0xa2: {  	v1 =	vld [tilespmem:s28+$0x13810];
	_ =	sdelay $0x4  }
0xa3: {  	v2 =	vand.u32 $0x7FFF, v1;
	v1 =	vshrl.u32 v1, $0xF  }
0xa4: {  	v2 =	vadd.s32 v0, v2;
	[tilespmem:$0x16200] =	vst v1  }
0xa5: {  	[tilespmem:$0x16100] =	vst v2  }
0xa6: {  	v1 =	vld [tilespmem:s28+$0x13820];
	_ =	sdelay $0x4  }
0xa7: {  	v2 =	vand.u32 $0x7FFF, v1;
	v1 =	vshrl.u32 v1, $0xF  }
0xa8: {  	v2 =	vadd.s32 v0, v2;
	[tilespmem:$0x16210] =	vst v1  }
0xa9: {  	[tilespmem:$0x16110] =	vst v2  }
0xaa: {  	v1 =	vld [tilespmem:s28+$0x13830];
	_ =	sdelay $0x4  }
0xab: {  	v2 =	vand.u32 $0x7FFF, v1;
	v1 =	vshrl.u32 v1, $0xF  }
0xac: {  	v2 =	vadd.s32 v0, v2;
	[tilespmem:$0x16220] =	vst v1  }
0xad: {  	[tilespmem:$0x16120] =	vst v2  }
0xae: {  	v1 =	vld [tilespmem:s28+$0x13840];
	_ =	sdelay $0x4  }
0xaf: {  	v2 =	vand.u32 $0x7FFF, v1;
	v1 =	vshrl.u32 v1, $0xF  }
0xb0: {  	v2 =	vadd.s32 v0, v2;
	[tilespmem:$0x16230] =	vst v1  }
0xb1: {  	[tilespmem:$0x16130] =	vst v2  }
0xb2: {  	v1 =	vld [tilespmem:s28+$0x13850];
	_ =	sdelay $0x4  }
0xb3: {  	v2 =	vand.u32 $0x7FFF, v1;
	v1 =	vshrl.u32 v1, $0xF  }
0xb4: {  	v2 =	vadd.s32 v0, v2;
	[tilespmem:$0x16240] =	vst v1  }
0xb5: {  	[tilespmem:$0x16140] =	vst v2  }
0xb6: {  	v1 =	vld [tilespmem:s28+$0x13860];
	_ =	sdelay $0x4  }
0xb7: {  	v2 =	vand.u32 $0x7FFF, v1;
	v1 =	vshrl.u32 v1, $0xF  }
0xb8: {  	v2 =	vadd.s32 v0, v2;
	[tilespmem:$0x16250] =	vst v1  }
0xb9: {  	[tilespmem:$0x16150] =	vst v2  }
0xba: {  	v1 =	vld [tilespmem:s28+$0x13870];
	_ =	sdelay $0x4  }
0xbb: {  	v2 =	vand.u32 $0x7FFF, v1;
	v1 =	vshrl.u32 v1, $0xF  }
0xbc: {  	v2 =	vadd.s32 v0, v2;
	[tilespmem:$0x16260] =	vst v1  }
0xbd: {  	[tilespmem:$0x16160] =	vst v2  }
0xbe: {  	v1 =	vld [tilespmem:s28+$0x13880];
	_ =	sdelay $0x4  }
0xbf: {  	v2 =	vand.u32 $0x7FFF, v1;
	v1 =	vshrl.u32 v1, $0xF  }
0xc0: {  	v2 =	vadd.s32 v0, v2;
	[tilespmem:$0x16270] =	vst v1  }
0xc1: {  	[tilespmem:$0x16170] =	vst v2  }
0xc2: {  	[tilespmem:s18], [sflag:$0x1] =	stream.indirect.gather [hbm4b:s4+s16], $0x80, s17, s16, $0xb8;
	[tilespmem:$0x1E300] =	vst v63  }
0xc3: {  	_ =	swait.ge [sflag:s23], $0x4000  }
0xc4: {  	[sflag:s23] =	ssyncset.done $0x0  }
0xc5: {  	[sflag:s23] =	ssyncadd.s32 $0xFFFFC000  }
0xc6: {  	[spmem:s2] =	stream.indirect.scatter.add.f32 [tilespmem:s20], [sflag:$0x3], $0x80, s24, s16, $0xb8;
	[tilespmem:$0x1E300] =	vst v63  }
0xc7: {  	_ =	swait.ge [sflag:s12], $0x4000  }
0xc8: {  	[sflag:s12] =	ssyncset.done $0x0  }
0xc9: {  	[sflag:s12] =	ssyncadd.s32 $0xFFFFC000  }
0xca: {  	v1 =	vld [tilespmem:s28+$0x13890];
	_ =	sdelay $0x4  }
0xcb: {  	v2 =	vand.u32 $0x7FFF, v1;
	v1 =	vshrl.u32 v1, $0xF  }
0xcc: {  	v2 =	vadd.s32 v0, v2;
	[tilespmem:$0x16280] =	vst v1  }
0xcd: {  	[tilespmem:$0x16180] =	vst v2  }
0xce: {  	v1 =	vld [tilespmem:s28+$0x138A0];
	_ =	sdelay $0x4  }
0xcf: {  	v2 =	vand.u32 $0x7FFF, v1;
	v1 =	vshrl.u32 v1, $0xF  }
0xd0: {  	v2 =	vadd.s32 v0, v2;
	[tilespmem:$0x16290] =	vst v1  }
0xd1: {  	[tilespmem:$0x16190] =	vst v2  }
0xd2: {  	v1 =	vld [tilespmem:s28+$0x138B0];
	_ =	sdelay $0x4  }
0xd3: {  	v2 =	vand.u32 $0x7FFF, v1;
	v1 =	vshrl.u32 v1, $0xF  }
0xd4: {  	v2 =	vadd.s32 v0, v2;
	[tilespmem:$0x162A0] =	vst v1  }
0xd5: {  	[tilespmem:$0x161A0] =	vst v2  }
0xd6: {  	v1 =	vld [tilespmem:s28+$0x138C0];
	_ =	sdelay $0x4  }
0xd7: {  	v2 =	vand.u32 $0x7FFF, v1;
	v1 =	vshrl.u32 v1, $0xF  }
0xd8: {  	v2 =	vadd.s32 v0, v2;
	[tilespmem:$0x162B0] =	vst v1  }
0xd9: {  	[tilespmem:$0x161B0] =	vst v2  }
0xda: {  	v1 =	vld [tilespmem:s28+$0x138D0];
	_ =	sdelay $0x4  }
0xdb: {  	v2 =	vand.u32 $0x7FFF, v1;
	v1 =	vshrl.u32 v1, $0xF  }
0xdc: {  	v2 =	vadd.s32 v0, v2;
	[tilespmem:$0x162C0] =	vst v1  }
0xdd: {  	[tilespmem:$0x161C0] =	vst v2  }
0xde: {  	v1 =	vld [tilespmem:s28+$0x138E0];
	_ =	sdelay $0x4  }
0xdf: {  	v2 =	vand.u32 $0x7FFF, v1;
	v1 =	vshrl.u32 v1, $0xF  }
0xe0: {  	v2 =	vadd.s32 v0, v2;
	[tilespmem:$0x162D0] =	vst v1  }
0xe1: {  	[tilespmem:$0x161D0] =	vst v2  }
0xe2: {  	v1 =	vld [tilespmem:s28+$0x138F0];
	_ =	sdelay $0x4  }
0xe3: {  	v2 =	vand.u32 $0x7FFF, v1;
	v1 =	vshrl.u32 v1, $0xF  }
0xe4: {  	v2 =	vadd.s32 v0, v2;
	[tilespmem:$0x162E0] =	vst v1  }
0xe5: {  	[tilespmem:$0x161E0] =	vst v2  }
0xe6: {  	v1 =	vld [tilespmem:s28+$0x13900];
	_ =	sdelay $0x2  }
.Ltmp0:
0xe7: {  	(pc) =	sbr.rel @p1 .LBB2_2-.Ltmp0, $4  }
0xe8: {  	_ = 	snop  }
0xe9: {  	v2 =	vand.u32 $0x7FFF, v1;
	v1 =	vshrl.u32 v1, $0xF  }
0xea: {  	v2 =	vadd.s32 v0, v2;
	[tilespmem:$0x162F0] =	vst v1  }
0xeb: {  	[tilespmem:$0x161F0] =	vst v2  }
0xec: {  	[tilespmem:s20], [sflag:$0x2] =	stream.indirect.gather [hbm4b:s4+s16], $0x80, s19, s16, $0xb8;
	[tilespmem:$0x1E300] =	vst v63  }
0xed: {  	_ =	swait.ge [sflag:s21], $0x4000  }
0xee: {  	[sflag:s21] =	ssyncset.done $0x0  }
0xef: {  	[sflag:s21] =	ssyncadd.s32 $0xFFFFC000  }
0xf0: {  	[spmem:s2] =	stream.indirect.scatter.add.f32 [tilespmem:s18], [sflag:$0x3], $0x80, s22, s16, $0xb8;
	[tilespmem:$0x1E300] =	vst v63  }
0xf1: {  	_ =	swait.ge [sflag:s12], $0x4000  }
0xf2: {  	[sflag:s12] =	ssyncset.done $0x0  }
0xf3: {  	[sflag:s12] =	ssyncadd.s32 $0xFFFFC000  }
0xf4: {  	_ =	swait.ge [sflag:s23], $0x4000  }
0xf5: {  	[sflag:s23] =	ssyncset.done $0x0  }
0xf6: {  	[sflag:s23] =	ssyncadd.s32 $0xFFFFC000  }
0xf7: {  	[spmem:s2] =	stream.indirect.scatter.add.f32 [tilespmem:s20], [sflag:$0x3], $0x80, s24, s16, $0xb8;
	[tilespmem:$0x1E300] =	vst v63  }
0xf8: {  	_ =	swait.ge [sflag:s12], $0x4000  }
0xf9: {  	[sflag:s12] =	ssyncset.done $0x0  }
0xfa: {  	[sflag:s12] =	ssyncadd.s32 $0xFFFFC000  }
0xfb: {  	[bflag:$0x0] =	sbarrier.arrive $0xFFFF  }
0xfc: {  	[hbm:s8], [sflag:s13] =	dma.local [spmem:s14], $0x2700  }
0xfd: {  	s25 =	sadd.s32 $0x1, s25;
	_ =	swait.ge [sflag:s12], $0x2700  }
0xfe: {  	p1 =	sne.s32 s25, s10;
	[sflag:s12] =	ssyncset.done $0x0  }
.Ltmp1:
0xff: {  	s26 =	simm.s32 @!p0 $0x3;
	[sflag:s12] =	ssyncadd.s32 $0xFFFFD900;
	(pc) =	sbr.rel @p1 .LBB2_1-.Ltmp1, $4  }
0x100: {  	[hbm:s9], [sflag:s13] =	dma.local @!p0 [spmem:s15], $0x100  }
0x101: {  	_ =	swait.ge @!p0 [sflag:s26], $0x100  }
0x102: {  	[sflag:s26] =	ssyncset.done @!p0 $0x0  }
0x103: {  	[sflag:s26] =	ssyncadd.s32 @!p0 $0xFFFFFF00  }
0x104: {  	_ =	sfence.sel $0x180000  }
0x105: {  	[bflag:$0x0] =	sbarrier.arrive $0xFFFF  }
0x106: {  	p0 =	sne.s32 s1, $0x0;
	_ =	strace $0x90000050  }
0x107: {  	s0 =	sadd.s32 @!p0 $0x100000, s0;
	[bflag:$0x2] =	sbarrier.arrive $0xFFFF  }
0x108: {  	[sflag:s0] =	ssyncadd.tile.s32 @!p0 $0x1;
	_ =	shalt  }
.Lfunc_end2:
_tile_overlayer_lowered:
.L_overlay_start_2:
0x109: {  	(tag) =	ssettag $0x2  }
0x10a: {  	s0 =	rddreg [dreg:$0x0];
	s2 =	stileid.u32  }
0x10b: {  	s1 =	rddreg [dreg:$0x1];
	p0 =	sne.s32 s2, $0x0  }
0x10c: {  	s3 =	rddreg [dreg:$0x2];
	[bflag:$0x3] =	sbarrier.arrive $0xFFFF;
	s2 =	simm.s32 @!p0 $0x1C03  }
0x10d: {  	[timem:s3], [sflag:s2] =	dma.local @!p0 [hbm:s0], s1  }
0x10e: {  	s0 =	simm.s32 @!p0 $0x3  }
0x10f: {  	_ =	swait.ge @!p0 [sflag:s0], s1  }
0x110: {  	s1 =	ssub.s32 @!p0 $0x0, s1;
	[sflag:s0] =	ssyncset.done @!p0 $0x0  }
0x111: {  	[sflag:s0] =	ssyncadd.s32 @!p0 s1  }
0x112: {  	[bflag:$0x3] =	sbarrier.arrive $0xFFFF  }
0x113: {  	_ =	shalt  }

</sc_bundles>
